<compile_context>
chip_gen: v7x
topology: tpu7x:2x2x1
jax: 0.10.2.dev20260603
libtpu: 0.0.44.dev20260713+nightly
codegen_flags: <defaults>
</compile_context>

<pallas_src>
import functools

import jax
import jax.numpy as jnp
from jax import lax
from jax.experimental import pallas as pl
from jax.experimental.pallas import tpu as pltpu
from jax.experimental.pallas import tpu_sc as plsc

NC = 2
NS = 16
NW = NC * NS
LANES = 16

BATCH = 16384
FEAT = 512
NUM_CLASSES = 1000
RPW = BATCH // NW
CH = 32
NCHUNK = RPW // CH
NPAIR = NCHUNK // 2

_mesh = plsc.VectorSubcoreMesh(
    core_axis_name="c", subcore_axis_name="s", num_cores=NC, num_subcores=NS
)


@functools.partial(
    pl.kernel,
    out_type=jax.ShapeDtypeStruct((NW, LANES), jnp.float32),
    mesh=_mesh,
    compiler_params=pltpu.CompilerParams(
        disable_bounds_checks=True, disable_semaphore_checks=True),
    scratch_types=[
        pltpu.VMEM((RPW,), jnp.int32),
        pltpu.VMEM((2, CH, FEAT), jnp.float32),
        pltpu.VMEM((2, CH, FEAT), jnp.float32),
        pltpu.VMEM((LANES,), jnp.float32),
        pltpu.VMEM_SHARED((NUM_CLASSES, FEAT), jnp.float32),
        pltpu.SemaphoreType.DMA,
        pltpu.SemaphoreType.DMA,
        pltpu.SemaphoreType.DMA,
        pltpu.SemaphoreType.DMA,
        pltpu.SemaphoreType.DMA,
    ],
)
def _center_loss_sc(x_hbm, lab_hbm, cen_hbm, out_hbm,
                    lab_v, x_v, c_v, o_v, sh_c, sx0, sx1, sc0, sc1, scen):
    sid = lax.axis_index("s")
    cid = lax.axis_index("c")
    wid = sid * NC + cid
    base = wid * RPW

    for t in range(3):
        @pl.when(sid == t)
        def _(t=t):
            pltpu.async_copy(cen_hbm.at[pl.ds(t * 256, 256)],
                             sh_c.at[pl.ds(t * 256, 256)], scen).wait()

    @pl.when(sid == 3)
    def _():
        pltpu.async_copy(cen_hbm.at[pl.ds(768, NUM_CLASSES - 768)],
                         sh_c.at[pl.ds(768, NUM_CLASSES - 768)], scen).wait()

    pltpu.sync_copy(lab_hbm.at[pl.ds(base, RPW)], lab_v)
    plsc.subcore_barrier()

    xsems = (sx0, sx1)
    csems = (sc0, sc1)
    zeros = jnp.zeros((LANES,), jnp.float32)

    def issue(g, slot):
        pltpu.async_copy(x_hbm.at[pl.ds(base + g * CH, CH)],
                         x_v.at[slot], xsems[slot])
        for gi in range(CH // LANES):
            labv = lab_v[pl.ds(g * CH + gi * LANES, LANES)]
            for lane in range(LANES):
                r = gi * LANES + lane
                pltpu.async_copy(sh_c.at[pl.ds(labv[lane], 1)],
                                 c_v.at[slot].at[pl.ds(r, 1)],
                                 csems[slot])

    def wait(slot):
        pltpu.make_async_copy(x_hbm.at[pl.ds(0, CH)], x_v.at[slot],
                              xsems[slot]).wait()
        pltpu.make_async_copy(x_hbm.at[pl.ds(0, CH)], c_v.at[slot],
                              csems[slot]).wait()

    def compute(slot, accs):
        def row_body(row, a):
            a = list(a)
            for j in range(FEAT // LANES):
                d = (x_v[slot, row, pl.ds(j * LANES, LANES)]
                     - c_v[slot, row, pl.ds(j * LANES, LANES)])
                a[j % 4] = a[j % 4] + d * d
            return tuple(a)

        return lax.fori_loop(0, CH, row_body, accs, unroll=False)

    issue(0, 0)

    def pair_body(p, accs):
        g0 = 2 * p
        wait(0)
        issue(g0 + 1, 1)
        accs = compute(0, accs)
        wait(1)

        @pl.when(p < NPAIR - 1)
        def _():
            issue(g0 + 2, 0)

        return compute(1, accs)

    a0, a1, a2, a3 = lax.fori_loop(
        0, NPAIR, pair_body, (zeros, zeros, zeros, zeros), unroll=False)
    o_v[...] = (a0 + a1) + (a2 + a3)
    pltpu.sync_copy(o_v, out_hbm.at[wid])


def kernel(x, labels, centers):
    partials = _center_loss_sc(x, labels.astype(jnp.int32), centers)
    return jnp.sum(partials) / jnp.float32(x.shape[0])

# --- scband reference (transcript-rebuilt; emitter-appended) ---
"""Pipeline reference for scband-center-loss-40535901340304 (READ-ONLY COPY).

The authoritative reference and input builder live on the scoring server;
editing this copy changes nothing except your own understanding.
"""

import jax, jax.numpy as jnp
import numpy as np

NUM_CLASSES = 1000
FEAT_DIM = 512
BATCH = 16384

def setup_inputs(seed: int = 0) -> dict:
    key = jax.random.key(seed)
    k1, k2, k3 = jax.random.split(key, 3)
    x = jax.random.normal(k1, (BATCH, FEAT_DIM), dtype=jnp.float32)
    labels = jax.random.randint(k2, (BATCH,), 0, NUM_CLASSES, dtype=jnp.int64)
    centers = jax.random.normal(k3, (NUM_CLASSES, FEAT_DIM), dtype=jnp.float32)
    return {"x": x, "labels": labels, "centers": centers}

def reference(x, labels, centers):
    # center = self.centers[labels]  -> gather rows from centers
    center = jnp.take(centers, labels, axis=0)
    # dist = (x - center).pow(2).sum(dim=-1)
    dist = jnp.sum((x - center) ** 2, axis=-1)
    # loss = clamp(dist, 1e-12, 1e12).mean(dim=-1)
    loss = jnp.mean(jnp.clip(dist, 1e-12, 1e12), axis=-1)
    return loss

if __name__ == "__main__":
    import jax
    _d = setup_inputs()
    print(jax.jit(kernel)(*tuple(_d.values())))

</pallas_src>

<mosaic_0001>
#map = affine_map<(d0, d1) -> (0, 0)>
#map1 = affine_map<(d0, d1) -> (0)>
module attributes {stable_mosaic.version = 14 : i64} {
  func.func @_center_loss_sc(%arg0: i32, %arg1: i32, %arg2: memref<16384x512xf32, #tpu.memory_space<hbm>>, %arg3: memref<16384xi32, #tpu.memory_space<hbm>>, %arg4: memref<1000x512xf32, #tpu.memory_space<hbm>>, %arg5: memref<32x16xf32, #tpu.memory_space<hbm>>, %arg6: memref<512xi32, #tpu.memory_space<vmem>>, %arg7: memref<2x32x512xf32, #tpu.memory_space<vmem>>, %arg8: memref<2x32x512xf32, #tpu.memory_space<vmem>>, %arg9: memref<16xf32, #tpu.memory_space<vmem>>, %arg10: memref<1000x512xf32, #tpu.memory_space<vmem_shared>>, %arg11: memref<!tpu.dma_semaphore, #tpu.memory_space<semaphore_mem>>, %arg12: memref<!tpu.dma_semaphore, #tpu.memory_space<semaphore_mem>>, %arg13: memref<!tpu.dma_semaphore, #tpu.memory_space<semaphore_mem>>, %arg14: memref<!tpu.dma_semaphore, #tpu.memory_space<semaphore_mem>>, %arg15: memref<!tpu.dma_semaphore, #tpu.memory_space<semaphore_mem>>) attributes {dimension_semantics = [#tpu.dimension_semantics<core_parallel>, #tpu.dimension_semantics<subcore_parallel>], iteration_bounds = array<i64: 2, 16>, scalar_prefetch = 0 : i64, scratch_operands = 10 : i64, tpu.core_type = #tpu.core_type<sc_vector_subcore>, window_params = [{transform_indices = #map}, {transform_indices = #map1}, {transform_indices = #map}, {transform_indices = #map}]} {
    %mul3A = arith.constant 2 : i32
    %mul3A_0 = arith.muli %arg1, %mul3A : i32
    %add3A = arith.addi %mul3A_0, %arg0 : i32
    %mul3A_1 = arith.constant 512 : i32
    %mul3A_2 = arith.muli %add3A, %mul3A_1 : i32
    %eq3A = arith.constant 0 : i32
    %eq3A_3 = arith.cmpi eq, %arg1, %eq3A : i32
    %convert_element_type3A = arith.extui %eq3A_3 : i1 to i32
    %cond3A = arith.constant 0 : i32
    %cond3A_4 = arith.cmpi ne, %convert_element_type3A, %cond3A : i32
    scf.if %cond3A_4 {
      %dma_start3A_721 = arith.constant 0 : i32
      %dma_start3A_722 = arith.constant 0 : i32
      %dma_start3A_723 = tpu.memref_slice %arg10[%dma_start3A_721, %dma_start3A_722] : memref<1000x512xf32, #tpu.memory_space<vmem_shared>> -> memref<256x512xf32, #tpu.memory_space<vmem_shared>>
      %dma_start3A_724 = arith.constant 0 : i32
      %dma_start3A_725 = arith.constant 0 : i32
      %dma_start3A_726 = tpu.memref_slice %arg4[%dma_start3A_724, %dma_start3A_725] : memref<1000x512xf32, #tpu.memory_space<hbm>> -> memref<256x512xf32, #tpu.memory_space<hbm>>
      tpu.enqueue_dma source(%dma_start3A_726 : memref<256x512xf32, #tpu.memory_space<hbm>>) target(%dma_start3A_723 : memref<256x512xf32, #tpu.memory_space<vmem_shared>>) target_semaphore(%arg15 : memref<!tpu.dma_semaphore, #tpu.memory_space<semaphore_mem>>)
      %dma_wait3A = arith.constant 0 : i32
      %dma_wait3A_727 = arith.constant 0 : i32
      %dma_wait3A_728 = tpu.memref_slice %arg10[%dma_wait3A, %dma_wait3A_727] : memref<1000x512xf32, #tpu.memory_space<vmem_shared>> -> memref<256x512xf32, #tpu.memory_space<vmem_shared>>
      %dma_wait3A_729 = arith.constant 0 : i32
      %dma_wait3A_730 = arith.constant 0 : i32
      %dma_wait3A_731 = tpu.memref_slice %arg4[%dma_wait3A_729, %dma_wait3A_730] : memref<1000x512xf32, #tpu.memory_space<hbm>> -> memref<256x512xf32, #tpu.memory_space<hbm>>
      tpu.wait_dma2 semaphore(%arg15 : memref<!tpu.dma_semaphore, #tpu.memory_space<semaphore_mem>>) src(%dma_wait3A_731 : memref<256x512xf32, #tpu.memory_space<hbm>>) dst(%dma_wait3A_728 : memref<256x512xf32, #tpu.memory_space<vmem_shared>>)
    } else {
    }
    %eq3A_5 = arith.constant 1 : i32
    %eq3A_6 = arith.cmpi eq, %arg1, %eq3A_5 : i32
    %convert_element_type3A_7 = arith.extui %eq3A_6 : i1 to i32
    %cond3A_8 = arith.constant 0 : i32
    %cond3A_9 = arith.cmpi ne, %convert_element_type3A_7, %cond3A_8 : i32
    scf.if %cond3A_9 {
      %dma_start3A_721 = arith.constant 256 : i32
      %dma_start3A_722 = arith.constant 0 : i32
      %dma_start3A_723 = tpu.memref_slice %arg10[%dma_start3A_721, %dma_start3A_722] : memref<1000x512xf32, #tpu.memory_space<vmem_shared>> -> memref<256x512xf32, #tpu.memory_space<vmem_shared>>
      %dma_start3A_724 = arith.constant 256 : i32
      %dma_start3A_725 = arith.constant 0 : i32
      %dma_start3A_726 = tpu.memref_slice %arg4[%dma_start3A_724, %dma_start3A_725] : memref<1000x512xf32, #tpu.memory_space<hbm>> -> memref<256x512xf32, #tpu.memory_space<hbm>>
      tpu.enqueue_dma source(%dma_start3A_726 : memref<256x512xf32, #tpu.memory_space<hbm>>) target(%dma_start3A_723 : memref<256x512xf32, #tpu.memory_space<vmem_shared>>) target_semaphore(%arg15 : memref<!tpu.dma_semaphore, #tpu.memory_space<semaphore_mem>>)
      %dma_wait3A = arith.constant 256 : i32
      %dma_wait3A_727 = arith.constant 0 : i32
      %dma_wait3A_728 = tpu.memref_slice %arg10[%dma_wait3A, %dma_wait3A_727] : memref<1000x512xf32, #tpu.memory_space<vmem_shared>> -> memref<256x512xf32, #tpu.memory_space<vmem_shared>>
      %dma_wait3A_729 = arith.constant 256 : i32
      %dma_wait3A_730 = arith.constant 0 : i32
      %dma_wait3A_731 = tpu.memref_slice %arg4[%dma_wait3A_729, %dma_wait3A_730] : memref<1000x512xf32, #tpu.memory_space<hbm>> -> memref<256x512xf32, #tpu.memory_space<hbm>>
      tpu.wait_dma2 semaphore(%arg15 : memref<!tpu.dma_semaphore, #tpu.memory_space<semaphore_mem>>) src(%dma_wait3A_731 : memref<256x512xf32, #tpu.memory_space<hbm>>) dst(%dma_wait3A_728 : memref<256x512xf32, #tpu.memory_space<vmem_shared>>)
    } else {
    }
    %eq3A_10 = arith.constant 2 : i32
    %eq3A_11 = arith.cmpi eq, %arg1, %eq3A_10 : i32
    %convert_element_type3A_12 = arith.extui %eq3A_11 : i1 to i32
    %cond3A_13 = arith.constant 0 : i32
    %cond3A_14 = arith.cmpi ne, %convert_element_type3A_12, %cond3A_13 : i32
    scf.if %cond3A_14 {
      %dma_start3A_721 = arith.constant 512 : i32
      %dma_start3A_722 = arith.constant 0 : i32
      %dma_start3A_723 = tpu.memref_slice %arg10[%dma_start3A_721, %dma_start3A_722] : memref<1000x512xf32, #tpu.memory_space<vmem_shared>> -> memref<256x512xf32, #tpu.memory_space<vmem_shared>>
      %dma_start3A_724 = arith.constant 512 : i32
      %dma_start3A_725 = arith.constant 0 : i32
      %dma_start3A_726 = tpu.memref_slice %arg4[%dma_start3A_724, %dma_start3A_725] : memref<1000x512xf32, #tpu.memory_space<hbm>> -> memref<256x512xf32, #tpu.memory_space<hbm>>
      tpu.enqueue_dma source(%dma_start3A_726 : memref<256x512xf32, #tpu.memory_space<hbm>>) target(%dma_start3A_723 : memref<256x512xf32, #tpu.memory_space<vmem_shared>>) target_semaphore(%arg15 : memref<!tpu.dma_semaphore, #tpu.memory_space<semaphore_mem>>)
      %dma_wait3A = arith.constant 512 : i32
      %dma_wait3A_727 = arith.constant 0 : i32
      %dma_wait3A_728 = tpu.memref_slice %arg10[%dma_wait3A, %dma_wait3A_727] : memref<1000x512xf32, #tpu.memory_space<vmem_shared>> -> memref<256x512xf32, #tpu.memory_space<vmem_shared>>
      %dma_wait3A_729 = arith.constant 512 : i32
      %dma_wait3A_730 = arith.constant 0 : i32
      %dma_wait3A_731 = tpu.memref_slice %arg4[%dma_wait3A_729, %dma_wait3A_730] : memref<1000x512xf32, #tpu.memory_space<hbm>> -> memref<256x512xf32, #tpu.memory_space<hbm>>
      tpu.wait_dma2 semaphore(%arg15 : memref<!tpu.dma_semaphore, #tpu.memory_space<semaphore_mem>>) src(%dma_wait3A_731 : memref<256x512xf32, #tpu.memory_space<hbm>>) dst(%dma_wait3A_728 : memref<256x512xf32, #tpu.memory_space<vmem_shared>>)
    } else {
    }
    %eq3A_15 = arith.constant 3 : i32
    %eq3A_16 = arith.cmpi eq, %arg1, %eq3A_15 : i32
    %convert_element_type3A_17 = arith.extui %eq3A_16 : i1 to i32
    %cond3A_18 = arith.constant 0 : i32
    %cond3A_19 = arith.cmpi ne, %convert_element_type3A_17, %cond3A_18 : i32
    scf.if %cond3A_19 {
      %dma_start3A_721 = arith.constant 768 : i32
      %dma_start3A_722 = arith.constant 0 : i32
      %dma_start3A_723 = tpu.memref_slice %arg10[%dma_start3A_721, %dma_start3A_722] : memref<1000x512xf32, #tpu.memory_space<vmem_shared>> -> memref<232x512xf32, #tpu.memory_space<vmem_shared>>
      %dma_start3A_724 = arith.constant 768 : i32
      %dma_start3A_725 = arith.constant 0 : i32
      %dma_start3A_726 = tpu.memref_slice %arg4[%dma_start3A_724, %dma_start3A_725] : memref<1000x512xf32, #tpu.memory_space<hbm>> -> memref<232x512xf32, #tpu.memory_space<hbm>>
      tpu.enqueue_dma source(%dma_start3A_726 : memref<232x512xf32, #tpu.memory_space<hbm>>) target(%dma_start3A_723 : memref<232x512xf32, #tpu.memory_space<vmem_shared>>) target_semaphore(%arg15 : memref<!tpu.dma_semaphore, #tpu.memory_space<semaphore_mem>>)
      %dma_wait3A = arith.constant 768 : i32
      %dma_wait3A_727 = arith.constant 0 : i32
      %dma_wait3A_728 = tpu.memref_slice %arg10[%dma_wait3A, %dma_wait3A_727] : memref<1000x512xf32, #tpu.memory_space<vmem_shared>> -> memref<232x512xf32, #tpu.memory_space<vmem_shared>>
      %dma_wait3A_729 = arith.constant 768 : i32
      %dma_wait3A_730 = arith.constant 0 : i32
      %dma_wait3A_731 = tpu.memref_slice %arg4[%dma_wait3A_729, %dma_wait3A_730] : memref<1000x512xf32, #tpu.memory_space<hbm>> -> memref<232x512xf32, #tpu.memory_space<hbm>>
      tpu.wait_dma2 semaphore(%arg15 : memref<!tpu.dma_semaphore, #tpu.memory_space<semaphore_mem>>) src(%dma_wait3A_731 : memref<232x512xf32, #tpu.memory_space<hbm>>) dst(%dma_wait3A_728 : memref<232x512xf32, #tpu.memory_space<vmem_shared>>)
    } else {
    }
    "tpu.region"() ({
      %run_scoped3A = tpu.sem_alloc : memref<!tpu.dma_semaphore, #tpu.memory_space<semaphore_mem>>
      %dma_start3A_721 = tpu.memref_slice %arg3[%mul3A_2] : memref<16384xi32, #tpu.memory_space<hbm>> -> memref<512xi32, #tpu.memory_space<hbm>>
      %dma_start3A_722 = tpu.memref_slice %arg3[%mul3A_2] : memref<16384xi32, #tpu.memory_space<hbm>> -> memref<512xi32, #tpu.memory_space<hbm>>
      tpu.enqueue_dma source(%dma_start3A_722 : memref<512xi32, #tpu.memory_space<hbm>>) target(%arg6 : memref<512xi32, #tpu.memory_space<vmem>>) target_semaphore(%run_scoped3A : memref<!tpu.dma_semaphore, #tpu.memory_space<semaphore_mem>>)
      %dma_wait3A = tpu.memref_slice %arg3[%mul3A_2] : memref<16384xi32, #tpu.memory_space<hbm>> -> memref<512xi32, #tpu.memory_space<hbm>>
      %dma_wait3A_723 = tpu.memref_slice %arg3[%mul3A_2] : memref<16384xi32, #tpu.memory_space<hbm>> -> memref<512xi32, #tpu.memory_space<hbm>>
      tpu.wait_dma2 semaphore(%run_scoped3A : memref<!tpu.dma_semaphore, #tpu.memory_space<semaphore_mem>>) src(%dma_wait3A_723 : memref<512xi32, #tpu.memory_space<hbm>>) dst(%arg6 : memref<512xi32, #tpu.memory_space<vmem>>)
      tpu.yield
    }) : () -> ()
    %barrier3A = arith.constant 0 : index
    tpu.barrier barrier_id(%barrier3A)
    %broadcast_in_dim3A = arith.constant 0.000000e+00 : f32
    %broadcast_in_dim3A_20 = vector.broadcast %broadcast_in_dim3A : f32 to vector<16xf32>
    %add3A_21 = arith.constant 0 : i32
    %add3A_22 = arith.addi %mul3A_2, %add3A_21 : i32
    %dma_start3A = arith.constant 0 : i32
    %dma_start3A_23 = arith.constant 0 : i32
    %dma_start3A_24 = arith.constant 0 : i32
    %dma_start3A_25 = tpu.memref_slice %arg7[%dma_start3A, %dma_start3A_23, %dma_start3A_24] : memref<2x32x512xf32, #tpu.memory_space<vmem>> -> memref<1x32x512xf32, #tpu.memory_space<vmem>>
    %dma_start3A_26 = tpu.memref_squeeze %dma_start3A_25 : memref<1x32x512xf32, #tpu.memory_space<vmem>> -> memref<32x512xf32, #tpu.memory_space<vmem>>
    %dma_start3A_27 = arith.constant 0 : i32
    %dma_start3A_28 = tpu.memref_slice %arg2[%add3A_22, %dma_start3A_27] : memref<16384x512xf32, #tpu.memory_space<hbm>> -> memref<32x512xf32, #tpu.memory_space<hbm>>
    %dma_start3A_29 = arith.constant 0 : i32
    %dma_start3A_30 = arith.constant 0 : i32
    %dma_start3A_31 = tpu.memref_slice %arg7[%dma_start3A, %dma_start3A_29, %dma_start3A_30] : memref<2x32x512xf32, #tpu.memory_space<vmem>> -> memref<1x32x512xf32, #tpu.memory_space<vmem>>
    %dma_start3A_32 = tpu.memref_squeeze %dma_start3A_31 : memref<1x32x512xf32, #tpu.memory_space<vmem>> -> memref<32x512xf32, #tpu.memory_space<vmem>>
    %dma_start3A_33 = arith.constant 0 : i32
    %dma_start3A_34 = tpu.memref_slice %arg2[%add3A_22, %dma_start3A_33] : memref<16384x512xf32, #tpu.memory_space<hbm>> -> memref<32x512xf32, #tpu.memory_space<hbm>>
    tpu.enqueue_dma source(%dma_start3A_34 : memref<32x512xf32, #tpu.memory_space<hbm>>) target(%dma_start3A_32 : memref<32x512xf32, #tpu.memory_space<vmem>>) target_semaphore(%arg11 : memref<!tpu.dma_semaphore, #tpu.memory_space<semaphore_mem>>)
    %get3A = arith.constant 0 : index
    %get3A_35 = tpu.vector_load %arg6[%get3A] {strides = array<i32>} : memref<512xi32, #tpu.memory_space<vmem>>, vector<16xi32>,
    %get3A_36 = vector.shape_cast %get3A_35 : vector<16xi32> to vector<16xi32>
    %slice3A = vector.extract_strided_slice %get3A_36 {offsets = [0], sizes = [1], strides = [1]} : vector<16xi32> to vector<1xi32>
    %squeeze3A = vector.extract %slice3A[0] : i32 from vector<1xi32>
    %dma_start3A_37 = arith.constant 0 : i32
    %dma_start3A_38 = arith.constant 0 : i32
    %dma_start3A_39 = arith.constant 0 : i32
    %dma_start3A_40 = tpu.memref_slice %arg8[%dma_start3A_37, %dma_start3A_38, %dma_start3A_39] : memref<2x32x512xf32, #tpu.memory_space<vmem>> -> memref<1x32x512xf32, #tpu.memory_space<vmem>>
    %dma_start3A_41 = tpu.memref_squeeze %dma_start3A_40 : memref<1x32x512xf32, #tpu.memory_space<vmem>> -> memref<32x512xf32, #tpu.memory_space<vmem>>
    %dma_start3A_42 = arith.constant 0 : i32
    %dma_start3A_43 = arith.constant 0 : i32
    %dma_start3A_44 = tpu.memref_slice %dma_start3A_41[%dma_start3A_42, %dma_start3A_43] : memref<32x512xf32, #tpu.memory_space<vmem>> -> memref<1x512xf32, #tpu.memory_space<vmem>>
    %dma_start3A_45 = arith.constant 0 : i32
    %dma_start3A_46 = tpu.memref_slice %arg10[%squeeze3A, %dma_start3A_45] : memref<1000x512xf32, #tpu.memory_space<vmem_shared>> -> memref<1x512xf32, #tpu.memory_space<vmem_shared>>
    %dma_start3A_47 = arith.constant 0 : i32
    %dma_start3A_48 = arith.constant 0 : i32
    %dma_start3A_49 = tpu.memref_slice %arg8[%dma_start3A_37, %dma_start3A_47, %dma_start3A_48] : memref<2x32x512xf32, #tpu.memory_space<vmem>> -> memref<1x32x512xf32, #tpu.memory_space<vmem>>
    %dma_start3A_50 = tpu.memref_squeeze %dma_start3A_49 : memref<1x32x512xf32, #tpu.memory_space<vmem>> -> memref<32x512xf32, #tpu.memory_space<vmem>>
    %dma_start3A_51 = arith.constant 0 : i32
    %dma_start3A_52 = arith.constant 0 : i32
    %dma_start3A_53 = tpu.memref_slice %dma_start3A_50[%dma_start3A_51, %dma_start3A_52] : memref<32x512xf32, #tpu.memory_space<vmem>> -> memref<1x512xf32, #tpu.memory_space<vmem>>
    %dma_start3A_54 = arith.constant 0 : i32
    %dma_start3A_55 = tpu.memref_slice %arg10[%squeeze3A, %dma_start3A_54] : memref<1000x512xf32, #tpu.memory_space<vmem_shared>> -> memref<1x512xf32, #tpu.memory_space<vmem_shared>>
    tpu.enqueue_dma source(%dma_start3A_55 : memref<1x512xf32, #tpu.memory_space<vmem_shared>>) target(%dma_start3A_53 : memref<1x512xf32, #tpu.memory_space<vmem>>) target_semaphore(%arg13 : memref<!tpu.dma_semaphore, #tpu.memory_space<semaphore_mem>>)
    %slice3A_56 = vector.extract_strided_slice %get3A_36 {offsets = [1], sizes = [1], strides = [1]} : vector<16xi32> to vector<1xi32>
    %squeeze3A_57 = vector.extract %slice3A_56[0] : i32 from vector<1xi32>
    %dma_start3A_58 = arith.constant 0 : i32
    %dma_start3A_59 = arith.constant 0 : i32
    %dma_start3A_60 = arith.constant 0 : i32
    %dma_start3A_61 = tpu.memref_slice %arg8[%dma_start3A_58, %dma_start3A_59, %dma_start3A_60] : memref<2x32x512xf32, #tpu.memory_space<vmem>> -> memref<1x32x512xf32, #tpu.memory_space<vmem>>
    %dma_start3A_62 = tpu.memref_squeeze %dma_start3A_61 : memref<1x32x512xf32, #tpu.memory_space<vmem>> -> memref<32x512xf32, #tpu.memory_space<vmem>>
    %dma_start3A_63 = arith.constant 1 : i32
    %dma_start3A_64 = arith.constant 0 : i32
    %dma_start3A_65 = tpu.memref_slice %dma_start3A_62[%dma_start3A_63, %dma_start3A_64] : memref<32x512xf32, #tpu.memory_space<vmem>> -> memref<1x512xf32, #tpu.memory_space<vmem>>
    %dma_start3A_66 = arith.constant 0 : i32
    %dma_start3A_67 = tpu.memref_slice %arg10[%squeeze3A_57, %dma_start3A_66] : memref<1000x512xf32, #tpu.memory_space<vmem_shared>> -> memref<1x512xf32, #tpu.memory_space<vmem_shared>>
    %dma_start3A_68 = arith.constant 0 : i32
    %dma_start3A_69 = arith.constant 0 : i32
    %dma_start3A_70 = tpu.memref_slice %arg8[%dma_start3A_58, %dma_start3A_68, %dma_start3A_69] : memref<2x32x512xf32, #tpu.memory_space<vmem>> -> memref<1x32x512xf32, #tpu.memory_space<vmem>>
    %dma_start3A_71 = tpu.memref_squeeze %dma_start3A_70 : memref<1x32x512xf32, #tpu.memory_space<vmem>> -> memref<32x512xf32, #tpu.memory_space<vmem>>
    %dma_start3A_72 = arith.constant 1 : i32
    %dma_start3A_73 = arith.constant 0 : i32
    %dma_start3A_74 = tpu.memref_slice %dma_start3A_71[%dma_start3A_72, %dma_start3A_73] : memref<32x512xf32, #tpu.memory_space<vmem>> -> memref<1x512xf32, #tpu.memory_space<vmem>>
    %dma_start3A_75 = arith.constant 0 : i32
    %dma_start3A_76 = tpu.memref_slice %arg10[%squeeze3A_57, %dma_start3A_75] : memref<1000x512xf32, #tpu.memory_space<vmem_shared>> -> memref<1x512xf32, #tpu.memory_space<vmem_shared>>
    tpu.enqueue_dma source(%dma_start3A_76 : memref<1x512xf32, #tpu.memory_space<vmem_shared>>) target(%dma_start3A_74 : memref<1x512xf32, #tpu.memory_space<vmem>>) target_semaphore(%arg13 : memref<!tpu.dma_semaphore, #tpu.memory_space<semaphore_mem>>)
    %slice3A_77 = vector.extract_strided_slice %get3A_36 {offsets = [2], sizes = [1], strides = [1]} : vector<16xi32> to vector<1xi32>
    %squeeze3A_78 = vector.extract %slice3A_77[0] : i32 from vector<1xi32>
    %dma_start3A_79 = arith.constant 0 : i32
    %dma_start3A_80 = arith.constant 0 : i32
    %dma_start3A_81 = arith.constant 0 : i32
    %dma_start3A_82 = tpu.memref_slice %arg8[%dma_start3A_79, %dma_start3A_80, %dma_start3A_81] : memref<2x32x512xf32, #tpu.memory_space<vmem>> -> memref<1x32x512xf32, #tpu.memory_space<vmem>>
    %dma_start3A_83 = tpu.memref_squeeze %dma_start3A_82 : memref<1x32x512xf32, #tpu.memory_space<vmem>> -> memref<32x512xf32, #tpu.memory_space<vmem>>
    %dma_start3A_84 = arith.constant 2 : i32
    %dma_start3A_85 = arith.constant 0 : i32
    %dma_start3A_86 = tpu.memref_slice %dma_start3A_83[%dma_start3A_84, %dma_start3A_85] : memref<32x512xf32, #tpu.memory_space<vmem>> -> memref<1x512xf32, #tpu.memory_space<vmem>>
    %dma_start3A_87 = arith.constant 0 : i32
    %dma_start3A_88 = tpu.memref_slice %arg10[%squeeze3A_78, %dma_start3A_87] : memref<1000x512xf32, #tpu.memory_space<vmem_shared>> -> memref<1x512xf32, #tpu.memory_space<vmem_shared>>
    %dma_start3A_89 = arith.constant 0 : i32
    %dma_start3A_90 = arith.constant 0 : i32
    %dma_start3A_91 = tpu.memref_slice %arg8[%dma_start3A_79, %dma_start3A_89, %dma_start3A_90] : memref<2x32x512xf32, #tpu.memory_space<vmem>> -> memref<1x32x512xf32, #tpu.memory_space<vmem>>
    %dma_start3A_92 = tpu.memref_squeeze %dma_start3A_91 : memref<1x32x512xf32, #tpu.memory_space<vmem>> -> memref<32x512xf32, #tpu.memory_space<vmem>>
    %dma_start3A_93 = arith.constant 2 : i32
    %dma_start3A_94 = arith.constant 0 : i32
    %dma_start3A_95 = tpu.memref_slice %dma_start3A_92[%dma_start3A_93, %dma_start3A_94] : memref<32x512xf32, #tpu.memory_space<vmem>> -> memref<1x512xf32, #tpu.memory_space<vmem>>
    %dma_start3A_96 = arith.constant 0 : i32
    %dma_start3A_97 = tpu.memref_slice %arg10[%squeeze3A_78, %dma_start3A_96] : memref<1000x512xf32, #tpu.memory_space<vmem_shared>> -> memref<1x512xf32, #tpu.memory_space<vmem_shared>>
    tpu.enqueue_dma source(%dma_start3A_97 : memref<1x512xf32, #tpu.memory_space<vmem_shared>>) target(%dma_start3A_95 : memref<1x512xf32, #tpu.memory_space<vmem>>) target_semaphore(%arg13 : memref<!tpu.dma_semaphore, #tpu.memory_space<semaphore_mem>>)
    %slice3A_98 = vector.extract_strided_slice %get3A_36 {offsets = [3], sizes = [1], strides = [1]} : vector<16xi32> to vector<1xi32>
    %squeeze3A_99 = vector.extract %slice3A_98[0] : i32 from vector<1xi32>
    %dma_start3A_100 = arith.constant 0 : i32
    %dma_start3A_101 = arith.constant 0 : i32
    %dma_start3A_102 = arith.constant 0 : i32
    %dma_start3A_103 = tpu.memref_slice %arg8[%dma_start3A_100, %dma_start3A_101, %dma_start3A_102] : memref<2x32x512xf32, #tpu.memory_space<vmem>> -> memref<1x32x512xf32, #tpu.memory_space<vmem>>
    %dma_start3A_104 = tpu.memref_squeeze %dma_start3A_103 : memref<1x32x512xf32, #tpu.memory_space<vmem>> -> memref<32x512xf32, #tpu.memory_space<vmem>>
    %dma_start3A_105 = arith.constant 3 : i32
    %dma_start3A_106 = arith.constant 0 : i32
    %dma_start3A_107 = tpu.memref_slice %dma_start3A_104[%dma_start3A_105, %dma_start3A_106] : memref<32x512xf32, #tpu.memory_space<vmem>> -> memref<1x512xf32, #tpu.memory_space<vmem>>
    %dma_start3A_108 = arith.constant 0 : i32
    %dma_start3A_109 = tpu.memref_slice %arg10[%squeeze3A_99, %dma_start3A_108] : memref<1000x512xf32, #tpu.memory_space<vmem_shared>> -> memref<1x512xf32, #tpu.memory_space<vmem_shared>>
    %dma_start3A_110 = arith.constant 0 : i32
    %dma_start3A_111 = arith.constant 0 : i32
    %dma_start3A_112 = tpu.memref_slice %arg8[%dma_start3A_100, %dma_start3A_110, %dma_start3A_111] : memref<2x32x512xf32, #tpu.memory_space<vmem>> -> memref<1x32x512xf32, #tpu.memory_space<vmem>>
    %dma_start3A_113 = tpu.memref_squeeze %dma_start3A_112 : memref<1x32x512xf32, #tpu.memory_space<vmem>> -> memref<32x512xf32, #tpu.memory_space<vmem>>
    %dma_start3A_114 = arith.constant 3 : i32
    %dma_start3A_115 = arith.constant 0 : i32
    %dma_start3A_116 = tpu.memref_slice %dma_start3A_113[%dma_start3A_114, %dma_start3A_115] : memref<32x512xf32, #tpu.memory_space<vmem>> -> memref<1x512xf32, #tpu.memory_space<vmem>>
    %dma_start3A_117 = arith.constant 0 : i32
    %dma_start3A_118 = tpu.memref_slice %arg10[%squeeze3A_99, %dma_start3A_117] : memref<1000x512xf32, #tpu.memory_space<vmem_shared>> -> memref<1x512xf32, #tpu.memory_space<vmem_shared>>
    tpu.enqueue_dma source(%dma_start3A_118 : memref<1x512xf32, #tpu.memory_space<vmem_shared>>) target(%dma_start3A_116 : memref<1x512xf32, #tpu.memory_space<vmem>>) target_semaphore(%arg13 : memref<!tpu.dma_semaphore, #tpu.memory_space<semaphore_mem>>)
    %slice3A_119 = vector.extract_strided_slice %get3A_36 {offsets = [4], sizes = [1], strides = [1]} : vector<16xi32> to vector<1xi32>
    %squeeze3A_120 = vector.extract %slice3A_119[0] : i32 from vector<1xi32>
    %dma_start3A_121 = arith.constant 0 : i32
    %dma_start3A_122 = arith.constant 0 : i32
    %dma_start3A_123 = arith.constant 0 : i32
    %dma_start3A_124 = tpu.memref_slice %arg8[%dma_start3A_121, %dma_start3A_122, %dma_start3A_123] : memref<2x32x512xf32, #tpu.memory_space<vmem>> -> memref<1x32x512xf32, #tpu.memory_space<vmem>>
    %dma_start3A_125 = tpu.memref_squeeze %dma_start3A_124 : memref<1x32x512xf32, #tpu.memory_space<vmem>> -> memref<32x512xf32, #tpu.memory_space<vmem>>
    %dma_start3A_126 = arith.constant 4 : i32
    %dma_start3A_127 = arith.constant 0 : i32
    %dma_start3A_128 = tpu.memref_slice %dma_start3A_125[%dma_start3A_126, %dma_start3A_127] : memref<32x512xf32, #tpu.memory_space<vmem>> -> memref<1x512xf32, #tpu.memory_space<vmem>>
    %dma_start3A_129 = arith.constant 0 : i32
    %dma_start3A_130 = tpu.memref_slice %arg10[%squeeze3A_120, %dma_start3A_129] : memref<1000x512xf32, #tpu.memory_space<vmem_shared>> -> memref<1x512xf32, #tpu.memory_space<vmem_shared>>
    %dma_start3A_131 = arith.constant 0 : i32
    %dma_start3A_132 = arith.constant 0 : i32
    %dma_start3A_133 = tpu.memref_slice %arg8[%dma_start3A_121, %dma_start3A_131, %dma_start3A_132] : memref<2x32x512xf32, #tpu.memory_space<vmem>> -> memref<1x32x512xf32, #tpu.memory_space<vmem>>
    %dma_start3A_134 = tpu.memref_squeeze %dma_start3A_133 : memref<1x32x512xf32, #tpu.memory_space<vmem>> -> memref<32x512xf32, #tpu.memory_space<vmem>>
    %dma_start3A_135 = arith.constant 4 : i32
    %dma_start3A_136 = arith.constant 0 : i32
    %dma_start3A_137 = tpu.memref_slice %dma_start3A_134[%dma_start3A_135, %dma_start3A_136] : memref<32x512xf32, #tpu.memory_space<vmem>> -> memref<1x512xf32, #tpu.memory_space<vmem>>
    %dma_start3A_138 = arith.constant 0 : i32
    %dma_start3A_139 = tpu.memref_slice %arg10[%squeeze3A_120, %dma_start3A_138] : memref<1000x512xf32, #tpu.memory_space<vmem_shared>> -> memref<1x512xf32, #tpu.memory_space<vmem_shared>>
    tpu.enqueue_dma source(%dma_start3A_139 : memref<1x512xf32, #tpu.memory_space<vmem_shared>>) target(%dma_start3A_137 : memref<1x512xf32, #tpu.memory_space<vmem>>) target_semaphore(%arg13 : memref<!tpu.dma_semaphore, #tpu.memory_space<semaphore_mem>>)
    %slice3A_140 = vector.extract_strided_slice %get3A_36 {offsets = [5], sizes = [1], strides = [1]} : vector<16xi32> to vector<1xi32>
    %squeeze3A_141 = vector.extract %slice3A_140[0] : i32 from vector<1xi32>
    %dma_start3A_142 = arith.constant 0 : i32
    %dma_start3A_143 = arith.constant 0 : i32
    %dma_start3A_144 = arith.constant 0 : i32
    %dma_start3A_145 = tpu.memref_slice %arg8[%dma_start3A_142, %dma_start3A_143, %dma_start3A_144] : memref<2x32x512xf32, #tpu.memory_space<vmem>> -> memref<1x32x512xf32, #tpu.memory_space<vmem>>
    %dma_start3A_146 = tpu.memref_squeeze %dma_start3A_145 : memref<1x32x512xf32, #tpu.memory_space<vmem>> -> memref<32x512xf32, #tpu.memory_space<vmem>>
    %dma_start3A_147 = arith.constant 5 : i32
    %dma_start3A_148 = arith.constant 0 : i32
    %dma_start3A_149 = tpu.memref_slice %dma_start3A_146[%dma_start3A_147, %dma_start3A_148] : memref<32x512xf32, #tpu.memory_space<vmem>> -> memref<1x512xf32, #tpu.memory_space<vmem>>
    %dma_start3A_150 = arith.constant 0 : i32
    %dma_start3A_151 = tpu.memref_slice %arg10[%squeeze3A_141, %dma_start3A_150] : memref<1000x512xf32, #tpu.memory_space<vmem_shared>> -> memref<1x512xf32, #tpu.memory_space<vmem_shared>>
    %dma_start3A_152 = arith.constant 0 : i32
    %dma_start3A_153 = arith.constant 0 : i32
    %dma_start3A_154 = tpu.memref_slice %arg8[%dma_start3A_142, %dma_start3A_152, %dma_start3A_153] : memref<2x32x512xf32, #tpu.memory_space<vmem>> -> memref<1x32x512xf32, #tpu.memory_space<vmem>>
    %dma_start3A_155 = tpu.memref_squeeze %dma_start3A_154 : memref<1x32x512xf32, #tpu.memory_space<vmem>> -> memref<32x512xf32, #tpu.memory_space<vmem>>
    %dma_start3A_156 = arith.constant 5 : i32
    %dma_start3A_157 = arith.constant 0 : i32
    %dma_start3A_158 = tpu.memref_slice %dma_start3A_155[%dma_start3A_156, %dma_start3A_157] : memref<32x512xf32, #tpu.memory_space<vmem>> -> memref<1x512xf32, #tpu.memory_space<vmem>>
    %dma_start3A_159 = arith.constant 0 : i32
    %dma_start3A_160 = tpu.memref_slice %arg10[%squeeze3A_141, %dma_start3A_159] : memref<1000x512xf32, #tpu.memory_space<vmem_shared>> -> memref<1x512xf32, #tpu.memory_space<vmem_shared>>
    tpu.enqueue_dma source(%dma_start3A_160 : memref<1x512xf32, #tpu.memory_space<vmem_shared>>) target(%dma_start3A_158 : memref<1x512xf32, #tpu.memory_space<vmem>>) target_semaphore(%arg13 : memref<!tpu.dma_semaphore, #tpu.memory_space<semaphore_mem>>)
    %slice3A_161 = vector.extract_strided_slice %get3A_36 {offsets = [6], sizes = [1], strides = [1]} : vector<16xi32> to vector<1xi32>
    %squeeze3A_162 = vector.extract %slice3A_161[0] : i32 from vector<1xi32>
    %dma_start3A_163 = arith.constant 0 : i32
    %dma_start3A_164 = arith.constant 0 : i32
    %dma_start3A_165 = arith.constant 0 : i32
    %dma_start3A_166 = tpu.memref_slice %arg8[%dma_start3A_163, %dma_start3A_164, %dma_start3A_165] : memref<2x32x512xf32, #tpu.memory_space<vmem>> -> memref<1x32x512xf32, #tpu.memory_space<vmem>>
    %dma_start3A_167 = tpu.memref_squeeze %dma_start3A_166 : memref<1x32x512xf32, #tpu.memory_space<vmem>> -> memref<32x512xf32, #tpu.memory_space<vmem>>
    %dma_start3A_168 = arith.constant 6 : i32
    %dma_start3A_169 = arith.constant 0 : i32
    %dma_start3A_170 = tpu.memref_slice %dma_start3A_167[%dma_start3A_168, %dma_start3A_169] : memref<32x512xf32, #tpu.memory_space<vmem>> -> memref<1x512xf32, #tpu.memory_space<vmem>>
    %dma_start3A_171 = arith.constant 0 : i32
    %dma_start3A_172 = tpu.memref_slice %arg10[%squeeze3A_162, %dma_start3A_171] : memref<1000x512xf32, #tpu.memory_space<vmem_shared>> -> memref<1x512xf32, #tpu.memory_space<vmem_shared>>
    %dma_start3A_173 = arith.constant 0 : i32
    %dma_start3A_174 = arith.constant 0 : i32
    %dma_start3A_175 = tpu.memref_slice %arg8[%dma_start3A_163, %dma_start3A_173, %dma_start3A_174] : memref<2x32x512xf32, #tpu.memory_space<vmem>> -> memref<1x32x512xf32, #tpu.memory_space<vmem>>
    %dma_start3A_176 = tpu.memref_squeeze %dma_start3A_175 : memref<1x32x512xf32, #tpu.memory_space<vmem>> -> memref<32x512xf32, #tpu.memory_space<vmem>>
    %dma_start3A_177 = arith.constant 6 : i32
    %dma_start3A_178 = arith.constant 0 : i32
    %dma_start3A_179 = tpu.memref_slice %dma_start3A_176[%dma_start3A_177, %dma_start3A_178] : memref<32x512xf32, #tpu.memory_space<vmem>> -> memref<1x512xf32, #tpu.memory_space<vmem>>
    %dma_start3A_180 = arith.constant 0 : i32
    %dma_start3A_181 = tpu.memref_slice %arg10[%squeeze3A_162, %dma_start3A_180] : memref<1000x512xf32, #tpu.memory_space<vmem_shared>> -> memref<1x512xf32, #tpu.memory_space<vmem_shared>>
    tpu.enqueue_dma source(%dma_start3A_181 : memref<1x512xf32, #tpu.memory_space<vmem_shared>>) target(%dma_start3A_179 : memref<1x512xf32, #tpu.memory_space<vmem>>) target_semaphore(%arg13 : memref<!tpu.dma_semaphore, #tpu.memory_space<semaphore_mem>>)
    %slice3A_182 = vector.extract_strided_slice %get3A_36 {offsets = [7], sizes = [1], strides = [1]} : vector<16xi32> to vector<1xi32>
    %squeeze3A_183 = vector.extract %slice3A_182[0] : i32 from vector<1xi32>
    %dma_start3A_184 = arith.constant 0 : i32
    %dma_start3A_185 = arith.constant 0 : i32
    %dma_start3A_186 = arith.constant 0 : i32
    %dma_start3A_187 = tpu.memref_slice %arg8[%dma_start3A_184, %dma_start3A_185, %dma_start3A_186] : memref<2x32x512xf32, #tpu.memory_space<vmem>> -> memref<1x32x512xf32, #tpu.memory_space<vmem>>
    %dma_start3A_188 = tpu.memref_squeeze %dma_start3A_187 : memref<1x32x512xf32, #tpu.memory_space<vmem>> -> memref<32x512xf32, #tpu.memory_space<vmem>>
    %dma_start3A_189 = arith.constant 7 : i32
    %dma_start3A_190 = arith.constant 0 : i32
    %dma_start3A_191 = tpu.memref_slice %dma_start3A_188[%dma_start3A_189, %dma_start3A_190] : memref<32x512xf32, #tpu.memory_space<vmem>> -> memref<1x512xf32, #tpu.memory_space<vmem>>
    %dma_start3A_192 = arith.constant 0 : i32
    %dma_start3A_193 = tpu.memref_slice %arg10[%squeeze3A_183, %dma_start3A_192] : memref<1000x512xf32, #tpu.memory_space<vmem_shared>> -> memref<1x512xf32, #tpu.memory_space<vmem_shared>>
    %dma_start3A_194 = arith.constant 0 : i32
    %dma_start3A_195 = arith.constant 0 : i32
    %dma_start3A_196 = tpu.memref_slice %arg8[%dma_start3A_184, %dma_start3A_194, %dma_start3A_195] : memref<2x32x512xf32, #tpu.memory_space<vmem>> -> memref<1x32x512xf32, #tpu.memory_space<vmem>>
    %dma_start3A_197 = tpu.memref_squeeze %dma_start3A_196 : memref<1x32x512xf32, #tpu.memory_space<vmem>> -> memref<32x512xf32, #tpu.memory_space<vmem>>
    %dma_start3A_198 = arith.constant 7 : i32
    %dma_start3A_199 = arith.constant 0 : i32
    %dma_start3A_200 = tpu.memref_slice %dma_start3A_197[%dma_start3A_198, %dma_start3A_199] : memref<32x512xf32, #tpu.memory_space<vmem>> -> memref<1x512xf32, #tpu.memory_space<vmem>>
    %dma_start3A_201 = arith.constant 0 : i32
    %dma_start3A_202 = tpu.memref_slice %arg10[%squeeze3A_183, %dma_start3A_201] : memref<1000x512xf32, #tpu.memory_space<vmem_shared>> -> memref<1x512xf32, #tpu.memory_space<vmem_shared>>
    tpu.enqueue_dma source(%dma_start3A_202 : memref<1x512xf32, #tpu.memory_space<vmem_shared>>) target(%dma_start3A_200 : memref<1x512xf32, #tpu.memory_space<vmem>>) target_semaphore(%arg13 : memref<!tpu.dma_semaphore, #tpu.memory_space<semaphore_mem>>)
    %slice3A_203 = vector.extract_strided_slice %get3A_36 {offsets = [8], sizes = [1], strides = [1]} : vector<16xi32> to vector<1xi32>
    %squeeze3A_204 = vector.extract %slice3A_203[0] : i32 from vector<1xi32>
    %dma_start3A_205 = arith.constant 0 : i32
    %dma_start3A_206 = arith.constant 0 : i32
    %dma_start3A_207 = arith.constant 0 : i32
    %dma_start3A_208 = tpu.memref_slice %arg8[%dma_start3A_205, %dma_start3A_206, %dma_start3A_207] : memref<2x32x512xf32, #tpu.memory_space<vmem>> -> memref<1x32x512xf32, #tpu.memory_space<vmem>>
    %dma_start3A_209 = tpu.memref_squeeze %dma_start3A_208 : memref<1x32x512xf32, #tpu.memory_space<vmem>> -> memref<32x512xf32, #tpu.memory_space<vmem>>
    %dma_start3A_210 = arith.constant 8 : i32
    %dma_start3A_211 = arith.constant 0 : i32
    %dma_start3A_212 = tpu.memref_slice %dma_start3A_209[%dma_start3A_210, %dma_start3A_211] : memref<32x512xf32, #tpu.memory_space<vmem>> -> memref<1x512xf32, #tpu.memory_space<vmem>>
    %dma_start3A_213 = arith.constant 0 : i32
    %dma_start3A_214 = tpu.memref_slice %arg10[%squeeze3A_204, %dma_start3A_213] : memref<1000x512xf32, #tpu.memory_space<vmem_shared>> -> memref<1x512xf32, #tpu.memory_space<vmem_shared>>
    %dma_start3A_215 = arith.constant 0 : i32
    %dma_start3A_216 = arith.constant 0 : i32
    %dma_start3A_217 = tpu.memref_slice %arg8[%dma_start3A_205, %dma_start3A_215, %dma_start3A_216] : memref<2x32x512xf32, #tpu.memory_space<vmem>> -> memref<1x32x512xf32, #tpu.memory_space<vmem>>
    %dma_start3A_218 = tpu.memref_squeeze %dma_start3A_217 : memref<1x32x512xf32, #tpu.memory_space<vmem>> -> memref<32x512xf32, #tpu.memory_space<vmem>>
    %dma_start3A_219 = arith.constant 8 : i32
    %dma_start3A_220 = arith.constant 0 : i32
    %dma_start3A_221 = tpu.memref_slice %dma_start3A_218[%dma_start3A_219, %dma_start3A_220] : memref<32x512xf32, #tpu.memory_space<vmem>> -> memref<1x512xf32, #tpu.memory_space<vmem>>
    %dma_start3A_222 = arith.constant 0 : i32
    %dma_start3A_223 = tpu.memref_slice %arg10[%squeeze3A_204, %dma_start3A_222] : memref<1000x512xf32, #tpu.memory_space<vmem_shared>> -> memref<1x512xf32, #tpu.memory_space<vmem_shared>>
    tpu.enqueue_dma source(%dma_start3A_223 : memref<1x512xf32, #tpu.memory_space<vmem_shared>>) target(%dma_start3A_221 : memref<1x512xf32, #tpu.memory_space<vmem>>) target_semaphore(%arg13 : memref<!tpu.dma_semaphore, #tpu.memory_space<semaphore_mem>>)
    %slice3A_224 = vector.extract_strided_slice %get3A_36 {offsets = [9], sizes = [1], strides = [1]} : vector<16xi32> to vector<1xi32>
    %squeeze3A_225 = vector.extract %slice3A_224[0] : i32 from vector<1xi32>
    %dma_start3A_226 = arith.constant 0 : i32
    %dma_start3A_227 = arith.constant 0 : i32
    %dma_start3A_228 = arith.constant 0 : i32
    %dma_start3A_229 = tpu.memref_slice %arg8[%dma_start3A_226, %dma_start3A_227, %dma_start3A_228] : memref<2x32x512xf32, #tpu.memory_space<vmem>> -> memref<1x32x512xf32, #tpu.memory_space<vmem>>
    %dma_start3A_230 = tpu.memref_squeeze %dma_start3A_229 : memref<1x32x512xf32, #tpu.memory_space<vmem>> -> memref<32x512xf32, #tpu.memory_space<vmem>>
    %dma_start3A_231 = arith.constant 9 : i32
    %dma_start3A_232 = arith.constant 0 : i32
    %dma_start3A_233 = tpu.memref_slice %dma_start3A_230[%dma_start3A_231, %dma_start3A_232] : memref<32x512xf32, #tpu.memory_space<vmem>> -> memref<1x512xf32, #tpu.memory_space<vmem>>
    %dma_start3A_234 = arith.constant 0 : i32
    %dma_start3A_235 = tpu.memref_slice %arg10[%squeeze3A_225, %dma_start3A_234] : memref<1000x512xf32, #tpu.memory_space<vmem_shared>> -> memref<1x512xf32, #tpu.memory_space<vmem_shared>>
    %dma_start3A_236 = arith.constant 0 : i32
    %dma_start3A_237 = arith.constant 0 : i32
    %dma_start3A_238 = tpu.memref_slice %arg8[%dma_start3A_226, %dma_start3A_236, %dma_start3A_237] : memref<2x32x512xf32, #tpu.memory_space<vmem>> -> memref<1x32x512xf32, #tpu.memory_space<vmem>>
    %dma_start3A_239 = tpu.memref_squeeze %dma_start3A_238 : memref<1x32x512xf32, #tpu.memory_space<vmem>> -> memref<32x512xf32, #tpu.memory_space<vmem>>
    %dma_start3A_240 = arith.constant 9 : i32
    %dma_start3A_241 = arith.constant 0 : i32
    %dma_start3A_242 = tpu.memref_slice %dma_start3A_239[%dma_start3A_240, %dma_start3A_241] : memref<32x512xf32, #tpu.memory_space<vmem>> -> memref<1x512xf32, #tpu.memory_space<vmem>>
    %dma_start3A_243 = arith.constant 0 : i32
    %dma_start3A_244 = tpu.memref_slice %arg10[%squeeze3A_225, %dma_start3A_243] : memref<1000x512xf32, #tpu.memory_space<vmem_shared>> -> memref<1x512xf32, #tpu.memory_space<vmem_shared>>
    tpu.enqueue_dma source(%dma_start3A_244 : memref<1x512xf32, #tpu.memory_space<vmem_shared>>) target(%dma_start3A_242 : memref<1x512xf32, #tpu.memory_space<vmem>>) target_semaphore(%arg13 : memref<!tpu.dma_semaphore, #tpu.memory_space<semaphore_mem>>)
    %slice3A_245 = vector.extract_strided_slice %get3A_36 {offsets = [10], sizes = [1], strides = [1]} : vector<16xi32> to vector<1xi32>
    %squeeze3A_246 = vector.extract %slice3A_245[0] : i32 from vector<1xi32>
    %dma_start3A_247 = arith.constant 0 : i32
    %dma_start3A_248 = arith.constant 0 : i32
    %dma_start3A_249 = arith.constant 0 : i32
    %dma_start3A_250 = tpu.memref_slice %arg8[%dma_start3A_247, %dma_start3A_248, %dma_start3A_249] : memref<2x32x512xf32, #tpu.memory_space<vmem>> -> memref<1x32x512xf32, #tpu.memory_space<vmem>>
    %dma_start3A_251 = tpu.memref_squeeze %dma_start3A_250 : memref<1x32x512xf32, #tpu.memory_space<vmem>> -> memref<32x512xf32, #tpu.memory_space<vmem>>
    %dma_start3A_252 = arith.constant 10 : i32
    %dma_start3A_253 = arith.constant 0 : i32
    %dma_start3A_254 = tpu.memref_slice %dma_start3A_251[%dma_start3A_252, %dma_start3A_253] : memref<32x512xf32, #tpu.memory_space<vmem>> -> memref<1x512xf32, #tpu.memory_space<vmem>>
    %dma_start3A_255 = arith.constant 0 : i32
    %dma_start3A_256 = tpu.memref_slice %arg10[%squeeze3A_246, %dma_start3A_255] : memref<1000x512xf32, #tpu.memory_space<vmem_shared>> -> memref<1x512xf32, #tpu.memory_space<vmem_shared>>
    %dma_start3A_257 = arith.constant 0 : i32
    %dma_start3A_258 = arith.constant 0 : i32
    %dma_start3A_259 = tpu.memref_slice %arg8[%dma_start3A_247, %dma_start3A_257, %dma_start3A_258] : memref<2x32x512xf32, #tpu.memory_space<vmem>> -> memref<1x32x512xf32, #tpu.memory_space<vmem>>
    %dma_start3A_260 = tpu.memref_squeeze %dma_start3A_259 : memref<1x32x512xf32, #tpu.memory_space<vmem>> -> memref<32x512xf32, #tpu.memory_space<vmem>>
    %dma_start3A_261 = arith.constant 10 : i32
    %dma_start3A_262 = arith.constant 0 : i32
    %dma_start3A_263 = tpu.memref_slice %dma_start3A_260[%dma_start3A_261, %dma_start3A_262] : memref<32x512xf32, #tpu.memory_space<vmem>> -> memref<1x512xf32, #tpu.memory_space<vmem>>
    %dma_start3A_264 = arith.constant 0 : i32
    %dma_start3A_265 = tpu.memref_slice %arg10[%squeeze3A_246, %dma_start3A_264] : memref<1000x512xf32, #tpu.memory_space<vmem_shared>> -> memref<1x512xf32, #tpu.memory_space<vmem_shared>>
    tpu.enqueue_dma source(%dma_start3A_265 : memref<1x512xf32, #tpu.memory_space<vmem_shared>>) target(%dma_start3A_263 : memref<1x512xf32, #tpu.memory_space<vmem>>) target_semaphore(%arg13 : memref<!tpu.dma_semaphore, #tpu.memory_space<semaphore_mem>>)
    %slice3A_266 = vector.extract_strided_slice %get3A_36 {offsets = [11], sizes = [1], strides = [1]} : vector<16xi32> to vector<1xi32>
    %squeeze3A_267 = vector.extract %slice3A_266[0] : i32 from vector<1xi32>
    %dma_start3A_268 = arith.constant 0 : i32
    %dma_start3A_269 = arith.constant 0 : i32
    %dma_start3A_270 = arith.constant 0 : i32
    %dma_start3A_271 = tpu.memref_slice %arg8[%dma_start3A_268, %dma_start3A_269, %dma_start3A_270] : memref<2x32x512xf32, #tpu.memory_space<vmem>> -> memref<1x32x512xf32, #tpu.memory_space<vmem>>
    %dma_start3A_272 = tpu.memref_squeeze %dma_start3A_271 : memref<1x32x512xf32, #tpu.memory_space<vmem>> -> memref<32x512xf32, #tpu.memory_space<vmem>>
    %dma_start3A_273 = arith.constant 11 : i32
    %dma_start3A_274 = arith.constant 0 : i32
    %dma_start3A_275 = tpu.memref_slice %dma_start3A_272[%dma_start3A_273, %dma_start3A_274] : memref<32x512xf32, #tpu.memory_space<vmem>> -> memref<1x512xf32, #tpu.memory_space<vmem>>
    %dma_start3A_276 = arith.constant 0 : i32
    %dma_start3A_277 = tpu.memref_slice %arg10[%squeeze3A_267, %dma_start3A_276] : memref<1000x512xf32, #tpu.memory_space<vmem_shared>> -> memref<1x512xf32, #tpu.memory_space<vmem_shared>>
    %dma_start3A_278 = arith.constant 0 : i32
    %dma_start3A_279 = arith.constant 0 : i32
    %dma_start3A_280 = tpu.memref_slice %arg8[%dma_start3A_268, %dma_start3A_278, %dma_start3A_279] : memref<2x32x512xf32, #tpu.memory_space<vmem>> -> memref<1x32x512xf32, #tpu.memory_space<vmem>>
    %dma_start3A_281 = tpu.memref_squeeze %dma_start3A_280 : memref<1x32x512xf32, #tpu.memory_space<vmem>> -> memref<32x512xf32, #tpu.memory_space<vmem>>
    %dma_start3A_282 = arith.constant 11 : i32
    %dma_start3A_283 = arith.constant 0 : i32
    %dma_start3A_284 = tpu.memref_slice %dma_start3A_281[%dma_start3A_282, %dma_start3A_283] : memref<32x512xf32, #tpu.memory_space<vmem>> -> memref<1x512xf32, #tpu.memory_space<vmem>>
    %dma_start3A_285 = arith.constant 0 : i32
    %dma_start3A_286 = tpu.memref_slice %arg10[%squeeze3A_267, %dma_start3A_285] : memref<1000x512xf32, #tpu.memory_space<vmem_shared>> -> memref<1x512xf32, #tpu.memory_space<vmem_shared>>
    tpu.enqueue_dma source(%dma_start3A_286 : memref<1x512xf32, #tpu.memory_space<vmem_shared>>) target(%dma_start3A_284 : memref<1x512xf32, #tpu.memory_space<vmem>>) target_semaphore(%arg13 : memref<!tpu.dma_semaphore, #tpu.memory_space<semaphore_mem>>)
    %slice3A_287 = vector.extract_strided_slice %get3A_36 {offsets = [12], sizes = [1], strides = [1]} : vector<16xi32> to vector<1xi32>
    %squeeze3A_288 = vector.extract %slice3A_287[0] : i32 from vector<1xi32>
    %dma_start3A_289 = arith.constant 0 : i32
    %dma_start3A_290 = arith.constant 0 : i32
    %dma_start3A_291 = arith.constant 0 : i32
    %dma_start3A_292 = tpu.memref_slice %arg8[%dma_start3A_289, %dma_start3A_290, %dma_start3A_291] : memref<2x32x512xf32, #tpu.memory_space<vmem>> -> memref<1x32x512xf32, #tpu.memory_space<vmem>>
    %dma_start3A_293 = tpu.memref_squeeze %dma_start3A_292 : memref<1x32x512xf32, #tpu.memory_space<vmem>> -> memref<32x512xf32, #tpu.memory_space<vmem>>
    %dma_start3A_294 = arith.constant 12 : i32
    %dma_start3A_295 = arith.constant 0 : i32
    %dma_start3A_296 = tpu.memref_slice %dma_start3A_293[%dma_start3A_294, %dma_start3A_295] : memref<32x512xf32, #tpu.memory_space<vmem>> -> memref<1x512xf32, #tpu.memory_space<vmem>>
    %dma_start3A_297 = arith.constant 0 : i32
    %dma_start3A_298 = tpu.memref_slice %arg10[%squeeze3A_288, %dma_start3A_297] : memref<1000x512xf32, #tpu.memory_space<vmem_shared>> -> memref<1x512xf32, #tpu.memory_space<vmem_shared>>
    %dma_start3A_299 = arith.constant 0 : i32
    %dma_start3A_300 = arith.constant 0 : i32
    %dma_start3A_301 = tpu.memref_slice %arg8[%dma_start3A_289, %dma_start3A_299, %dma_start3A_300] : memref<2x32x512xf32, #tpu.memory_space<vmem>> -> memref<1x32x512xf32, #tpu.memory_space<vmem>>
    %dma_start3A_302 = tpu.memref_squeeze %dma_start3A_301 : memref<1x32x512xf32, #tpu.memory_space<vmem>> -> memref<32x512xf32, #tpu.memory_space<vmem>>
    %dma_start3A_303 = arith.constant 12 : i32
    %dma_start3A_304 = arith.constant 0 : i32
    %dma_start3A_305 = tpu.memref_slice %dma_start3A_302[%dma_start3A_303, %dma_start3A_304] : memref<32x512xf32, #tpu.memory_space<vmem>> -> memref<1x512xf32, #tpu.memory_space<vmem>>
    %dma_start3A_306 = arith.constant 0 : i32
    %dma_start3A_307 = tpu.memref_slice %arg10[%squeeze3A_288, %dma_start3A_306] : memref<1000x512xf32, #tpu.memory_space<vmem_shared>> -> memref<1x512xf32, #tpu.memory_space<vmem_shared>>
    tpu.enqueue_dma source(%dma_start3A_307 : memref<1x512xf32, #tpu.memory_space<vmem_shared>>) target(%dma_start3A_305 : memref<1x512xf32, #tpu.memory_space<vmem>>) target_semaphore(%arg13 : memref<!tpu.dma_semaphore, #tpu.memory_space<semaphore_mem>>)
    %slice3A_308 = vector.extract_strided_slice %get3A_36 {offsets = [13], sizes = [1], strides = [1]} : vector<16xi32> to vector<1xi32>
    %squeeze3A_309 = vector.extract %slice3A_308[0] : i32 from vector<1xi32>
    %dma_start3A_310 = arith.constant 0 : i32
    %dma_start3A_311 = arith.constant 0 : i32
    %dma_start3A_312 = arith.constant 0 : i32
    %dma_start3A_313 = tpu.memref_slice %arg8[%dma_start3A_310, %dma_start3A_311, %dma_start3A_312] : memref<2x32x512xf32, #tpu.memory_space<vmem>> -> memref<1x32x512xf32, #tpu.memory_space<vmem>>
    %dma_start3A_314 = tpu.memref_squeeze %dma_start3A_313 : memref<1x32x512xf32, #tpu.memory_space<vmem>> -> memref<32x512xf32, #tpu.memory_space<vmem>>
    %dma_start3A_315 = arith.constant 13 : i32
    %dma_start3A_316 = arith.constant 0 : i32
    %dma_start3A_317 = tpu.memref_slice %dma_start3A_314[%dma_start3A_315, %dma_start3A_316] : memref<32x512xf32, #tpu.memory_space<vmem>> -> memref<1x512xf32, #tpu.memory_space<vmem>>
    %dma_start3A_318 = arith.constant 0 : i32
    %dma_start3A_319 = tpu.memref_slice %arg10[%squeeze3A_309, %dma_start3A_318] : memref<1000x512xf32, #tpu.memory_space<vmem_shared>> -> memref<1x512xf32, #tpu.memory_space<vmem_shared>>
    %dma_start3A_320 = arith.constant 0 : i32
    %dma_start3A_321 = arith.constant 0 : i32
    %dma_start3A_322 = tpu.memref_slice %arg8[%dma_start3A_310, %dma_start3A_320, %dma_start3A_321] : memref<2x32x512xf32, #tpu.memory_space<vmem>> -> memref<1x32x512xf32, #tpu.memory_space<vmem>>
    %dma_start3A_323 = tpu.memref_squeeze %dma_start3A_322 : memref<1x32x512xf32, #tpu.memory_space<vmem>> -> memref<32x512xf32, #tpu.memory_space<vmem>>
    %dma_start3A_324 = arith.constant 13 : i32
    %dma_start3A_325 = arith.constant 0 : i32
    %dma_start3A_326 = tpu.memref_slice %dma_start3A_323[%dma_start3A_324, %dma_start3A_325] : memref<32x512xf32, #tpu.memory_space<vmem>> -> memref<1x512xf32, #tpu.memory_space<vmem>>
    %dma_start3A_327 = arith.constant 0 : i32
    %dma_start3A_328 = tpu.memref_slice %arg10[%squeeze3A_309, %dma_start3A_327] : memref<1000x512xf32, #tpu.memory_space<vmem_shared>> -> memref<1x512xf32, #tpu.memory_space<vmem_shared>>
    tpu.enqueue_dma source(%dma_start3A_328 : memref<1x512xf32, #tpu.memory_space<vmem_shared>>) target(%dma_start3A_326 : memref<1x512xf32, #tpu.memory_space<vmem>>) target_semaphore(%arg13 : memref<!tpu.dma_semaphore, #tpu.memory_space<semaphore_mem>>)
    %slice3A_329 = vector.extract_strided_slice %get3A_36 {offsets = [14], sizes = [1], strides = [1]} : vector<16xi32> to vector<1xi32>
    %squeeze3A_330 = vector.extract %slice3A_329[0] : i32 from vector<1xi32>
    %dma_start3A_331 = arith.constant 0 : i32
    %dma_start3A_332 = arith.constant 0 : i32
    %dma_start3A_333 = arith.constant 0 : i32
    %dma_start3A_334 = tpu.memref_slice %arg8[%dma_start3A_331, %dma_start3A_332, %dma_start3A_333] : memref<2x32x512xf32, #tpu.memory_space<vmem>> -> memref<1x32x512xf32, #tpu.memory_space<vmem>>
    %dma_start3A_335 = tpu.memref_squeeze %dma_start3A_334 : memref<1x32x512xf32, #tpu.memory_space<vmem>> -> memref<32x512xf32, #tpu.memory_space<vmem>>
    %dma_start3A_336 = arith.constant 14 : i32
    %dma_start3A_337 = arith.constant 0 : i32
    %dma_start3A_338 = tpu.memref_slice %dma_start3A_335[%dma_start3A_336, %dma_start3A_337] : memref<32x512xf32, #tpu.memory_space<vmem>> -> memref<1x512xf32, #tpu.memory_space<vmem>>
    %dma_start3A_339 = arith.constant 0 : i32
    %dma_start3A_340 = tpu.memref_slice %arg10[%squeeze3A_330, %dma_start3A_339] : memref<1000x512xf32, #tpu.memory_space<vmem_shared>> -> memref<1x512xf32, #tpu.memory_space<vmem_shared>>
    %dma_start3A_341 = arith.constant 0 : i32
    %dma_start3A_342 = arith.constant 0 : i32
    %dma_start3A_343 = tpu.memref_slice %arg8[%dma_start3A_331, %dma_start3A_341, %dma_start3A_342] : memref<2x32x512xf32, #tpu.memory_space<vmem>> -> memref<1x32x512xf32, #tpu.memory_space<vmem>>
    %dma_start3A_344 = tpu.memref_squeeze %dma_start3A_343 : memref<1x32x512xf32, #tpu.memory_space<vmem>> -> memref<32x512xf32, #tpu.memory_space<vmem>>
    %dma_start3A_345 = arith.constant 14 : i32
    %dma_start3A_346 = arith.constant 0 : i32
    %dma_start3A_347 = tpu.memref_slice %dma_start3A_344[%dma_start3A_345, %dma_start3A_346] : memref<32x512xf32, #tpu.memory_space<vmem>> -> memref<1x512xf32, #tpu.memory_space<vmem>>
    %dma_start3A_348 = arith.constant 0 : i32
    %dma_start3A_349 = tpu.memref_slice %arg10[%squeeze3A_330, %dma_start3A_348] : memref<1000x512xf32, #tpu.memory_space<vmem_shared>> -> memref<1x512xf32, #tpu.memory_space<vmem_shared>>
    tpu.enqueue_dma source(%dma_start3A_349 : memref<1x512xf32, #tpu.memory_space<vmem_shared>>) target(%dma_start3A_347 : memref<1x512xf32, #tpu.memory_space<vmem>>) target_semaphore(%arg13 : memref<!tpu.dma_semaphore, #tpu.memory_space<semaphore_mem>>)
    %slice3A_350 = vector.extract_strided_slice %get3A_36 {offsets = [15], sizes = [1], strides = [1]} : vector<16xi32> to vector<1xi32>
    %squeeze3A_351 = vector.extract %slice3A_350[0] : i32 from vector<1xi32>
    %dma_start3A_352 = arith.constant 0 : i32
    %dma_start3A_353 = arith.constant 0 : i32
    %dma_start3A_354 = arith.constant 0 : i32
    %dma_start3A_355 = tpu.memref_slice %arg8[%dma_start3A_352, %dma_start3A_353, %dma_start3A_354] : memref<2x32x512xf32, #tpu.memory_space<vmem>> -> memref<1x32x512xf32, #tpu.memory_space<vmem>>
    %dma_start3A_356 = tpu.memref_squeeze %dma_start3A_355 : memref<1x32x512xf32, #tpu.memory_space<vmem>> -> memref<32x512xf32, #tpu.memory_space<vmem>>
    %dma_start3A_357 = arith.constant 15 : i32
    %dma_start3A_358 = arith.constant 0 : i32
    %dma_start3A_359 = tpu.memref_slice %dma_start3A_356[%dma_start3A_357, %dma_start3A_358] : memref<32x512xf32, #tpu.memory_space<vmem>> -> memref<1x512xf32, #tpu.memory_space<vmem>>
    %dma_start3A_360 = arith.constant 0 : i32
    %dma_start3A_361 = tpu.memref_slice %arg10[%squeeze3A_351, %dma_start3A_360] : memref<1000x512xf32, #tpu.memory_space<vmem_shared>> -> memref<1x512xf32, #tpu.memory_space<vmem_shared>>
    %dma_start3A_362 = arith.constant 0 : i32
    %dma_start3A_363 = arith.constant 0 : i32
    %dma_start3A_364 = tpu.memref_slice %arg8[%dma_start3A_352, %dma_start3A_362, %dma_start3A_363] : memref<2x32x512xf32, #tpu.memory_space<vmem>> -> memref<1x32x512xf32, #tpu.memory_space<vmem>>
    %dma_start3A_365 = tpu.memref_squeeze %dma_start3A_364 : memref<1x32x512xf32, #tpu.memory_space<vmem>> -> memref<32x512xf32, #tpu.memory_space<vmem>>
    %dma_start3A_366 = arith.constant 15 : i32
    %dma_start3A_367 = arith.constant 0 : i32
    %dma_start3A_368 = tpu.memref_slice %dma_start3A_365[%dma_start3A_366, %dma_start3A_367] : memref<32x512xf32, #tpu.memory_space<vmem>> -> memref<1x512xf32, #tpu.memory_space<vmem>>
    %dma_start3A_369 = arith.constant 0 : i32
    %dma_start3A_370 = tpu.memref_slice %arg10[%squeeze3A_351, %dma_start3A_369] : memref<1000x512xf32, #tpu.memory_space<vmem_shared>> -> memref<1x512xf32, #tpu.memory_space<vmem_shared>>
    tpu.enqueue_dma source(%dma_start3A_370 : memref<1x512xf32, #tpu.memory_space<vmem_shared>>) target(%dma_start3A_368 : memref<1x512xf32, #tpu.memory_space<vmem>>) target_semaphore(%arg13 : memref<!tpu.dma_semaphore, #tpu.memory_space<semaphore_mem>>)
    %get3A_371 = arith.constant 16 : index
    %get3A_372 = tpu.vector_load %arg6[%get3A_371] {strides = array<i32>} : memref<512xi32, #tpu.memory_space<vmem>>, vector<16xi32>,
    %get3A_373 = vector.shape_cast %get3A_372 : vector<16xi32> to vector<16xi32>
    %slice3A_374 = vector.extract_strided_slice %get3A_373 {offsets = [0], sizes = [1], strides = [1]} : vector<16xi32> to vector<1xi32>
    %squeeze3A_375 = vector.extract %slice3A_374[0] : i32 from vector<1xi32>
    %dma_start3A_376 = arith.constant 0 : i32
    %dma_start3A_377 = arith.constant 0 : i32
    %dma_start3A_378 = arith.constant 0 : i32
    %dma_start3A_379 = tpu.memref_slice %arg8[%dma_start3A_376, %dma_start3A_377, %dma_start3A_378] : memref<2x32x512xf32, #tpu.memory_space<vmem>> -> memref<1x32x512xf32, #tpu.memory_space<vmem>>
    %dma_start3A_380 = tpu.memref_squeeze %dma_start3A_379 : memref<1x32x512xf32, #tpu.memory_space<vmem>> -> memref<32x512xf32, #tpu.memory_space<vmem>>
    %dma_start3A_381 = arith.constant 16 : i32
    %dma_start3A_382 = arith.constant 0 : i32
    %dma_start3A_383 = tpu.memref_slice %dma_start3A_380[%dma_start3A_381, %dma_start3A_382] : memref<32x512xf32, #tpu.memory_space<vmem>> -> memref<1x512xf32, #tpu.memory_space<vmem>>
    %dma_start3A_384 = arith.constant 0 : i32
    %dma_start3A_385 = tpu.memref_slice %arg10[%squeeze3A_375, %dma_start3A_384] : memref<1000x512xf32, #tpu.memory_space<vmem_shared>> -> memref<1x512xf32, #tpu.memory_space<vmem_shared>>
    %dma_start3A_386 = arith.constant 0 : i32
    %dma_start3A_387 = arith.constant 0 : i32
    %dma_start3A_388 = tpu.memref_slice %arg8[%dma_start3A_376, %dma_start3A_386, %dma_start3A_387] : memref<2x32x512xf32, #tpu.memory_space<vmem>> -> memref<1x32x512xf32, #tpu.memory_space<vmem>>
    %dma_start3A_389 = tpu.memref_squeeze %dma_start3A_388 : memref<1x32x512xf32, #tpu.memory_space<vmem>> -> memref<32x512xf32, #tpu.memory_space<vmem>>
    %dma_start3A_390 = arith.constant 16 : i32
    %dma_start3A_391 = arith.constant 0 : i32
    %dma_start3A_392 = tpu.memref_slice %dma_start3A_389[%dma_start3A_390, %dma_start3A_391] : memref<32x512xf32, #tpu.memory_space<vmem>> -> memref<1x512xf32, #tpu.memory_space<vmem>>
    %dma_start3A_393 = arith.constant 0 : i32
    %dma_start3A_394 = tpu.memref_slice %arg10[%squeeze3A_375, %dma_start3A_393] : memref<1000x512xf32, #tpu.memory_space<vmem_shared>> -> memref<1x512xf32, #tpu.memory_space<vmem_shared>>
    tpu.enqueue_dma source(%dma_start3A_394 : memref<1x512xf32, #tpu.memory_space<vmem_shared>>) target(%dma_start3A_392 : memref<1x512xf32, #tpu.memory_space<vmem>>) target_semaphore(%arg13 : memref<!tpu.dma_semaphore, #tpu.memory_space<semaphore_mem>>)
    %slice3A_395 = vector.extract_strided_slice %get3A_373 {offsets = [1], sizes = [1], strides = [1]} : vector<16xi32> to vector<1xi32>
    %squeeze3A_396 = vector.extract %slice3A_395[0] : i32 from vector<1xi32>
    %dma_start3A_397 = arith.constant 0 : i32
    %dma_start3A_398 = arith.constant 0 : i32
    %dma_start3A_399 = arith.constant 0 : i32
    %dma_start3A_400 = tpu.memref_slice %arg8[%dma_start3A_397, %dma_start3A_398, %dma_start3A_399] : memref<2x32x512xf32, #tpu.memory_space<vmem>> -> memref<1x32x512xf32, #tpu.memory_space<vmem>>
    %dma_start3A_401 = tpu.memref_squeeze %dma_start3A_400 : memref<1x32x512xf32, #tpu.memory_space<vmem>> -> memref<32x512xf32, #tpu.memory_space<vmem>>
    %dma_start3A_402 = arith.constant 17 : i32
    %dma_start3A_403 = arith.constant 0 : i32
    %dma_start3A_404 = tpu.memref_slice %dma_start3A_401[%dma_start3A_402, %dma_start3A_403] : memref<32x512xf32, #tpu.memory_space<vmem>> -> memref<1x512xf32, #tpu.memory_space<vmem>>
    %dma_start3A_405 = arith.constant 0 : i32
    %dma_start3A_406 = tpu.memref_slice %arg10[%squeeze3A_396, %dma_start3A_405] : memref<1000x512xf32, #tpu.memory_space<vmem_shared>> -> memref<1x512xf32, #tpu.memory_space<vmem_shared>>
    %dma_start3A_407 = arith.constant 0 : i32
    %dma_start3A_408 = arith.constant 0 : i32
    %dma_start3A_409 = tpu.memref_slice %arg8[%dma_start3A_397, %dma_start3A_407, %dma_start3A_408] : memref<2x32x512xf32, #tpu.memory_space<vmem>> -> memref<1x32x512xf32, #tpu.memory_space<vmem>>
    %dma_start3A_410 = tpu.memref_squeeze %dma_start3A_409 : memref<1x32x512xf32, #tpu.memory_space<vmem>> -> memref<32x512xf32, #tpu.memory_space<vmem>>
    %dma_start3A_411 = arith.constant 17 : i32
    %dma_start3A_412 = arith.constant 0 : i32
    %dma_start3A_413 = tpu.memref_slice %dma_start3A_410[%dma_start3A_411, %dma_start3A_412] : memref<32x512xf32, #tpu.memory_space<vmem>> -> memref<1x512xf32, #tpu.memory_space<vmem>>
    %dma_start3A_414 = arith.constant 0 : i32
    %dma_start3A_415 = tpu.memref_slice %arg10[%squeeze3A_396, %dma_start3A_414] : memref<1000x512xf32, #tpu.memory_space<vmem_shared>> -> memref<1x512xf32, #tpu.memory_space<vmem_shared>>
    tpu.enqueue_dma source(%dma_start3A_415 : memref<1x512xf32, #tpu.memory_space<vmem_shared>>) target(%dma_start3A_413 : memref<1x512xf32, #tpu.memory_space<vmem>>) target_semaphore(%arg13 : memref<!tpu.dma_semaphore, #tpu.memory_space<semaphore_mem>>)
    %slice3A_416 = vector.extract_strided_slice %get3A_373 {offsets = [2], sizes = [1], strides = [1]} : vector<16xi32> to vector<1xi32>
    %squeeze3A_417 = vector.extract %slice3A_416[0] : i32 from vector<1xi32>
    %dma_start3A_418 = arith.constant 0 : i32
    %dma_start3A_419 = arith.constant 0 : i32
    %dma_start3A_420 = arith.constant 0 : i32
    %dma_start3A_421 = tpu.memref_slice %arg8[%dma_start3A_418, %dma_start3A_419, %dma_start3A_420] : memref<2x32x512xf32, #tpu.memory_space<vmem>> -> memref<1x32x512xf32, #tpu.memory_space<vmem>>
    %dma_start3A_422 = tpu.memref_squeeze %dma_start3A_421 : memref<1x32x512xf32, #tpu.memory_space<vmem>> -> memref<32x512xf32, #tpu.memory_space<vmem>>
    %dma_start3A_423 = arith.constant 18 : i32
    %dma_start3A_424 = arith.constant 0 : i32
    %dma_start3A_425 = tpu.memref_slice %dma_start3A_422[%dma_start3A_423, %dma_start3A_424] : memref<32x512xf32, #tpu.memory_space<vmem>> -> memref<1x512xf32, #tpu.memory_space<vmem>>
    %dma_start3A_426 = arith.constant 0 : i32
    %dma_start3A_427 = tpu.memref_slice %arg10[%squeeze3A_417, %dma_start3A_426] : memref<1000x512xf32, #tpu.memory_space<vmem_shared>> -> memref<1x512xf32, #tpu.memory_space<vmem_shared>>
    %dma_start3A_428 = arith.constant 0 : i32
    %dma_start3A_429 = arith.constant 0 : i32
    %dma_start3A_430 = tpu.memref_slice %arg8[%dma_start3A_418, %dma_start3A_428, %dma_start3A_429] : memref<2x32x512xf32, #tpu.memory_space<vmem>> -> memref<1x32x512xf32, #tpu.memory_space<vmem>>
    %dma_start3A_431 = tpu.memref_squeeze %dma_start3A_430 : memref<1x32x512xf32, #tpu.memory_space<vmem>> -> memref<32x512xf32, #tpu.memory_space<vmem>>
    %dma_start3A_432 = arith.constant 18 : i32
    %dma_start3A_433 = arith.constant 0 : i32
    %dma_start3A_434 = tpu.memref_slice %dma_start3A_431[%dma_start3A_432, %dma_start3A_433] : memref<32x512xf32, #tpu.memory_space<vmem>> -> memref<1x512xf32, #tpu.memory_space<vmem>>
    %dma_start3A_435 = arith.constant 0 : i32
    %dma_start3A_436 = tpu.memref_slice %arg10[%squeeze3A_417, %dma_start3A_435] : memref<1000x512xf32, #tpu.memory_space<vmem_shared>> -> memref<1x512xf32, #tpu.memory_space<vmem_shared>>
    tpu.enqueue_dma source(%dma_start3A_436 : memref<1x512xf32, #tpu.memory_space<vmem_shared>>) target(%dma_start3A_434 : memref<1x512xf32, #tpu.memory_space<vmem>>) target_semaphore(%arg13 : memref<!tpu.dma_semaphore, #tpu.memory_space<semaphore_mem>>)
    %slice3A_437 = vector.extract_strided_slice %get3A_373 {offsets = [3], sizes = [1], strides = [1]} : vector<16xi32> to vector<1xi32>
    %squeeze3A_438 = vector.extract %slice3A_437[0] : i32 from vector<1xi32>
    %dma_start3A_439 = arith.constant 0 : i32
    %dma_start3A_440 = arith.constant 0 : i32
    %dma_start3A_441 = arith.constant 0 : i32
    %dma_start3A_442 = tpu.memref_slice %arg8[%dma_start3A_439, %dma_start3A_440, %dma_start3A_441] : memref<2x32x512xf32, #tpu.memory_space<vmem>> -> memref<1x32x512xf32, #tpu.memory_space<vmem>>
    %dma_start3A_443 = tpu.memref_squeeze %dma_start3A_442 : memref<1x32x512xf32, #tpu.memory_space<vmem>> -> memref<32x512xf32, #tpu.memory_space<vmem>>
    %dma_start3A_444 = arith.constant 19 : i32
    %dma_start3A_445 = arith.constant 0 : i32
    %dma_start3A_446 = tpu.memref_slice %dma_start3A_443[%dma_start3A_444, %dma_start3A_445] : memref<32x512xf32, #tpu.memory_space<vmem>> -> memref<1x512xf32, #tpu.memory_space<vmem>>
    %dma_start3A_447 = arith.constant 0 : i32
    %dma_start3A_448 = tpu.memref_slice %arg10[%squeeze3A_438, %dma_start3A_447] : memref<1000x512xf32, #tpu.memory_space<vmem_shared>> -> memref<1x512xf32, #tpu.memory_space<vmem_shared>>
    %dma_start3A_449 = arith.constant 0 : i32
    %dma_start3A_450 = arith.constant 0 : i32
    %dma_start3A_451 = tpu.memref_slice %arg8[%dma_start3A_439, %dma_start3A_449, %dma_start3A_450] : memref<2x32x512xf32, #tpu.memory_space<vmem>> -> memref<1x32x512xf32, #tpu.memory_space<vmem>>
    %dma_start3A_452 = tpu.memref_squeeze %dma_start3A_451 : memref<1x32x512xf32, #tpu.memory_space<vmem>> -> memref<32x512xf32, #tpu.memory_space<vmem>>
    %dma_start3A_453 = arith.constant 19 : i32
    %dma_start3A_454 = arith.constant 0 : i32
    %dma_start3A_455 = tpu.memref_slice %dma_start3A_452[%dma_start3A_453, %dma_start3A_454] : memref<32x512xf32, #tpu.memory_space<vmem>> -> memref<1x512xf32, #tpu.memory_space<vmem>>
    %dma_start3A_456 = arith.constant 0 : i32
    %dma_start3A_457 = tpu.memref_slice %arg10[%squeeze3A_438, %dma_start3A_456] : memref<1000x512xf32, #tpu.memory_space<vmem_shared>> -> memref<1x512xf32, #tpu.memory_space<vmem_shared>>
    tpu.enqueue_dma source(%dma_start3A_457 : memref<1x512xf32, #tpu.memory_space<vmem_shared>>) target(%dma_start3A_455 : memref<1x512xf32, #tpu.memory_space<vmem>>) target_semaphore(%arg13 : memref<!tpu.dma_semaphore, #tpu.memory_space<semaphore_mem>>)
    %slice3A_458 = vector.extract_strided_slice %get3A_373 {offsets = [4], sizes = [1], strides = [1]} : vector<16xi32> to vector<1xi32>
    %squeeze3A_459 = vector.extract %slice3A_458[0] : i32 from vector<1xi32>
    %dma_start3A_460 = arith.constant 0 : i32
    %dma_start3A_461 = arith.constant 0 : i32
    %dma_start3A_462 = arith.constant 0 : i32
    %dma_start3A_463 = tpu.memref_slice %arg8[%dma_start3A_460, %dma_start3A_461, %dma_start3A_462] : memref<2x32x512xf32, #tpu.memory_space<vmem>> -> memref<1x32x512xf32, #tpu.memory_space<vmem>>
    %dma_start3A_464 = tpu.memref_squeeze %dma_start3A_463 : memref<1x32x512xf32, #tpu.memory_space<vmem>> -> memref<32x512xf32, #tpu.memory_space<vmem>>
    %dma_start3A_465 = arith.constant 20 : i32
    %dma_start3A_466 = arith.constant 0 : i32
    %dma_start3A_467 = tpu.memref_slice %dma_start3A_464[%dma_start3A_465, %dma_start3A_466] : memref<32x512xf32, #tpu.memory_space<vmem>> -> memref<1x512xf32, #tpu.memory_space<vmem>>
    %dma_start3A_468 = arith.constant 0 : i32
    %dma_start3A_469 = tpu.memref_slice %arg10[%squeeze3A_459, %dma_start3A_468] : memref<1000x512xf32, #tpu.memory_space<vmem_shared>> -> memref<1x512xf32, #tpu.memory_space<vmem_shared>>
    %dma_start3A_470 = arith.constant 0 : i32
    %dma_start3A_471 = arith.constant 0 : i32
    %dma_start3A_472 = tpu.memref_slice %arg8[%dma_start3A_460, %dma_start3A_470, %dma_start3A_471] : memref<2x32x512xf32, #tpu.memory_space<vmem>> -> memref<1x32x512xf32, #tpu.memory_space<vmem>>
    %dma_start3A_473 = tpu.memref_squeeze %dma_start3A_472 : memref<1x32x512xf32, #tpu.memory_space<vmem>> -> memref<32x512xf32, #tpu.memory_space<vmem>>
    %dma_start3A_474 = arith.constant 20 : i32
    %dma_start3A_475 = arith.constant 0 : i32
    %dma_start3A_476 = tpu.memref_slice %dma_start3A_473[%dma_start3A_474, %dma_start3A_475] : memref<32x512xf32, #tpu.memory_space<vmem>> -> memref<1x512xf32, #tpu.memory_space<vmem>>
    %dma_start3A_477 = arith.constant 0 : i32
    %dma_start3A_478 = tpu.memref_slice %arg10[%squeeze3A_459, %dma_start3A_477] : memref<1000x512xf32, #tpu.memory_space<vmem_shared>> -> memref<1x512xf32, #tpu.memory_space<vmem_shared>>
    tpu.enqueue_dma source(%dma_start3A_478 : memref<1x512xf32, #tpu.memory_space<vmem_shared>>) target(%dma_start3A_476 : memref<1x512xf32, #tpu.memory_space<vmem>>) target_semaphore(%arg13 : memref<!tpu.dma_semaphore, #tpu.memory_space<semaphore_mem>>)
    %slice3A_479 = vector.extract_strided_slice %get3A_373 {offsets = [5], sizes = [1], strides = [1]} : vector<16xi32> to vector<1xi32>
    %squeeze3A_480 = vector.extract %slice3A_479[0] : i32 from vector<1xi32>
    %dma_start3A_481 = arith.constant 0 : i32
    %dma_start3A_482 = arith.constant 0 : i32
    %dma_start3A_483 = arith.constant 0 : i32
    %dma_start3A_484 = tpu.memref_slice %arg8[%dma_start3A_481, %dma_start3A_482, %dma_start3A_483] : memref<2x32x512xf32, #tpu.memory_space<vmem>> -> memref<1x32x512xf32, #tpu.memory_space<vmem>>
    %dma_start3A_485 = tpu.memref_squeeze %dma_start3A_484 : memref<1x32x512xf32, #tpu.memory_space<vmem>> -> memref<32x512xf32, #tpu.memory_space<vmem>>
    %dma_start3A_486 = arith.constant 21 : i32
    %dma_start3A_487 = arith.constant 0 : i32
    %dma_start3A_488 = tpu.memref_slice %dma_start3A_485[%dma_start3A_486, %dma_start3A_487] : memref<32x512xf32, #tpu.memory_space<vmem>> -> memref<1x512xf32, #tpu.memory_space<vmem>>
    %dma_start3A_489 = arith.constant 0 : i32
    %dma_start3A_490 = tpu.memref_slice %arg10[%squeeze3A_480, %dma_start3A_489] : memref<1000x512xf32, #tpu.memory_space<vmem_shared>> -> memref<1x512xf32, #tpu.memory_space<vmem_shared>>
    %dma_start3A_491 = arith.constant 0 : i32
    %dma_start3A_492 = arith.constant 0 : i32
    %dma_start3A_493 = tpu.memref_slice %arg8[%dma_start3A_481, %dma_start3A_491, %dma_start3A_492] : memref<2x32x512xf32, #tpu.memory_space<vmem>> -> memref<1x32x512xf32, #tpu.memory_space<vmem>>
    %dma_start3A_494 = tpu.memref_squeeze %dma_start3A_493 : memref<1x32x512xf32, #tpu.memory_space<vmem>> -> memref<32x512xf32, #tpu.memory_space<vmem>>
    %dma_start3A_495 = arith.constant 21 : i32
    %dma_start3A_496 = arith.constant 0 : i32
    %dma_start3A_497 = tpu.memref_slice %dma_start3A_494[%dma_start3A_495, %dma_start3A_496] : memref<32x512xf32, #tpu.memory_space<vmem>> -> memref<1x512xf32, #tpu.memory_space<vmem>>
    %dma_start3A_498 = arith.constant 0 : i32
    %dma_start3A_499 = tpu.memref_slice %arg10[%squeeze3A_480, %dma_start3A_498] : memref<1000x512xf32, #tpu.memory_space<vmem_shared>> -> memref<1x512xf32, #tpu.memory_space<vmem_shared>>
    tpu.enqueue_dma source(%dma_start3A_499 : memref<1x512xf32, #tpu.memory_space<vmem_shared>>) target(%dma_start3A_497 : memref<1x512xf32, #tpu.memory_space<vmem>>) target_semaphore(%arg13 : memref<!tpu.dma_semaphore, #tpu.memory_space<semaphore_mem>>)
    %slice3A_500 = vector.extract_strided_slice %get3A_373 {offsets = [6], sizes = [1], strides = [1]} : vector<16xi32> to vector<1xi32>
    %squeeze3A_501 = vector.extract %slice3A_500[0] : i32 from vector<1xi32>
    %dma_start3A_502 = arith.constant 0 : i32
    %dma_start3A_503 = arith.constant 0 : i32
    %dma_start3A_504 = arith.constant 0 : i32
    %dma_start3A_505 = tpu.memref_slice %arg8[%dma_start3A_502, %dma_start3A_503, %dma_start3A_504] : memref<2x32x512xf32, #tpu.memory_space<vmem>> -> memref<1x32x512xf32, #tpu.memory_space<vmem>>
    %dma_start3A_506 = tpu.memref_squeeze %dma_start3A_505 : memref<1x32x512xf32, #tpu.memory_space<vmem>> -> memref<32x512xf32, #tpu.memory_space<vmem>>
    %dma_start3A_507 = arith.constant 22 : i32
    %dma_start3A_508 = arith.constant 0 : i32
    %dma_start3A_509 = tpu.memref_slice %dma_start3A_506[%dma_start3A_507, %dma_start3A_508] : memref<32x512xf32, #tpu.memory_space<vmem>> -> memref<1x512xf32, #tpu.memory_space<vmem>>
    %dma_start3A_510 = arith.constant 0 : i32
    %dma_start3A_511 = tpu.memref_slice %arg10[%squeeze3A_501, %dma_start3A_510] : memref<1000x512xf32, #tpu.memory_space<vmem_shared>> -> memref<1x512xf32, #tpu.memory_space<vmem_shared>>
    %dma_start3A_512 = arith.constant 0 : i32
    %dma_start3A_513 = arith.constant 0 : i32
    %dma_start3A_514 = tpu.memref_slice %arg8[%dma_start3A_502, %dma_start3A_512, %dma_start3A_513] : memref<2x32x512xf32, #tpu.memory_space<vmem>> -> memref<1x32x512xf32, #tpu.memory_space<vmem>>
    %dma_start3A_515 = tpu.memref_squeeze %dma_start3A_514 : memref<1x32x512xf32, #tpu.memory_space<vmem>> -> memref<32x512xf32, #tpu.memory_space<vmem>>
    %dma_start3A_516 = arith.constant 22 : i32
    %dma_start3A_517 = arith.constant 0 : i32
    %dma_start3A_518 = tpu.memref_slice %dma_start3A_515[%dma_start3A_516, %dma_start3A_517] : memref<32x512xf32, #tpu.memory_space<vmem>> -> memref<1x512xf32, #tpu.memory_space<vmem>>
    %dma_start3A_519 = arith.constant 0 : i32
    %dma_start3A_520 = tpu.memref_slice %arg10[%squeeze3A_501, %dma_start3A_519] : memref<1000x512xf32, #tpu.memory_space<vmem_shared>> -> memref<1x512xf32, #tpu.memory_space<vmem_shared>>
    tpu.enqueue_dma source(%dma_start3A_520 : memref<1x512xf32, #tpu.memory_space<vmem_shared>>) target(%dma_start3A_518 : memref<1x512xf32, #tpu.memory_space<vmem>>) target_semaphore(%arg13 : memref<!tpu.dma_semaphore, #tpu.memory_space<semaphore_mem>>)
    %slice3A_521 = vector.extract_strided_slice %get3A_373 {offsets = [7], sizes = [1], strides = [1]} : vector<16xi32> to vector<1xi32>
    %squeeze3A_522 = vector.extract %slice3A_521[0] : i32 from vector<1xi32>
    %dma_start3A_523 = arith.constant 0 : i32
    %dma_start3A_524 = arith.constant 0 : i32
    %dma_start3A_525 = arith.constant 0 : i32
    %dma_start3A_526 = tpu.memref_slice %arg8[%dma_start3A_523, %dma_start3A_524, %dma_start3A_525] : memref<2x32x512xf32, #tpu.memory_space<vmem>> -> memref<1x32x512xf32, #tpu.memory_space<vmem>>
    %dma_start3A_527 = tpu.memref_squeeze %dma_start3A_526 : memref<1x32x512xf32, #tpu.memory_space<vmem>> -> memref<32x512xf32, #tpu.memory_space<vmem>>
    %dma_start3A_528 = arith.constant 23 : i32
    %dma_start3A_529 = arith.constant 0 : i32
    %dma_start3A_530 = tpu.memref_slice %dma_start3A_527[%dma_start3A_528, %dma_start3A_529] : memref<32x512xf32, #tpu.memory_space<vmem>> -> memref<1x512xf32, #tpu.memory_space<vmem>>
    %dma_start3A_531 = arith.constant 0 : i32
    %dma_start3A_532 = tpu.memref_slice %arg10[%squeeze3A_522, %dma_start3A_531] : memref<1000x512xf32, #tpu.memory_space<vmem_shared>> -> memref<1x512xf32, #tpu.memory_space<vmem_shared>>
    %dma_start3A_533 = arith.constant 0 : i32
    %dma_start3A_534 = arith.constant 0 : i32
    %dma_start3A_535 = tpu.memref_slice %arg8[%dma_start3A_523, %dma_start3A_533, %dma_start3A_534] : memref<2x32x512xf32, #tpu.memory_space<vmem>> -> memref<1x32x512xf32, #tpu.memory_space<vmem>>
    %dma_start3A_536 = tpu.memref_squeeze %dma_start3A_535 : memref<1x32x512xf32, #tpu.memory_space<vmem>> -> memref<32x512xf32, #tpu.memory_space<vmem>>
    %dma_start3A_537 = arith.constant 23 : i32
    %dma_start3A_538 = arith.constant 0 : i32
    %dma_start3A_539 = tpu.memref_slice %dma_start3A_536[%dma_start3A_537, %dma_start3A_538] : memref<32x512xf32, #tpu.memory_space<vmem>> -> memref<1x512xf32, #tpu.memory_space<vmem>>
    %dma_start3A_540 = arith.constant 0 : i32
    %dma_start3A_541 = tpu.memref_slice %arg10[%squeeze3A_522, %dma_start3A_540] : memref<1000x512xf32, #tpu.memory_space<vmem_shared>> -> memref<1x512xf32, #tpu.memory_space<vmem_shared>>
    tpu.enqueue_dma source(%dma_start3A_541 : memref<1x512xf32, #tpu.memory_space<vmem_shared>>) target(%dma_start3A_539 : memref<1x512xf32, #tpu.memory_space<vmem>>) target_semaphore(%arg13 : memref<!tpu.dma_semaphore, #tpu.memory_space<semaphore_mem>>)
    %slice3A_542 = vector.extract_strided_slice %get3A_373 {offsets = [8], sizes = [1], strides = [1]} : vector<16xi32> to vector<1xi32>
    %squeeze3A_543 = vector.extract %slice3A_542[0] : i32 from vector<1xi32>
    %dma_start3A_544 = arith.constant 0 : i32
    %dma_start3A_545 = arith.constant 0 : i32
    %dma_start3A_546 = arith.constant 0 : i32
    %dma_start3A_547 = tpu.memref_slice %arg8[%dma_start3A_544, %dma_start3A_545, %dma_start3A_546] : memref<2x32x512xf32, #tpu.memory_space<vmem>> -> memref<1x32x512xf32, #tpu.memory_space<vmem>>
    %dma_start3A_548 = tpu.memref_squeeze %dma_start3A_547 : memref<1x32x512xf32, #tpu.memory_space<vmem>> -> memref<32x512xf32, #tpu.memory_space<vmem>>
    %dma_start3A_549 = arith.constant 24 : i32
    %dma_start3A_550 = arith.constant 0 : i32
    %dma_start3A_551 = tpu.memref_slice %dma_start3A_548[%dma_start3A_549, %dma_start3A_550] : memref<32x512xf32, #tpu.memory_space<vmem>> -> memref<1x512xf32, #tpu.memory_space<vmem>>
    %dma_start3A_552 = arith.constant 0 : i32
    %dma_start3A_553 = tpu.memref_slice %arg10[%squeeze3A_543, %dma_start3A_552] : memref<1000x512xf32, #tpu.memory_space<vmem_shared>> -> memref<1x512xf32, #tpu.memory_space<vmem_shared>>
    %dma_start3A_554 = arith.constant 0 : i32
    %dma_start3A_555 = arith.constant 0 : i32
    %dma_start3A_556 = tpu.memref_slice %arg8[%dma_start3A_544, %dma_start3A_554, %dma_start3A_555] : memref<2x32x512xf32, #tpu.memory_space<vmem>> -> memref<1x32x512xf32, #tpu.memory_space<vmem>>
    %dma_start3A_557 = tpu.memref_squeeze %dma_start3A_556 : memref<1x32x512xf32, #tpu.memory_space<vmem>> -> memref<32x512xf32, #tpu.memory_space<vmem>>
    %dma_start3A_558 = arith.constant 24 : i32
    %dma_start3A_559 = arith.constant 0 : i32
    %dma_start3A_560 = tpu.memref_slice %dma_start3A_557[%dma_start3A_558, %dma_start3A_559] : memref<32x512xf32, #tpu.memory_space<vmem>> -> memref<1x512xf32, #tpu.memory_space<vmem>>
    %dma_start3A_561 = arith.constant 0 : i32
    %dma_start3A_562 = tpu.memref_slice %arg10[%squeeze3A_543, %dma_start3A_561] : memref<1000x512xf32, #tpu.memory_space<vmem_shared>> -> memref<1x512xf32, #tpu.memory_space<vmem_shared>>
    tpu.enqueue_dma source(%dma_start3A_562 : memref<1x512xf32, #tpu.memory_space<vmem_shared>>) target(%dma_start3A_560 : memref<1x512xf32, #tpu.memory_space<vmem>>) target_semaphore(%arg13 : memref<!tpu.dma_semaphore, #tpu.memory_space<semaphore_mem>>)
    %slice3A_563 = vector.extract_strided_slice %get3A_373 {offsets = [9], sizes = [1], strides = [1]} : vector<16xi32> to vector<1xi32>
    %squeeze3A_564 = vector.extract %slice3A_563[0] : i32 from vector<1xi32>
    %dma_start3A_565 = arith.constant 0 : i32
    %dma_start3A_566 = arith.constant 0 : i32
    %dma_start3A_567 = arith.constant 0 : i32
    %dma_start3A_568 = tpu.memref_slice %arg8[%dma_start3A_565, %dma_start3A_566, %dma_start3A_567] : memref<2x32x512xf32, #tpu.memory_space<vmem>> -> memref<1x32x512xf32, #tpu.memory_space<vmem>>
    %dma_start3A_569 = tpu.memref_squeeze %dma_start3A_568 : memref<1x32x512xf32, #tpu.memory_space<vmem>> -> memref<32x512xf32, #tpu.memory_space<vmem>>
    %dma_start3A_570 = arith.constant 25 : i32
    %dma_start3A_571 = arith.constant 0 : i32
    %dma_start3A_572 = tpu.memref_slice %dma_start3A_569[%dma_start3A_570, %dma_start3A_571] : memref<32x512xf32, #tpu.memory_space<vmem>> -> memref<1x512xf32, #tpu.memory_space<vmem>>
    %dma_start3A_573 = arith.constant 0 : i32
    %dma_start3A_574 = tpu.memref_slice %arg10[%squeeze3A_564, %dma_start3A_573] : memref<1000x512xf32, #tpu.memory_space<vmem_shared>> -> memref<1x512xf32, #tpu.memory_space<vmem_shared>>
    %dma_start3A_575 = arith.constant 0 : i32
    %dma_start3A_576 = arith.constant 0 : i32
    %dma_start3A_577 = tpu.memref_slice %arg8[%dma_start3A_565, %dma_start3A_575, %dma_start3A_576] : memref<2x32x512xf32, #tpu.memory_space<vmem>> -> memref<1x32x512xf32, #tpu.memory_space<vmem>>
    %dma_start3A_578 = tpu.memref_squeeze %dma_start3A_577 : memref<1x32x512xf32, #tpu.memory_space<vmem>> -> memref<32x512xf32, #tpu.memory_space<vmem>>
    %dma_start3A_579 = arith.constant 25 : i32
    %dma_start3A_580 = arith.constant 0 : i32
    %dma_start3A_581 = tpu.memref_slice %dma_start3A_578[%dma_start3A_579, %dma_start3A_580] : memref<32x512xf32, #tpu.memory_space<vmem>> -> memref<1x512xf32, #tpu.memory_space<vmem>>
    %dma_start3A_582 = arith.constant 0 : i32
    %dma_start3A_583 = tpu.memref_slice %arg10[%squeeze3A_564, %dma_start3A_582] : memref<1000x512xf32, #tpu.memory_space<vmem_shared>> -> memref<1x512xf32, #tpu.memory_space<vmem_shared>>
    tpu.enqueue_dma source(%dma_start3A_583 : memref<1x512xf32, #tpu.memory_space<vmem_shared>>) target(%dma_start3A_581 : memref<1x512xf32, #tpu.memory_space<vmem>>) target_semaphore(%arg13 : memref<!tpu.dma_semaphore, #tpu.memory_space<semaphore_mem>>)
    %slice3A_584 = vector.extract_strided_slice %get3A_373 {offsets = [10], sizes = [1], strides = [1]} : vector<16xi32> to vector<1xi32>
    %squeeze3A_585 = vector.extract %slice3A_584[0] : i32 from vector<1xi32>
    %dma_start3A_586 = arith.constant 0 : i32
    %dma_start3A_587 = arith.constant 0 : i32
    %dma_start3A_588 = arith.constant 0 : i32
    %dma_start3A_589 = tpu.memref_slice %arg8[%dma_start3A_586, %dma_start3A_587, %dma_start3A_588] : memref<2x32x512xf32, #tpu.memory_space<vmem>> -> memref<1x32x512xf32, #tpu.memory_space<vmem>>
    %dma_start3A_590 = tpu.memref_squeeze %dma_start3A_589 : memref<1x32x512xf32, #tpu.memory_space<vmem>> -> memref<32x512xf32, #tpu.memory_space<vmem>>
    %dma_start3A_591 = arith.constant 26 : i32
    %dma_start3A_592 = arith.constant 0 : i32
    %dma_start3A_593 = tpu.memref_slice %dma_start3A_590[%dma_start3A_591, %dma_start3A_592] : memref<32x512xf32, #tpu.memory_space<vmem>> -> memref<1x512xf32, #tpu.memory_space<vmem>>
    %dma_start3A_594 = arith.constant 0 : i32
    %dma_start3A_595 = tpu.memref_slice %arg10[%squeeze3A_585, %dma_start3A_594] : memref<1000x512xf32, #tpu.memory_space<vmem_shared>> -> memref<1x512xf32, #tpu.memory_space<vmem_shared>>
    %dma_start3A_596 = arith.constant 0 : i32
    %dma_start3A_597 = arith.constant 0 : i32
    %dma_start3A_598 = tpu.memref_slice %arg8[%dma_start3A_586, %dma_start3A_596, %dma_start3A_597] : memref<2x32x512xf32, #tpu.memory_space<vmem>> -> memref<1x32x512xf32, #tpu.memory_space<vmem>>
    %dma_start3A_599 = tpu.memref_squeeze %dma_start3A_598 : memref<1x32x512xf32, #tpu.memory_space<vmem>> -> memref<32x512xf32, #tpu.memory_space<vmem>>
    %dma_start3A_600 = arith.constant 26 : i32
    %dma_start3A_601 = arith.constant 0 : i32
    %dma_start3A_602 = tpu.memref_slice %dma_start3A_599[%dma_start3A_600, %dma_start3A_601] : memref<32x512xf32, #tpu.memory_space<vmem>> -> memref<1x512xf32, #tpu.memory_space<vmem>>
    %dma_start3A_603 = arith.constant 0 : i32
    %dma_start3A_604 = tpu.memref_slice %arg10[%squeeze3A_585, %dma_start3A_603] : memref<1000x512xf32, #tpu.memory_space<vmem_shared>> -> memref<1x512xf32, #tpu.memory_space<vmem_shared>>
    tpu.enqueue_dma source(%dma_start3A_604 : memref<1x512xf32, #tpu.memory_space<vmem_shared>>) target(%dma_start3A_602 : memref<1x512xf32, #tpu.memory_space<vmem>>) target_semaphore(%arg13 : memref<!tpu.dma_semaphore, #tpu.memory_space<semaphore_mem>>)
    %slice3A_605 = vector.extract_strided_slice %get3A_373 {offsets = [11], sizes = [1], strides = [1]} : vector<16xi32> to vector<1xi32>
    %squeeze3A_606 = vector.extract %slice3A_605[0] : i32 from vector<1xi32>
    %dma_start3A_607 = arith.constant 0 : i32
    %dma_start3A_608 = arith.constant 0 : i32
    %dma_start3A_609 = arith.constant 0 : i32
    %dma_start3A_610 = tpu.memref_slice %arg8[%dma_start3A_607, %dma_start3A_608, %dma_start3A_609] : memref<2x32x512xf32, #tpu.memory_space<vmem>> -> memref<1x32x512xf32, #tpu.memory_space<vmem>>
    %dma_start3A_611 = tpu.memref_squeeze %dma_start3A_610 : memref<1x32x512xf32, #tpu.memory_space<vmem>> -> memref<32x512xf32, #tpu.memory_space<vmem>>
    %dma_start3A_612 = arith.constant 27 : i32
    %dma_start3A_613 = arith.constant 0 : i32
    %dma_start3A_614 = tpu.memref_slice %dma_start3A_611[%dma_start3A_612, %dma_start3A_613] : memref<32x512xf32, #tpu.memory_space<vmem>> -> memref<1x512xf32, #tpu.memory_space<vmem>>
    %dma_start3A_615 = arith.constant 0 : i32
    %dma_start3A_616 = tpu.memref_slice %arg10[%squeeze3A_606, %dma_start3A_615] : memref<1000x512xf32, #tpu.memory_space<vmem_shared>> -> memref<1x512xf32, #tpu.memory_space<vmem_shared>>
    %dma_start3A_617 = arith.constant 0 : i32
    %dma_start3A_618 = arith.constant 0 : i32
    %dma_start3A_619 = tpu.memref_slice %arg8[%dma_start3A_607, %dma_start3A_617, %dma_start3A_618] : memref<2x32x512xf32, #tpu.memory_space<vmem>> -> memref<1x32x512xf32, #tpu.memory_space<vmem>>
    %dma_start3A_620 = tpu.memref_squeeze %dma_start3A_619 : memref<1x32x512xf32, #tpu.memory_space<vmem>> -> memref<32x512xf32, #tpu.memory_space<vmem>>
    %dma_start3A_621 = arith.constant 27 : i32
    %dma_start3A_622 = arith.constant 0 : i32
    %dma_start3A_623 = tpu.memref_slice %dma_start3A_620[%dma_start3A_621, %dma_start3A_622] : memref<32x512xf32, #tpu.memory_space<vmem>> -> memref<1x512xf32, #tpu.memory_space<vmem>>
    %dma_start3A_624 = arith.constant 0 : i32
    %dma_start3A_625 = tpu.memref_slice %arg10[%squeeze3A_606, %dma_start3A_624] : memref<1000x512xf32, #tpu.memory_space<vmem_shared>> -> memref<1x512xf32, #tpu.memory_space<vmem_shared>>
    tpu.enqueue_dma source(%dma_start3A_625 : memref<1x512xf32, #tpu.memory_space<vmem_shared>>) target(%dma_start3A_623 : memref<1x512xf32, #tpu.memory_space<vmem>>) target_semaphore(%arg13 : memref<!tpu.dma_semaphore, #tpu.memory_space<semaphore_mem>>)
    %slice3A_626 = vector.extract_strided_slice %get3A_373 {offsets = [12], sizes = [1], strides = [1]} : vector<16xi32> to vector<1xi32>
    %squeeze3A_627 = vector.extract %slice3A_626[0] : i32 from vector<1xi32>
    %dma_start3A_628 = arith.constant 0 : i32
    %dma_start3A_629 = arith.constant 0 : i32
    %dma_start3A_630 = arith.constant 0 : i32
    %dma_start3A_631 = tpu.memref_slice %arg8[%dma_start3A_628, %dma_start3A_629, %dma_start3A_630] : memref<2x32x512xf32, #tpu.memory_space<vmem>> -> memref<1x32x512xf32, #tpu.memory_space<vmem>>
    %dma_start3A_632 = tpu.memref_squeeze %dma_start3A_631 : memref<1x32x512xf32, #tpu.memory_space<vmem>> -> memref<32x512xf32, #tpu.memory_space<vmem>>
    %dma_start3A_633 = arith.constant 28 : i32
    %dma_start3A_634 = arith.constant 0 : i32
    %dma_start3A_635 = tpu.memref_slice %dma_start3A_632[%dma_start3A_633, %dma_start3A_634] : memref<32x512xf32, #tpu.memory_space<vmem>> -> memref<1x512xf32, #tpu.memory_space<vmem>>
    %dma_start3A_636 = arith.constant 0 : i32
    %dma_start3A_637 = tpu.memref_slice %arg10[%squeeze3A_627, %dma_start3A_636] : memref<1000x512xf32, #tpu.memory_space<vmem_shared>> -> memref<1x512xf32, #tpu.memory_space<vmem_shared>>
    %dma_start3A_638 = arith.constant 0 : i32
    %dma_start3A_639 = arith.constant 0 : i32
    %dma_start3A_640 = tpu.memref_slice %arg8[%dma_start3A_628, %dma_start3A_638, %dma_start3A_639] : memref<2x32x512xf32, #tpu.memory_space<vmem>> -> memref<1x32x512xf32, #tpu.memory_space<vmem>>
    %dma_start3A_641 = tpu.memref_squeeze %dma_start3A_640 : memref<1x32x512xf32, #tpu.memory_space<vmem>> -> memref<32x512xf32, #tpu.memory_space<vmem>>
    %dma_start3A_642 = arith.constant 28 : i32
    %dma_start3A_643 = arith.constant 0 : i32
    %dma_start3A_644 = tpu.memref_slice %dma_start3A_641[%dma_start3A_642, %dma_start3A_643] : memref<32x512xf32, #tpu.memory_space<vmem>> -> memref<1x512xf32, #tpu.memory_space<vmem>>
    %dma_start3A_645 = arith.constant 0 : i32
    %dma_start3A_646 = tpu.memref_slice %arg10[%squeeze3A_627, %dma_start3A_645] : memref<1000x512xf32, #tpu.memory_space<vmem_shared>> -> memref<1x512xf32, #tpu.memory_space<vmem_shared>>
    tpu.enqueue_dma source(%dma_start3A_646 : memref<1x512xf32, #tpu.memory_space<vmem_shared>>) target(%dma_start3A_644 : memref<1x512xf32, #tpu.memory_space<vmem>>) target_semaphore(%arg13 : memref<!tpu.dma_semaphore, #tpu.memory_space<semaphore_mem>>)
    %slice3A_647 = vector.extract_strided_slice %get3A_373 {offsets = [13], sizes = [1], strides = [1]} : vector<16xi32> to vector<1xi32>
    %squeeze3A_648 = vector.extract %slice3A_647[0] : i32 from vector<1xi32>
    %dma_start3A_649 = arith.constant 0 : i32
    %dma_start3A_650 = arith.constant 0 : i32
    %dma_start3A_651 = arith.constant 0 : i32
    %dma_start3A_652 = tpu.memref_slice %arg8[%dma_start3A_649, %dma_start3A_650, %dma_start3A_651] : memref<2x32x512xf32, #tpu.memory_space<vmem>> -> memref<1x32x512xf32, #tpu.memory_space<vmem>>
    %dma_start3A_653 = tpu.memref_squeeze %dma_start3A_652 : memref<1x32x512xf32, #tpu.memory_space<vmem>> -> memref<32x512xf32, #tpu.memory_space<vmem>>
    %dma_start3A_654 = arith.constant 29 : i32
    %dma_start3A_655 = arith.constant 0 : i32
    %dma_start3A_656 = tpu.memref_slice %dma_start3A_653[%dma_start3A_654, %dma_start3A_655] : memref<32x512xf32, #tpu.memory_space<vmem>> -> memref<1x512xf32, #tpu.memory_space<vmem>>
    %dma_start3A_657 = arith.constant 0 : i32
    %dma_start3A_658 = tpu.memref_slice %arg10[%squeeze3A_648, %dma_start3A_657] : memref<1000x512xf32, #tpu.memory_space<vmem_shared>> -> memref<1x512xf32, #tpu.memory_space<vmem_shared>>
    %dma_start3A_659 = arith.constant 0 : i32
    %dma_start3A_660 = arith.constant 0 : i32
    %dma_start3A_661 = tpu.memref_slice %arg8[%dma_start3A_649, %dma_start3A_659, %dma_start3A_660] : memref<2x32x512xf32, #tpu.memory_space<vmem>> -> memref<1x32x512xf32, #tpu.memory_space<vmem>>
    %dma_start3A_662 = tpu.memref_squeeze %dma_start3A_661 : memref<1x32x512xf32, #tpu.memory_space<vmem>> -> memref<32x512xf32, #tpu.memory_space<vmem>>
    %dma_start3A_663 = arith.constant 29 : i32
    %dma_start3A_664 = arith.constant 0 : i32
    %dma_start3A_665 = tpu.memref_slice %dma_start3A_662[%dma_start3A_663, %dma_start3A_664] : memref<32x512xf32, #tpu.memory_space<vmem>> -> memref<1x512xf32, #tpu.memory_space<vmem>>
    %dma_start3A_666 = arith.constant 0 : i32
    %dma_start3A_667 = tpu.memref_slice %arg10[%squeeze3A_648, %dma_start3A_666] : memref<1000x512xf32, #tpu.memory_space<vmem_shared>> -> memref<1x512xf32, #tpu.memory_space<vmem_shared>>
    tpu.enqueue_dma source(%dma_start3A_667 : memref<1x512xf32, #tpu.memory_space<vmem_shared>>) target(%dma_start3A_665 : memref<1x512xf32, #tpu.memory_space<vmem>>) target_semaphore(%arg13 : memref<!tpu.dma_semaphore, #tpu.memory_space<semaphore_mem>>)
    %slice3A_668 = vector.extract_strided_slice %get3A_373 {offsets = [14], sizes = [1], strides = [1]} : vector<16xi32> to vector<1xi32>
    %squeeze3A_669 = vector.extract %slice3A_668[0] : i32 from vector<1xi32>
    %dma_start3A_670 = arith.constant 0 : i32
    %dma_start3A_671 = arith.constant 0 : i32
    %dma_start3A_672 = arith.constant 0 : i32
    %dma_start3A_673 = tpu.memref_slice %arg8[%dma_start3A_670, %dma_start3A_671, %dma_start3A_672] : memref<2x32x512xf32, #tpu.memory_space<vmem>> -> memref<1x32x512xf32, #tpu.memory_space<vmem>>
    %dma_start3A_674 = tpu.memref_squeeze %dma_start3A_673 : memref<1x32x512xf32, #tpu.memory_space<vmem>> -> memref<32x512xf32, #tpu.memory_space<vmem>>
    %dma_start3A_675 = arith.constant 30 : i32
    %dma_start3A_676 = arith.constant 0 : i32
    %dma_start3A_677 = tpu.memref_slice %dma_start3A_674[%dma_start3A_675, %dma_start3A_676] : memref<32x512xf32, #tpu.memory_space<vmem>> -> memref<1x512xf32, #tpu.memory_space<vmem>>
    %dma_start3A_678 = arith.constant 0 : i32
    %dma_start3A_679 = tpu.memref_slice %arg10[%squeeze3A_669, %dma_start3A_678] : memref<1000x512xf32, #tpu.memory_space<vmem_shared>> -> memref<1x512xf32, #tpu.memory_space<vmem_shared>>
    %dma_start3A_680 = arith.constant 0 : i32
    %dma_start3A_681 = arith.constant 0 : i32
    %dma_start3A_682 = tpu.memref_slice %arg8[%dma_start3A_670, %dma_start3A_680, %dma_start3A_681] : memref<2x32x512xf32, #tpu.memory_space<vmem>> -> memref<1x32x512xf32, #tpu.memory_space<vmem>>
    %dma_start3A_683 = tpu.memref_squeeze %dma_start3A_682 : memref<1x32x512xf32, #tpu.memory_space<vmem>> -> memref<32x512xf32, #tpu.memory_space<vmem>>
    %dma_start3A_684 = arith.constant 30 : i32
    %dma_start3A_685 = arith.constant 0 : i32
    %dma_start3A_686 = tpu.memref_slice %dma_start3A_683[%dma_start3A_684, %dma_start3A_685] : memref<32x512xf32, #tpu.memory_space<vmem>> -> memref<1x512xf32, #tpu.memory_space<vmem>>
    %dma_start3A_687 = arith.constant 0 : i32
    %dma_start3A_688 = tpu.memref_slice %arg10[%squeeze3A_669, %dma_start3A_687] : memref<1000x512xf32, #tpu.memory_space<vmem_shared>> -> memref<1x512xf32, #tpu.memory_space<vmem_shared>>
    tpu.enqueue_dma source(%dma_start3A_688 : memref<1x512xf32, #tpu.memory_space<vmem_shared>>) target(%dma_start3A_686 : memref<1x512xf32, #tpu.memory_space<vmem>>) target_semaphore(%arg13 : memref<!tpu.dma_semaphore, #tpu.memory_space<semaphore_mem>>)
    %slice3A_689 = vector.extract_strided_slice %get3A_373 {offsets = [15], sizes = [1], strides = [1]} : vector<16xi32> to vector<1xi32>
    %squeeze3A_690 = vector.extract %slice3A_689[0] : i32 from vector<1xi32>
    %dma_start3A_691 = arith.constant 0 : i32
    %dma_start3A_692 = arith.constant 0 : i32
    %dma_start3A_693 = arith.constant 0 : i32
    %dma_start3A_694 = tpu.memref_slice %arg8[%dma_start3A_691, %dma_start3A_692, %dma_start3A_693] : memref<2x32x512xf32, #tpu.memory_space<vmem>> -> memref<1x32x512xf32, #tpu.memory_space<vmem>>
    %dma_start3A_695 = tpu.memref_squeeze %dma_start3A_694 : memref<1x32x512xf32, #tpu.memory_space<vmem>> -> memref<32x512xf32, #tpu.memory_space<vmem>>
    %dma_start3A_696 = arith.constant 31 : i32
    %dma_start3A_697 = arith.constant 0 : i32
    %dma_start3A_698 = tpu.memref_slice %dma_start3A_695[%dma_start3A_696, %dma_start3A_697] : memref<32x512xf32, #tpu.memory_space<vmem>> -> memref<1x512xf32, #tpu.memory_space<vmem>>
    %dma_start3A_699 = arith.constant 0 : i32
    %dma_start3A_700 = tpu.memref_slice %arg10[%squeeze3A_690, %dma_start3A_699] : memref<1000x512xf32, #tpu.memory_space<vmem_shared>> -> memref<1x512xf32, #tpu.memory_space<vmem_shared>>
    %dma_start3A_701 = arith.constant 0 : i32
    %dma_start3A_702 = arith.constant 0 : i32
    %dma_start3A_703 = tpu.memref_slice %arg8[%dma_start3A_691, %dma_start3A_701, %dma_start3A_702] : memref<2x32x512xf32, #tpu.memory_space<vmem>> -> memref<1x32x512xf32, #tpu.memory_space<vmem>>
    %dma_start3A_704 = tpu.memref_squeeze %dma_start3A_703 : memref<1x32x512xf32, #tpu.memory_space<vmem>> -> memref<32x512xf32, #tpu.memory_space<vmem>>
    %dma_start3A_705 = arith.constant 31 : i32
    %dma_start3A_706 = arith.constant 0 : i32
    %dma_start3A_707 = tpu.memref_slice %dma_start3A_704[%dma_start3A_705, %dma_start3A_706] : memref<32x512xf32, #tpu.memory_space<vmem>> -> memref<1x512xf32, #tpu.memory_space<vmem>>
    %dma_start3A_708 = arith.constant 0 : i32
    %dma_start3A_709 = tpu.memref_slice %arg10[%squeeze3A_690, %dma_start3A_708] : memref<1000x512xf32, #tpu.memory_space<vmem_shared>> -> memref<1x512xf32, #tpu.memory_space<vmem_shared>>
    tpu.enqueue_dma source(%dma_start3A_709 : memref<1x512xf32, #tpu.memory_space<vmem_shared>>) target(%dma_start3A_707 : memref<1x512xf32, #tpu.memory_space<vmem>>) target_semaphore(%arg13 : memref<!tpu.dma_semaphore, #tpu.memory_space<semaphore_mem>>)
    %scan3A = arith.constant 0 : i32
    %scan3A_710 = arith.constant 8 : i32
    %scan3A_711 = arith.addi %scan3A, %scan3A_710 : i32
    %scan3A_712 = arith.constant 1 : i32
    %scan3A_713:4 = scf.for %scan3A_721 = %scan3A to %scan3A_711 step %scan3A_712 iter_args(%scan3A_722 = %broadcast_in_dim3A_20, %scan3A_723 = %broadcast_in_dim3A_20, %scan3A_724 = %broadcast_in_dim3A_20, %scan3A_725 = %broadcast_in_dim3A_20) -> (vector<16xf32>, vector<16xf32>, vector<16xf32>, vector<16xf32>)  : i32 {
      %mul3A_726 = arith.constant 2 : i32
      %mul3A_727 = arith.muli %mul3A_726, %scan3A_721 : i32
      %dma_wait3A = arith.constant 0 : i32
      %dma_wait3A_728 = arith.constant 0 : i32
      %dma_wait3A_729 = arith.constant 0 : i32
      %dma_wait3A_730 = tpu.memref_slice %arg7[%dma_wait3A, %dma_wait3A_728, %dma_wait3A_729] : memref<2x32x512xf32, #tpu.memory_space<vmem>> -> memref<1x32x512xf32, #tpu.memory_space<vmem>>
      %dma_wait3A_731 = tpu.memref_squeeze %dma_wait3A_730 : memref<1x32x512xf32, #tpu.memory_space<vmem>> -> memref<32x512xf32, #tpu.memory_space<vmem>>
      %dma_wait3A_732 = arith.constant 0 : i32
      %dma_wait3A_733 = arith.constant 0 : i32
      %dma_wait3A_734 = tpu.memref_slice %arg2[%dma_wait3A_732, %dma_wait3A_733] : memref<16384x512xf32, #tpu.memory_space<hbm>> -> memref<32x512xf32, #tpu.memory_space<hbm>>
      %dma_wait3A_735 = arith.constant 0 : i32
      %dma_wait3A_736 = arith.constant 0 : i32
      %dma_wait3A_737 = tpu.memref_slice %arg7[%dma_wait3A, %dma_wait3A_735, %dma_wait3A_736] : memref<2x32x512xf32, #tpu.memory_space<vmem>> -> memref<1x32x512xf32, #tpu.memory_space<vmem>>
      %dma_wait3A_738 = tpu.memref_squeeze %dma_wait3A_737 : memref<1x32x512xf32, #tpu.memory_space<vmem>> -> memref<32x512xf32, #tpu.memory_space<vmem>>
      %dma_wait3A_739 = arith.constant 0 : i32
      %dma_wait3A_740 = arith.constant 0 : i32
      %dma_wait3A_741 = tpu.memref_slice %arg2[%dma_wait3A_739, %dma_wait3A_740] : memref<16384x512xf32, #tpu.memory_space<hbm>> -> memref<32x512xf32, #tpu.memory_space<hbm>>
      tpu.wait_dma2 semaphore(%arg11 : memref<!tpu.dma_semaphore, #tpu.memory_space<semaphore_mem>>) src(%dma_wait3A_741 : memref<32x512xf32, #tpu.memory_space<hbm>>) dst(%dma_wait3A_738 : memref<32x512xf32, #tpu.memory_space<vmem>>)
      %dma_wait3A_742 = arith.constant 0 : i32
      %dma_wait3A_743 = arith.constant 0 : i32
      %dma_wait3A_744 = arith.constant 0 : i32
      %dma_wait3A_745 = tpu.memref_slice %arg8[%dma_wait3A_742, %dma_wait3A_743, %dma_wait3A_744] : memref<2x32x512xf32, #tpu.memory_space<vmem>> -> memref<1x32x512xf32, #tpu.memory_space<vmem>>
      %dma_wait3A_746 = tpu.memref_squeeze %dma_wait3A_745 : memref<1x32x512xf32, #tpu.memory_space<vmem>> -> memref<32x512xf32, #tpu.memory_space<vmem>>
      %dma_wait3A_747 = arith.constant 0 : i32
      %dma_wait3A_748 = arith.constant 0 : i32
      %dma_wait3A_749 = tpu.memref_slice %arg2[%dma_wait3A_747, %dma_wait3A_748] : memref<16384x512xf32, #tpu.memory_space<hbm>> -> memref<32x512xf32, #tpu.memory_space<hbm>>
      %dma_wait3A_750 = arith.constant 0 : i32
      %dma_wait3A_751 = arith.constant 0 : i32
      %dma_wait3A_752 = tpu.memref_slice %arg8[%dma_wait3A_742, %dma_wait3A_750, %dma_wait3A_751] : memref<2x32x512xf32, #tpu.memory_space<vmem>> -> memref<1x32x512xf32, #tpu.memory_space<vmem>>
      %dma_wait3A_753 = tpu.memref_squeeze %dma_wait3A_752 : memref<1x32x512xf32, #tpu.memory_space<vmem>> -> memref<32x512xf32, #tpu.memory_space<vmem>>
      %dma_wait3A_754 = arith.constant 0 : i32
      %dma_wait3A_755 = arith.constant 0 : i32
      %dma_wait3A_756 = tpu.memref_slice %arg2[%dma_wait3A_754, %dma_wait3A_755] : memref<16384x512xf32, #tpu.memory_space<hbm>> -> memref<32x512xf32, #tpu.memory_space<hbm>>
      tpu.wait_dma2 semaphore(%arg13 : memref<!tpu.dma_semaphore, #tpu.memory_space<semaphore_mem>>) src(%dma_wait3A_756 : memref<32x512xf32, #tpu.memory_space<hbm>>) dst(%dma_wait3A_753 : memref<32x512xf32, #tpu.memory_space<vmem>>)
      %add3A_757 = arith.constant 1 : i32
      %add3A_758 = arith.addi %mul3A_727, %add3A_757 : i32
      %mul3A_759 = arith.constant 32 : i32
      %mul3A_760 = arith.muli %add3A_758, %mul3A_759 : i32
      %add3A_761 = arith.addi %mul3A_2, %mul3A_760 : i32
      %dma_start3A_762 = arith.constant 1 : i32
      %dma_start3A_763 = arith.constant 0 : i32
      %dma_start3A_764 = arith.constant 0 : i32
      %dma_start3A_765 = tpu.memref_slice %arg7[%dma_start3A_762, %dma_start3A_763, %dma_start3A_764] : memref<2x32x512xf32, #tpu.memory_space<vmem>> -> memref<1x32x512xf32, #tpu.memory_space<vmem>>
      %dma_start3A_766 = tpu.memref_squeeze %dma_start3A_765 : memref<1x32x512xf32, #tpu.memory_space<vmem>> -> memref<32x512xf32, #tpu.memory_space<vmem>>
      %dma_start3A_767 = arith.constant 0 : i32
      %dma_start3A_768 = tpu.memref_slice %arg2[%add3A_761, %dma_start3A_767] : memref<16384x512xf32, #tpu.memory_space<hbm>> -> memref<32x512xf32, #tpu.memory_space<hbm>>
      %dma_start3A_769 = arith.constant 0 : i32
      %dma_start3A_770 = arith.constant 0 : i32
      %dma_start3A_771 = tpu.memref_slice %arg7[%dma_start3A_762, %dma_start3A_769, %dma_start3A_770] : memref<2x32x512xf32, #tpu.memory_space<vmem>> -> memref<1x32x512xf32, #tpu.memory_space<vmem>>
      %dma_start3A_772 = tpu.memref_squeeze %dma_start3A_771 : memref<1x32x512xf32, #tpu.memory_space<vmem>> -> memref<32x512xf32, #tpu.memory_space<vmem>>
      %dma_start3A_773 = arith.constant 0 : i32
      %dma_start3A_774 = tpu.memref_slice %arg2[%add3A_761, %dma_start3A_773] : memref<16384x512xf32, #tpu.memory_space<hbm>> -> memref<32x512xf32, #tpu.memory_space<hbm>>
      tpu.enqueue_dma source(%dma_start3A_774 : memref<32x512xf32, #tpu.memory_space<hbm>>) target(%dma_start3A_772 : memref<32x512xf32, #tpu.memory_space<vmem>>) target_semaphore(%arg12 : memref<!tpu.dma_semaphore, #tpu.memory_space<semaphore_mem>>)
      %mul3A_775 = arith.constant 32 : i32
      %mul3A_776 = arith.muli %add3A_758, %mul3A_775 : i32
      %add3A_777 = arith.constant 0 : i32
      %add3A_778 = arith.addi %mul3A_776, %add3A_777 : i32
      %get3A_779 = arith.index_cast %add3A_778 : i32 to index
      %get3A_780 = tpu.vector_load %arg6[%get3A_779] {strides = array<i32>} : memref<512xi32, #tpu.memory_space<vmem>>, vector<16xi32>,
      %get3A_781 = vector.shape_cast %get3A_780 : vector<16xi32> to vector<16xi32>
      %slice3A_782 = vector.extract_strided_slice %get3A_781 {offsets = [0], sizes = [1], strides = [1]} : vector<16xi32> to vector<1xi32>
      %squeeze3A_783 = vector.extract %slice3A_782[0] : i32 from vector<1xi32>
      %dma_start3A_784 = arith.constant 1 : i32
      %dma_start3A_785 = arith.constant 0 : i32
      %dma_start3A_786 = arith.constant 0 : i32
      %dma_start3A_787 = tpu.memref_slice %arg8[%dma_start3A_784, %dma_start3A_785, %dma_start3A_786] : memref<2x32x512xf32, #tpu.memory_space<vmem>> -> memref<1x32x512xf32, #tpu.memory_space<vmem>>
      %dma_start3A_788 = tpu.memref_squeeze %dma_start3A_787 : memref<1x32x512xf32, #tpu.memory_space<vmem>> -> memref<32x512xf32, #tpu.memory_space<vmem>>
      %dma_start3A_789 = arith.constant 0 : i32
      %dma_start3A_790 = arith.constant 0 : i32
      %dma_start3A_791 = tpu.memref_slice %dma_start3A_788[%dma_start3A_789, %dma_start3A_790] : memref<32x512xf32, #tpu.memory_space<vmem>> -> memref<1x512xf32, #tpu.memory_space<vmem>>
      %dma_start3A_792 = arith.constant 0 : i32
      %dma_start3A_793 = tpu.memref_slice %arg10[%squeeze3A_783, %dma_start3A_792] : memref<1000x512xf32, #tpu.memory_space<vmem_shared>> -> memref<1x512xf32, #tpu.memory_space<vmem_shared>>
      %dma_start3A_794 = arith.constant 0 : i32
      %dma_start3A_795 = arith.constant 0 : i32
      %dma_start3A_796 = tpu.memref_slice %arg8[%dma_start3A_784, %dma_start3A_794, %dma_start3A_795] : memref<2x32x512xf32, #tpu.memory_space<vmem>> -> memref<1x32x512xf32, #tpu.memory_space<vmem>>
      %dma_start3A_797 = tpu.memref_squeeze %dma_start3A_796 : memref<1x32x512xf32, #tpu.memory_space<vmem>> -> memref<32x512xf32, #tpu.memory_space<vmem>>
      %dma_start3A_798 = arith.constant 0 : i32
      %dma_start3A_799 = arith.constant 0 : i32
      %dma_start3A_800 = tpu.memref_slice %dma_start3A_797[%dma_start3A_798, %dma_start3A_799] : memref<32x512xf32, #tpu.memory_space<vmem>> -> memref<1x512xf32, #tpu.memory_space<vmem>>
      %dma_start3A_801 = arith.constant 0 : i32
      %dma_start3A_802 = tpu.memref_slice %arg10[%squeeze3A_783, %dma_start3A_801] : memref<1000x512xf32, #tpu.memory_space<vmem_shared>> -> memref<1x512xf32, #tpu.memory_space<vmem_shared>>
      tpu.enqueue_dma source(%dma_start3A_802 : memref<1x512xf32, #tpu.memory_space<vmem_shared>>) target(%dma_start3A_800 : memref<1x512xf32, #tpu.memory_space<vmem>>) target_semaphore(%arg14 : memref<!tpu.dma_semaphore, #tpu.memory_space<semaphore_mem>>)
      %slice3A_803 = vector.extract_strided_slice %get3A_781 {offsets = [1], sizes = [1], strides = [1]} : vector<16xi32> to vector<1xi32>
      %squeeze3A_804 = vector.extract %slice3A_803[0] : i32 from vector<1xi32>
      %dma_start3A_805 = arith.constant 1 : i32
      %dma_start3A_806 = arith.constant 0 : i32
      %dma_start3A_807 = arith.constant 0 : i32
      %dma_start3A_808 = tpu.memref_slice %arg8[%dma_start3A_805, %dma_start3A_806, %dma_start3A_807] : memref<2x32x512xf32, #tpu.memory_space<vmem>> -> memref<1x32x512xf32, #tpu.memory_space<vmem>>
      %dma_start3A_809 = tpu.memref_squeeze %dma_start3A_808 : memref<1x32x512xf32, #tpu.memory_space<vmem>> -> memref<32x512xf32, #tpu.memory_space<vmem>>
      %dma_start3A_810 = arith.constant 1 : i32
      %dma_start3A_811 = arith.constant 0 : i32
      %dma_start3A_812 = tpu.memref_slice %dma_start3A_809[%dma_start3A_810, %dma_start3A_811] : memref<32x512xf32, #tpu.memory_space<vmem>> -> memref<1x512xf32, #tpu.memory_space<vmem>>
      %dma_start3A_813 = arith.constant 0 : i32
      %dma_start3A_814 = tpu.memref_slice %arg10[%squeeze3A_804, %dma_start3A_813] : memref<1000x512xf32, #tpu.memory_space<vmem_shared>> -> memref<1x512xf32, #tpu.memory_space<vmem_shared>>
      %dma_start3A_815 = arith.constant 0 : i32
      %dma_start3A_816 = arith.constant 0 : i32
      %dma_start3A_817 = tpu.memref_slice %arg8[%dma_start3A_805, %dma_start3A_815, %dma_start3A_816] : memref<2x32x512xf32, #tpu.memory_space<vmem>> -> memref<1x32x512xf32, #tpu.memory_space<vmem>>
      %dma_start3A_818 = tpu.memref_squeeze %dma_start3A_817 : memref<1x32x512xf32, #tpu.memory_space<vmem>> -> memref<32x512xf32, #tpu.memory_space<vmem>>
      %dma_start3A_819 = arith.constant 1 : i32
      %dma_start3A_820 = arith.constant 0 : i32
      %dma_start3A_821 = tpu.memref_slice %dma_start3A_818[%dma_start3A_819, %dma_start3A_820] : memref<32x512xf32, #tpu.memory_space<vmem>> -> memref<1x512xf32, #tpu.memory_space<vmem>>
      %dma_start3A_822 = arith.constant 0 : i32
      %dma_start3A_823 = tpu.memref_slice %arg10[%squeeze3A_804, %dma_start3A_822] : memref<1000x512xf32, #tpu.memory_space<vmem_shared>> -> memref<1x512xf32, #tpu.memory_space<vmem_shared>>
      tpu.enqueue_dma source(%dma_start3A_823 : memref<1x512xf32, #tpu.memory_space<vmem_shared>>) target(%dma_start3A_821 : memref<1x512xf32, #tpu.memory_space<vmem>>) target_semaphore(%arg14 : memref<!tpu.dma_semaphore, #tpu.memory_space<semaphore_mem>>)
      %slice3A_824 = vector.extract_strided_slice %get3A_781 {offsets = [2], sizes = [1], strides = [1]} : vector<16xi32> to vector<1xi32>
      %squeeze3A_825 = vector.extract %slice3A_824[0] : i32 from vector<1xi32>
      %dma_start3A_826 = arith.constant 1 : i32
      %dma_start3A_827 = arith.constant 0 : i32
      %dma_start3A_828 = arith.constant 0 : i32
      %dma_start3A_829 = tpu.memref_slice %arg8[%dma_start3A_826, %dma_start3A_827, %dma_start3A_828] : memref<2x32x512xf32, #tpu.memory_space<vmem>> -> memref<1x32x512xf32, #tpu.memory_space<vmem>>
      %dma_start3A_830 = tpu.memref_squeeze %dma_start3A_829 : memref<1x32x512xf32, #tpu.memory_space<vmem>> -> memref<32x512xf32, #tpu.memory_space<vmem>>
      %dma_start3A_831 = arith.constant 2 : i32
      %dma_start3A_832 = arith.constant 0 : i32
      %dma_start3A_833 = tpu.memref_slice %dma_start3A_830[%dma_start3A_831, %dma_start3A_832] : memref<32x512xf32, #tpu.memory_space<vmem>> -> memref<1x512xf32, #tpu.memory_space<vmem>>
      %dma_start3A_834 = arith.constant 0 : i32
      %dma_start3A_835 = tpu.memref_slice %arg10[%squeeze3A_825, %dma_start3A_834] : memref<1000x512xf32, #tpu.memory_space<vmem_shared>> -> memref<1x512xf32, #tpu.memory_space<vmem_shared>>
      %dma_start3A_836 = arith.constant 0 : i32
      %dma_start3A_837 = arith.constant 0 : i32
      %dma_start3A_838 = tpu.memref_slice %arg8[%dma_start3A_826, %dma_start3A_836, %dma_start3A_837] : memref<2x32x512xf32, #tpu.memory_space<vmem>> -> memref<1x32x512xf32, #tpu.memory_space<vmem>>
      %dma_start3A_839 = tpu.memref_squeeze %dma_start3A_838 : memref<1x32x512xf32, #tpu.memory_space<vmem>> -> memref<32x512xf32, #tpu.memory_space<vmem>>
      %dma_start3A_840 = arith.constant 2 : i32
      %dma_start3A_841 = arith.constant 0 : i32
      %dma_start3A_842 = tpu.memref_slice %dma_start3A_839[%dma_start3A_840, %dma_start3A_841] : memref<32x512xf32, #tpu.memory_space<vmem>> -> memref<1x512xf32, #tpu.memory_space<vmem>>
      %dma_start3A_843 = arith.constant 0 : i32
      %dma_start3A_844 = tpu.memref_slice %arg10[%squeeze3A_825, %dma_start3A_843] : memref<1000x512xf32, #tpu.memory_space<vmem_shared>> -> memref<1x512xf32, #tpu.memory_space<vmem_shared>>
      tpu.enqueue_dma source(%dma_start3A_844 : memref<1x512xf32, #tpu.memory_space<vmem_shared>>) target(%dma_start3A_842 : memref<1x512xf32, #tpu.memory_space<vmem>>) target_semaphore(%arg14 : memref<!tpu.dma_semaphore, #tpu.memory_space<semaphore_mem>>)
      %slice3A_845 = vector.extract_strided_slice %get3A_781 {offsets = [3], sizes = [1], strides = [1]} : vector<16xi32> to vector<1xi32>
      %squeeze3A_846 = vector.extract %slice3A_845[0] : i32 from vector<1xi32>
      %dma_start3A_847 = arith.constant 1 : i32
      %dma_start3A_848 = arith.constant 0 : i32
      %dma_start3A_849 = arith.constant 0 : i32
      %dma_start3A_850 = tpu.memref_slice %arg8[%dma_start3A_847, %dma_start3A_848, %dma_start3A_849] : memref<2x32x512xf32, #tpu.memory_space<vmem>> -> memref<1x32x512xf32, #tpu.memory_space<vmem>>
      %dma_start3A_851 = tpu.memref_squeeze %dma_start3A_850 : memref<1x32x512xf32, #tpu.memory_space<vmem>> -> memref<32x512xf32, #tpu.memory_space<vmem>>
      %dma_start3A_852 = arith.constant 3 : i32
      %dma_start3A_853 = arith.constant 0 : i32
      %dma_start3A_854 = tpu.memref_slice %dma_start3A_851[%dma_start3A_852, %dma_start3A_853] : memref<32x512xf32, #tpu.memory_space<vmem>> -> memref<1x512xf32, #tpu.memory_space<vmem>>
      %dma_start3A_855 = arith.constant 0 : i32
      %dma_start3A_856 = tpu.memref_slice %arg10[%squeeze3A_846, %dma_start3A_855] : memref<1000x512xf32, #tpu.memory_space<vmem_shared>> -> memref<1x512xf32, #tpu.memory_space<vmem_shared>>
      %dma_start3A_857 = arith.constant 0 : i32
      %dma_start3A_858 = arith.constant 0 : i32
      %dma_start3A_859 = tpu.memref_slice %arg8[%dma_start3A_847, %dma_start3A_857, %dma_start3A_858] : memref<2x32x512xf32, #tpu.memory_space<vmem>> -> memref<1x32x512xf32, #tpu.memory_space<vmem>>
      %dma_start3A_860 = tpu.memref_squeeze %dma_start3A_859 : memref<1x32x512xf32, #tpu.memory_space<vmem>> -> memref<32x512xf32, #tpu.memory_space<vmem>>
      %dma_start3A_861 = arith.constant 3 : i32
      %dma_start3A_862 = arith.constant 0 : i32
      %dma_start3A_863 = tpu.memref_slice %dma_start3A_860[%dma_start3A_861, %dma_start3A_862] : memref<32x512xf32, #tpu.memory_space<vmem>> -> memref<1x512xf32, #tpu.memory_space<vmem>>
      %dma_start3A_864 = arith.constant 0 : i32
      %dma_start3A_865 = tpu.memref_slice %arg10[%squeeze3A_846, %dma_start3A_864] : memref<1000x512xf32, #tpu.memory_space<vmem_shared>> -> memref<1x512xf32, #tpu.memory_space<vmem_shared>>
      tpu.enqueue_dma source(%dma_start3A_865 : memref<1x512xf32, #tpu.memory_space<vmem_shared>>) target(%dma_start3A_863 : memref<1x512xf32, #tpu.memory_space<vmem>>) target_semaphore(%arg14 : memref<!tpu.dma_semaphore, #tpu.memory_space<semaphore_mem>>)
      %slice3A_866 = vector.extract_strided_slice %get3A_781 {offsets = [4], sizes = [1], strides = [1]} : vector<16xi32> to vector<1xi32>
      %squeeze3A_867 = vector.extract %slice3A_866[0] : i32 from vector<1xi32>
      %dma_start3A_868 = arith.constant 1 : i32
      %dma_start3A_869 = arith.constant 0 : i32
      %dma_start3A_870 = arith.constant 0 : i32
      %dma_start3A_871 = tpu.memref_slice %arg8[%dma_start3A_868, %dma_start3A_869, %dma_start3A_870] : memref<2x32x512xf32, #tpu.memory_space<vmem>> -> memref<1x32x512xf32, #tpu.memory_space<vmem>>
      %dma_start3A_872 = tpu.memref_squeeze %dma_start3A_871 : memref<1x32x512xf32, #tpu.memory_space<vmem>> -> memref<32x512xf32, #tpu.memory_space<vmem>>
      %dma_start3A_873 = arith.constant 4 : i32
      %dma_start3A_874 = arith.constant 0 : i32
      %dma_start3A_875 = tpu.memref_slice %dma_start3A_872[%dma_start3A_873, %dma_start3A_874] : memref<32x512xf32, #tpu.memory_space<vmem>> -> memref<1x512xf32, #tpu.memory_space<vmem>>
      %dma_start3A_876 = arith.constant 0 : i32
      %dma_start3A_877 = tpu.memref_slice %arg10[%squeeze3A_867, %dma_start3A_876] : memref<1000x512xf32, #tpu.memory_space<vmem_shared>> -> memref<1x512xf32, #tpu.memory_space<vmem_shared>>
      %dma_start3A_878 = arith.constant 0 : i32
      %dma_start3A_879 = arith.constant 0 : i32
      %dma_start3A_880 = tpu.memref_slice %arg8[%dma_start3A_868, %dma_start3A_878, %dma_start3A_879] : memref<2x32x512xf32, #tpu.memory_space<vmem>> -> memref<1x32x512xf32, #tpu.memory_space<vmem>>
      %dma_start3A_881 = tpu.memref_squeeze %dma_start3A_880 : memref<1x32x512xf32, #tpu.memory_space<vmem>> -> memref<32x512xf32, #tpu.memory_space<vmem>>
      %dma_start3A_882 = arith.constant 4 : i32
      %dma_start3A_883 = arith.constant 0 : i32
      %dma_start3A_884 = tpu.memref_slice %dma_start3A_881[%dma_start3A_882, %dma_start3A_883] : memref<32x512xf32, #tpu.memory_space<vmem>> -> memref<1x512xf32, #tpu.memory_space<vmem>>
      %dma_start3A_885 = arith.constant 0 : i32
      %dma_start3A_886 = tpu.memref_slice %arg10[%squeeze3A_867, %dma_start3A_885] : memref<1000x512xf32, #tpu.memory_space<vmem_shared>> -> memref<1x512xf32, #tpu.memory_space<vmem_shared>>
      tpu.enqueue_dma source(%dma_start3A_886 : memref<1x512xf32, #tpu.memory_space<vmem_shared>>) target(%dma_start3A_884 : memref<1x512xf32, #tpu.memory_space<vmem>>) target_semaphore(%arg14 : memref<!tpu.dma_semaphore, #tpu.memory_space<semaphore_mem>>)
      %slice3A_887 = vector.extract_strided_slice %get3A_781 {offsets = [5], sizes = [1], strides = [1]} : vector<16xi32> to vector<1xi32>
      %squeeze3A_888 = vector.extract %slice3A_887[0] : i32 from vector<1xi32>
      %dma_start3A_889 = arith.constant 1 : i32
      %dma_start3A_890 = arith.constant 0 : i32
      %dma_start3A_891 = arith.constant 0 : i32
      %dma_start3A_892 = tpu.memref_slice %arg8[%dma_start3A_889, %dma_start3A_890, %dma_start3A_891] : memref<2x32x512xf32, #tpu.memory_space<vmem>> -> memref<1x32x512xf32, #tpu.memory_space<vmem>>
      %dma_start3A_893 = tpu.memref_squeeze %dma_start3A_892 : memref<1x32x512xf32, #tpu.memory_space<vmem>> -> memref<32x512xf32, #tpu.memory_space<vmem>>
      %dma_start3A_894 = arith.constant 5 : i32
      %dma_start3A_895 = arith.constant 0 : i32
      %dma_start3A_896 = tpu.memref_slice %dma_start3A_893[%dma_start3A_894, %dma_start3A_895] : memref<32x512xf32, #tpu.memory_space<vmem>> -> memref<1x512xf32, #tpu.memory_space<vmem>>
      %dma_start3A_897 = arith.constant 0 : i32
      %dma_start3A_898 = tpu.memref_slice %arg10[%squeeze3A_888, %dma_start3A_897] : memref<1000x512xf32, #tpu.memory_space<vmem_shared>> -> memref<1x512xf32, #tpu.memory_space<vmem_shared>>
      %dma_start3A_899 = arith.constant 0 : i32
      %dma_start3A_900 = arith.constant 0 : i32
      %dma_start3A_901 = tpu.memref_slice %arg8[%dma_start3A_889, %dma_start3A_899, %dma_start3A_900] : memref<2x32x512xf32, #tpu.memory_space<vmem>> -> memref<1x32x512xf32, #tpu.memory_space<vmem>>
      %dma_start3A_902 = tpu.memref_squeeze %dma_start3A_901 : memref<1x32x512xf32, #tpu.memory_space<vmem>> -> memref<32x512xf32, #tpu.memory_space<vmem>>
      %dma_start3A_903 = arith.constant 5 : i32
      %dma_start3A_904 = arith.constant 0 : i32
      %dma_start3A_905 = tpu.memref_slice %dma_start3A_902[%dma_start3A_903, %dma_start3A_904] : memref<32x512xf32, #tpu.memory_space<vmem>> -> memref<1x512xf32, #tpu.memory_space<vmem>>
      %dma_start3A_906 = arith.constant 0 : i32
      %dma_start3A_907 = tpu.memref_slice %arg10[%squeeze3A_888, %dma_start3A_906] : memref<1000x512xf32, #tpu.memory_space<vmem_shared>> -> memref<1x512xf32, #tpu.memory_space<vmem_shared>>
      tpu.enqueue_dma source(%dma_start3A_907 : memref<1x512xf32, #tpu.memory_space<vmem_shared>>) target(%dma_start3A_905 : memref<1x512xf32, #tpu.memory_space<vmem>>) target_semaphore(%arg14 : memref<!tpu.dma_semaphore, #tpu.memory_space<semaphore_mem>>)
      %slice3A_908 = vector.extract_strided_slice %get3A_781 {offsets = [6], sizes = [1], strides = [1]} : vector<16xi32> to vector<1xi32>
      %squeeze3A_909 = vector.extract %slice3A_908[0] : i32 from vector<1xi32>
      %dma_start3A_910 = arith.constant 1 : i32
      %dma_start3A_911 = arith.constant 0 : i32
      %dma_start3A_912 = arith.constant 0 : i32
      %dma_start3A_913 = tpu.memref_slice %arg8[%dma_start3A_910, %dma_start3A_911, %dma_start3A_912] : memref<2x32x512xf32, #tpu.memory_space<vmem>> -> memref<1x32x512xf32, #tpu.memory_space<vmem>>
      %dma_start3A_914 = tpu.memref_squeeze %dma_start3A_913 : memref<1x32x512xf32, #tpu.memory_space<vmem>> -> memref<32x512xf32, #tpu.memory_space<vmem>>
      %dma_start3A_915 = arith.constant 6 : i32
      %dma_start3A_916 = arith.constant 0 : i32
      %dma_start3A_917 = tpu.memref_slice %dma_start3A_914[%dma_start3A_915, %dma_start3A_916] : memref<32x512xf32, #tpu.memory_space<vmem>> -> memref<1x512xf32, #tpu.memory_space<vmem>>
      %dma_start3A_918 = arith.constant 0 : i32
      %dma_start3A_919 = tpu.memref_slice %arg10[%squeeze3A_909, %dma_start3A_918] : memref<1000x512xf32, #tpu.memory_space<vmem_shared>> -> memref<1x512xf32, #tpu.memory_space<vmem_shared>>
      %dma_start3A_920 = arith.constant 0 : i32
      %dma_start3A_921 = arith.constant 0 : i32
      %dma_start3A_922 = tpu.memref_slice %arg8[%dma_start3A_910, %dma_start3A_920, %dma_start3A_921] : memref<2x32x512xf32, #tpu.memory_space<vmem>> -> memref<1x32x512xf32, #tpu.memory_space<vmem>>
      %dma_start3A_923 = tpu.memref_squeeze %dma_start3A_922 : memref<1x32x512xf32, #tpu.memory_space<vmem>> -> memref<32x512xf32, #tpu.memory_space<vmem>>
      %dma_start3A_924 = arith.constant 6 : i32
      %dma_start3A_925 = arith.constant 0 : i32
      %dma_start3A_926 = tpu.memref_slice %dma_start3A_923[%dma_start3A_924, %dma_start3A_925] : memref<32x512xf32, #tpu.memory_space<vmem>> -> memref<1x512xf32, #tpu.memory_space<vmem>>
      %dma_start3A_927 = arith.constant 0 : i32
      %dma_start3A_928 = tpu.memref_slice %arg10[%squeeze3A_909, %dma_start3A_927] : memref<1000x512xf32, #tpu.memory_space<vmem_shared>> -> memref<1x512xf32, #tpu.memory_space<vmem_shared>>
      tpu.enqueue_dma source(%dma_start3A_928 : memref<1x512xf32, #tpu.memory_space<vmem_shared>>) target(%dma_start3A_926 : memref<1x512xf32, #tpu.memory_space<vmem>>) target_semaphore(%arg14 : memref<!tpu.dma_semaphore, #tpu.memory_space<semaphore_mem>>)
      %slice3A_929 = vector.extract_strided_slice %get3A_781 {offsets = [7], sizes = [1], strides = [1]} : vector<16xi32> to vector<1xi32>
      %squeeze3A_930 = vector.extract %slice3A_929[0] : i32 from vector<1xi32>
      %dma_start3A_931 = arith.constant 1 : i32
      %dma_start3A_932 = arith.constant 0 : i32
      %dma_start3A_933 = arith.constant 0 : i32
      %dma_start3A_934 = tpu.memref_slice %arg8[%dma_start3A_931, %dma_start3A_932, %dma_start3A_933] : memref<2x32x512xf32, #tpu.memory_space<vmem>> -> memref<1x32x512xf32, #tpu.memory_space<vmem>>
      %dma_start3A_935 = tpu.memref_squeeze %dma_start3A_934 : memref<1x32x512xf32, #tpu.memory_space<vmem>> -> memref<32x512xf32, #tpu.memory_space<vmem>>
      %dma_start3A_936 = arith.constant 7 : i32
      %dma_start3A_937 = arith.constant 0 : i32
      %dma_start3A_938 = tpu.memref_slice %dma_start3A_935[%dma_start3A_936, %dma_start3A_937] : memref<32x512xf32, #tpu.memory_space<vmem>> -> memref<1x512xf32, #tpu.memory_space<vmem>>
      %dma_start3A_939 = arith.constant 0 : i32
      %dma_start3A_940 = tpu.memref_slice %arg10[%squeeze3A_930, %dma_start3A_939] : memref<1000x512xf32, #tpu.memory_space<vmem_shared>> -> memref<1x512xf32, #tpu.memory_space<vmem_shared>>
      %dma_start3A_941 = arith.constant 0 : i32
      %dma_start3A_942 = arith.constant 0 : i32
      %dma_start3A_943 = tpu.memref_slice %arg8[%dma_start3A_931, %dma_start3A_941, %dma_start3A_942] : memref<2x32x512xf32, #tpu.memory_space<vmem>> -> memref<1x32x512xf32, #tpu.memory_space<vmem>>
      %dma_start3A_944 = tpu.memref_squeeze %dma_start3A_943 : memref<1x32x512xf32, #tpu.memory_space<vmem>> -> memref<32x512xf32, #tpu.memory_space<vmem>>
      %dma_start3A_945 = arith.constant 7 : i32
      %dma_start3A_946 = arith.constant 0 : i32
      %dma_start3A_947 = tpu.memref_slice %dma_start3A_944[%dma_start3A_945, %dma_start3A_946] : memref<32x512xf32, #tpu.memory_space<vmem>> -> memref<1x512xf32, #tpu.memory_space<vmem>>
      %dma_start3A_948 = arith.constant 0 : i32
      %dma_start3A_949 = tpu.memref_slice %arg10[%squeeze3A_930, %dma_start3A_948] : memref<1000x512xf32, #tpu.memory_space<vmem_shared>> -> memref<1x512xf32, #tpu.memory_space<vmem_shared>>
      tpu.enqueue_dma source(%dma_start3A_949 : memref<1x512xf32, #tpu.memory_space<vmem_shared>>) target(%dma_start3A_947 : memref<1x512xf32, #tpu.memory_space<vmem>>) target_semaphore(%arg14 : memref<!tpu.dma_semaphore, #tpu.memory_space<semaphore_mem>>)
      %slice3A_950 = vector.extract_strided_slice %get3A_781 {offsets = [8], sizes = [1], strides = [1]} : vector<16xi32> to vector<1xi32>
      %squeeze3A_951 = vector.extract %slice3A_950[0] : i32 from vector<1xi32>
      %dma_start3A_952 = arith.constant 1 : i32
      %dma_start3A_953 = arith.constant 0 : i32
      %dma_start3A_954 = arith.constant 0 : i32
      %dma_start3A_955 = tpu.memref_slice %arg8[%dma_start3A_952, %dma_start3A_953, %dma_start3A_954] : memref<2x32x512xf32, #tpu.memory_space<vmem>> -> memref<1x32x512xf32, #tpu.memory_space<vmem>>
      %dma_start3A_956 = tpu.memref_squeeze %dma_start3A_955 : memref<1x32x512xf32, #tpu.memory_space<vmem>> -> memref<32x512xf32, #tpu.memory_space<vmem>>
      %dma_start3A_957 = arith.constant 8 : i32
      %dma_start3A_958 = arith.constant 0 : i32
      %dma_start3A_959 = tpu.memref_slice %dma_start3A_956[%dma_start3A_957, %dma_start3A_958] : memref<32x512xf32, #tpu.memory_space<vmem>> -> memref<1x512xf32, #tpu.memory_space<vmem>>
      %dma_start3A_960 = arith.constant 0 : i32
      %dma_start3A_961 = tpu.memref_slice %arg10[%squeeze3A_951, %dma_start3A_960] : memref<1000x512xf32, #tpu.memory_space<vmem_shared>> -> memref<1x512xf32, #tpu.memory_space<vmem_shared>>
      %dma_start3A_962 = arith.constant 0 : i32
      %dma_start3A_963 = arith.constant 0 : i32
      %dma_start3A_964 = tpu.memref_slice %arg8[%dma_start3A_952, %dma_start3A_962, %dma_start3A_963] : memref<2x32x512xf32, #tpu.memory_space<vmem>> -> memref<1x32x512xf32, #tpu.memory_space<vmem>>
      %dma_start3A_965 = tpu.memref_squeeze %dma_start3A_964 : memref<1x32x512xf32, #tpu.memory_space<vmem>> -> memref<32x512xf32, #tpu.memory_space<vmem>>
      %dma_start3A_966 = arith.constant 8 : i32
      %dma_start3A_967 = arith.constant 0 : i32
      %dma_start3A_968 = tpu.memref_slice %dma_start3A_965[%dma_start3A_966, %dma_start3A_967] : memref<32x512xf32, #tpu.memory_space<vmem>> -> memref<1x512xf32, #tpu.memory_space<vmem>>
      %dma_start3A_969 = arith.constant 0 : i32
      %dma_start3A_970 = tpu.memref_slice %arg10[%squeeze3A_951, %dma_start3A_969] : memref<1000x512xf32, #tpu.memory_space<vmem_shared>> -> memref<1x512xf32, #tpu.memory_space<vmem_shared>>
      tpu.enqueue_dma source(%dma_start3A_970 : memref<1x512xf32, #tpu.memory_space<vmem_shared>>) target(%dma_start3A_968 : memref<1x512xf32, #tpu.memory_space<vmem>>) target_semaphore(%arg14 : memref<!tpu.dma_semaphore, #tpu.memory_space<semaphore_mem>>)
      %slice3A_971 = vector.extract_strided_slice %get3A_781 {offsets = [9], sizes = [1], strides = [1]} : vector<16xi32> to vector<1xi32>
      %squeeze3A_972 = vector.extract %slice3A_971[0] : i32 from vector<1xi32>
      %dma_start3A_973 = arith.constant 1 : i32
      %dma_start3A_974 = arith.constant 0 : i32
      %dma_start3A_975 = arith.constant 0 : i32
      %dma_start3A_976 = tpu.memref_slice %arg8[%dma_start3A_973, %dma_start3A_974, %dma_start3A_975] : memref<2x32x512xf32, #tpu.memory_space<vmem>> -> memref<1x32x512xf32, #tpu.memory_space<vmem>>
      %dma_start3A_977 = tpu.memref_squeeze %dma_start3A_976 : memref<1x32x512xf32, #tpu.memory_space<vmem>> -> memref<32x512xf32, #tpu.memory_space<vmem>>
      %dma_start3A_978 = arith.constant 9 : i32
      %dma_start3A_979 = arith.constant 0 : i32
      %dma_start3A_980 = tpu.memref_slice %dma_start3A_977[%dma_start3A_978, %dma_start3A_979] : memref<32x512xf32, #tpu.memory_space<vmem>> -> memref<1x512xf32, #tpu.memory_space<vmem>>
      %dma_start3A_981 = arith.constant 0 : i32
      %dma_start3A_982 = tpu.memref_slice %arg10[%squeeze3A_972, %dma_start3A_981] : memref<1000x512xf32, #tpu.memory_space<vmem_shared>> -> memref<1x512xf32, #tpu.memory_space<vmem_shared>>
      %dma_start3A_983 = arith.constant 0 : i32
      %dma_start3A_984 = arith.constant 0 : i32
      %dma_start3A_985 = tpu.memref_slice %arg8[%dma_start3A_973, %dma_start3A_983, %dma_start3A_984] : memref<2x32x512xf32, #tpu.memory_space<vmem>> -> memref<1x32x512xf32, #tpu.memory_space<vmem>>
      %dma_start3A_986 = tpu.memref_squeeze %dma_start3A_985 : memref<1x32x512xf32, #tpu.memory_space<vmem>> -> memref<32x512xf32, #tpu.memory_space<vmem>>
      %dma_start3A_987 = arith.constant 9 : i32
      %dma_start3A_988 = arith.constant 0 : i32
      %dma_start3A_989 = tpu.memref_slice %dma_start3A_986[%dma_start3A_987, %dma_start3A_988] : memref<32x512xf32, #tpu.memory_space<vmem>> -> memref<1x512xf32, #tpu.memory_space<vmem>>
      %dma_start3A_990 = arith.constant 0 : i32
      %dma_start3A_991 = tpu.memref_slice %arg10[%squeeze3A_972, %dma_start3A_990] : memref<1000x512xf32, #tpu.memory_space<vmem_shared>> -> memref<1x512xf32, #tpu.memory_space<vmem_shared>>
      tpu.enqueue_dma source(%dma_start3A_991 : memref<1x512xf32, #tpu.memory_space<vmem_shared>>) target(%dma_start3A_989 : memref<1x512xf32, #tpu.memory_space<vmem>>) target_semaphore(%arg14 : memref<!tpu.dma_semaphore, #tpu.memory_space<semaphore_mem>>)
      %slice3A_992 = vector.extract_strided_slice %get3A_781 {offsets = [10], sizes = [1], strides = [1]} : vector<16xi32> to vector<1xi32>
      %squeeze3A_993 = vector.extract %slice3A_992[0] : i32 from vector<1xi32>
      %dma_start3A_994 = arith.constant 1 : i32
      %dma_start3A_995 = arith.constant 0 : i32
      %dma_start3A_996 = arith.constant 0 : i32
      %dma_start3A_997 = tpu.memref_slice %arg8[%dma_start3A_994, %dma_start3A_995, %dma_start3A_996] : memref<2x32x512xf32, #tpu.memory_space<vmem>> -> memref<1x32x512xf32, #tpu.memory_space<vmem>>
      %dma_start3A_998 = tpu.memref_squeeze %dma_start3A_997 : memref<1x32x512xf32, #tpu.memory_space<vmem>> -> memref<32x512xf32, #tpu.memory_space<vmem>>
      %dma_start3A_999 = arith.constant 10 : i32
      %dma_start3A_1000 = arith.constant 0 : i32
      %dma_start3A_1001 = tpu.memref_slice %dma_start3A_998[%dma_start3A_999, %dma_start3A_1000] : memref<32x512xf32, #tpu.memory_space<vmem>> -> memref<1x512xf32, #tpu.memory_space<vmem>>
      %dma_start3A_1002 = arith.constant 0 : i32
      %dma_start3A_1003 = tpu.memref_slice %arg10[%squeeze3A_993, %dma_start3A_1002] : memref<1000x512xf32, #tpu.memory_space<vmem_shared>> -> memref<1x512xf32, #tpu.memory_space<vmem_shared>>
      %dma_start3A_1004 = arith.constant 0 : i32
      %dma_start3A_1005 = arith.constant 0 : i32
      %dma_start3A_1006 = tpu.memref_slice %arg8[%dma_start3A_994, %dma_start3A_1004, %dma_start3A_1005] : memref<2x32x512xf32, #tpu.memory_space<vmem>> -> memref<1x32x512xf32, #tpu.memory_space<vmem>>
      %dma_start3A_1007 = tpu.memref_squeeze %dma_start3A_1006 : memref<1x32x512xf32, #tpu.memory_space<vmem>> -> memref<32x512xf32, #tpu.memory_space<vmem>>
      %dma_start3A_1008 = arith.constant 10 : i32
      %dma_start3A_1009 = arith.constant 0 : i32
      %dma_start3A_1010 = tpu.memref_slice %dma_start3A_1007[%dma_start3A_1008, %dma_start3A_1009] : memref<32x512xf32, #tpu.memory_space<vmem>> -> memref<1x512xf32, #tpu.memory_space<vmem>>
      %dma_start3A_1011 = arith.constant 0 : i32
      %dma_start3A_1012 = tpu.memref_slice %arg10[%squeeze3A_993, %dma_start3A_1011] : memref<1000x512xf32, #tpu.memory_space<vmem_shared>> -> memref<1x512xf32, #tpu.memory_space<vmem_shared>>
      tpu.enqueue_dma source(%dma_start3A_1012 : memref<1x512xf32, #tpu.memory_space<vmem_shared>>) target(%dma_start3A_1010 : memref<1x512xf32, #tpu.memory_space<vmem>>) target_semaphore(%arg14 : memref<!tpu.dma_semaphore, #tpu.memory_space<semaphore_mem>>)
      %slice3A_1013 = vector.extract_strided_slice %get3A_781 {offsets = [11], sizes = [1], strides = [1]} : vector<16xi32> to vector<1xi32>
      %squeeze3A_1014 = vector.extract %slice3A_1013[0] : i32 from vector<1xi32>
      %dma_start3A_1015 = arith.constant 1 : i32
      %dma_start3A_1016 = arith.constant 0 : i32
      %dma_start3A_1017 = arith.constant 0 : i32
      %dma_start3A_1018 = tpu.memref_slice %arg8[%dma_start3A_1015, %dma_start3A_1016, %dma_start3A_1017] : memref<2x32x512xf32, #tpu.memory_space<vmem>> -> memref<1x32x512xf32, #tpu.memory_space<vmem>>
      %dma_start3A_1019 = tpu.memref_squeeze %dma_start3A_1018 : memref<1x32x512xf32, #tpu.memory_space<vmem>> -> memref<32x512xf32, #tpu.memory_space<vmem>>
      %dma_start3A_1020 = arith.constant 11 : i32
      %dma_start3A_1021 = arith.constant 0 : i32
      %dma_start3A_1022 = tpu.memref_slice %dma_start3A_1019[%dma_start3A_1020, %dma_start3A_1021] : memref<32x512xf32, #tpu.memory_space<vmem>> -> memref<1x512xf32, #tpu.memory_space<vmem>>
      %dma_start3A_1023 = arith.constant 0 : i32
      %dma_start3A_1024 = tpu.memref_slice %arg10[%squeeze3A_1014, %dma_start3A_1023] : memref<1000x512xf32, #tpu.memory_space<vmem_shared>> -> memref<1x512xf32, #tpu.memory_space<vmem_shared>>
      %dma_start3A_1025 = arith.constant 0 : i32
      %dma_start3A_1026 = arith.constant 0 : i32
      %dma_start3A_1027 = tpu.memref_slice %arg8[%dma_start3A_1015, %dma_start3A_1025, %dma_start3A_1026] : memref<2x32x512xf32, #tpu.memory_space<vmem>> -> memref<1x32x512xf32, #tpu.memory_space<vmem>>
      %dma_start3A_1028 = tpu.memref_squeeze %dma_start3A_1027 : memref<1x32x512xf32, #tpu.memory_space<vmem>> -> memref<32x512xf32, #tpu.memory_space<vmem>>
      %dma_start3A_1029 = arith.constant 11 : i32
      %dma_start3A_1030 = arith.constant 0 : i32
      %dma_start3A_1031 = tpu.memref_slice %dma_start3A_1028[%dma_start3A_1029, %dma_start3A_1030] : memref<32x512xf32, #tpu.memory_space<vmem>> -> memref<1x512xf32, #tpu.memory_space<vmem>>
      %dma_start3A_1032 = arith.constant 0 : i32
      %dma_start3A_1033 = tpu.memref_slice %arg10[%squeeze3A_1014, %dma_start3A_1032] : memref<1000x512xf32, #tpu.memory_space<vmem_shared>> -> memref<1x512xf32, #tpu.memory_space<vmem_shared>>
      tpu.enqueue_dma source(%dma_start3A_1033 : memref<1x512xf32, #tpu.memory_space<vmem_shared>>) target(%dma_start3A_1031 : memref<1x512xf32, #tpu.memory_space<vmem>>) target_semaphore(%arg14 : memref<!tpu.dma_semaphore, #tpu.memory_space<semaphore_mem>>)
      %slice3A_1034 = vector.extract_strided_slice %get3A_781 {offsets = [12], sizes = [1], strides = [1]} : vector<16xi32> to vector<1xi32>
      %squeeze3A_1035 = vector.extract %slice3A_1034[0] : i32 from vector<1xi32>
      %dma_start3A_1036 = arith.constant 1 : i32
      %dma_start3A_1037 = arith.constant 0 : i32
      %dma_start3A_1038 = arith.constant 0 : i32
      %dma_start3A_1039 = tpu.memref_slice %arg8[%dma_start3A_1036, %dma_start3A_1037, %dma_start3A_1038] : memref<2x32x512xf32, #tpu.memory_space<vmem>> -> memref<1x32x512xf32, #tpu.memory_space<vmem>>
      %dma_start3A_1040 = tpu.memref_squeeze %dma_start3A_1039 : memref<1x32x512xf32, #tpu.memory_space<vmem>> -> memref<32x512xf32, #tpu.memory_space<vmem>>
      %dma_start3A_1041 = arith.constant 12 : i32
      %dma_start3A_1042 = arith.constant 0 : i32
      %dma_start3A_1043 = tpu.memref_slice %dma_start3A_1040[%dma_start3A_1041, %dma_start3A_1042] : memref<32x512xf32, #tpu.memory_space<vmem>> -> memref<1x512xf32, #tpu.memory_space<vmem>>
      %dma_start3A_1044 = arith.constant 0 : i32
      %dma_start3A_1045 = tpu.memref_slice %arg10[%squeeze3A_1035, %dma_start3A_1044] : memref<1000x512xf32, #tpu.memory_space<vmem_shared>> -> memref<1x512xf32, #tpu.memory_space<vmem_shared>>
      %dma_start3A_1046 = arith.constant 0 : i32
      %dma_start3A_1047 = arith.constant 0 : i32
      %dma_start3A_1048 = tpu.memref_slice %arg8[%dma_start3A_1036, %dma_start3A_1046, %dma_start3A_1047] : memref<2x32x512xf32, #tpu.memory_space<vmem>> -> memref<1x32x512xf32, #tpu.memory_space<vmem>>
      %dma_start3A_1049 = tpu.memref_squeeze %dma_start3A_1048 : memref<1x32x512xf32, #tpu.memory_space<vmem>> -> memref<32x512xf32, #tpu.memory_space<vmem>>
      %dma_start3A_1050 = arith.constant 12 : i32
      %dma_start3A_1051 = arith.constant 0 : i32
      %dma_start3A_1052 = tpu.memref_slice %dma_start3A_1049[%dma_start3A_1050, %dma_start3A_1051] : memref<32x512xf32, #tpu.memory_space<vmem>> -> memref<1x512xf32, #tpu.memory_space<vmem>>
      %dma_start3A_1053 = arith.constant 0 : i32
      %dma_start3A_1054 = tpu.memref_slice %arg10[%squeeze3A_1035, %dma_start3A_1053] : memref<1000x512xf32, #tpu.memory_space<vmem_shared>> -> memref<1x512xf32, #tpu.memory_space<vmem_shared>>
      tpu.enqueue_dma source(%dma_start3A_1054 : memref<1x512xf32, #tpu.memory_space<vmem_shared>>) target(%dma_start3A_1052 : memref<1x512xf32, #tpu.memory_space<vmem>>) target_semaphore(%arg14 : memref<!tpu.dma_semaphore, #tpu.memory_space<semaphore_mem>>)
      %slice3A_1055 = vector.extract_strided_slice %get3A_781 {offsets = [13], sizes = [1], strides = [1]} : vector<16xi32> to vector<1xi32>
      %squeeze3A_1056 = vector.extract %slice3A_1055[0] : i32 from vector<1xi32>
      %dma_start3A_1057 = arith.constant 1 : i32
      %dma_start3A_1058 = arith.constant 0 : i32
      %dma_start3A_1059 = arith.constant 0 : i32
      %dma_start3A_1060 = tpu.memref_slice %arg8[%dma_start3A_1057, %dma_start3A_1058, %dma_start3A_1059] : memref<2x32x512xf32, #tpu.memory_space<vmem>> -> memref<1x32x512xf32, #tpu.memory_space<vmem>>
      %dma_start3A_1061 = tpu.memref_squeeze %dma_start3A_1060 : memref<1x32x512xf32, #tpu.memory_space<vmem>> -> memref<32x512xf32, #tpu.memory_space<vmem>>
      %dma_start3A_1062 = arith.constant 13 : i32
      %dma_start3A_1063 = arith.constant 0 : i32
      %dma_start3A_1064 = tpu.memref_slice %dma_start3A_1061[%dma_start3A_1062, %dma_start3A_1063] : memref<32x512xf32, #tpu.memory_space<vmem>> -> memref<1x512xf32, #tpu.memory_space<vmem>>
      %dma_start3A_1065 = arith.constant 0 : i32
      %dma_start3A_1066 = tpu.memref_slice %arg10[%squeeze3A_1056, %dma_start3A_1065] : memref<1000x512xf32, #tpu.memory_space<vmem_shared>> -> memref<1x512xf32, #tpu.memory_space<vmem_shared>>
      %dma_start3A_1067 = arith.constant 0 : i32
      %dma_start3A_1068 = arith.constant 0 : i32
      %dma_start3A_1069 = tpu.memref_slice %arg8[%dma_start3A_1057, %dma_start3A_1067, %dma_start3A_1068] : memref<2x32x512xf32, #tpu.memory_space<vmem>> -> memref<1x32x512xf32, #tpu.memory_space<vmem>>
      %dma_start3A_1070 = tpu.memref_squeeze %dma_start3A_1069 : memref<1x32x512xf32, #tpu.memory_space<vmem>> -> memref<32x512xf32, #tpu.memory_space<vmem>>
      %dma_start3A_1071 = arith.constant 13 : i32
      %dma_start3A_1072 = arith.constant 0 : i32
      %dma_start3A_1073 = tpu.memref_slice %dma_start3A_1070[%dma_start3A_1071, %dma_start3A_1072] : memref<32x512xf32, #tpu.memory_space<vmem>> -> memref<1x512xf32, #tpu.memory_space<vmem>>
      %dma_start3A_1074 = arith.constant 0 : i32
      %dma_start3A_1075 = tpu.memref_slice %arg10[%squeeze3A_1056, %dma_start3A_1074] : memref<1000x512xf32, #tpu.memory_space<vmem_shared>> -> memref<1x512xf32, #tpu.memory_space<vmem_shared>>
      tpu.enqueue_dma source(%dma_start3A_1075 : memref<1x512xf32, #tpu.memory_space<vmem_shared>>) target(%dma_start3A_1073 : memref<1x512xf32, #tpu.memory_space<vmem>>) target_semaphore(%arg14 : memref<!tpu.dma_semaphore, #tpu.memory_space<semaphore_mem>>)
      %slice3A_1076 = vector.extract_strided_slice %get3A_781 {offsets = [14], sizes = [1], strides = [1]} : vector<16xi32> to vector<1xi32>
      %squeeze3A_1077 = vector.extract %slice3A_1076[0] : i32 from vector<1xi32>
      %dma_start3A_1078 = arith.constant 1 : i32
      %dma_start3A_1079 = arith.constant 0 : i32
      %dma_start3A_1080 = arith.constant 0 : i32
      %dma_start3A_1081 = tpu.memref_slice %arg8[%dma_start3A_1078, %dma_start3A_1079, %dma_start3A_1080] : memref<2x32x512xf32, #tpu.memory_space<vmem>> -> memref<1x32x512xf32, #tpu.memory_space<vmem>>
      %dma_start3A_1082 = tpu.memref_squeeze %dma_start3A_1081 : memref<1x32x512xf32, #tpu.memory_space<vmem>> -> memref<32x512xf32, #tpu.memory_space<vmem>>
      %dma_start3A_1083 = arith.constant 14 : i32
      %dma_start3A_1084 = arith.constant 0 : i32
      %dma_start3A_1085 = tpu.memref_slice %dma_start3A_1082[%dma_start3A_1083, %dma_start3A_1084] : memref<32x512xf32, #tpu.memory_space<vmem>> -> memref<1x512xf32, #tpu.memory_space<vmem>>
      %dma_start3A_1086 = arith.constant 0 : i32
      %dma_start3A_1087 = tpu.memref_slice %arg10[%squeeze3A_1077, %dma_start3A_1086] : memref<1000x512xf32, #tpu.memory_space<vmem_shared>> -> memref<1x512xf32, #tpu.memory_space<vmem_shared>>
      %dma_start3A_1088 = arith.constant 0 : i32
      %dma_start3A_1089 = arith.constant 0 : i32
      %dma_start3A_1090 = tpu.memref_slice %arg8[%dma_start3A_1078, %dma_start3A_1088, %dma_start3A_1089] : memref<2x32x512xf32, #tpu.memory_space<vmem>> -> memref<1x32x512xf32, #tpu.memory_space<vmem>>
      %dma_start3A_1091 = tpu.memref_squeeze %dma_start3A_1090 : memref<1x32x512xf32, #tpu.memory_space<vmem>> -> memref<32x512xf32, #tpu.memory_space<vmem>>
      %dma_start3A_1092 = arith.constant 14 : i32
      %dma_start3A_1093 = arith.constant 0 : i32
      %dma_start3A_1094 = tpu.memref_slice %dma_start3A_1091[%dma_start3A_1092, %dma_start3A_1093] : memref<32x512xf32, #tpu.memory_space<vmem>> -> memref<1x512xf32, #tpu.memory_space<vmem>>
      %dma_start3A_1095 = arith.constant 0 : i32
      %dma_start3A_1096 = tpu.memref_slice %arg10[%squeeze3A_1077, %dma_start3A_1095] : memref<1000x512xf32, #tpu.memory_space<vmem_shared>> -> memref<1x512xf32, #tpu.memory_space<vmem_shared>>
      tpu.enqueue_dma source(%dma_start3A_1096 : memref<1x512xf32, #tpu.memory_space<vmem_shared>>) target(%dma_start3A_1094 : memref<1x512xf32, #tpu.memory_space<vmem>>) target_semaphore(%arg14 : memref<!tpu.dma_semaphore, #tpu.memory_space<semaphore_mem>>)
      %slice3A_1097 = vector.extract_strided_slice %get3A_781 {offsets = [15], sizes = [1], strides = [1]} : vector<16xi32> to vector<1xi32>
      %squeeze3A_1098 = vector.extract %slice3A_1097[0] : i32 from vector<1xi32>
      %dma_start3A_1099 = arith.constant 1 : i32
      %dma_start3A_1100 = arith.constant 0 : i32
      %dma_start3A_1101 = arith.constant 0 : i32
      %dma_start3A_1102 = tpu.memref_slice %arg8[%dma_start3A_1099, %dma_start3A_1100, %dma_start3A_1101] : memref<2x32x512xf32, #tpu.memory_space<vmem>> -> memref<1x32x512xf32, #tpu.memory_space<vmem>>
      %dma_start3A_1103 = tpu.memref_squeeze %dma_start3A_1102 : memref<1x32x512xf32, #tpu.memory_space<vmem>> -> memref<32x512xf32, #tpu.memory_space<vmem>>
      %dma_start3A_1104 = arith.constant 15 : i32
      %dma_start3A_1105 = arith.constant 0 : i32
      %dma_start3A_1106 = tpu.memref_slice %dma_start3A_1103[%dma_start3A_1104, %dma_start3A_1105] : memref<32x512xf32, #tpu.memory_space<vmem>> -> memref<1x512xf32, #tpu.memory_space<vmem>>
      %dma_start3A_1107 = arith.constant 0 : i32
      %dma_start3A_1108 = tpu.memref_slice %arg10[%squeeze3A_1098, %dma_start3A_1107] : memref<1000x512xf32, #tpu.memory_space<vmem_shared>> -> memref<1x512xf32, #tpu.memory_space<vmem_shared>>
      %dma_start3A_1109 = arith.constant 0 : i32
      %dma_start3A_1110 = arith.constant 0 : i32
      %dma_start3A_1111 = tpu.memref_slice %arg8[%dma_start3A_1099, %dma_start3A_1109, %dma_start3A_1110] : memref<2x32x512xf32, #tpu.memory_space<vmem>> -> memref<1x32x512xf32, #tpu.memory_space<vmem>>
      %dma_start3A_1112 = tpu.memref_squeeze %dma_start3A_1111 : memref<1x32x512xf32, #tpu.memory_space<vmem>> -> memref<32x512xf32, #tpu.memory_space<vmem>>
      %dma_start3A_1113 = arith.constant 15 : i32
      %dma_start3A_1114 = arith.constant 0 : i32
      %dma_start3A_1115 = tpu.memref_slice %dma_start3A_1112[%dma_start3A_1113, %dma_start3A_1114] : memref<32x512xf32, #tpu.memory_space<vmem>> -> memref<1x512xf32, #tpu.memory_space<vmem>>
      %dma_start3A_1116 = arith.constant 0 : i32
      %dma_start3A_1117 = tpu.memref_slice %arg10[%squeeze3A_1098, %dma_start3A_1116] : memref<1000x512xf32, #tpu.memory_space<vmem_shared>> -> memref<1x512xf32, #tpu.memory_space<vmem_shared>>
      tpu.enqueue_dma source(%dma_start3A_1117 : memref<1x512xf32, #tpu.memory_space<vmem_shared>>) target(%dma_start3A_1115 : memref<1x512xf32, #tpu.memory_space<vmem>>) target_semaphore(%arg14 : memref<!tpu.dma_semaphore, #tpu.memory_space<semaphore_mem>>)
      %mul3A_1118 = arith.constant 32 : i32
      %mul3A_1119 = arith.muli %add3A_758, %mul3A_1118 : i32
      %add3A_1120 = arith.constant 16 : i32
      %add3A_1121 = arith.addi %mul3A_1119, %add3A_1120 : i32
      %get3A_1122 = arith.index_cast %add3A_1121 : i32 to index
      %get3A_1123 = tpu.vector_load %arg6[%get3A_1122] {strides = array<i32>} : memref<512xi32, #tpu.memory_space<vmem>>, vector<16xi32>,
      %get3A_1124 = vector.shape_cast %get3A_1123 : vector<16xi32> to vector<16xi32>
      %slice3A_1125 = vector.extract_strided_slice %get3A_1124 {offsets = [0], sizes = [1], strides = [1]} : vector<16xi32> to vector<1xi32>
      %squeeze3A_1126 = vector.extract %slice3A_1125[0] : i32 from vector<1xi32>
      %dma_start3A_1127 = arith.constant 1 : i32
      %dma_start3A_1128 = arith.constant 0 : i32
      %dma_start3A_1129 = arith.constant 0 : i32
      %dma_start3A_1130 = tpu.memref_slice %arg8[%dma_start3A_1127, %dma_start3A_1128, %dma_start3A_1129] : memref<2x32x512xf32, #tpu.memory_space<vmem>> -> memref<1x32x512xf32, #tpu.memory_space<vmem>>
      %dma_start3A_1131 = tpu.memref_squeeze %dma_start3A_1130 : memref<1x32x512xf32, #tpu.memory_space<vmem>> -> memref<32x512xf32, #tpu.memory_space<vmem>>
      %dma_start3A_1132 = arith.constant 16 : i32
      %dma_start3A_1133 = arith.constant 0 : i32
      %dma_start3A_1134 = tpu.memref_slice %dma_start3A_1131[%dma_start3A_1132, %dma_start3A_1133] : memref<32x512xf32, #tpu.memory_space<vmem>> -> memref<1x512xf32, #tpu.memory_space<vmem>>
      %dma_start3A_1135 = arith.constant 0 : i32
      %dma_start3A_1136 = tpu.memref_slice %arg10[%squeeze3A_1126, %dma_start3A_1135] : memref<1000x512xf32, #tpu.memory_space<vmem_shared>> -> memref<1x512xf32, #tpu.memory_space<vmem_shared>>
      %dma_start3A_1137 = arith.constant 0 : i32
      %dma_start3A_1138 = arith.constant 0 : i32
      %dma_start3A_1139 = tpu.memref_slice %arg8[%dma_start3A_1127, %dma_start3A_1137, %dma_start3A_1138] : memref<2x32x512xf32, #tpu.memory_space<vmem>> -> memref<1x32x512xf32, #tpu.memory_space<vmem>>
      %dma_start3A_1140 = tpu.memref_squeeze %dma_start3A_1139 : memref<1x32x512xf32, #tpu.memory_space<vmem>> -> memref<32x512xf32, #tpu.memory_space<vmem>>
      %dma_start3A_1141 = arith.constant 16 : i32
      %dma_start3A_1142 = arith.constant 0 : i32
      %dma_start3A_1143 = tpu.memref_slice %dma_start3A_1140[%dma_start3A_1141, %dma_start3A_1142] : memref<32x512xf32, #tpu.memory_space<vmem>> -> memref<1x512xf32, #tpu.memory_space<vmem>>
      %dma_start3A_1144 = arith.constant 0 : i32
      %dma_start3A_1145 = tpu.memref_slice %arg10[%squeeze3A_1126, %dma_start3A_1144] : memref<1000x512xf32, #tpu.memory_space<vmem_shared>> -> memref<1x512xf32, #tpu.memory_space<vmem_shared>>
      tpu.enqueue_dma source(%dma_start3A_1145 : memref<1x512xf32, #tpu.memory_space<vmem_shared>>) target(%dma_start3A_1143 : memref<1x512xf32, #tpu.memory_space<vmem>>) target_semaphore(%arg14 : memref<!tpu.dma_semaphore, #tpu.memory_space<semaphore_mem>>)
      %slice3A_1146 = vector.extract_strided_slice %get3A_1124 {offsets = [1], sizes = [1], strides = [1]} : vector<16xi32> to vector<1xi32>
      %squeeze3A_1147 = vector.extract %slice3A_1146[0] : i32 from vector<1xi32>
      %dma_start3A_1148 = arith.constant 1 : i32
      %dma_start3A_1149 = arith.constant 0 : i32
      %dma_start3A_1150 = arith.constant 0 : i32
      %dma_start3A_1151 = tpu.memref_slice %arg8[%dma_start3A_1148, %dma_start3A_1149, %dma_start3A_1150] : memref<2x32x512xf32, #tpu.memory_space<vmem>> -> memref<1x32x512xf32, #tpu.memory_space<vmem>>
      %dma_start3A_1152 = tpu.memref_squeeze %dma_start3A_1151 : memref<1x32x512xf32, #tpu.memory_space<vmem>> -> memref<32x512xf32, #tpu.memory_space<vmem>>
      %dma_start3A_1153 = arith.constant 17 : i32
      %dma_start3A_1154 = arith.constant 0 : i32
      %dma_start3A_1155 = tpu.memref_slice %dma_start3A_1152[%dma_start3A_1153, %dma_start3A_1154] : memref<32x512xf32, #tpu.memory_space<vmem>> -> memref<1x512xf32, #tpu.memory_space<vmem>>
      %dma_start3A_1156 = arith.constant 0 : i32
      %dma_start3A_1157 = tpu.memref_slice %arg10[%squeeze3A_1147, %dma_start3A_1156] : memref<1000x512xf32, #tpu.memory_space<vmem_shared>> -> memref<1x512xf32, #tpu.memory_space<vmem_shared>>
      %dma_start3A_1158 = arith.constant 0 : i32
      %dma_start3A_1159 = arith.constant 0 : i32
      %dma_start3A_1160 = tpu.memref_slice %arg8[%dma_start3A_1148, %dma_start3A_1158, %dma_start3A_1159] : memref<2x32x512xf32, #tpu.memory_space<vmem>> -> memref<1x32x512xf32, #tpu.memory_space<vmem>>
      %dma_start3A_1161 = tpu.memref_squeeze %dma_start3A_1160 : memref<1x32x512xf32, #tpu.memory_space<vmem>> -> memref<32x512xf32, #tpu.memory_space<vmem>>
      %dma_start3A_1162 = arith.constant 17 : i32
      %dma_start3A_1163 = arith.constant 0 : i32
      %dma_start3A_1164 = tpu.memref_slice %dma_start3A_1161[%dma_start3A_1162, %dma_start3A_1163] : memref<32x512xf32, #tpu.memory_space<vmem>> -> memref<1x512xf32, #tpu.memory_space<vmem>>
      %dma_start3A_1165 = arith.constant 0 : i32
      %dma_start3A_1166 = tpu.memref_slice %arg10[%squeeze3A_1147, %dma_start3A_1165] : memref<1000x512xf32, #tpu.memory_space<vmem_shared>> -> memref<1x512xf32, #tpu.memory_space<vmem_shared>>
      tpu.enqueue_dma source(%dma_start3A_1166 : memref<1x512xf32, #tpu.memory_space<vmem_shared>>) target(%dma_start3A_1164 : memref<1x512xf32, #tpu.memory_space<vmem>>) target_semaphore(%arg14 : memref<!tpu.dma_semaphore, #tpu.memory_space<semaphore_mem>>)
      %slice3A_1167 = vector.extract_strided_slice %get3A_1124 {offsets = [2], sizes = [1], strides = [1]} : vector<16xi32> to vector<1xi32>
      %squeeze3A_1168 = vector.extract %slice3A_1167[0] : i32 from vector<1xi32>
      %dma_start3A_1169 = arith.constant 1 : i32
      %dma_start3A_1170 = arith.constant 0 : i32
      %dma_start3A_1171 = arith.constant 0 : i32
      %dma_start3A_1172 = tpu.memref_slice %arg8[%dma_start3A_1169, %dma_start3A_1170, %dma_start3A_1171] : memref<2x32x512xf32, #tpu.memory_space<vmem>> -> memref<1x32x512xf32, #tpu.memory_space<vmem>>
      %dma_start3A_1173 = tpu.memref_squeeze %dma_start3A_1172 : memref<1x32x512xf32, #tpu.memory_space<vmem>> -> memref<32x512xf32, #tpu.memory_space<vmem>>
      %dma_start3A_1174 = arith.constant 18 : i32
      %dma_start3A_1175 = arith.constant 0 : i32
      %dma_start3A_1176 = tpu.memref_slice %dma_start3A_1173[%dma_start3A_1174, %dma_start3A_1175] : memref<32x512xf32, #tpu.memory_space<vmem>> -> memref<1x512xf32, #tpu.memory_space<vmem>>
      %dma_start3A_1177 = arith.constant 0 : i32
      %dma_start3A_1178 = tpu.memref_slice %arg10[%squeeze3A_1168, %dma_start3A_1177] : memref<1000x512xf32, #tpu.memory_space<vmem_shared>> -> memref<1x512xf32, #tpu.memory_space<vmem_shared>>
      %dma_start3A_1179 = arith.constant 0 : i32
      %dma_start3A_1180 = arith.constant 0 : i32
      %dma_start3A_1181 = tpu.memref_slice %arg8[%dma_start3A_1169, %dma_start3A_1179, %dma_start3A_1180] : memref<2x32x512xf32, #tpu.memory_space<vmem>> -> memref<1x32x512xf32, #tpu.memory_space<vmem>>
      %dma_start3A_1182 = tpu.memref_squeeze %dma_start3A_1181 : memref<1x32x512xf32, #tpu.memory_space<vmem>> -> memref<32x512xf32, #tpu.memory_space<vmem>>
      %dma_start3A_1183 = arith.constant 18 : i32
      %dma_start3A_1184 = arith.constant 0 : i32
      %dma_start3A_1185 = tpu.memref_slice %dma_start3A_1182[%dma_start3A_1183, %dma_start3A_1184] : memref<32x512xf32, #tpu.memory_space<vmem>> -> memref<1x512xf32, #tpu.memory_space<vmem>>
      %dma_start3A_1186 = arith.constant 0 : i32
      %dma_start3A_1187 = tpu.memref_slice %arg10[%squeeze3A_1168, %dma_start3A_1186] : memref<1000x512xf32, #tpu.memory_space<vmem_shared>> -> memref<1x512xf32, #tpu.memory_space<vmem_shared>>
      tpu.enqueue_dma source(%dma_start3A_1187 : memref<1x512xf32, #tpu.memory_space<vmem_shared>>) target(%dma_start3A_1185 : memref<1x512xf32, #tpu.memory_space<vmem>>) target_semaphore(%arg14 : memref<!tpu.dma_semaphore, #tpu.memory_space<semaphore_mem>>)
      %slice3A_1188 = vector.extract_strided_slice %get3A_1124 {offsets = [3], sizes = [1], strides = [1]} : vector<16xi32> to vector<1xi32>
      %squeeze3A_1189 = vector.extract %slice3A_1188[0] : i32 from vector<1xi32>
      %dma_start3A_1190 = arith.constant 1 : i32
      %dma_start3A_1191 = arith.constant 0 : i32
      %dma_start3A_1192 = arith.constant 0 : i32
      %dma_start3A_1193 = tpu.memref_slice %arg8[%dma_start3A_1190, %dma_start3A_1191, %dma_start3A_1192] : memref<2x32x512xf32, #tpu.memory_space<vmem>> -> memref<1x32x512xf32, #tpu.memory_space<vmem>>
      %dma_start3A_1194 = tpu.memref_squeeze %dma_start3A_1193 : memref<1x32x512xf32, #tpu.memory_space<vmem>> -> memref<32x512xf32, #tpu.memory_space<vmem>>
      %dma_start3A_1195 = arith.constant 19 : i32
      %dma_start3A_1196 = arith.constant 0 : i32
      %dma_start3A_1197 = tpu.memref_slice %dma_start3A_1194[%dma_start3A_1195, %dma_start3A_1196] : memref<32x512xf32, #tpu.memory_space<vmem>> -> memref<1x512xf32, #tpu.memory_space<vmem>>
      %dma_start3A_1198 = arith.constant 0 : i32
      %dma_start3A_1199 = tpu.memref_slice %arg10[%squeeze3A_1189, %dma_start3A_1198] : memref<1000x512xf32, #tpu.memory_space<vmem_shared>> -> memref<1x512xf32, #tpu.memory_space<vmem_shared>>
      %dma_start3A_1200 = arith.constant 0 : i32
      %dma_start3A_1201 = arith.constant 0 : i32
      %dma_start3A_1202 = tpu.memref_slice %arg8[%dma_start3A_1190, %dma_start3A_1200, %dma_start3A_1201] : memref<2x32x512xf32, #tpu.memory_space<vmem>> -> memref<1x32x512xf32, #tpu.memory_space<vmem>>
      %dma_start3A_1203 = tpu.memref_squeeze %dma_start3A_1202 : memref<1x32x512xf32, #tpu.memory_space<vmem>> -> memref<32x512xf32, #tpu.memory_space<vmem>>
      %dma_start3A_1204 = arith.constant 19 : i32
      %dma_start3A_1205 = arith.constant 0 : i32
      %dma_start3A_1206 = tpu.memref_slice %dma_start3A_1203[%dma_start3A_1204, %dma_start3A_1205] : memref<32x512xf32, #tpu.memory_space<vmem>> -> memref<1x512xf32, #tpu.memory_space<vmem>>
      %dma_start3A_1207 = arith.constant 0 : i32
      %dma_start3A_1208 = tpu.memref_slice %arg10[%squeeze3A_1189, %dma_start3A_1207] : memref<1000x512xf32, #tpu.memory_space<vmem_shared>> -> memref<1x512xf32, #tpu.memory_space<vmem_shared>>
      tpu.enqueue_dma source(%dma_start3A_1208 : memref<1x512xf32, #tpu.memory_space<vmem_shared>>) target(%dma_start3A_1206 : memref<1x512xf32, #tpu.memory_space<vmem>>) target_semaphore(%arg14 : memref<!tpu.dma_semaphore, #tpu.memory_space<semaphore_mem>>)
      %slice3A_1209 = vector.extract_strided_slice %get3A_1124 {offsets = [4], sizes = [1], strides = [1]} : vector<16xi32> to vector<1xi32>
      %squeeze3A_1210 = vector.extract %slice3A_1209[0] : i32 from vector<1xi32>
      %dma_start3A_1211 = arith.constant 1 : i32
      %dma_start3A_1212 = arith.constant 0 : i32
      %dma_start3A_1213 = arith.constant 0 : i32
      %dma_start3A_1214 = tpu.memref_slice %arg8[%dma_start3A_1211, %dma_start3A_1212, %dma_start3A_1213] : memref<2x32x512xf32, #tpu.memory_space<vmem>> -> memref<1x32x512xf32, #tpu.memory_space<vmem>>
      %dma_start3A_1215 = tpu.memref_squeeze %dma_start3A_1214 : memref<1x32x512xf32, #tpu.memory_space<vmem>> -> memref<32x512xf32, #tpu.memory_space<vmem>>
      %dma_start3A_1216 = arith.constant 20 : i32
      %dma_start3A_1217 = arith.constant 0 : i32
      %dma_start3A_1218 = tpu.memref_slice %dma_start3A_1215[%dma_start3A_1216, %dma_start3A_1217] : memref<32x512xf32, #tpu.memory_space<vmem>> -> memref<1x512xf32, #tpu.memory_space<vmem>>
      %dma_start3A_1219 = arith.constant 0 : i32
      %dma_start3A_1220 = tpu.memref_slice %arg10[%squeeze3A_1210, %dma_start3A_1219] : memref<1000x512xf32, #tpu.memory_space<vmem_shared>> -> memref<1x512xf32, #tpu.memory_space<vmem_shared>>
      %dma_start3A_1221 = arith.constant 0 : i32
      %dma_start3A_1222 = arith.constant 0 : i32
      %dma_start3A_1223 = tpu.memref_slice %arg8[%dma_start3A_1211, %dma_start3A_1221, %dma_start3A_1222] : memref<2x32x512xf32, #tpu.memory_space<vmem>> -> memref<1x32x512xf32, #tpu.memory_space<vmem>>
      %dma_start3A_1224 = tpu.memref_squeeze %dma_start3A_1223 : memref<1x32x512xf32, #tpu.memory_space<vmem>> -> memref<32x512xf32, #tpu.memory_space<vmem>>
      %dma_start3A_1225 = arith.constant 20 : i32
      %dma_start3A_1226 = arith.constant 0 : i32
      %dma_start3A_1227 = tpu.memref_slice %dma_start3A_1224[%dma_start3A_1225, %dma_start3A_1226] : memref<32x512xf32, #tpu.memory_space<vmem>> -> memref<1x512xf32, #tpu.memory_space<vmem>>
      %dma_start3A_1228 = arith.constant 0 : i32
      %dma_start3A_1229 = tpu.memref_slice %arg10[%squeeze3A_1210, %dma_start3A_1228] : memref<1000x512xf32, #tpu.memory_space<vmem_shared>> -> memref<1x512xf32, #tpu.memory_space<vmem_shared>>
      tpu.enqueue_dma source(%dma_start3A_1229 : memref<1x512xf32, #tpu.memory_space<vmem_shared>>) target(%dma_start3A_1227 : memref<1x512xf32, #tpu.memory_space<vmem>>) target_semaphore(%arg14 : memref<!tpu.dma_semaphore, #tpu.memory_space<semaphore_mem>>)
      %slice3A_1230 = vector.extract_strided_slice %get3A_1124 {offsets = [5], sizes = [1], strides = [1]} : vector<16xi32> to vector<1xi32>
      %squeeze3A_1231 = vector.extract %slice3A_1230[0] : i32 from vector<1xi32>
      %dma_start3A_1232 = arith.constant 1 : i32
      %dma_start3A_1233 = arith.constant 0 : i32
      %dma_start3A_1234 = arith.constant 0 : i32
      %dma_start3A_1235 = tpu.memref_slice %arg8[%dma_start3A_1232, %dma_start3A_1233, %dma_start3A_1234] : memref<2x32x512xf32, #tpu.memory_space<vmem>> -> memref<1x32x512xf32, #tpu.memory_space<vmem>>
      %dma_start3A_1236 = tpu.memref_squeeze %dma_start3A_1235 : memref<1x32x512xf32, #tpu.memory_space<vmem>> -> memref<32x512xf32, #tpu.memory_space<vmem>>
      %dma_start3A_1237 = arith.constant 21 : i32
      %dma_start3A_1238 = arith.constant 0 : i32
      %dma_start3A_1239 = tpu.memref_slice %dma_start3A_1236[%dma_start3A_1237, %dma_start3A_1238] : memref<32x512xf32, #tpu.memory_space<vmem>> -> memref<1x512xf32, #tpu.memory_space<vmem>>
      %dma_start3A_1240 = arith.constant 0 : i32
      %dma_start3A_1241 = tpu.memref_slice %arg10[%squeeze3A_1231, %dma_start3A_1240] : memref<1000x512xf32, #tpu.memory_space<vmem_shared>> -> memref<1x512xf32, #tpu.memory_space<vmem_shared>>
      %dma_start3A_1242 = arith.constant 0 : i32
      %dma_start3A_1243 = arith.constant 0 : i32
      %dma_start3A_1244 = tpu.memref_slice %arg8[%dma_start3A_1232, %dma_start3A_1242, %dma_start3A_1243] : memref<2x32x512xf32, #tpu.memory_space<vmem>> -> memref<1x32x512xf32, #tpu.memory_space<vmem>>
      %dma_start3A_1245 = tpu.memref_squeeze %dma_start3A_1244 : memref<1x32x512xf32, #tpu.memory_space<vmem>> -> memref<32x512xf32, #tpu.memory_space<vmem>>
      %dma_start3A_1246 = arith.constant 21 : i32
      %dma_start3A_1247 = arith.constant 0 : i32
      %dma_start3A_1248 = tpu.memref_slice %dma_start3A_1245[%dma_start3A_1246, %dma_start3A_1247] : memref<32x512xf32, #tpu.memory_space<vmem>> -> memref<1x512xf32, #tpu.memory_space<vmem>>
      %dma_start3A_1249 = arith.constant 0 : i32
      %dma_start3A_1250 = tpu.memref_slice %arg10[%squeeze3A_1231, %dma_start3A_1249] : memref<1000x512xf32, #tpu.memory_space<vmem_shared>> -> memref<1x512xf32, #tpu.memory_space<vmem_shared>>
      tpu.enqueue_dma source(%dma_start3A_1250 : memref<1x512xf32, #tpu.memory_space<vmem_shared>>) target(%dma_start3A_1248 : memref<1x512xf32, #tpu.memory_space<vmem>>) target_semaphore(%arg14 : memref<!tpu.dma_semaphore, #tpu.memory_space<semaphore_mem>>)
      %slice3A_1251 = vector.extract_strided_slice %get3A_1124 {offsets = [6], sizes = [1], strides = [1]} : vector<16xi32> to vector<1xi32>
      %squeeze3A_1252 = vector.extract %slice3A_1251[0] : i32 from vector<1xi32>
      %dma_start3A_1253 = arith.constant 1 : i32
      %dma_start3A_1254 = arith.constant 0 : i32
      %dma_start3A_1255 = arith.constant 0 : i32
      %dma_start3A_1256 = tpu.memref_slice %arg8[%dma_start3A_1253, %dma_start3A_1254, %dma_start3A_1255] : memref<2x32x512xf32, #tpu.memory_space<vmem>> -> memref<1x32x512xf32, #tpu.memory_space<vmem>>
      %dma_start3A_1257 = tpu.memref_squeeze %dma_start3A_1256 : memref<1x32x512xf32, #tpu.memory_space<vmem>> -> memref<32x512xf32, #tpu.memory_space<vmem>>
      %dma_start3A_1258 = arith.constant 22 : i32
      %dma_start3A_1259 = arith.constant 0 : i32
      %dma_start3A_1260 = tpu.memref_slice %dma_start3A_1257[%dma_start3A_1258, %dma_start3A_1259] : memref<32x512xf32, #tpu.memory_space<vmem>> -> memref<1x512xf32, #tpu.memory_space<vmem>>
      %dma_start3A_1261 = arith.constant 0 : i32
      %dma_start3A_1262 = tpu.memref_slice %arg10[%squeeze3A_1252, %dma_start3A_1261] : memref<1000x512xf32, #tpu.memory_space<vmem_shared>> -> memref<1x512xf32, #tpu.memory_space<vmem_shared>>
      %dma_start3A_1263 = arith.constant 0 : i32
      %dma_start3A_1264 = arith.constant 0 : i32
      %dma_start3A_1265 = tpu.memref_slice %arg8[%dma_start3A_1253, %dma_start3A_1263, %dma_start3A_1264] : memref<2x32x512xf32, #tpu.memory_space<vmem>> -> memref<1x32x512xf32, #tpu.memory_space<vmem>>
      %dma_start3A_1266 = tpu.memref_squeeze %dma_start3A_1265 : memref<1x32x512xf32, #tpu.memory_space<vmem>> -> memref<32x512xf32, #tpu.memory_space<vmem>>
      %dma_start3A_1267 = arith.constant 22 : i32
      %dma_start3A_1268 = arith.constant 0 : i32
      %dma_start3A_1269 = tpu.memref_slice %dma_start3A_1266[%dma_start3A_1267, %dma_start3A_1268] : memref<32x512xf32, #tpu.memory_space<vmem>> -> memref<1x512xf32, #tpu.memory_space<vmem>>
      %dma_start3A_1270 = arith.constant 0 : i32
      %dma_start3A_1271 = tpu.memref_slice %arg10[%squeeze3A_1252, %dma_start3A_1270] : memref<1000x512xf32, #tpu.memory_space<vmem_shared>> -> memref<1x512xf32, #tpu.memory_space<vmem_shared>>
      tpu.enqueue_dma source(%dma_start3A_1271 : memref<1x512xf32, #tpu.memory_space<vmem_shared>>) target(%dma_start3A_1269 : memref<1x512xf32, #tpu.memory_space<vmem>>) target_semaphore(%arg14 : memref<!tpu.dma_semaphore, #tpu.memory_space<semaphore_mem>>)
      %slice3A_1272 = vector.extract_strided_slice %get3A_1124 {offsets = [7], sizes = [1], strides = [1]} : vector<16xi32> to vector<1xi32>
      %squeeze3A_1273 = vector.extract %slice3A_1272[0] : i32 from vector<1xi32>
      %dma_start3A_1274 = arith.constant 1 : i32
      %dma_start3A_1275 = arith.constant 0 : i32
      %dma_start3A_1276 = arith.constant 0 : i32
      %dma_start3A_1277 = tpu.memref_slice %arg8[%dma_start3A_1274, %dma_start3A_1275, %dma_start3A_1276] : memref<2x32x512xf32, #tpu.memory_space<vmem>> -> memref<1x32x512xf32, #tpu.memory_space<vmem>>
      %dma_start3A_1278 = tpu.memref_squeeze %dma_start3A_1277 : memref<1x32x512xf32, #tpu.memory_space<vmem>> -> memref<32x512xf32, #tpu.memory_space<vmem>>
      %dma_start3A_1279 = arith.constant 23 : i32
      %dma_start3A_1280 = arith.constant 0 : i32
      %dma_start3A_1281 = tpu.memref_slice %dma_start3A_1278[%dma_start3A_1279, %dma_start3A_1280] : memref<32x512xf32, #tpu.memory_space<vmem>> -> memref<1x512xf32, #tpu.memory_space<vmem>>
      %dma_start3A_1282 = arith.constant 0 : i32
      %dma_start3A_1283 = tpu.memref_slice %arg10[%squeeze3A_1273, %dma_start3A_1282] : memref<1000x512xf32, #tpu.memory_space<vmem_shared>> -> memref<1x512xf32, #tpu.memory_space<vmem_shared>>
      %dma_start3A_1284 = arith.constant 0 : i32
      %dma_start3A_1285 = arith.constant 0 : i32
      %dma_start3A_1286 = tpu.memref_slice %arg8[%dma_start3A_1274, %dma_start3A_1284, %dma_start3A_1285] : memref<2x32x512xf32, #tpu.memory_space<vmem>> -> memref<1x32x512xf32, #tpu.memory_space<vmem>>
      %dma_start3A_1287 = tpu.memref_squeeze %dma_start3A_1286 : memref<1x32x512xf32, #tpu.memory_space<vmem>> -> memref<32x512xf32, #tpu.memory_space<vmem>>
      %dma_start3A_1288 = arith.constant 23 : i32
      %dma_start3A_1289 = arith.constant 0 : i32
      %dma_start3A_1290 = tpu.memref_slice %dma_start3A_1287[%dma_start3A_1288, %dma_start3A_1289] : memref<32x512xf32, #tpu.memory_space<vmem>> -> memref<1x512xf32, #tpu.memory_space<vmem>>
      %dma_start3A_1291 = arith.constant 0 : i32
      %dma_start3A_1292 = tpu.memref_slice %arg10[%squeeze3A_1273, %dma_start3A_1291] : memref<1000x512xf32, #tpu.memory_space<vmem_shared>> -> memref<1x512xf32, #tpu.memory_space<vmem_shared>>
      tpu.enqueue_dma source(%dma_start3A_1292 : memref<1x512xf32, #tpu.memory_space<vmem_shared>>) target(%dma_start3A_1290 : memref<1x512xf32, #tpu.memory_space<vmem>>) target_semaphore(%arg14 : memref<!tpu.dma_semaphore, #tpu.memory_space<semaphore_mem>>)
      %slice3A_1293 = vector.extract_strided_slice %get3A_1124 {offsets = [8], sizes = [1], strides = [1]} : vector<16xi32> to vector<1xi32>
      %squeeze3A_1294 = vector.extract %slice3A_1293[0] : i32 from vector<1xi32>
      %dma_start3A_1295 = arith.constant 1 : i32
      %dma_start3A_1296 = arith.constant 0 : i32
      %dma_start3A_1297 = arith.constant 0 : i32
      %dma_start3A_1298 = tpu.memref_slice %arg8[%dma_start3A_1295, %dma_start3A_1296, %dma_start3A_1297] : memref<2x32x512xf32, #tpu.memory_space<vmem>> -> memref<1x32x512xf32, #tpu.memory_space<vmem>>
      %dma_start3A_1299 = tpu.memref_squeeze %dma_start3A_1298 : memref<1x32x512xf32, #tpu.memory_space<vmem>> -> memref<32x512xf32, #tpu.memory_space<vmem>>
      %dma_start3A_1300 = arith.constant 24 : i32
      %dma_start3A_1301 = arith.constant 0 : i32
      %dma_start3A_1302 = tpu.memref_slice %dma_start3A_1299[%dma_start3A_1300, %dma_start3A_1301] : memref<32x512xf32, #tpu.memory_space<vmem>> -> memref<1x512xf32, #tpu.memory_space<vmem>>
      %dma_start3A_1303 = arith.constant 0 : i32
      %dma_start3A_1304 = tpu.memref_slice %arg10[%squeeze3A_1294, %dma_start3A_1303] : memref<1000x512xf32, #tpu.memory_space<vmem_shared>> -> memref<1x512xf32, #tpu.memory_space<vmem_shared>>
      %dma_start3A_1305 = arith.constant 0 : i32
      %dma_start3A_1306 = arith.constant 0 : i32
      %dma_start3A_1307 = tpu.memref_slice %arg8[%dma_start3A_1295, %dma_start3A_1305, %dma_start3A_1306] : memref<2x32x512xf32, #tpu.memory_space<vmem>> -> memref<1x32x512xf32, #tpu.memory_space<vmem>>
      %dma_start3A_1308 = tpu.memref_squeeze %dma_start3A_1307 : memref<1x32x512xf32, #tpu.memory_space<vmem>> -> memref<32x512xf32, #tpu.memory_space<vmem>>
      %dma_start3A_1309 = arith.constant 24 : i32
      %dma_start3A_1310 = arith.constant 0 : i32
      %dma_start3A_1311 = tpu.memref_slice %dma_start3A_1308[%dma_start3A_1309, %dma_start3A_1310] : memref<32x512xf32, #tpu.memory_space<vmem>> -> memref<1x512xf32, #tpu.memory_space<vmem>>
      %dma_start3A_1312 = arith.constant 0 : i32
      %dma_start3A_1313 = tpu.memref_slice %arg10[%squeeze3A_1294, %dma_start3A_1312] : memref<1000x512xf32, #tpu.memory_space<vmem_shared>> -> memref<1x512xf32, #tpu.memory_space<vmem_shared>>
      tpu.enqueue_dma source(%dma_start3A_1313 : memref<1x512xf32, #tpu.memory_space<vmem_shared>>) target(%dma_start3A_1311 : memref<1x512xf32, #tpu.memory_space<vmem>>) target_semaphore(%arg14 : memref<!tpu.dma_semaphore, #tpu.memory_space<semaphore_mem>>)
      %slice3A_1314 = vector.extract_strided_slice %get3A_1124 {offsets = [9], sizes = [1], strides = [1]} : vector<16xi32> to vector<1xi32>
      %squeeze3A_1315 = vector.extract %slice3A_1314[0] : i32 from vector<1xi32>
      %dma_start3A_1316 = arith.constant 1 : i32
      %dma_start3A_1317 = arith.constant 0 : i32
      %dma_start3A_1318 = arith.constant 0 : i32
      %dma_start3A_1319 = tpu.memref_slice %arg8[%dma_start3A_1316, %dma_start3A_1317, %dma_start3A_1318] : memref<2x32x512xf32, #tpu.memory_space<vmem>> -> memref<1x32x512xf32, #tpu.memory_space<vmem>>
      %dma_start3A_1320 = tpu.memref_squeeze %dma_start3A_1319 : memref<1x32x512xf32, #tpu.memory_space<vmem>> -> memref<32x512xf32, #tpu.memory_space<vmem>>
      %dma_start3A_1321 = arith.constant 25 : i32
      %dma_start3A_1322 = arith.constant 0 : i32
      %dma_start3A_1323 = tpu.memref_slice %dma_start3A_1320[%dma_start3A_1321, %dma_start3A_1322] : memref<32x512xf32, #tpu.memory_space<vmem>> -> memref<1x512xf32, #tpu.memory_space<vmem>>
      %dma_start3A_1324 = arith.constant 0 : i32
      %dma_start3A_1325 = tpu.memref_slice %arg10[%squeeze3A_1315, %dma_start3A_1324] : memref<1000x512xf32, #tpu.memory_space<vmem_shared>> -> memref<1x512xf32, #tpu.memory_space<vmem_shared>>
      %dma_start3A_1326 = arith.constant 0 : i32
      %dma_start3A_1327 = arith.constant 0 : i32
      %dma_start3A_1328 = tpu.memref_slice %arg8[%dma_start3A_1316, %dma_start3A_1326, %dma_start3A_1327] : memref<2x32x512xf32, #tpu.memory_space<vmem>> -> memref<1x32x512xf32, #tpu.memory_space<vmem>>
      %dma_start3A_1329 = tpu.memref_squeeze %dma_start3A_1328 : memref<1x32x512xf32, #tpu.memory_space<vmem>> -> memref<32x512xf32, #tpu.memory_space<vmem>>
      %dma_start3A_1330 = arith.constant 25 : i32
      %dma_start3A_1331 = arith.constant 0 : i32
      %dma_start3A_1332 = tpu.memref_slice %dma_start3A_1329[%dma_start3A_1330, %dma_start3A_1331] : memref<32x512xf32, #tpu.memory_space<vmem>> -> memref<1x512xf32, #tpu.memory_space<vmem>>
      %dma_start3A_1333 = arith.constant 0 : i32
      %dma_start3A_1334 = tpu.memref_slice %arg10[%squeeze3A_1315, %dma_start3A_1333] : memref<1000x512xf32, #tpu.memory_space<vmem_shared>> -> memref<1x512xf32, #tpu.memory_space<vmem_shared>>
      tpu.enqueue_dma source(%dma_start3A_1334 : memref<1x512xf32, #tpu.memory_space<vmem_shared>>) target(%dma_start3A_1332 : memref<1x512xf32, #tpu.memory_space<vmem>>) target_semaphore(%arg14 : memref<!tpu.dma_semaphore, #tpu.memory_space<semaphore_mem>>)
      %slice3A_1335 = vector.extract_strided_slice %get3A_1124 {offsets = [10], sizes = [1], strides = [1]} : vector<16xi32> to vector<1xi32>
      %squeeze3A_1336 = vector.extract %slice3A_1335[0] : i32 from vector<1xi32>
      %dma_start3A_1337 = arith.constant 1 : i32
      %dma_start3A_1338 = arith.constant 0 : i32
      %dma_start3A_1339 = arith.constant 0 : i32
      %dma_start3A_1340 = tpu.memref_slice %arg8[%dma_start3A_1337, %dma_start3A_1338, %dma_start3A_1339] : memref<2x32x512xf32, #tpu.memory_space<vmem>> -> memref<1x32x512xf32, #tpu.memory_space<vmem>>
      %dma_start3A_1341 = tpu.memref_squeeze %dma_start3A_1340 : memref<1x32x512xf32, #tpu.memory_space<vmem>> -> memref<32x512xf32, #tpu.memory_space<vmem>>
      %dma_start3A_1342 = arith.constant 26 : i32
      %dma_start3A_1343 = arith.constant 0 : i32
      %dma_start3A_1344 = tpu.memref_slice %dma_start3A_1341[%dma_start3A_1342, %dma_start3A_1343] : memref<32x512xf32, #tpu.memory_space<vmem>> -> memref<1x512xf32, #tpu.memory_space<vmem>>
      %dma_start3A_1345 = arith.constant 0 : i32
      %dma_start3A_1346 = tpu.memref_slice %arg10[%squeeze3A_1336, %dma_start3A_1345] : memref<1000x512xf32, #tpu.memory_space<vmem_shared>> -> memref<1x512xf32, #tpu.memory_space<vmem_shared>>
      %dma_start3A_1347 = arith.constant 0 : i32
      %dma_start3A_1348 = arith.constant 0 : i32
      %dma_start3A_1349 = tpu.memref_slice %arg8[%dma_start3A_1337, %dma_start3A_1347, %dma_start3A_1348] : memref<2x32x512xf32, #tpu.memory_space<vmem>> -> memref<1x32x512xf32, #tpu.memory_space<vmem>>
      %dma_start3A_1350 = tpu.memref_squeeze %dma_start3A_1349 : memref<1x32x512xf32, #tpu.memory_space<vmem>> -> memref<32x512xf32, #tpu.memory_space<vmem>>
      %dma_start3A_1351 = arith.constant 26 : i32
      %dma_start3A_1352 = arith.constant 0 : i32
      %dma_start3A_1353 = tpu.memref_slice %dma_start3A_1350[%dma_start3A_1351, %dma_start3A_1352] : memref<32x512xf32, #tpu.memory_space<vmem>> -> memref<1x512xf32, #tpu.memory_space<vmem>>
      %dma_start3A_1354 = arith.constant 0 : i32
      %dma_start3A_1355 = tpu.memref_slice %arg10[%squeeze3A_1336, %dma_start3A_1354] : memref<1000x512xf32, #tpu.memory_space<vmem_shared>> -> memref<1x512xf32, #tpu.memory_space<vmem_shared>>
      tpu.enqueue_dma source(%dma_start3A_1355 : memref<1x512xf32, #tpu.memory_space<vmem_shared>>) target(%dma_start3A_1353 : memref<1x512xf32, #tpu.memory_space<vmem>>) target_semaphore(%arg14 : memref<!tpu.dma_semaphore, #tpu.memory_space<semaphore_mem>>)
      %slice3A_1356 = vector.extract_strided_slice %get3A_1124 {offsets = [11], sizes = [1], strides = [1]} : vector<16xi32> to vector<1xi32>
      %squeeze3A_1357 = vector.extract %slice3A_1356[0] : i32 from vector<1xi32>
      %dma_start3A_1358 = arith.constant 1 : i32
      %dma_start3A_1359 = arith.constant 0 : i32
      %dma_start3A_1360 = arith.constant 0 : i32
      %dma_start3A_1361 = tpu.memref_slice %arg8[%dma_start3A_1358, %dma_start3A_1359, %dma_start3A_1360] : memref<2x32x512xf32, #tpu.memory_space<vmem>> -> memref<1x32x512xf32, #tpu.memory_space<vmem>>
      %dma_start3A_1362 = tpu.memref_squeeze %dma_start3A_1361 : memref<1x32x512xf32, #tpu.memory_space<vmem>> -> memref<32x512xf32, #tpu.memory_space<vmem>>
      %dma_start3A_1363 = arith.constant 27 : i32
      %dma_start3A_1364 = arith.constant 0 : i32
      %dma_start3A_1365 = tpu.memref_slice %dma_start3A_1362[%dma_start3A_1363, %dma_start3A_1364] : memref<32x512xf32, #tpu.memory_space<vmem>> -> memref<1x512xf32, #tpu.memory_space<vmem>>
      %dma_start3A_1366 = arith.constant 0 : i32
      %dma_start3A_1367 = tpu.memref_slice %arg10[%squeeze3A_1357, %dma_start3A_1366] : memref<1000x512xf32, #tpu.memory_space<vmem_shared>> -> memref<1x512xf32, #tpu.memory_space<vmem_shared>>
      %dma_start3A_1368 = arith.constant 0 : i32
      %dma_start3A_1369 = arith.constant 0 : i32
      %dma_start3A_1370 = tpu.memref_slice %arg8[%dma_start3A_1358, %dma_start3A_1368, %dma_start3A_1369] : memref<2x32x512xf32, #tpu.memory_space<vmem>> -> memref<1x32x512xf32, #tpu.memory_space<vmem>>
      %dma_start3A_1371 = tpu.memref_squeeze %dma_start3A_1370 : memref<1x32x512xf32, #tpu.memory_space<vmem>> -> memref<32x512xf32, #tpu.memory_space<vmem>>
      %dma_start3A_1372 = arith.constant 27 : i32
      %dma_start3A_1373 = arith.constant 0 : i32
      %dma_start3A_1374 = tpu.memref_slice %dma_start3A_1371[%dma_start3A_1372, %dma_start3A_1373] : memref<32x512xf32, #tpu.memory_space<vmem>> -> memref<1x512xf32, #tpu.memory_space<vmem>>
      %dma_start3A_1375 = arith.constant 0 : i32
      %dma_start3A_1376 = tpu.memref_slice %arg10[%squeeze3A_1357, %dma_start3A_1375] : memref<1000x512xf32, #tpu.memory_space<vmem_shared>> -> memref<1x512xf32, #tpu.memory_space<vmem_shared>>
      tpu.enqueue_dma source(%dma_start3A_1376 : memref<1x512xf32, #tpu.memory_space<vmem_shared>>) target(%dma_start3A_1374 : memref<1x512xf32, #tpu.memory_space<vmem>>) target_semaphore(%arg14 : memref<!tpu.dma_semaphore, #tpu.memory_space<semaphore_mem>>)
      %slice3A_1377 = vector.extract_strided_slice %get3A_1124 {offsets = [12], sizes = [1], strides = [1]} : vector<16xi32> to vector<1xi32>
      %squeeze3A_1378 = vector.extract %slice3A_1377[0] : i32 from vector<1xi32>
      %dma_start3A_1379 = arith.constant 1 : i32
      %dma_start3A_1380 = arith.constant 0 : i32
      %dma_start3A_1381 = arith.constant 0 : i32
      %dma_start3A_1382 = tpu.memref_slice %arg8[%dma_start3A_1379, %dma_start3A_1380, %dma_start3A_1381] : memref<2x32x512xf32, #tpu.memory_space<vmem>> -> memref<1x32x512xf32, #tpu.memory_space<vmem>>
      %dma_start3A_1383 = tpu.memref_squeeze %dma_start3A_1382 : memref<1x32x512xf32, #tpu.memory_space<vmem>> -> memref<32x512xf32, #tpu.memory_space<vmem>>
      %dma_start3A_1384 = arith.constant 28 : i32
      %dma_start3A_1385 = arith.constant 0 : i32
      %dma_start3A_1386 = tpu.memref_slice %dma_start3A_1383[%dma_start3A_1384, %dma_start3A_1385] : memref<32x512xf32, #tpu.memory_space<vmem>> -> memref<1x512xf32, #tpu.memory_space<vmem>>
      %dma_start3A_1387 = arith.constant 0 : i32
      %dma_start3A_1388 = tpu.memref_slice %arg10[%squeeze3A_1378, %dma_start3A_1387] : memref<1000x512xf32, #tpu.memory_space<vmem_shared>> -> memref<1x512xf32, #tpu.memory_space<vmem_shared>>
      %dma_start3A_1389 = arith.constant 0 : i32
      %dma_start3A_1390 = arith.constant 0 : i32
      %dma_start3A_1391 = tpu.memref_slice %arg8[%dma_start3A_1379, %dma_start3A_1389, %dma_start3A_1390] : memref<2x32x512xf32, #tpu.memory_space<vmem>> -> memref<1x32x512xf32, #tpu.memory_space<vmem>>
      %dma_start3A_1392 = tpu.memref_squeeze %dma_start3A_1391 : memref<1x32x512xf32, #tpu.memory_space<vmem>> -> memref<32x512xf32, #tpu.memory_space<vmem>>
      %dma_start3A_1393 = arith.constant 28 : i32
      %dma_start3A_1394 = arith.constant 0 : i32
      %dma_start3A_1395 = tpu.memref_slice %dma_start3A_1392[%dma_start3A_1393, %dma_start3A_1394] : memref<32x512xf32, #tpu.memory_space<vmem>> -> memref<1x512xf32, #tpu.memory_space<vmem>>
      %dma_start3A_1396 = arith.constant 0 : i32
      %dma_start3A_1397 = tpu.memref_slice %arg10[%squeeze3A_1378, %dma_start3A_1396] : memref<1000x512xf32, #tpu.memory_space<vmem_shared>> -> memref<1x512xf32, #tpu.memory_space<vmem_shared>>
      tpu.enqueue_dma source(%dma_start3A_1397 : memref<1x512xf32, #tpu.memory_space<vmem_shared>>) target(%dma_start3A_1395 : memref<1x512xf32, #tpu.memory_space<vmem>>) target_semaphore(%arg14 : memref<!tpu.dma_semaphore, #tpu.memory_space<semaphore_mem>>)
      %slice3A_1398 = vector.extract_strided_slice %get3A_1124 {offsets = [13], sizes = [1], strides = [1]} : vector<16xi32> to vector<1xi32>
      %squeeze3A_1399 = vector.extract %slice3A_1398[0] : i32 from vector<1xi32>
      %dma_start3A_1400 = arith.constant 1 : i32
      %dma_start3A_1401 = arith.constant 0 : i32
      %dma_start3A_1402 = arith.constant 0 : i32
      %dma_start3A_1403 = tpu.memref_slice %arg8[%dma_start3A_1400, %dma_start3A_1401, %dma_start3A_1402] : memref<2x32x512xf32, #tpu.memory_space<vmem>> -> memref<1x32x512xf32, #tpu.memory_space<vmem>>
      %dma_start3A_1404 = tpu.memref_squeeze %dma_start3A_1403 : memref<1x32x512xf32, #tpu.memory_space<vmem>> -> memref<32x512xf32, #tpu.memory_space<vmem>>
      %dma_start3A_1405 = arith.constant 29 : i32
      %dma_start3A_1406 = arith.constant 0 : i32
      %dma_start3A_1407 = tpu.memref_slice %dma_start3A_1404[%dma_start3A_1405, %dma_start3A_1406] : memref<32x512xf32, #tpu.memory_space<vmem>> -> memref<1x512xf32, #tpu.memory_space<vmem>>
      %dma_start3A_1408 = arith.constant 0 : i32
      %dma_start3A_1409 = tpu.memref_slice %arg10[%squeeze3A_1399, %dma_start3A_1408] : memref<1000x512xf32, #tpu.memory_space<vmem_shared>> -> memref<1x512xf32, #tpu.memory_space<vmem_shared>>
      %dma_start3A_1410 = arith.constant 0 : i32
      %dma_start3A_1411 = arith.constant 0 : i32
      %dma_start3A_1412 = tpu.memref_slice %arg8[%dma_start3A_1400, %dma_start3A_1410, %dma_start3A_1411] : memref<2x32x512xf32, #tpu.memory_space<vmem>> -> memref<1x32x512xf32, #tpu.memory_space<vmem>>
      %dma_start3A_1413 = tpu.memref_squeeze %dma_start3A_1412 : memref<1x32x512xf32, #tpu.memory_space<vmem>> -> memref<32x512xf32, #tpu.memory_space<vmem>>
      %dma_start3A_1414 = arith.constant 29 : i32
      %dma_start3A_1415 = arith.constant 0 : i32
      %dma_start3A_1416 = tpu.memref_slice %dma_start3A_1413[%dma_start3A_1414, %dma_start3A_1415] : memref<32x512xf32, #tpu.memory_space<vmem>> -> memref<1x512xf32, #tpu.memory_space<vmem>>
      %dma_start3A_1417 = arith.constant 0 : i32
      %dma_start3A_1418 = tpu.memref_slice %arg10[%squeeze3A_1399, %dma_start3A_1417] : memref<1000x512xf32, #tpu.memory_space<vmem_shared>> -> memref<1x512xf32, #tpu.memory_space<vmem_shared>>
      tpu.enqueue_dma source(%dma_start3A_1418 : memref<1x512xf32, #tpu.memory_space<vmem_shared>>) target(%dma_start3A_1416 : memref<1x512xf32, #tpu.memory_space<vmem>>) target_semaphore(%arg14 : memref<!tpu.dma_semaphore, #tpu.memory_space<semaphore_mem>>)
      %slice3A_1419 = vector.extract_strided_slice %get3A_1124 {offsets = [14], sizes = [1], strides = [1]} : vector<16xi32> to vector<1xi32>
      %squeeze3A_1420 = vector.extract %slice3A_1419[0] : i32 from vector<1xi32>
      %dma_start3A_1421 = arith.constant 1 : i32
      %dma_start3A_1422 = arith.constant 0 : i32
      %dma_start3A_1423 = arith.constant 0 : i32
      %dma_start3A_1424 = tpu.memref_slice %arg8[%dma_start3A_1421, %dma_start3A_1422, %dma_start3A_1423] : memref<2x32x512xf32, #tpu.memory_space<vmem>> -> memref<1x32x512xf32, #tpu.memory_space<vmem>>
      %dma_start3A_1425 = tpu.memref_squeeze %dma_start3A_1424 : memref<1x32x512xf32, #tpu.memory_space<vmem>> -> memref<32x512xf32, #tpu.memory_space<vmem>>
      %dma_start3A_1426 = arith.constant 30 : i32
      %dma_start3A_1427 = arith.constant 0 : i32
      %dma_start3A_1428 = tpu.memref_slice %dma_start3A_1425[%dma_start3A_1426, %dma_start3A_1427] : memref<32x512xf32, #tpu.memory_space<vmem>> -> memref<1x512xf32, #tpu.memory_space<vmem>>
      %dma_start3A_1429 = arith.constant 0 : i32
      %dma_start3A_1430 = tpu.memref_slice %arg10[%squeeze3A_1420, %dma_start3A_1429] : memref<1000x512xf32, #tpu.memory_space<vmem_shared>> -> memref<1x512xf32, #tpu.memory_space<vmem_shared>>
      %dma_start3A_1431 = arith.constant 0 : i32
      %dma_start3A_1432 = arith.constant 0 : i32
      %dma_start3A_1433 = tpu.memref_slice %arg8[%dma_start3A_1421, %dma_start3A_1431, %dma_start3A_1432] : memref<2x32x512xf32, #tpu.memory_space<vmem>> -> memref<1x32x512xf32, #tpu.memory_space<vmem>>
      %dma_start3A_1434 = tpu.memref_squeeze %dma_start3A_1433 : memref<1x32x512xf32, #tpu.memory_space<vmem>> -> memref<32x512xf32, #tpu.memory_space<vmem>>
      %dma_start3A_1435 = arith.constant 30 : i32
      %dma_start3A_1436 = arith.constant 0 : i32
      %dma_start3A_1437 = tpu.memref_slice %dma_start3A_1434[%dma_start3A_1435, %dma_start3A_1436] : memref<32x512xf32, #tpu.memory_space<vmem>> -> memref<1x512xf32, #tpu.memory_space<vmem>>
      %dma_start3A_1438 = arith.constant 0 : i32
      %dma_start3A_1439 = tpu.memref_slice %arg10[%squeeze3A_1420, %dma_start3A_1438] : memref<1000x512xf32, #tpu.memory_space<vmem_shared>> -> memref<1x512xf32, #tpu.memory_space<vmem_shared>>
      tpu.enqueue_dma source(%dma_start3A_1439 : memref<1x512xf32, #tpu.memory_space<vmem_shared>>) target(%dma_start3A_1437 : memref<1x512xf32, #tpu.memory_space<vmem>>) target_semaphore(%arg14 : memref<!tpu.dma_semaphore, #tpu.memory_space<semaphore_mem>>)
      %slice3A_1440 = vector.extract_strided_slice %get3A_1124 {offsets = [15], sizes = [1], strides = [1]} : vector<16xi32> to vector<1xi32>
      %squeeze3A_1441 = vector.extract %slice3A_1440[0] : i32 from vector<1xi32>
      %dma_start3A_1442 = arith.constant 1 : i32
      %dma_start3A_1443 = arith.constant 0 : i32
      %dma_start3A_1444 = arith.constant 0 : i32
      %dma_start3A_1445 = tpu.memref_slice %arg8[%dma_start3A_1442, %dma_start3A_1443, %dma_start3A_1444] : memref<2x32x512xf32, #tpu.memory_space<vmem>> -> memref<1x32x512xf32, #tpu.memory_space<vmem>>
      %dma_start3A_1446 = tpu.memref_squeeze %dma_start3A_1445 : memref<1x32x512xf32, #tpu.memory_space<vmem>> -> memref<32x512xf32, #tpu.memory_space<vmem>>
      %dma_start3A_1447 = arith.constant 31 : i32
      %dma_start3A_1448 = arith.constant 0 : i32
      %dma_start3A_1449 = tpu.memref_slice %dma_start3A_1446[%dma_start3A_1447, %dma_start3A_1448] : memref<32x512xf32, #tpu.memory_space<vmem>> -> memref<1x512xf32, #tpu.memory_space<vmem>>
      %dma_start3A_1450 = arith.constant 0 : i32
      %dma_start3A_1451 = tpu.memref_slice %arg10[%squeeze3A_1441, %dma_start3A_1450] : memref<1000x512xf32, #tpu.memory_space<vmem_shared>> -> memref<1x512xf32, #tpu.memory_space<vmem_shared>>
      %dma_start3A_1452 = arith.constant 0 : i32
      %dma_start3A_1453 = arith.constant 0 : i32
      %dma_start3A_1454 = tpu.memref_slice %arg8[%dma_start3A_1442, %dma_start3A_1452, %dma_start3A_1453] : memref<2x32x512xf32, #tpu.memory_space<vmem>> -> memref<1x32x512xf32, #tpu.memory_space<vmem>>
      %dma_start3A_1455 = tpu.memref_squeeze %dma_start3A_1454 : memref<1x32x512xf32, #tpu.memory_space<vmem>> -> memref<32x512xf32, #tpu.memory_space<vmem>>
      %dma_start3A_1456 = arith.constant 31 : i32
      %dma_start3A_1457 = arith.constant 0 : i32
      %dma_start3A_1458 = tpu.memref_slice %dma_start3A_1455[%dma_start3A_1456, %dma_start3A_1457] : memref<32x512xf32, #tpu.memory_space<vmem>> -> memref<1x512xf32, #tpu.memory_space<vmem>>
      %dma_start3A_1459 = arith.constant 0 : i32
      %dma_start3A_1460 = tpu.memref_slice %arg10[%squeeze3A_1441, %dma_start3A_1459] : memref<1000x512xf32, #tpu.memory_space<vmem_shared>> -> memref<1x512xf32, #tpu.memory_space<vmem_shared>>
      tpu.enqueue_dma source(%dma_start3A_1460 : memref<1x512xf32, #tpu.memory_space<vmem_shared>>) target(%dma_start3A_1458 : memref<1x512xf32, #tpu.memory_space<vmem>>) target_semaphore(%arg14 : memref<!tpu.dma_semaphore, #tpu.memory_space<semaphore_mem>>)
      %scan3A_1461 = arith.constant 0 : i32
      %scan3A_1462 = arith.constant 32 : i32
      %scan3A_1463 = arith.addi %scan3A_1461, %scan3A_1462 : i32
      %scan3A_1464 = arith.constant 1 : i32
      %scan3A_1465:4 = scf.for %scan3A_1507 = %scan3A_1461 to %scan3A_1463 step %scan3A_1464 iter_args(%scan3A_1508 = %scan3A_722, %scan3A_1509 = %scan3A_723, %scan3A_1510 = %scan3A_724, %scan3A_1511 = %scan3A_725) -> (vector<16xf32>, vector<16xf32>, vector<16xf32>, vector<16xf32>)  : i32 {
        %get3A_1512 = arith.constant 0 : i32
        %get3A_1513 = arith.index_cast %get3A_1512 : i32 to index
        %get3A_1514 = arith.index_cast %scan3A_1507 : i32 to index
        %get3A_1515 = arith.constant 0 : index
        %get3A_1516 = tpu.vector_load %arg7[%get3A_1513, %get3A_1514, %get3A_1515] {strides = array<i32>} : memref<2x32x512xf32, #tpu.memory_space<vmem>>, vector<1x1x16xf32>,
        %get3A_1517 = vector.shape_cast %get3A_1516 : vector<1x1x16xf32> to vector<16xf32>
        %get3A_1518 = arith.constant 0 : i32
        %get3A_1519 = arith.index_cast %get3A_1518 : i32 to index
        %get3A_1520 = arith.index_cast %scan3A_1507 : i32 to index
        %get3A_1521 = arith.constant 0 : index
        %get3A_1522 = tpu.vector_load %arg8[%get3A_1519, %get3A_1520, %get3A_1521] {strides = array<i32>} : memref<2x32x512xf32, #tpu.memory_space<vmem>>, vector<1x1x16xf32>,
        %get3A_1523 = vector.shape_cast %get3A_1522 : vector<1x1x16xf32> to vector<16xf32>
        %sub3A = arith.subf %get3A_1517, %get3A_1523 : vector<16xf32>
        %mul3A_1524 = arith.mulf %sub3A, %sub3A : vector<16xf32>
        %add3A_1525 = arith.addf %scan3A_1508, %mul3A_1524 : vector<16xf32>
        %get3A_1526 = arith.constant 0 : i32
        %get3A_1527 = arith.index_cast %get3A_1526 : i32 to index
        %get3A_1528 = arith.index_cast %scan3A_1507 : i32 to index
        %get3A_1529 = arith.constant 16 : index
        %get3A_1530 = tpu.vector_load %arg7[%get3A_1527, %get3A_1528, %get3A_1529] {strides = array<i32>} : memref<2x32x512xf32, #tpu.memory_space<vmem>>, vector<1x1x16xf32>,
        %get3A_1531 = vector.shape_cast %get3A_1530 : vector<1x1x16xf32> to vector<16xf32>
        %get3A_1532 = arith.constant 0 : i32
        %get3A_1533 = arith.index_cast %get3A_1532 : i32 to index
        %get3A_1534 = arith.index_cast %scan3A_1507 : i32 to index
        %get3A_1535 = arith.constant 16 : index
        %get3A_1536 = tpu.vector_load %arg8[%get3A_1533, %get3A_1534, %get3A_1535] {strides = array<i32>} : memref<2x32x512xf32, #tpu.memory_space<vmem>>, vector<1x1x16xf32>,
        %get3A_1537 = vector.shape_cast %get3A_1536 : vector<1x1x16xf32> to vector<16xf32>
        %sub3A_1538 = arith.subf %get3A_1531, %get3A_1537 : vector<16xf32>
        %mul3A_1539 = arith.mulf %sub3A_1538, %sub3A_1538 : vector<16xf32>
        %add3A_1540 = arith.addf %scan3A_1509, %mul3A_1539 : vector<16xf32>
        %get3A_1541 = arith.constant 0 : i32
        %get3A_1542 = arith.index_cast %get3A_1541 : i32 to index
        %get3A_1543 = arith.index_cast %scan3A_1507 : i32 to index
        %get3A_1544 = arith.constant 32 : index
        %get3A_1545 = tpu.vector_load %arg7[%get3A_1542, %get3A_1543, %get3A_1544] {strides = array<i32>} : memref<2x32x512xf32, #tpu.memory_space<vmem>>, vector<1x1x16xf32>,
        %get3A_1546 = vector.shape_cast %get3A_1545 : vector<1x1x16xf32> to vector<16xf32>
        %get3A_1547 = arith.constant 0 : i32
        %get3A_1548 = arith.index_cast %get3A_1547 : i32 to index
        %get3A_1549 = arith.index_cast %scan3A_1507 : i32 to index
        %get3A_1550 = arith.constant 32 : index
        %get3A_1551 = tpu.vector_load %arg8[%get3A_1548, %get3A_1549, %get3A_1550] {strides = array<i32>} : memref<2x32x512xf32, #tpu.memory_space<vmem>>, vector<1x1x16xf32>,
        %get3A_1552 = vector.shape_cast %get3A_1551 : vector<1x1x16xf32> to vector<16xf32>
        %sub3A_1553 = arith.subf %get3A_1546, %get3A_1552 : vector<16xf32>
        %mul3A_1554 = arith.mulf %sub3A_1553, %sub3A_1553 : vector<16xf32>
        %add3A_1555 = arith.addf %scan3A_1510, %mul3A_1554 : vector<16xf32>
        %get3A_1556 = arith.constant 0 : i32
        %get3A_1557 = arith.index_cast %get3A_1556 : i32 to index
        %get3A_1558 = arith.index_cast %scan3A_1507 : i32 to index
        %get3A_1559 = arith.constant 48 : index
        %get3A_1560 = tpu.vector_load %arg7[%get3A_1557, %get3A_1558, %get3A_1559] {strides = array<i32>} : memref<2x32x512xf32, #tpu.memory_space<vmem>>, vector<1x1x16xf32>,
        %get3A_1561 = vector.shape_cast %get3A_1560 : vector<1x1x16xf32> to vector<16xf32>
        %get3A_1562 = arith.constant 0 : i32
        %get3A_1563 = arith.index_cast %get3A_1562 : i32 to index
        %get3A_1564 = arith.index_cast %scan3A_1507 : i32 to index
        %get3A_1565 = arith.constant 48 : index
        %get3A_1566 = tpu.vector_load %arg8[%get3A_1563, %get3A_1564, %get3A_1565] {strides = array<i32>} : memref<2x32x512xf32, #tpu.memory_space<vmem>>, vector<1x1x16xf32>,
        %get3A_1567 = vector.shape_cast %get3A_1566 : vector<1x1x16xf32> to vector<16xf32>
        %sub3A_1568 = arith.subf %get3A_1561, %get3A_1567 : vector<16xf32>
        %mul3A_1569 = arith.mulf %sub3A_1568, %sub3A_1568 : vector<16xf32>
        %add3A_1570 = arith.addf %scan3A_1511, %mul3A_1569 : vector<16xf32>
        %get3A_1571 = arith.constant 0 : i32
        %get3A_1572 = arith.index_cast %get3A_1571 : i32 to index
        %get3A_1573 = arith.index_cast %scan3A_1507 : i32 to index
        %get3A_1574 = arith.constant 64 : index
        %get3A_1575 = tpu.vector_load %arg7[%get3A_1572, %get3A_1573, %get3A_1574] {strides = array<i32>} : memref<2x32x512xf32, #tpu.memory_space<vmem>>, vector<1x1x16xf32>,
        %get3A_1576 = vector.shape_cast %get3A_1575 : vector<1x1x16xf32> to vector<16xf32>
        %get3A_1577 = arith.constant 0 : i32
        %get3A_1578 = arith.index_cast %get3A_1577 : i32 to index
        %get3A_1579 = arith.index_cast %scan3A_1507 : i32 to index
        %get3A_1580 = arith.constant 64 : index
        %get3A_1581 = tpu.vector_load %arg8[%get3A_1578, %get3A_1579, %get3A_1580] {strides = array<i32>} : memref<2x32x512xf32, #tpu.memory_space<vmem>>, vector<1x1x16xf32>,
        %get3A_1582 = vector.shape_cast %get3A_1581 : vector<1x1x16xf32> to vector<16xf32>
        %sub3A_1583 = arith.subf %get3A_1576, %get3A_1582 : vector<16xf32>
        %mul3A_1584 = arith.mulf %sub3A_1583, %sub3A_1583 : vector<16xf32>
        %add3A_1585 = arith.addf %add3A_1525, %mul3A_1584 : vector<16xf32>
        %get3A_1586 = arith.constant 0 : i32
        %get3A_1587 = arith.index_cast %get3A_1586 : i32 to index
        %get3A_1588 = arith.index_cast %scan3A_1507 : i32 to index
        %get3A_1589 = arith.constant 80 : index
        %get3A_1590 = tpu.vector_load %arg7[%get3A_1587, %get3A_1588, %get3A_1589] {strides = array<i32>} : memref<2x32x512xf32, #tpu.memory_space<vmem>>, vector<1x1x16xf32>,
        %get3A_1591 = vector.shape_cast %get3A_1590 : vector<1x1x16xf32> to vector<16xf32>
        %get3A_1592 = arith.constant 0 : i32
        %get3A_1593 = arith.index_cast %get3A_1592 : i32 to index
        %get3A_1594 = arith.index_cast %scan3A_1507 : i32 to index
        %get3A_1595 = arith.constant 80 : index
        %get3A_1596 = tpu.vector_load %arg8[%get3A_1593, %get3A_1594, %get3A_1595] {strides = array<i32>} : memref<2x32x512xf32, #tpu.memory_space<vmem>>, vector<1x1x16xf32>,
        %get3A_1597 = vector.shape_cast %get3A_1596 : vector<1x1x16xf32> to vector<16xf32>
        %sub3A_1598 = arith.subf %get3A_1591, %get3A_1597 : vector<16xf32>
        %mul3A_1599 = arith.mulf %sub3A_1598, %sub3A_1598 : vector<16xf32>
        %add3A_1600 = arith.addf %add3A_1540, %mul3A_1599 : vector<16xf32>
        %get3A_1601 = arith.constant 0 : i32
        %get3A_1602 = arith.index_cast %get3A_1601 : i32 to index
        %get3A_1603 = arith.index_cast %scan3A_1507 : i32 to index
        %get3A_1604 = arith.constant 96 : index
        %get3A_1605 = tpu.vector_load %arg7[%get3A_1602, %get3A_1603, %get3A_1604] {strides = array<i32>} : memref<2x32x512xf32, #tpu.memory_space<vmem>>, vector<1x1x16xf32>,
        %get3A_1606 = vector.shape_cast %get3A_1605 : vector<1x1x16xf32> to vector<16xf32>
        %get3A_1607 = arith.constant 0 : i32
        %get3A_1608 = arith.index_cast %get3A_1607 : i32 to index
        %get3A_1609 = arith.index_cast %scan3A_1507 : i32 to index
        %get3A_1610 = arith.constant 96 : index
        %get3A_1611 = tpu.vector_load %arg8[%get3A_1608, %get3A_1609, %get3A_1610] {strides = array<i32>} : memref<2x32x512xf32, #tpu.memory_space<vmem>>, vector<1x1x16xf32>,
        %get3A_1612 = vector.shape_cast %get3A_1611 : vector<1x1x16xf32> to vector<16xf32>
        %sub3A_1613 = arith.subf %get3A_1606, %get3A_1612 : vector<16xf32>
        %mul3A_1614 = arith.mulf %sub3A_1613, %sub3A_1613 : vector<16xf32>
        %add3A_1615 = arith.addf %add3A_1555, %mul3A_1614 : vector<16xf32>
        %get3A_1616 = arith.constant 0 : i32
        %get3A_1617 = arith.index_cast %get3A_1616 : i32 to index
        %get3A_1618 = arith.index_cast %scan3A_1507 : i32 to index
        %get3A_1619 = arith.constant 112 : index
        %get3A_1620 = tpu.vector_load %arg7[%get3A_1617, %get3A_1618, %get3A_1619] {strides = array<i32>} : memref<2x32x512xf32, #tpu.memory_space<vmem>>, vector<1x1x16xf32>,
        %get3A_1621 = vector.shape_cast %get3A_1620 : vector<1x1x16xf32> to vector<16xf32>
        %get3A_1622 = arith.constant 0 : i32
        %get3A_1623 = arith.index_cast %get3A_1622 : i32 to index
        %get3A_1624 = arith.index_cast %scan3A_1507 : i32 to index
        %get3A_1625 = arith.constant 112 : index
        %get3A_1626 = tpu.vector_load %arg8[%get3A_1623, %get3A_1624, %get3A_1625] {strides = array<i32>} : memref<2x32x512xf32, #tpu.memory_space<vmem>>, vector<1x1x16xf32>,
        %get3A_1627 = vector.shape_cast %get3A_1626 : vector<1x1x16xf32> to vector<16xf32>
        %sub3A_1628 = arith.subf %get3A_1621, %get3A_1627 : vector<16xf32>
        %mul3A_1629 = arith.mulf %sub3A_1628, %sub3A_1628 : vector<16xf32>
        %add3A_1630 = arith.addf %add3A_1570, %mul3A_1629 : vector<16xf32>
        %get3A_1631 = arith.constant 0 : i32
        %get3A_1632 = arith.index_cast %get3A_1631 : i32 to index
        %get3A_1633 = arith.index_cast %scan3A_1507 : i32 to index
        %get3A_1634 = arith.constant 128 : index
        %get3A_1635 = tpu.vector_load %arg7[%get3A_1632, %get3A_1633, %get3A_1634] {strides = array<i32>} : memref<2x32x512xf32, #tpu.memory_space<vmem>>, vector<1x1x16xf32>,
        %get3A_1636 = vector.shape_cast %get3A_1635 : vector<1x1x16xf32> to vector<16xf32>
        %get3A_1637 = arith.constant 0 : i32
        %get3A_1638 = arith.index_cast %get3A_1637 : i32 to index
        %get3A_1639 = arith.index_cast %scan3A_1507 : i32 to index
        %get3A_1640 = arith.constant 128 : index
        %get3A_1641 = tpu.vector_load %arg8[%get3A_1638, %get3A_1639, %get3A_1640] {strides = array<i32>} : memref<2x32x512xf32, #tpu.memory_space<vmem>>, vector<1x1x16xf32>,
        %get3A_1642 = vector.shape_cast %get3A_1641 : vector<1x1x16xf32> to vector<16xf32>
        %sub3A_1643 = arith.subf %get3A_1636, %get3A_1642 : vector<16xf32>
        %mul3A_1644 = arith.mulf %sub3A_1643, %sub3A_1643 : vector<16xf32>
        %add3A_1645 = arith.addf %add3A_1585, %mul3A_1644 : vector<16xf32>
        %get3A_1646 = arith.constant 0 : i32
        %get3A_1647 = arith.index_cast %get3A_1646 : i32 to index
        %get3A_1648 = arith.index_cast %scan3A_1507 : i32 to index
        %get3A_1649 = arith.constant 144 : index
        %get3A_1650 = tpu.vector_load %arg7[%get3A_1647, %get3A_1648, %get3A_1649] {strides = array<i32>} : memref<2x32x512xf32, #tpu.memory_space<vmem>>, vector<1x1x16xf32>,
        %get3A_1651 = vector.shape_cast %get3A_1650 : vector<1x1x16xf32> to vector<16xf32>
        %get3A_1652 = arith.constant 0 : i32
        %get3A_1653 = arith.index_cast %get3A_1652 : i32 to index
        %get3A_1654 = arith.index_cast %scan3A_1507 : i32 to index
        %get3A_1655 = arith.constant 144 : index
        %get3A_1656 = tpu.vector_load %arg8[%get3A_1653, %get3A_1654, %get3A_1655] {strides = array<i32>} : memref<2x32x512xf32, #tpu.memory_space<vmem>>, vector<1x1x16xf32>,
        %get3A_1657 = vector.shape_cast %get3A_1656 : vector<1x1x16xf32> to vector<16xf32>
        %sub3A_1658 = arith.subf %get3A_1651, %get3A_1657 : vector<16xf32>
        %mul3A_1659 = arith.mulf %sub3A_1658, %sub3A_1658 : vector<16xf32>
        %add3A_1660 = arith.addf %add3A_1600, %mul3A_1659 : vector<16xf32>
        %get3A_1661 = arith.constant 0 : i32
        %get3A_1662 = arith.index_cast %get3A_1661 : i32 to index
        %get3A_1663 = arith.index_cast %scan3A_1507 : i32 to index
        %get3A_1664 = arith.constant 160 : index
        %get3A_1665 = tpu.vector_load %arg7[%get3A_1662, %get3A_1663, %get3A_1664] {strides = array<i32>} : memref<2x32x512xf32, #tpu.memory_space<vmem>>, vector<1x1x16xf32>,
        %get3A_1666 = vector.shape_cast %get3A_1665 : vector<1x1x16xf32> to vector<16xf32>
        %get3A_1667 = arith.constant 0 : i32
        %get3A_1668 = arith.index_cast %get3A_1667 : i32 to index
        %get3A_1669 = arith.index_cast %scan3A_1507 : i32 to index
        %get3A_1670 = arith.constant 160 : index
        %get3A_1671 = tpu.vector_load %arg8[%get3A_1668, %get3A_1669, %get3A_1670] {strides = array<i32>} : memref<2x32x512xf32, #tpu.memory_space<vmem>>, vector<1x1x16xf32>,
        %get3A_1672 = vector.shape_cast %get3A_1671 : vector<1x1x16xf32> to vector<16xf32>
        %sub3A_1673 = arith.subf %get3A_1666, %get3A_1672 : vector<16xf32>
        %mul3A_1674 = arith.mulf %sub3A_1673, %sub3A_1673 : vector<16xf32>
        %add3A_1675 = arith.addf %add3A_1615, %mul3A_1674 : vector<16xf32>
        %get3A_1676 = arith.constant 0 : i32
        %get3A_1677 = arith.index_cast %get3A_1676 : i32 to index
        %get3A_1678 = arith.index_cast %scan3A_1507 : i32 to index
        %get3A_1679 = arith.constant 176 : index
        %get3A_1680 = tpu.vector_load %arg7[%get3A_1677, %get3A_1678, %get3A_1679] {strides = array<i32>} : memref<2x32x512xf32, #tpu.memory_space<vmem>>, vector<1x1x16xf32>,
        %get3A_1681 = vector.shape_cast %get3A_1680 : vector<1x1x16xf32> to vector<16xf32>
        %get3A_1682 = arith.constant 0 : i32
        %get3A_1683 = arith.index_cast %get3A_1682 : i32 to index
        %get3A_1684 = arith.index_cast %scan3A_1507 : i32 to index
        %get3A_1685 = arith.constant 176 : index
        %get3A_1686 = tpu.vector_load %arg8[%get3A_1683, %get3A_1684, %get3A_1685] {strides = array<i32>} : memref<2x32x512xf32, #tpu.memory_space<vmem>>, vector<1x1x16xf32>,
        %get3A_1687 = vector.shape_cast %get3A_1686 : vector<1x1x16xf32> to vector<16xf32>
        %sub3A_1688 = arith.subf %get3A_1681, %get3A_1687 : vector<16xf32>
        %mul3A_1689 = arith.mulf %sub3A_1688, %sub3A_1688 : vector<16xf32>
        %add3A_1690 = arith.addf %add3A_1630, %mul3A_1689 : vector<16xf32>
        %get3A_1691 = arith.constant 0 : i32
        %get3A_1692 = arith.index_cast %get3A_1691 : i32 to index
        %get3A_1693 = arith.index_cast %scan3A_1507 : i32 to index
        %get3A_1694 = arith.constant 192 : index
        %get3A_1695 = tpu.vector_load %arg7[%get3A_1692, %get3A_1693, %get3A_1694] {strides = array<i32>} : memref<2x32x512xf32, #tpu.memory_space<vmem>>, vector<1x1x16xf32>,
        %get3A_1696 = vector.shape_cast %get3A_1695 : vector<1x1x16xf32> to vector<16xf32>
        %get3A_1697 = arith.constant 0 : i32
        %get3A_1698 = arith.index_cast %get3A_1697 : i32 to index
        %get3A_1699 = arith.index_cast %scan3A_1507 : i32 to index
        %get3A_1700 = arith.constant 192 : index
        %get3A_1701 = tpu.vector_load %arg8[%get3A_1698, %get3A_1699, %get3A_1700] {strides = array<i32>} : memref<2x32x512xf32, #tpu.memory_space<vmem>>, vector<1x1x16xf32>,
        %get3A_1702 = vector.shape_cast %get3A_1701 : vector<1x1x16xf32> to vector<16xf32>
        %sub3A_1703 = arith.subf %get3A_1696, %get3A_1702 : vector<16xf32>
        %mul3A_1704 = arith.mulf %sub3A_1703, %sub3A_1703 : vector<16xf32>
        %add3A_1705 = arith.addf %add3A_1645, %mul3A_1704 : vector<16xf32>
        %get3A_1706 = arith.constant 0 : i32
        %get3A_1707 = arith.index_cast %get3A_1706 : i32 to index
        %get3A_1708 = arith.index_cast %scan3A_1507 : i32 to index
        %get3A_1709 = arith.constant 208 : index
        %get3A_1710 = tpu.vector_load %arg7[%get3A_1707, %get3A_1708, %get3A_1709] {strides = array<i32>} : memref<2x32x512xf32, #tpu.memory_space<vmem>>, vector<1x1x16xf32>,
        %get3A_1711 = vector.shape_cast %get3A_1710 : vector<1x1x16xf32> to vector<16xf32>
        %get3A_1712 = arith.constant 0 : i32
        %get3A_1713 = arith.index_cast %get3A_1712 : i32 to index
        %get3A_1714 = arith.index_cast %scan3A_1507 : i32 to index
        %get3A_1715 = arith.constant 208 : index
        %get3A_1716 = tpu.vector_load %arg8[%get3A_1713, %get3A_1714, %get3A_1715] {strides = array<i32>} : memref<2x32x512xf32, #tpu.memory_space<vmem>>, vector<1x1x16xf32>,
        %get3A_1717 = vector.shape_cast %get3A_1716 : vector<1x1x16xf32> to vector<16xf32>
        %sub3A_1718 = arith.subf %get3A_1711, %get3A_1717 : vector<16xf32>
        %mul3A_1719 = arith.mulf %sub3A_1718, %sub3A_1718 : vector<16xf32>
        %add3A_1720 = arith.addf %add3A_1660, %mul3A_1719 : vector<16xf32>
        %get3A_1721 = arith.constant 0 : i32
        %get3A_1722 = arith.index_cast %get3A_1721 : i32 to index
        %get3A_1723 = arith.index_cast %scan3A_1507 : i32 to index
        %get3A_1724 = arith.constant 224 : index
        %get3A_1725 = tpu.vector_load %arg7[%get3A_1722, %get3A_1723, %get3A_1724] {strides = array<i32>} : memref<2x32x512xf32, #tpu.memory_space<vmem>>, vector<1x1x16xf32>,
        %get3A_1726 = vector.shape_cast %get3A_1725 : vector<1x1x16xf32> to vector<16xf32>
        %get3A_1727 = arith.constant 0 : i32
        %get3A_1728 = arith.index_cast %get3A_1727 : i32 to index
        %get3A_1729 = arith.index_cast %scan3A_1507 : i32 to index
        %get3A_1730 = arith.constant 224 : index
        %get3A_1731 = tpu.vector_load %arg8[%get3A_1728, %get3A_1729, %get3A_1730] {strides = array<i32>} : memref<2x32x512xf32, #tpu.memory_space<vmem>>, vector<1x1x16xf32>,
        %get3A_1732 = vector.shape_cast %get3A_1731 : vector<1x1x16xf32> to vector<16xf32>
        %sub3A_1733 = arith.subf %get3A_1726, %get3A_1732 : vector<16xf32>
        %mul3A_1734 = arith.mulf %sub3A_1733, %sub3A_1733 : vector<16xf32>
        %add3A_1735 = arith.addf %add3A_1675, %mul3A_1734 : vector<16xf32>
        %get3A_1736 = arith.constant 0 : i32
        %get3A_1737 = arith.index_cast %get3A_1736 : i32 to index
        %get3A_1738 = arith.index_cast %scan3A_1507 : i32 to index
        %get3A_1739 = arith.constant 240 : index
        %get3A_1740 = tpu.vector_load %arg7[%get3A_1737, %get3A_1738, %get3A_1739] {strides = array<i32>} : memref<2x32x512xf32, #tpu.memory_space<vmem>>, vector<1x1x16xf32>,
        %get3A_1741 = vector.shape_cast %get3A_1740 : vector<1x1x16xf32> to vector<16xf32>
        %get3A_1742 = arith.constant 0 : i32
        %get3A_1743 = arith.index_cast %get3A_1742 : i32 to index
        %get3A_1744 = arith.index_cast %scan3A_1507 : i32 to index
        %get3A_1745 = arith.constant 240 : index
        %get3A_1746 = tpu.vector_load %arg8[%get3A_1743, %get3A_1744, %get3A_1745] {strides = array<i32>} : memref<2x32x512xf32, #tpu.memory_space<vmem>>, vector<1x1x16xf32>,
        %get3A_1747 = vector.shape_cast %get3A_1746 : vector<1x1x16xf32> to vector<16xf32>
        %sub3A_1748 = arith.subf %get3A_1741, %get3A_1747 : vector<16xf32>
        %mul3A_1749 = arith.mulf %sub3A_1748, %sub3A_1748 : vector<16xf32>
        %add3A_1750 = arith.addf %add3A_1690, %mul3A_1749 : vector<16xf32>
        %get3A_1751 = arith.constant 0 : i32
        %get3A_1752 = arith.index_cast %get3A_1751 : i32 to index
        %get3A_1753 = arith.index_cast %scan3A_1507 : i32 to index
        %get3A_1754 = arith.constant 256 : index
        %get3A_1755 = tpu.vector_load %arg7[%get3A_1752, %get3A_1753, %get3A_1754] {strides = array<i32>} : memref<2x32x512xf32, #tpu.memory_space<vmem>>, vector<1x1x16xf32>,
        %get3A_1756 = vector.shape_cast %get3A_1755 : vector<1x1x16xf32> to vector<16xf32>
        %get3A_1757 = arith.constant 0 : i32
        %get3A_1758 = arith.index_cast %get3A_1757 : i32 to index
        %get3A_1759 = arith.index_cast %scan3A_1507 : i32 to index
        %get3A_1760 = arith.constant 256 : index
        %get3A_1761 = tpu.vector_load %arg8[%get3A_1758, %get3A_1759, %get3A_1760] {strides = array<i32>} : memref<2x32x512xf32, #tpu.memory_space<vmem>>, vector<1x1x16xf32>,
        %get3A_1762 = vector.shape_cast %get3A_1761 : vector<1x1x16xf32> to vector<16xf32>
        %sub3A_1763 = arith.subf %get3A_1756, %get3A_1762 : vector<16xf32>
        %mul3A_1764 = arith.mulf %sub3A_1763, %sub3A_1763 : vector<16xf32>
        %add3A_1765 = arith.addf %add3A_1705, %mul3A_1764 : vector<16xf32>
        %get3A_1766 = arith.constant 0 : i32
        %get3A_1767 = arith.index_cast %get3A_1766 : i32 to index
        %get3A_1768 = arith.index_cast %scan3A_1507 : i32 to index
        %get3A_1769 = arith.constant 272 : index
        %get3A_1770 = tpu.vector_load %arg7[%get3A_1767, %get3A_1768, %get3A_1769] {strides = array<i32>} : memref<2x32x512xf32, #tpu.memory_space<vmem>>, vector<1x1x16xf32>,
        %get3A_1771 = vector.shape_cast %get3A_1770 : vector<1x1x16xf32> to vector<16xf32>
        %get3A_1772 = arith.constant 0 : i32
        %get3A_1773 = arith.index_cast %get3A_1772 : i32 to index
        %get3A_1774 = arith.index_cast %scan3A_1507 : i32 to index
        %get3A_1775 = arith.constant 272 : index
        %get3A_1776 = tpu.vector_load %arg8[%get3A_1773, %get3A_1774, %get3A_1775] {strides = array<i32>} : memref<2x32x512xf32, #tpu.memory_space<vmem>>, vector<1x1x16xf32>,
        %get3A_1777 = vector.shape_cast %get3A_1776 : vector<1x1x16xf32> to vector<16xf32>
        %sub3A_1778 = arith.subf %get3A_1771, %get3A_1777 : vector<16xf32>
        %mul3A_1779 = arith.mulf %sub3A_1778, %sub3A_1778 : vector<16xf32>
        %add3A_1780 = arith.addf %add3A_1720, %mul3A_1779 : vector<16xf32>
        %get3A_1781 = arith.constant 0 : i32
        %get3A_1782 = arith.index_cast %get3A_1781 : i32 to index
        %get3A_1783 = arith.index_cast %scan3A_1507 : i32 to index
        %get3A_1784 = arith.constant 288 : index
        %get3A_1785 = tpu.vector_load %arg7[%get3A_1782, %get3A_1783, %get3A_1784] {strides = array<i32>} : memref<2x32x512xf32, #tpu.memory_space<vmem>>, vector<1x1x16xf32>,
        %get3A_1786 = vector.shape_cast %get3A_1785 : vector<1x1x16xf32> to vector<16xf32>
        %get3A_1787 = arith.constant 0 : i32
        %get3A_1788 = arith.index_cast %get3A_1787 : i32 to index
        %get3A_1789 = arith.index_cast %scan3A_1507 : i32 to index
        %get3A_1790 = arith.constant 288 : index
        %get3A_1791 = tpu.vector_load %arg8[%get3A_1788, %get3A_1789, %get3A_1790] {strides = array<i32>} : memref<2x32x512xf32, #tpu.memory_space<vmem>>, vector<1x1x16xf32>,
        %get3A_1792 = vector.shape_cast %get3A_1791 : vector<1x1x16xf32> to vector<16xf32>
        %sub3A_1793 = arith.subf %get3A_1786, %get3A_1792 : vector<16xf32>
        %mul3A_1794 = arith.mulf %sub3A_1793, %sub3A_1793 : vector<16xf32>
        %add3A_1795 = arith.addf %add3A_1735, %mul3A_1794 : vector<16xf32>
        %get3A_1796 = arith.constant 0 : i32
        %get3A_1797 = arith.index_cast %get3A_1796 : i32 to index
        %get3A_1798 = arith.index_cast %scan3A_1507 : i32 to index
        %get3A_1799 = arith.constant 304 : index
        %get3A_1800 = tpu.vector_load %arg7[%get3A_1797, %get3A_1798, %get3A_1799] {strides = array<i32>} : memref<2x32x512xf32, #tpu.memory_space<vmem>>, vector<1x1x16xf32>,
        %get3A_1801 = vector.shape_cast %get3A_1800 : vector<1x1x16xf32> to vector<16xf32>
        %get3A_1802 = arith.constant 0 : i32
        %get3A_1803 = arith.index_cast %get3A_1802 : i32 to index
        %get3A_1804 = arith.index_cast %scan3A_1507 : i32 to index
        %get3A_1805 = arith.constant 304 : index
        %get3A_1806 = tpu.vector_load %arg8[%get3A_1803, %get3A_1804, %get3A_1805] {strides = array<i32>} : memref<2x32x512xf32, #tpu.memory_space<vmem>>, vector<1x1x16xf32>,
        %get3A_1807 = vector.shape_cast %get3A_1806 : vector<1x1x16xf32> to vector<16xf32>
        %sub3A_1808 = arith.subf %get3A_1801, %get3A_1807 : vector<16xf32>
        %mul3A_1809 = arith.mulf %sub3A_1808, %sub3A_1808 : vector<16xf32>
        %add3A_1810 = arith.addf %add3A_1750, %mul3A_1809 : vector<16xf32>
        %get3A_1811 = arith.constant 0 : i32
        %get3A_1812 = arith.index_cast %get3A_1811 : i32 to index
        %get3A_1813 = arith.index_cast %scan3A_1507 : i32 to index
        %get3A_1814 = arith.constant 320 : index
        %get3A_1815 = tpu.vector_load %arg7[%get3A_1812, %get3A_1813, %get3A_1814] {strides = array<i32>} : memref<2x32x512xf32, #tpu.memory_space<vmem>>, vector<1x1x16xf32>,
        %get3A_1816 = vector.shape_cast %get3A_1815 : vector<1x1x16xf32> to vector<16xf32>
        %get3A_1817 = arith.constant 0 : i32
        %get3A_1818 = arith.index_cast %get3A_1817 : i32 to index
        %get3A_1819 = arith.index_cast %scan3A_1507 : i32 to index
        %get3A_1820 = arith.constant 320 : index
        %get3A_1821 = tpu.vector_load %arg8[%get3A_1818, %get3A_1819, %get3A_1820] {strides = array<i32>} : memref<2x32x512xf32, #tpu.memory_space<vmem>>, vector<1x1x16xf32>,
        %get3A_1822 = vector.shape_cast %get3A_1821 : vector<1x1x16xf32> to vector<16xf32>
        %sub3A_1823 = arith.subf %get3A_1816, %get3A_1822 : vector<16xf32>
        %mul3A_1824 = arith.mulf %sub3A_1823, %sub3A_1823 : vector<16xf32>
        %add3A_1825 = arith.addf %add3A_1765, %mul3A_1824 : vector<16xf32>
        %get3A_1826 = arith.constant 0 : i32
        %get3A_1827 = arith.index_cast %get3A_1826 : i32 to index
        %get3A_1828 = arith.index_cast %scan3A_1507 : i32 to index
        %get3A_1829 = arith.constant 336 : index
        %get3A_1830 = tpu.vector_load %arg7[%get3A_1827, %get3A_1828, %get3A_1829] {strides = array<i32>} : memref<2x32x512xf32, #tpu.memory_space<vmem>>, vector<1x1x16xf32>,
        %get3A_1831 = vector.shape_cast %get3A_1830 : vector<1x1x16xf32> to vector<16xf32>
        %get3A_1832 = arith.constant 0 : i32
        %get3A_1833 = arith.index_cast %get3A_1832 : i32 to index
        %get3A_1834 = arith.index_cast %scan3A_1507 : i32 to index
        %get3A_1835 = arith.constant 336 : index
        %get3A_1836 = tpu.vector_load %arg8[%get3A_1833, %get3A_1834, %get3A_1835] {strides = array<i32>} : memref<2x32x512xf32, #tpu.memory_space<vmem>>, vector<1x1x16xf32>,
        %get3A_1837 = vector.shape_cast %get3A_1836 : vector<1x1x16xf32> to vector<16xf32>
        %sub3A_1838 = arith.subf %get3A_1831, %get3A_1837 : vector<16xf32>
        %mul3A_1839 = arith.mulf %sub3A_1838, %sub3A_1838 : vector<16xf32>
        %add3A_1840 = arith.addf %add3A_1780, %mul3A_1839 : vector<16xf32>
        %get3A_1841 = arith.constant 0 : i32
        %get3A_1842 = arith.index_cast %get3A_1841 : i32 to index
        %get3A_1843 = arith.index_cast %scan3A_1507 : i32 to index
        %get3A_1844 = arith.constant 352 : index
        %get3A_1845 = tpu.vector_load %arg7[%get3A_1842, %get3A_1843, %get3A_1844] {strides = array<i32>} : memref<2x32x512xf32, #tpu.memory_space<vmem>>, vector<1x1x16xf32>,
        %get3A_1846 = vector.shape_cast %get3A_1845 : vector<1x1x16xf32> to vector<16xf32>
        %get3A_1847 = arith.constant 0 : i32
        %get3A_1848 = arith.index_cast %get3A_1847 : i32 to index
        %get3A_1849 = arith.index_cast %scan3A_1507 : i32 to index
        %get3A_1850 = arith.constant 352 : index
        %get3A_1851 = tpu.vector_load %arg8[%get3A_1848, %get3A_1849, %get3A_1850] {strides = array<i32>} : memref<2x32x512xf32, #tpu.memory_space<vmem>>, vector<1x1x16xf32>,
        %get3A_1852 = vector.shape_cast %get3A_1851 : vector<1x1x16xf32> to vector<16xf32>
        %sub3A_1853 = arith.subf %get3A_1846, %get3A_1852 : vector<16xf32>
        %mul3A_1854 = arith.mulf %sub3A_1853, %sub3A_1853 : vector<16xf32>
        %add3A_1855 = arith.addf %add3A_1795, %mul3A_1854 : vector<16xf32>
        %get3A_1856 = arith.constant 0 : i32
        %get3A_1857 = arith.index_cast %get3A_1856 : i32 to index
        %get3A_1858 = arith.index_cast %scan3A_1507 : i32 to index
        %get3A_1859 = arith.constant 368 : index
        %get3A_1860 = tpu.vector_load %arg7[%get3A_1857, %get3A_1858, %get3A_1859] {strides = array<i32>} : memref<2x32x512xf32, #tpu.memory_space<vmem>>, vector<1x1x16xf32>,
        %get3A_1861 = vector.shape_cast %get3A_1860 : vector<1x1x16xf32> to vector<16xf32>
        %get3A_1862 = arith.constant 0 : i32
        %get3A_1863 = arith.index_cast %get3A_1862 : i32 to index
        %get3A_1864 = arith.index_cast %scan3A_1507 : i32 to index
        %get3A_1865 = arith.constant 368 : index
        %get3A_1866 = tpu.vector_load %arg8[%get3A_1863, %get3A_1864, %get3A_1865] {strides = array<i32>} : memref<2x32x512xf32, #tpu.memory_space<vmem>>, vector<1x1x16xf32>,
        %get3A_1867 = vector.shape_cast %get3A_1866 : vector<1x1x16xf32> to vector<16xf32>
        %sub3A_1868 = arith.subf %get3A_1861, %get3A_1867 : vector<16xf32>
        %mul3A_1869 = arith.mulf %sub3A_1868, %sub3A_1868 : vector<16xf32>
        %add3A_1870 = arith.addf %add3A_1810, %mul3A_1869 : vector<16xf32>
        %get3A_1871 = arith.constant 0 : i32
        %get3A_1872 = arith.index_cast %get3A_1871 : i32 to index
        %get3A_1873 = arith.index_cast %scan3A_1507 : i32 to index
        %get3A_1874 = arith.constant 384 : index
        %get3A_1875 = tpu.vector_load %arg7[%get3A_1872, %get3A_1873, %get3A_1874] {strides = array<i32>} : memref<2x32x512xf32, #tpu.memory_space<vmem>>, vector<1x1x16xf32>,
        %get3A_1876 = vector.shape_cast %get3A_1875 : vector<1x1x16xf32> to vector<16xf32>
        %get3A_1877 = arith.constant 0 : i32
        %get3A_1878 = arith.index_cast %get3A_1877 : i32 to index
        %get3A_1879 = arith.index_cast %scan3A_1507 : i32 to index
        %get3A_1880 = arith.constant 384 : index
        %get3A_1881 = tpu.vector_load %arg8[%get3A_1878, %get3A_1879, %get3A_1880] {strides = array<i32>} : memref<2x32x512xf32, #tpu.memory_space<vmem>>, vector<1x1x16xf32>,
        %get3A_1882 = vector.shape_cast %get3A_1881 : vector<1x1x16xf32> to vector<16xf32>
        %sub3A_1883 = arith.subf %get3A_1876, %get3A_1882 : vector<16xf32>
        %mul3A_1884 = arith.mulf %sub3A_1883, %sub3A_1883 : vector<16xf32>
        %add3A_1885 = arith.addf %add3A_1825, %mul3A_1884 : vector<16xf32>
        %get3A_1886 = arith.constant 0 : i32
        %get3A_1887 = arith.index_cast %get3A_1886 : i32 to index
        %get3A_1888 = arith.index_cast %scan3A_1507 : i32 to index
        %get3A_1889 = arith.constant 400 : index
        %get3A_1890 = tpu.vector_load %arg7[%get3A_1887, %get3A_1888, %get3A_1889] {strides = array<i32>} : memref<2x32x512xf32, #tpu.memory_space<vmem>>, vector<1x1x16xf32>,
        %get3A_1891 = vector.shape_cast %get3A_1890 : vector<1x1x16xf32> to vector<16xf32>
        %get3A_1892 = arith.constant 0 : i32
        %get3A_1893 = arith.index_cast %get3A_1892 : i32 to index
        %get3A_1894 = arith.index_cast %scan3A_1507 : i32 to index
        %get3A_1895 = arith.constant 400 : index
        %get3A_1896 = tpu.vector_load %arg8[%get3A_1893, %get3A_1894, %get3A_1895] {strides = array<i32>} : memref<2x32x512xf32, #tpu.memory_space<vmem>>, vector<1x1x16xf32>,
        %get3A_1897 = vector.shape_cast %get3A_1896 : vector<1x1x16xf32> to vector<16xf32>
        %sub3A_1898 = arith.subf %get3A_1891, %get3A_1897 : vector<16xf32>
        %mul3A_1899 = arith.mulf %sub3A_1898, %sub3A_1898 : vector<16xf32>
        %add3A_1900 = arith.addf %add3A_1840, %mul3A_1899 : vector<16xf32>
        %get3A_1901 = arith.constant 0 : i32
        %get3A_1902 = arith.index_cast %get3A_1901 : i32 to index
        %get3A_1903 = arith.index_cast %scan3A_1507 : i32 to index
        %get3A_1904 = arith.constant 416 : index
        %get3A_1905 = tpu.vector_load %arg7[%get3A_1902, %get3A_1903, %get3A_1904] {strides = array<i32>} : memref<2x32x512xf32, #tpu.memory_space<vmem>>, vector<1x1x16xf32>,
        %get3A_1906 = vector.shape_cast %get3A_1905 : vector<1x1x16xf32> to vector<16xf32>
        %get3A_1907 = arith.constant 0 : i32
        %get3A_1908 = arith.index_cast %get3A_1907 : i32 to index
        %get3A_1909 = arith.index_cast %scan3A_1507 : i32 to index
        %get3A_1910 = arith.constant 416 : index
        %get3A_1911 = tpu.vector_load %arg8[%get3A_1908, %get3A_1909, %get3A_1910] {strides = array<i32>} : memref<2x32x512xf32, #tpu.memory_space<vmem>>, vector<1x1x16xf32>,
        %get3A_1912 = vector.shape_cast %get3A_1911 : vector<1x1x16xf32> to vector<16xf32>
        %sub3A_1913 = arith.subf %get3A_1906, %get3A_1912 : vector<16xf32>
        %mul3A_1914 = arith.mulf %sub3A_1913, %sub3A_1913 : vector<16xf32>
        %add3A_1915 = arith.addf %add3A_1855, %mul3A_1914 : vector<16xf32>
        %get3A_1916 = arith.constant 0 : i32
        %get3A_1917 = arith.index_cast %get3A_1916 : i32 to index
        %get3A_1918 = arith.index_cast %scan3A_1507 : i32 to index
        %get3A_1919 = arith.constant 432 : index
        %get3A_1920 = tpu.vector_load %arg7[%get3A_1917, %get3A_1918, %get3A_1919] {strides = array<i32>} : memref<2x32x512xf32, #tpu.memory_space<vmem>>, vector<1x1x16xf32>,
        %get3A_1921 = vector.shape_cast %get3A_1920 : vector<1x1x16xf32> to vector<16xf32>
        %get3A_1922 = arith.constant 0 : i32
        %get3A_1923 = arith.index_cast %get3A_1922 : i32 to index
        %get3A_1924 = arith.index_cast %scan3A_1507 : i32 to index
        %get3A_1925 = arith.constant 432 : index
        %get3A_1926 = tpu.vector_load %arg8[%get3A_1923, %get3A_1924, %get3A_1925] {strides = array<i32>} : memref<2x32x512xf32, #tpu.memory_space<vmem>>, vector<1x1x16xf32>,
        %get3A_1927 = vector.shape_cast %get3A_1926 : vector<1x1x16xf32> to vector<16xf32>
        %sub3A_1928 = arith.subf %get3A_1921, %get3A_1927 : vector<16xf32>
        %mul3A_1929 = arith.mulf %sub3A_1928, %sub3A_1928 : vector<16xf32>
        %add3A_1930 = arith.addf %add3A_1870, %mul3A_1929 : vector<16xf32>
        %get3A_1931 = arith.constant 0 : i32
        %get3A_1932 = arith.index_cast %get3A_1931 : i32 to index
        %get3A_1933 = arith.index_cast %scan3A_1507 : i32 to index
        %get3A_1934 = arith.constant 448 : index
        %get3A_1935 = tpu.vector_load %arg7[%get3A_1932, %get3A_1933, %get3A_1934] {strides = array<i32>} : memref<2x32x512xf32, #tpu.memory_space<vmem>>, vector<1x1x16xf32>,
        %get3A_1936 = vector.shape_cast %get3A_1935 : vector<1x1x16xf32> to vector<16xf32>
        %get3A_1937 = arith.constant 0 : i32
        %get3A_1938 = arith.index_cast %get3A_1937 : i32 to index
        %get3A_1939 = arith.index_cast %scan3A_1507 : i32 to index
        %get3A_1940 = arith.constant 448 : index
        %get3A_1941 = tpu.vector_load %arg8[%get3A_1938, %get3A_1939, %get3A_1940] {strides = array<i32>} : memref<2x32x512xf32, #tpu.memory_space<vmem>>, vector<1x1x16xf32>,
        %get3A_1942 = vector.shape_cast %get3A_1941 : vector<1x1x16xf32> to vector<16xf32>
        %sub3A_1943 = arith.subf %get3A_1936, %get3A_1942 : vector<16xf32>
        %mul3A_1944 = arith.mulf %sub3A_1943, %sub3A_1943 : vector<16xf32>
        %add3A_1945 = arith.addf %add3A_1885, %mul3A_1944 : vector<16xf32>
        %get3A_1946 = arith.constant 0 : i32
        %get3A_1947 = arith.index_cast %get3A_1946 : i32 to index
        %get3A_1948 = arith.index_cast %scan3A_1507 : i32 to index
        %get3A_1949 = arith.constant 464 : index
        %get3A_1950 = tpu.vector_load %arg7[%get3A_1947, %get3A_1948, %get3A_1949] {strides = array<i32>} : memref<2x32x512xf32, #tpu.memory_space<vmem>>, vector<1x1x16xf32>,
        %get3A_1951 = vector.shape_cast %get3A_1950 : vector<1x1x16xf32> to vector<16xf32>
        %get3A_1952 = arith.constant 0 : i32
        %get3A_1953 = arith.index_cast %get3A_1952 : i32 to index
        %get3A_1954 = arith.index_cast %scan3A_1507 : i32 to index
        %get3A_1955 = arith.constant 464 : index
        %get3A_1956 = tpu.vector_load %arg8[%get3A_1953, %get3A_1954, %get3A_1955] {strides = array<i32>} : memref<2x32x512xf32, #tpu.memory_space<vmem>>, vector<1x1x16xf32>,
        %get3A_1957 = vector.shape_cast %get3A_1956 : vector<1x1x16xf32> to vector<16xf32>
        %sub3A_1958 = arith.subf %get3A_1951, %get3A_1957 : vector<16xf32>
        %mul3A_1959 = arith.mulf %sub3A_1958, %sub3A_1958 : vector<16xf32>
        %add3A_1960 = arith.addf %add3A_1900, %mul3A_1959 : vector<16xf32>
        %get3A_1961 = arith.constant 0 : i32
        %get3A_1962 = arith.index_cast %get3A_1961 : i32 to index
        %get3A_1963 = arith.index_cast %scan3A_1507 : i32 to index
        %get3A_1964 = arith.constant 480 : index
        %get3A_1965 = tpu.vector_load %arg7[%get3A_1962, %get3A_1963, %get3A_1964] {strides = array<i32>} : memref<2x32x512xf32, #tpu.memory_space<vmem>>, vector<1x1x16xf32>,
        %get3A_1966 = vector.shape_cast %get3A_1965 : vector<1x1x16xf32> to vector<16xf32>
        %get3A_1967 = arith.constant 0 : i32
        %get3A_1968 = arith.index_cast %get3A_1967 : i32 to index
        %get3A_1969 = arith.index_cast %scan3A_1507 : i32 to index
        %get3A_1970 = arith.constant 480 : index
        %get3A_1971 = tpu.vector_load %arg8[%get3A_1968, %get3A_1969, %get3A_1970] {strides = array<i32>} : memref<2x32x512xf32, #tpu.memory_space<vmem>>, vector<1x1x16xf32>,
        %get3A_1972 = vector.shape_cast %get3A_1971 : vector<1x1x16xf32> to vector<16xf32>
        %sub3A_1973 = arith.subf %get3A_1966, %get3A_1972 : vector<16xf32>
        %mul3A_1974 = arith.mulf %sub3A_1973, %sub3A_1973 : vector<16xf32>
        %add3A_1975 = arith.addf %add3A_1915, %mul3A_1974 : vector<16xf32>
        %get3A_1976 = arith.constant 0 : i32
        %get3A_1977 = arith.index_cast %get3A_1976 : i32 to index
        %get3A_1978 = arith.index_cast %scan3A_1507 : i32 to index
        %get3A_1979 = arith.constant 496 : index
        %get3A_1980 = tpu.vector_load %arg7[%get3A_1977, %get3A_1978, %get3A_1979] {strides = array<i32>} : memref<2x32x512xf32, #tpu.memory_space<vmem>>, vector<1x1x16xf32>,
        %get3A_1981 = vector.shape_cast %get3A_1980 : vector<1x1x16xf32> to vector<16xf32>
        %get3A_1982 = arith.constant 0 : i32
        %get3A_1983 = arith.index_cast %get3A_1982 : i32 to index
        %get3A_1984 = arith.index_cast %scan3A_1507 : i32 to index
        %get3A_1985 = arith.constant 496 : index
        %get3A_1986 = tpu.vector_load %arg8[%get3A_1983, %get3A_1984, %get3A_1985] {strides = array<i32>} : memref<2x32x512xf32, #tpu.memory_space<vmem>>, vector<1x1x16xf32>,
        %get3A_1987 = vector.shape_cast %get3A_1986 : vector<1x1x16xf32> to vector<16xf32>
        %sub3A_1988 = arith.subf %get3A_1981, %get3A_1987 : vector<16xf32>
        %mul3A_1989 = arith.mulf %sub3A_1988, %sub3A_1988 : vector<16xf32>
        %add3A_1990 = arith.addf %add3A_1930, %mul3A_1989 : vector<16xf32>
        scf.yield %add3A_1945, %add3A_1960, %add3A_1975, %add3A_1990 : vector<16xf32>, vector<16xf32>, vector<16xf32>, vector<16xf32>
      }
      %scan3A_1466 = arith.constant 32 : i32
      %dma_wait3A_1467 = arith.constant 1 : i32
      %dma_wait3A_1468 = arith.constant 0 : i32
      %dma_wait3A_1469 = arith.constant 0 : i32
      %dma_wait3A_1470 = tpu.memref_slice %arg7[%dma_wait3A_1467, %dma_wait3A_1468, %dma_wait3A_1469] : memref<2x32x512xf32, #tpu.memory_space<vmem>> -> memref<1x32x512xf32, #tpu.memory_space<vmem>>
      %dma_wait3A_1471 = tpu.memref_squeeze %dma_wait3A_1470 : memref<1x32x512xf32, #tpu.memory_space<vmem>> -> memref<32x512xf32, #tpu.memory_space<vmem>>
      %dma_wait3A_1472 = arith.constant 0 : i32
      %dma_wait3A_1473 = arith.constant 0 : i32
      %dma_wait3A_1474 = tpu.memref_slice %arg2[%dma_wait3A_1472, %dma_wait3A_1473] : memref<16384x512xf32, #tpu.memory_space<hbm>> -> memref<32x512xf32, #tpu.memory_space<hbm>>
      %dma_wait3A_1475 = arith.constant 0 : i32
      %dma_wait3A_1476 = arith.constant 0 : i32
      %dma_wait3A_1477 = tpu.memref_slice %arg7[%dma_wait3A_1467, %dma_wait3A_1475, %dma_wait3A_1476] : memref<2x32x512xf32, #tpu.memory_space<vmem>> -> memref<1x32x512xf32, #tpu.memory_space<vmem>>
      %dma_wait3A_1478 = tpu.memref_squeeze %dma_wait3A_1477 : memref<1x32x512xf32, #tpu.memory_space<vmem>> -> memref<32x512xf32, #tpu.memory_space<vmem>>
      %dma_wait3A_1479 = arith.constant 0 : i32
      %dma_wait3A_1480 = arith.constant 0 : i32
      %dma_wait3A_1481 = tpu.memref_slice %arg2[%dma_wait3A_1479, %dma_wait3A_1480] : memref<16384x512xf32, #tpu.memory_space<hbm>> -> memref<32x512xf32, #tpu.memory_space<hbm>>
      tpu.wait_dma2 semaphore(%arg12 : memref<!tpu.dma_semaphore, #tpu.memory_space<semaphore_mem>>) src(%dma_wait3A_1481 : memref<32x512xf32, #tpu.memory_space<hbm>>) dst(%dma_wait3A_1478 : memref<32x512xf32, #tpu.memory_space<vmem>>)
      %dma_wait3A_1482 = arith.constant 1 : i32
      %dma_wait3A_1483 = arith.constant 0 : i32
      %dma_wait3A_1484 = arith.constant 0 : i32
      %dma_wait3A_1485 = tpu.memref_slice %arg8[%dma_wait3A_1482, %dma_wait3A_1483, %dma_wait3A_1484] : memref<2x32x512xf32, #tpu.memory_space<vmem>> -> memref<1x32x512xf32, #tpu.memory_space<vmem>>
      %dma_wait3A_1486 = tpu.memref_squeeze %dma_wait3A_1485 : memref<1x32x512xf32, #tpu.memory_space<vmem>> -> memref<32x512xf32, #tpu.memory_space<vmem>>
      %dma_wait3A_1487 = arith.constant 0 : i32
      %dma_wait3A_1488 = arith.constant 0 : i32
      %dma_wait3A_1489 = tpu.memref_slice %arg2[%dma_wait3A_1487, %dma_wait3A_1488] : memref<16384x512xf32, #tpu.memory_space<hbm>> -> memref<32x512xf32, #tpu.memory_space<hbm>>
      %dma_wait3A_1490 = arith.constant 0 : i32
      %dma_wait3A_1491 = arith.constant 0 : i32
      %dma_wait3A_1492 = tpu.memref_slice %arg8[%dma_wait3A_1482, %dma_wait3A_1490, %dma_wait3A_1491] : memref<2x32x512xf32, #tpu.memory_space<vmem>> -> memref<1x32x512xf32, #tpu.memory_space<vmem>>
      %dma_wait3A_1493 = tpu.memref_squeeze %dma_wait3A_1492 : memref<1x32x512xf32, #tpu.memory_space<vmem>> -> memref<32x512xf32, #tpu.memory_space<vmem>>
      %dma_wait3A_1494 = arith.constant 0 : i32
      %dma_wait3A_1495 = arith.constant 0 : i32
      %dma_wait3A_1496 = tpu.memref_slice %arg2[%dma_wait3A_1494, %dma_wait3A_1495] : memref<16384x512xf32, #tpu.memory_space<hbm>> -> memref<32x512xf32, #tpu.memory_space<hbm>>
      tpu.wait_dma2 semaphore(%arg14 : memref<!tpu.dma_semaphore, #tpu.memory_space<semaphore_mem>>) src(%dma_wait3A_1496 : memref<32x512xf32, #tpu.memory_space<hbm>>) dst(%dma_wait3A_1493 : memref<32x512xf32, #tpu.memory_space<vmem>>)
      %lt3A = arith.constant 7 : i32
      %lt3A_1497 = arith.cmpi slt, %scan3A_721, %lt3A : i32
      %convert_element_type3A_1498 = arith.extui %lt3A_1497 : i1 to i32
      %cond3A_1499 = arith.constant 0 : i32
      %cond3A_1500 = arith.cmpi ne, %convert_element_type3A_1498, %cond3A_1499 : i32
      scf.if %cond3A_1500 {
        %add3A_1507 = arith.constant 2 : i32
        %add3A_1508 = arith.addi %mul3A_727, %add3A_1507 : i32
        %mul3A_1509 = arith.constant 32 : i32
        %mul3A_1510 = arith.muli %add3A_1508, %mul3A_1509 : i32
        %add3A_1511 = arith.addi %mul3A_2, %mul3A_1510 : i32
        %dma_start3A_1512 = arith.constant 0 : i32
        %dma_start3A_1513 = arith.constant 0 : i32
        %dma_start3A_1514 = arith.constant 0 : i32
        %dma_start3A_1515 = tpu.memref_slice %arg7[%dma_start3A_1512, %dma_start3A_1513, %dma_start3A_1514] : memref<2x32x512xf32, #tpu.memory_space<vmem>> -> memref<1x32x512xf32, #tpu.memory_space<vmem>>
        %dma_start3A_1516 = tpu.memref_squeeze %dma_start3A_1515 : memref<1x32x512xf32, #tpu.memory_space<vmem>> -> memref<32x512xf32, #tpu.memory_space<vmem>>
        %dma_start3A_1517 = arith.constant 0 : i32
        %dma_start3A_1518 = tpu.memref_slice %arg2[%add3A_1511, %dma_start3A_1517] : memref<16384x512xf32, #tpu.memory_space<hbm>> -> memref<32x512xf32, #tpu.memory_space<hbm>>
        %dma_start3A_1519 = arith.constant 0 : i32
        %dma_start3A_1520 = arith.constant 0 : i32
        %dma_start3A_1521 = tpu.memref_slice %arg7[%dma_start3A_1512, %dma_start3A_1519, %dma_start3A_1520] : memref<2x32x512xf32, #tpu.memory_space<vmem>> -> memref<1x32x512xf32, #tpu.memory_space<vmem>>
        %dma_start3A_1522 = tpu.memref_squeeze %dma_start3A_1521 : memref<1x32x512xf32, #tpu.memory_space<vmem>> -> memref<32x512xf32, #tpu.memory_space<vmem>>
        %dma_start3A_1523 = arith.constant 0 : i32
        %dma_start3A_1524 = tpu.memref_slice %arg2[%add3A_1511, %dma_start3A_1523] : memref<16384x512xf32, #tpu.memory_space<hbm>> -> memref<32x512xf32, #tpu.memory_space<hbm>>
        tpu.enqueue_dma source(%dma_start3A_1524 : memref<32x512xf32, #tpu.memory_space<hbm>>) target(%dma_start3A_1522 : memref<32x512xf32, #tpu.memory_space<vmem>>) target_semaphore(%arg11 : memref<!tpu.dma_semaphore, #tpu.memory_space<semaphore_mem>>)
        %mul3A_1525 = arith.constant 32 : i32
        %mul3A_1526 = arith.muli %add3A_1508, %mul3A_1525 : i32
        %add3A_1527 = arith.constant 0 : i32
        %add3A_1528 = arith.addi %mul3A_1526, %add3A_1527 : i32
        %get3A_1529 = arith.index_cast %add3A_1528 : i32 to index
        %get3A_1530 = tpu.vector_load %arg6[%get3A_1529] {strides = array<i32>} : memref<512xi32, #tpu.memory_space<vmem>>, vector<16xi32>,
        %get3A_1531 = vector.shape_cast %get3A_1530 : vector<16xi32> to vector<16xi32>
        %slice3A_1532 = vector.extract_strided_slice %get3A_1531 {offsets = [0], sizes = [1], strides = [1]} : vector<16xi32> to vector<1xi32>
        %squeeze3A_1533 = vector.extract %slice3A_1532[0] : i32 from vector<1xi32>
        %dma_start3A_1534 = arith.constant 0 : i32
        %dma_start3A_1535 = arith.constant 0 : i32
        %dma_start3A_1536 = arith.constant 0 : i32
        %dma_start3A_1537 = tpu.memref_slice %arg8[%dma_start3A_1534, %dma_start3A_1535, %dma_start3A_1536] : memref<2x32x512xf32, #tpu.memory_space<vmem>> -> memref<1x32x512xf32, #tpu.memory_space<vmem>>
        %dma_start3A_1538 = tpu.memref_squeeze %dma_start3A_1537 : memref<1x32x512xf32, #tpu.memory_space<vmem>> -> memref<32x512xf32, #tpu.memory_space<vmem>>
        %dma_start3A_1539 = arith.constant 0 : i32
        %dma_start3A_1540 = arith.constant 0 : i32
        %dma_start3A_1541 = tpu.memref_slice %dma_start3A_1538[%dma_start3A_1539, %dma_start3A_1540] : memref<32x512xf32, #tpu.memory_space<vmem>> -> memref<1x512xf32, #tpu.memory_space<vmem>>
        %dma_start3A_1542 = arith.constant 0 : i32
        %dma_start3A_1543 = tpu.memref_slice %arg10[%squeeze3A_1533, %dma_start3A_1542] : memref<1000x512xf32, #tpu.memory_space<vmem_shared>> -> memref<1x512xf32, #tpu.memory_space<vmem_shared>>
        %dma_start3A_1544 = arith.constant 0 : i32
        %dma_start3A_1545 = arith.constant 0 : i32
        %dma_start3A_1546 = tpu.memref_slice %arg8[%dma_start3A_1534, %dma_start3A_1544, %dma_start3A_1545] : memref<2x32x512xf32, #tpu.memory_space<vmem>> -> memref<1x32x512xf32, #tpu.memory_space<vmem>>
        %dma_start3A_1547 = tpu.memref_squeeze %dma_start3A_1546 : memref<1x32x512xf32, #tpu.memory_space<vmem>> -> memref<32x512xf32, #tpu.memory_space<vmem>>
        %dma_start3A_1548 = arith.constant 0 : i32
        %dma_start3A_1549 = arith.constant 0 : i32
        %dma_start3A_1550 = tpu.memref_slice %dma_start3A_1547[%dma_start3A_1548, %dma_start3A_1549] : memref<32x512xf32, #tpu.memory_space<vmem>> -> memref<1x512xf32, #tpu.memory_space<vmem>>
        %dma_start3A_1551 = arith.constant 0 : i32
        %dma_start3A_1552 = tpu.memref_slice %arg10[%squeeze3A_1533, %dma_start3A_1551] : memref<1000x512xf32, #tpu.memory_space<vmem_shared>> -> memref<1x512xf32, #tpu.memory_space<vmem_shared>>
        tpu.enqueue_dma source(%dma_start3A_1552 : memref<1x512xf32, #tpu.memory_space<vmem_shared>>) target(%dma_start3A_1550 : memref<1x512xf32, #tpu.memory_space<vmem>>) target_semaphore(%arg13 : memref<!tpu.dma_semaphore, #tpu.memory_space<semaphore_mem>>)
        %slice3A_1553 = vector.extract_strided_slice %get3A_1531 {offsets = [1], sizes = [1], strides = [1]} : vector<16xi32> to vector<1xi32>
        %squeeze3A_1554 = vector.extract %slice3A_1553[0] : i32 from vector<1xi32>
        %dma_start3A_1555 = arith.constant 0 : i32
        %dma_start3A_1556 = arith.constant 0 : i32
        %dma_start3A_1557 = arith.constant 0 : i32
        %dma_start3A_1558 = tpu.memref_slice %arg8[%dma_start3A_1555, %dma_start3A_1556, %dma_start3A_1557] : memref<2x32x512xf32, #tpu.memory_space<vmem>> -> memref<1x32x512xf32, #tpu.memory_space<vmem>>
        %dma_start3A_1559 = tpu.memref_squeeze %dma_start3A_1558 : memref<1x32x512xf32, #tpu.memory_space<vmem>> -> memref<32x512xf32, #tpu.memory_space<vmem>>
        %dma_start3A_1560 = arith.constant 1 : i32
        %dma_start3A_1561 = arith.constant 0 : i32
        %dma_start3A_1562 = tpu.memref_slice %dma_start3A_1559[%dma_start3A_1560, %dma_start3A_1561] : memref<32x512xf32, #tpu.memory_space<vmem>> -> memref<1x512xf32, #tpu.memory_space<vmem>>
        %dma_start3A_1563 = arith.constant 0 : i32
        %dma_start3A_1564 = tpu.memref_slice %arg10[%squeeze3A_1554, %dma_start3A_1563] : memref<1000x512xf32, #tpu.memory_space<vmem_shared>> -> memref<1x512xf32, #tpu.memory_space<vmem_shared>>
        %dma_start3A_1565 = arith.constant 0 : i32
        %dma_start3A_1566 = arith.constant 0 : i32
        %dma_start3A_1567 = tpu.memref_slice %arg8[%dma_start3A_1555, %dma_start3A_1565, %dma_start3A_1566] : memref<2x32x512xf32, #tpu.memory_space<vmem>> -> memref<1x32x512xf32, #tpu.memory_space<vmem>>
        %dma_start3A_1568 = tpu.memref_squeeze %dma_start3A_1567 : memref<1x32x512xf32, #tpu.memory_space<vmem>> -> memref<32x512xf32, #tpu.memory_space<vmem>>
        %dma_start3A_1569 = arith.constant 1 : i32
        %dma_start3A_1570 = arith.constant 0 : i32
        %dma_start3A_1571 = tpu.memref_slice %dma_start3A_1568[%dma_start3A_1569, %dma_start3A_1570] : memref<32x512xf32, #tpu.memory_space<vmem>> -> memref<1x512xf32, #tpu.memory_space<vmem>>
        %dma_start3A_1572 = arith.constant 0 : i32
        %dma_start3A_1573 = tpu.memref_slice %arg10[%squeeze3A_1554, %dma_start3A_1572] : memref<1000x512xf32, #tpu.memory_space<vmem_shared>> -> memref<1x512xf32, #tpu.memory_space<vmem_shared>>
        tpu.enqueue_dma source(%dma_start3A_1573 : memref<1x512xf32, #tpu.memory_space<vmem_shared>>) target(%dma_start3A_1571 : memref<1x512xf32, #tpu.memory_space<vmem>>) target_semaphore(%arg13 : memref<!tpu.dma_semaphore, #tpu.memory_space<semaphore_mem>>)
        %slice3A_1574 = vector.extract_strided_slice %get3A_1531 {offsets = [2], sizes = [1], strides = [1]} : vector<16xi32> to vector<1xi32>
        %squeeze3A_1575 = vector.extract %slice3A_1574[0] : i32 from vector<1xi32>
        %dma_start3A_1576 = arith.constant 0 : i32
        %dma_start3A_1577 = arith.constant 0 : i32
        %dma_start3A_1578 = arith.constant 0 : i32
        %dma_start3A_1579 = tpu.memref_slice %arg8[%dma_start3A_1576, %dma_start3A_1577, %dma_start3A_1578] : memref<2x32x512xf32, #tpu.memory_space<vmem>> -> memref<1x32x512xf32, #tpu.memory_space<vmem>>
        %dma_start3A_1580 = tpu.memref_squeeze %dma_start3A_1579 : memref<1x32x512xf32, #tpu.memory_space<vmem>> -> memref<32x512xf32, #tpu.memory_space<vmem>>
        %dma_start3A_1581 = arith.constant 2 : i32
        %dma_start3A_1582 = arith.constant 0 : i32
        %dma_start3A_1583 = tpu.memref_slice %dma_start3A_1580[%dma_start3A_1581, %dma_start3A_1582] : memref<32x512xf32, #tpu.memory_space<vmem>> -> memref<1x512xf32, #tpu.memory_space<vmem>>
        %dma_start3A_1584 = arith.constant 0 : i32
        %dma_start3A_1585 = tpu.memref_slice %arg10[%squeeze3A_1575, %dma_start3A_1584] : memref<1000x512xf32, #tpu.memory_space<vmem_shared>> -> memref<1x512xf32, #tpu.memory_space<vmem_shared>>
        %dma_start3A_1586 = arith.constant 0 : i32
        %dma_start3A_1587 = arith.constant 0 : i32
        %dma_start3A_1588 = tpu.memref_slice %arg8[%dma_start3A_1576, %dma_start3A_1586, %dma_start3A_1587] : memref<2x32x512xf32, #tpu.memory_space<vmem>> -> memref<1x32x512xf32, #tpu.memory_space<vmem>>
        %dma_start3A_1589 = tpu.memref_squeeze %dma_start3A_1588 : memref<1x32x512xf32, #tpu.memory_space<vmem>> -> memref<32x512xf32, #tpu.memory_space<vmem>>
        %dma_start3A_1590 = arith.constant 2 : i32
        %dma_start3A_1591 = arith.constant 0 : i32
        %dma_start3A_1592 = tpu.memref_slice %dma_start3A_1589[%dma_start3A_1590, %dma_start3A_1591] : memref<32x512xf32, #tpu.memory_space<vmem>> -> memref<1x512xf32, #tpu.memory_space<vmem>>
        %dma_start3A_1593 = arith.constant 0 : i32
        %dma_start3A_1594 = tpu.memref_slice %arg10[%squeeze3A_1575, %dma_start3A_1593] : memref<1000x512xf32, #tpu.memory_space<vmem_shared>> -> memref<1x512xf32, #tpu.memory_space<vmem_shared>>
        tpu.enqueue_dma source(%dma_start3A_1594 : memref<1x512xf32, #tpu.memory_space<vmem_shared>>) target(%dma_start3A_1592 : memref<1x512xf32, #tpu.memory_space<vmem>>) target_semaphore(%arg13 : memref<!tpu.dma_semaphore, #tpu.memory_space<semaphore_mem>>)
        %slice3A_1595 = vector.extract_strided_slice %get3A_1531 {offsets = [3], sizes = [1], strides = [1]} : vector<16xi32> to vector<1xi32>
        %squeeze3A_1596 = vector.extract %slice3A_1595[0] : i32 from vector<1xi32>
        %dma_start3A_1597 = arith.constant 0 : i32
        %dma_start3A_1598 = arith.constant 0 : i32
        %dma_start3A_1599 = arith.constant 0 : i32
        %dma_start3A_1600 = tpu.memref_slice %arg8[%dma_start3A_1597, %dma_start3A_1598, %dma_start3A_1599] : memref<2x32x512xf32, #tpu.memory_space<vmem>> -> memref<1x32x512xf32, #tpu.memory_space<vmem>>
        %dma_start3A_1601 = tpu.memref_squeeze %dma_start3A_1600 : memref<1x32x512xf32, #tpu.memory_space<vmem>> -> memref<32x512xf32, #tpu.memory_space<vmem>>
        %dma_start3A_1602 = arith.constant 3 : i32
        %dma_start3A_1603 = arith.constant 0 : i32
        %dma_start3A_1604 = tpu.memref_slice %dma_start3A_1601[%dma_start3A_1602, %dma_start3A_1603] : memref<32x512xf32, #tpu.memory_space<vmem>> -> memref<1x512xf32, #tpu.memory_space<vmem>>
        %dma_start3A_1605 = arith.constant 0 : i32
        %dma_start3A_1606 = tpu.memref_slice %arg10[%squeeze3A_1596, %dma_start3A_1605] : memref<1000x512xf32, #tpu.memory_space<vmem_shared>> -> memref<1x512xf32, #tpu.memory_space<vmem_shared>>
        %dma_start3A_1607 = arith.constant 0 : i32
        %dma_start3A_1608 = arith.constant 0 : i32
        %dma_start3A_1609 = tpu.memref_slice %arg8[%dma_start3A_1597, %dma_start3A_1607, %dma_start3A_1608] : memref<2x32x512xf32, #tpu.memory_space<vmem>> -> memref<1x32x512xf32, #tpu.memory_space<vmem>>
        %dma_start3A_1610 = tpu.memref_squeeze %dma_start3A_1609 : memref<1x32x512xf32, #tpu.memory_space<vmem>> -> memref<32x512xf32, #tpu.memory_space<vmem>>
        %dma_start3A_1611 = arith.constant 3 : i32
        %dma_start3A_1612 = arith.constant 0 : i32
        %dma_start3A_1613 = tpu.memref_slice %dma_start3A_1610[%dma_start3A_1611, %dma_start3A_1612] : memref<32x512xf32, #tpu.memory_space<vmem>> -> memref<1x512xf32, #tpu.memory_space<vmem>>
        %dma_start3A_1614 = arith.constant 0 : i32
        %dma_start3A_1615 = tpu.memref_slice %arg10[%squeeze3A_1596, %dma_start3A_1614] : memref<1000x512xf32, #tpu.memory_space<vmem_shared>> -> memref<1x512xf32, #tpu.memory_space<vmem_shared>>
        tpu.enqueue_dma source(%dma_start3A_1615 : memref<1x512xf32, #tpu.memory_space<vmem_shared>>) target(%dma_start3A_1613 : memref<1x512xf32, #tpu.memory_space<vmem>>) target_semaphore(%arg13 : memref<!tpu.dma_semaphore, #tpu.memory_space<semaphore_mem>>)
        %slice3A_1616 = vector.extract_strided_slice %get3A_1531 {offsets = [4], sizes = [1], strides = [1]} : vector<16xi32> to vector<1xi32>
        %squeeze3A_1617 = vector.extract %slice3A_1616[0] : i32 from vector<1xi32>
        %dma_start3A_1618 = arith.constant 0 : i32
        %dma_start3A_1619 = arith.constant 0 : i32
        %dma_start3A_1620 = arith.constant 0 : i32
        %dma_start3A_1621 = tpu.memref_slice %arg8[%dma_start3A_1618, %dma_start3A_1619, %dma_start3A_1620] : memref<2x32x512xf32, #tpu.memory_space<vmem>> -> memref<1x32x512xf32, #tpu.memory_space<vmem>>
        %dma_start3A_1622 = tpu.memref_squeeze %dma_start3A_1621 : memref<1x32x512xf32, #tpu.memory_space<vmem>> -> memref<32x512xf32, #tpu.memory_space<vmem>>
        %dma_start3A_1623 = arith.constant 4 : i32
        %dma_start3A_1624 = arith.constant 0 : i32
        %dma_start3A_1625 = tpu.memref_slice %dma_start3A_1622[%dma_start3A_1623, %dma_start3A_1624] : memref<32x512xf32, #tpu.memory_space<vmem>> -> memref<1x512xf32, #tpu.memory_space<vmem>>
        %dma_start3A_1626 = arith.constant 0 : i32
        %dma_start3A_1627 = tpu.memref_slice %arg10[%squeeze3A_1617, %dma_start3A_1626] : memref<1000x512xf32, #tpu.memory_space<vmem_shared>> -> memref<1x512xf32, #tpu.memory_space<vmem_shared>>
        %dma_start3A_1628 = arith.constant 0 : i32
        %dma_start3A_1629 = arith.constant 0 : i32
        %dma_start3A_1630 = tpu.memref_slice %arg8[%dma_start3A_1618, %dma_start3A_1628, %dma_start3A_1629] : memref<2x32x512xf32, #tpu.memory_space<vmem>> -> memref<1x32x512xf32, #tpu.memory_space<vmem>>
        %dma_start3A_1631 = tpu.memref_squeeze %dma_start3A_1630 : memref<1x32x512xf32, #tpu.memory_space<vmem>> -> memref<32x512xf32, #tpu.memory_space<vmem>>
        %dma_start3A_1632 = arith.constant 4 : i32
        %dma_start3A_1633 = arith.constant 0 : i32
        %dma_start3A_1634 = tpu.memref_slice %dma_start3A_1631[%dma_start3A_1632, %dma_start3A_1633] : memref<32x512xf32, #tpu.memory_space<vmem>> -> memref<1x512xf32, #tpu.memory_space<vmem>>
        %dma_start3A_1635 = arith.constant 0 : i32
        %dma_start3A_1636 = tpu.memref_slice %arg10[%squeeze3A_1617, %dma_start3A_1635] : memref<1000x512xf32, #tpu.memory_space<vmem_shared>> -> memref<1x512xf32, #tpu.memory_space<vmem_shared>>
        tpu.enqueue_dma source(%dma_start3A_1636 : memref<1x512xf32, #tpu.memory_space<vmem_shared>>) target(%dma_start3A_1634 : memref<1x512xf32, #tpu.memory_space<vmem>>) target_semaphore(%arg13 : memref<!tpu.dma_semaphore, #tpu.memory_space<semaphore_mem>>)
        %slice3A_1637 = vector.extract_strided_slice %get3A_1531 {offsets = [5], sizes = [1], strides = [1]} : vector<16xi32> to vector<1xi32>
        %squeeze3A_1638 = vector.extract %slice3A_1637[0] : i32 from vector<1xi32>
        %dma_start3A_1639 = arith.constant 0 : i32
        %dma_start3A_1640 = arith.constant 0 : i32
        %dma_start3A_1641 = arith.constant 0 : i32
        %dma_start3A_1642 = tpu.memref_slice %arg8[%dma_start3A_1639, %dma_start3A_1640, %dma_start3A_1641] : memref<2x32x512xf32, #tpu.memory_space<vmem>> -> memref<1x32x512xf32, #tpu.memory_space<vmem>>
        %dma_start3A_1643 = tpu.memref_squeeze %dma_start3A_1642 : memref<1x32x512xf32, #tpu.memory_space<vmem>> -> memref<32x512xf32, #tpu.memory_space<vmem>>
        %dma_start3A_1644 = arith.constant 5 : i32
        %dma_start3A_1645 = arith.constant 0 : i32
        %dma_start3A_1646 = tpu.memref_slice %dma_start3A_1643[%dma_start3A_1644, %dma_start3A_1645] : memref<32x512xf32, #tpu.memory_space<vmem>> -> memref<1x512xf32, #tpu.memory_space<vmem>>
        %dma_start3A_1647 = arith.constant 0 : i32
        %dma_start3A_1648 = tpu.memref_slice %arg10[%squeeze3A_1638, %dma_start3A_1647] : memref<1000x512xf32, #tpu.memory_space<vmem_shared>> -> memref<1x512xf32, #tpu.memory_space<vmem_shared>>
        %dma_start3A_1649 = arith.constant 0 : i32
        %dma_start3A_1650 = arith.constant 0 : i32
        %dma_start3A_1651 = tpu.memref_slice %arg8[%dma_start3A_1639, %dma_start3A_1649, %dma_start3A_1650] : memref<2x32x512xf32, #tpu.memory_space<vmem>> -> memref<1x32x512xf32, #tpu.memory_space<vmem>>
        %dma_start3A_1652 = tpu.memref_squeeze %dma_start3A_1651 : memref<1x32x512xf32, #tpu.memory_space<vmem>> -> memref<32x512xf32, #tpu.memory_space<vmem>>
        %dma_start3A_1653 = arith.constant 5 : i32
        %dma_start3A_1654 = arith.constant 0 : i32
        %dma_start3A_1655 = tpu.memref_slice %dma_start3A_1652[%dma_start3A_1653, %dma_start3A_1654] : memref<32x512xf32, #tpu.memory_space<vmem>> -> memref<1x512xf32, #tpu.memory_space<vmem>>
        %dma_start3A_1656 = arith.constant 0 : i32
        %dma_start3A_1657 = tpu.memref_slice %arg10[%squeeze3A_1638, %dma_start3A_1656] : memref<1000x512xf32, #tpu.memory_space<vmem_shared>> -> memref<1x512xf32, #tpu.memory_space<vmem_shared>>
        tpu.enqueue_dma source(%dma_start3A_1657 : memref<1x512xf32, #tpu.memory_space<vmem_shared>>) target(%dma_start3A_1655 : memref<1x512xf32, #tpu.memory_space<vmem>>) target_semaphore(%arg13 : memref<!tpu.dma_semaphore, #tpu.memory_space<semaphore_mem>>)
        %slice3A_1658 = vector.extract_strided_slice %get3A_1531 {offsets = [6], sizes = [1], strides = [1]} : vector<16xi32> to vector<1xi32>
        %squeeze3A_1659 = vector.extract %slice3A_1658[0] : i32 from vector<1xi32>
        %dma_start3A_1660 = arith.constant 0 : i32
        %dma_start3A_1661 = arith.constant 0 : i32
        %dma_start3A_1662 = arith.constant 0 : i32
        %dma_start3A_1663 = tpu.memref_slice %arg8[%dma_start3A_1660, %dma_start3A_1661, %dma_start3A_1662] : memref<2x32x512xf32, #tpu.memory_space<vmem>> -> memref<1x32x512xf32, #tpu.memory_space<vmem>>
        %dma_start3A_1664 = tpu.memref_squeeze %dma_start3A_1663 : memref<1x32x512xf32, #tpu.memory_space<vmem>> -> memref<32x512xf32, #tpu.memory_space<vmem>>
        %dma_start3A_1665 = arith.constant 6 : i32
        %dma_start3A_1666 = arith.constant 0 : i32
        %dma_start3A_1667 = tpu.memref_slice %dma_start3A_1664[%dma_start3A_1665, %dma_start3A_1666] : memref<32x512xf32, #tpu.memory_space<vmem>> -> memref<1x512xf32, #tpu.memory_space<vmem>>
        %dma_start3A_1668 = arith.constant 0 : i32
        %dma_start3A_1669 = tpu.memref_slice %arg10[%squeeze3A_1659, %dma_start3A_1668] : memref<1000x512xf32, #tpu.memory_space<vmem_shared>> -> memref<1x512xf32, #tpu.memory_space<vmem_shared>>
        %dma_start3A_1670 = arith.constant 0 : i32
        %dma_start3A_1671 = arith.constant 0 : i32
        %dma_start3A_1672 = tpu.memref_slice %arg8[%dma_start3A_1660, %dma_start3A_1670, %dma_start3A_1671] : memref<2x32x512xf32, #tpu.memory_space<vmem>> -> memref<1x32x512xf32, #tpu.memory_space<vmem>>
        %dma_start3A_1673 = tpu.memref_squeeze %dma_start3A_1672 : memref<1x32x512xf32, #tpu.memory_space<vmem>> -> memref<32x512xf32, #tpu.memory_space<vmem>>
        %dma_start3A_1674 = arith.constant 6 : i32
        %dma_start3A_1675 = arith.constant 0 : i32
        %dma_start3A_1676 = tpu.memref_slice %dma_start3A_1673[%dma_start3A_1674, %dma_start3A_1675] : memref<32x512xf32, #tpu.memory_space<vmem>> -> memref<1x512xf32, #tpu.memory_space<vmem>>
        %dma_start3A_1677 = arith.constant 0 : i32
        %dma_start3A_1678 = tpu.memref_slice %arg10[%squeeze3A_1659, %dma_start3A_1677] : memref<1000x512xf32, #tpu.memory_space<vmem_shared>> -> memref<1x512xf32, #tpu.memory_space<vmem_shared>>
        tpu.enqueue_dma source(%dma_start3A_1678 : memref<1x512xf32, #tpu.memory_space<vmem_shared>>) target(%dma_start3A_1676 : memref<1x512xf32, #tpu.memory_space<vmem>>) target_semaphore(%arg13 : memref<!tpu.dma_semaphore, #tpu.memory_space<semaphore_mem>>)
        %slice3A_1679 = vector.extract_strided_slice %get3A_1531 {offsets = [7], sizes = [1], strides = [1]} : vector<16xi32> to vector<1xi32>
        %squeeze3A_1680 = vector.extract %slice3A_1679[0] : i32 from vector<1xi32>
        %dma_start3A_1681 = arith.constant 0 : i32
        %dma_start3A_1682 = arith.constant 0 : i32
        %dma_start3A_1683 = arith.constant 0 : i32
        %dma_start3A_1684 = tpu.memref_slice %arg8[%dma_start3A_1681, %dma_start3A_1682, %dma_start3A_1683] : memref<2x32x512xf32, #tpu.memory_space<vmem>> -> memref<1x32x512xf32, #tpu.memory_space<vmem>>
        %dma_start3A_1685 = tpu.memref_squeeze %dma_start3A_1684 : memref<1x32x512xf32, #tpu.memory_space<vmem>> -> memref<32x512xf32, #tpu.memory_space<vmem>>
        %dma_start3A_1686 = arith.constant 7 : i32
        %dma_start3A_1687 = arith.constant 0 : i32
        %dma_start3A_1688 = tpu.memref_slice %dma_start3A_1685[%dma_start3A_1686, %dma_start3A_1687] : memref<32x512xf32, #tpu.memory_space<vmem>> -> memref<1x512xf32, #tpu.memory_space<vmem>>
        %dma_start3A_1689 = arith.constant 0 : i32
        %dma_start3A_1690 = tpu.memref_slice %arg10[%squeeze3A_1680, %dma_start3A_1689] : memref<1000x512xf32, #tpu.memory_space<vmem_shared>> -> memref<1x512xf32, #tpu.memory_space<vmem_shared>>
        %dma_start3A_1691 = arith.constant 0 : i32
        %dma_start3A_1692 = arith.constant 0 : i32
        %dma_start3A_1693 = tpu.memref_slice %arg8[%dma_start3A_1681, %dma_start3A_1691, %dma_start3A_1692] : memref<2x32x512xf32, #tpu.memory_space<vmem>> -> memref<1x32x512xf32, #tpu.memory_space<vmem>>
        %dma_start3A_1694 = tpu.memref_squeeze %dma_start3A_1693 : memref<1x32x512xf32, #tpu.memory_space<vmem>> -> memref<32x512xf32, #tpu.memory_space<vmem>>
        %dma_start3A_1695 = arith.constant 7 : i32
        %dma_start3A_1696 = arith.constant 0 : i32
        %dma_start3A_1697 = tpu.memref_slice %dma_start3A_1694[%dma_start3A_1695, %dma_start3A_1696] : memref<32x512xf32, #tpu.memory_space<vmem>> -> memref<1x512xf32, #tpu.memory_space<vmem>>
        %dma_start3A_1698 = arith.constant 0 : i32
        %dma_start3A_1699 = tpu.memref_slice %arg10[%squeeze3A_1680, %dma_start3A_1698] : memref<1000x512xf32, #tpu.memory_space<vmem_shared>> -> memref<1x512xf32, #tpu.memory_space<vmem_shared>>
        tpu.enqueue_dma source(%dma_start3A_1699 : memref<1x512xf32, #tpu.memory_space<vmem_shared>>) target(%dma_start3A_1697 : memref<1x512xf32, #tpu.memory_space<vmem>>) target_semaphore(%arg13 : memref<!tpu.dma_semaphore, #tpu.memory_space<semaphore_mem>>)
        %slice3A_1700 = vector.extract_strided_slice %get3A_1531 {offsets = [8], sizes = [1], strides = [1]} : vector<16xi32> to vector<1xi32>
        %squeeze3A_1701 = vector.extract %slice3A_1700[0] : i32 from vector<1xi32>
        %dma_start3A_1702 = arith.constant 0 : i32
        %dma_start3A_1703 = arith.constant 0 : i32
        %dma_start3A_1704 = arith.constant 0 : i32
        %dma_start3A_1705 = tpu.memref_slice %arg8[%dma_start3A_1702, %dma_start3A_1703, %dma_start3A_1704] : memref<2x32x512xf32, #tpu.memory_space<vmem>> -> memref<1x32x512xf32, #tpu.memory_space<vmem>>
        %dma_start3A_1706 = tpu.memref_squeeze %dma_start3A_1705 : memref<1x32x512xf32, #tpu.memory_space<vmem>> -> memref<32x512xf32, #tpu.memory_space<vmem>>
        %dma_start3A_1707 = arith.constant 8 : i32
        %dma_start3A_1708 = arith.constant 0 : i32
        %dma_start3A_1709 = tpu.memref_slice %dma_start3A_1706[%dma_start3A_1707, %dma_start3A_1708] : memref<32x512xf32, #tpu.memory_space<vmem>> -> memref<1x512xf32, #tpu.memory_space<vmem>>
        %dma_start3A_1710 = arith.constant 0 : i32
        %dma_start3A_1711 = tpu.memref_slice %arg10[%squeeze3A_1701, %dma_start3A_1710] : memref<1000x512xf32, #tpu.memory_space<vmem_shared>> -> memref<1x512xf32, #tpu.memory_space<vmem_shared>>
        %dma_start3A_1712 = arith.constant 0 : i32
        %dma_start3A_1713 = arith.constant 0 : i32
        %dma_start3A_1714 = tpu.memref_slice %arg8[%dma_start3A_1702, %dma_start3A_1712, %dma_start3A_1713] : memref<2x32x512xf32, #tpu.memory_space<vmem>> -> memref<1x32x512xf32, #tpu.memory_space<vmem>>
        %dma_start3A_1715 = tpu.memref_squeeze %dma_start3A_1714 : memref<1x32x512xf32, #tpu.memory_space<vmem>> -> memref<32x512xf32, #tpu.memory_space<vmem>>
        %dma_start3A_1716 = arith.constant 8 : i32
        %dma_start3A_1717 = arith.constant 0 : i32
        %dma_start3A_1718 = tpu.memref_slice %dma_start3A_1715[%dma_start3A_1716, %dma_start3A_1717] : memref<32x512xf32, #tpu.memory_space<vmem>> -> memref<1x512xf32, #tpu.memory_space<vmem>>
        %dma_start3A_1719 = arith.constant 0 : i32
        %dma_start3A_1720 = tpu.memref_slice %arg10[%squeeze3A_1701, %dma_start3A_1719] : memref<1000x512xf32, #tpu.memory_space<vmem_shared>> -> memref<1x512xf32, #tpu.memory_space<vmem_shared>>
        tpu.enqueue_dma source(%dma_start3A_1720 : memref<1x512xf32, #tpu.memory_space<vmem_shared>>) target(%dma_start3A_1718 : memref<1x512xf32, #tpu.memory_space<vmem>>) target_semaphore(%arg13 : memref<!tpu.dma_semaphore, #tpu.memory_space<semaphore_mem>>)
        %slice3A_1721 = vector.extract_strided_slice %get3A_1531 {offsets = [9], sizes = [1], strides = [1]} : vector<16xi32> to vector<1xi32>
        %squeeze3A_1722 = vector.extract %slice3A_1721[0] : i32 from vector<1xi32>
        %dma_start3A_1723 = arith.constant 0 : i32
        %dma_start3A_1724 = arith.constant 0 : i32
        %dma_start3A_1725 = arith.constant 0 : i32
        %dma_start3A_1726 = tpu.memref_slice %arg8[%dma_start3A_1723, %dma_start3A_1724, %dma_start3A_1725] : memref<2x32x512xf32, #tpu.memory_space<vmem>> -> memref<1x32x512xf32, #tpu.memory_space<vmem>>
        %dma_start3A_1727 = tpu.memref_squeeze %dma_start3A_1726 : memref<1x32x512xf32, #tpu.memory_space<vmem>> -> memref<32x512xf32, #tpu.memory_space<vmem>>
        %dma_start3A_1728 = arith.constant 9 : i32
        %dma_start3A_1729 = arith.constant 0 : i32
        %dma_start3A_1730 = tpu.memref_slice %dma_start3A_1727[%dma_start3A_1728, %dma_start3A_1729] : memref<32x512xf32, #tpu.memory_space<vmem>> -> memref<1x512xf32, #tpu.memory_space<vmem>>
        %dma_start3A_1731 = arith.constant 0 : i32
        %dma_start3A_1732 = tpu.memref_slice %arg10[%squeeze3A_1722, %dma_start3A_1731] : memref<1000x512xf32, #tpu.memory_space<vmem_shared>> -> memref<1x512xf32, #tpu.memory_space<vmem_shared>>
        %dma_start3A_1733 = arith.constant 0 : i32
        %dma_start3A_1734 = arith.constant 0 : i32
        %dma_start3A_1735 = tpu.memref_slice %arg8[%dma_start3A_1723, %dma_start3A_1733, %dma_start3A_1734] : memref<2x32x512xf32, #tpu.memory_space<vmem>> -> memref<1x32x512xf32, #tpu.memory_space<vmem>>
        %dma_start3A_1736 = tpu.memref_squeeze %dma_start3A_1735 : memref<1x32x512xf32, #tpu.memory_space<vmem>> -> memref<32x512xf32, #tpu.memory_space<vmem>>
        %dma_start3A_1737 = arith.constant 9 : i32
        %dma_start3A_1738 = arith.constant 0 : i32
        %dma_start3A_1739 = tpu.memref_slice %dma_start3A_1736[%dma_start3A_1737, %dma_start3A_1738] : memref<32x512xf32, #tpu.memory_space<vmem>> -> memref<1x512xf32, #tpu.memory_space<vmem>>
        %dma_start3A_1740 = arith.constant 0 : i32
        %dma_start3A_1741 = tpu.memref_slice %arg10[%squeeze3A_1722, %dma_start3A_1740] : memref<1000x512xf32, #tpu.memory_space<vmem_shared>> -> memref<1x512xf32, #tpu.memory_space<vmem_shared>>
        tpu.enqueue_dma source(%dma_start3A_1741 : memref<1x512xf32, #tpu.memory_space<vmem_shared>>) target(%dma_start3A_1739 : memref<1x512xf32, #tpu.memory_space<vmem>>) target_semaphore(%arg13 : memref<!tpu.dma_semaphore, #tpu.memory_space<semaphore_mem>>)
        %slice3A_1742 = vector.extract_strided_slice %get3A_1531 {offsets = [10], sizes = [1], strides = [1]} : vector<16xi32> to vector<1xi32>
        %squeeze3A_1743 = vector.extract %slice3A_1742[0] : i32 from vector<1xi32>
        %dma_start3A_1744 = arith.constant 0 : i32
        %dma_start3A_1745 = arith.constant 0 : i32
        %dma_start3A_1746 = arith.constant 0 : i32
        %dma_start3A_1747 = tpu.memref_slice %arg8[%dma_start3A_1744, %dma_start3A_1745, %dma_start3A_1746] : memref<2x32x512xf32, #tpu.memory_space<vmem>> -> memref<1x32x512xf32, #tpu.memory_space<vmem>>
        %dma_start3A_1748 = tpu.memref_squeeze %dma_start3A_1747 : memref<1x32x512xf32, #tpu.memory_space<vmem>> -> memref<32x512xf32, #tpu.memory_space<vmem>>
        %dma_start3A_1749 = arith.constant 10 : i32
        %dma_start3A_1750 = arith.constant 0 : i32
        %dma_start3A_1751 = tpu.memref_slice %dma_start3A_1748[%dma_start3A_1749, %dma_start3A_1750] : memref<32x512xf32, #tpu.memory_space<vmem>> -> memref<1x512xf32, #tpu.memory_space<vmem>>
        %dma_start3A_1752 = arith.constant 0 : i32
        %dma_start3A_1753 = tpu.memref_slice %arg10[%squeeze3A_1743, %dma_start3A_1752] : memref<1000x512xf32, #tpu.memory_space<vmem_shared>> -> memref<1x512xf32, #tpu.memory_space<vmem_shared>>
        %dma_start3A_1754 = arith.constant 0 : i32
        %dma_start3A_1755 = arith.constant 0 : i32
        %dma_start3A_1756 = tpu.memref_slice %arg8[%dma_start3A_1744, %dma_start3A_1754, %dma_start3A_1755] : memref<2x32x512xf32, #tpu.memory_space<vmem>> -> memref<1x32x512xf32, #tpu.memory_space<vmem>>
        %dma_start3A_1757 = tpu.memref_squeeze %dma_start3A_1756 : memref<1x32x512xf32, #tpu.memory_space<vmem>> -> memref<32x512xf32, #tpu.memory_space<vmem>>
        %dma_start3A_1758 = arith.constant 10 : i32
        %dma_start3A_1759 = arith.constant 0 : i32
        %dma_start3A_1760 = tpu.memref_slice %dma_start3A_1757[%dma_start3A_1758, %dma_start3A_1759] : memref<32x512xf32, #tpu.memory_space<vmem>> -> memref<1x512xf32, #tpu.memory_space<vmem>>
        %dma_start3A_1761 = arith.constant 0 : i32
        %dma_start3A_1762 = tpu.memref_slice %arg10[%squeeze3A_1743, %dma_start3A_1761] : memref<1000x512xf32, #tpu.memory_space<vmem_shared>> -> memref<1x512xf32, #tpu.memory_space<vmem_shared>>
        tpu.enqueue_dma source(%dma_start3A_1762 : memref<1x512xf32, #tpu.memory_space<vmem_shared>>) target(%dma_start3A_1760 : memref<1x512xf32, #tpu.memory_space<vmem>>) target_semaphore(%arg13 : memref<!tpu.dma_semaphore, #tpu.memory_space<semaphore_mem>>)
        %slice3A_1763 = vector.extract_strided_slice %get3A_1531 {offsets = [11], sizes = [1], strides = [1]} : vector<16xi32> to vector<1xi32>
        %squeeze3A_1764 = vector.extract %slice3A_1763[0] : i32 from vector<1xi32>
        %dma_start3A_1765 = arith.constant 0 : i32
        %dma_start3A_1766 = arith.constant 0 : i32
        %dma_start3A_1767 = arith.constant 0 : i32
        %dma_start3A_1768 = tpu.memref_slice %arg8[%dma_start3A_1765, %dma_start3A_1766, %dma_start3A_1767] : memref<2x32x512xf32, #tpu.memory_space<vmem>> -> memref<1x32x512xf32, #tpu.memory_space<vmem>>
        %dma_start3A_1769 = tpu.memref_squeeze %dma_start3A_1768 : memref<1x32x512xf32, #tpu.memory_space<vmem>> -> memref<32x512xf32, #tpu.memory_space<vmem>>
        %dma_start3A_1770 = arith.constant 11 : i32
        %dma_start3A_1771 = arith.constant 0 : i32
        %dma_start3A_1772 = tpu.memref_slice %dma_start3A_1769[%dma_start3A_1770, %dma_start3A_1771] : memref<32x512xf32, #tpu.memory_space<vmem>> -> memref<1x512xf32, #tpu.memory_space<vmem>>
        %dma_start3A_1773 = arith.constant 0 : i32
        %dma_start3A_1774 = tpu.memref_slice %arg10[%squeeze3A_1764, %dma_start3A_1773] : memref<1000x512xf32, #tpu.memory_space<vmem_shared>> -> memref<1x512xf32, #tpu.memory_space<vmem_shared>>
        %dma_start3A_1775 = arith.constant 0 : i32
        %dma_start3A_1776 = arith.constant 0 : i32
        %dma_start3A_1777 = tpu.memref_slice %arg8[%dma_start3A_1765, %dma_start3A_1775, %dma_start3A_1776] : memref<2x32x512xf32, #tpu.memory_space<vmem>> -> memref<1x32x512xf32, #tpu.memory_space<vmem>>
        %dma_start3A_1778 = tpu.memref_squeeze %dma_start3A_1777 : memref<1x32x512xf32, #tpu.memory_space<vmem>> -> memref<32x512xf32, #tpu.memory_space<vmem>>
        %dma_start3A_1779 = arith.constant 11 : i32
        %dma_start3A_1780 = arith.constant 0 : i32
        %dma_start3A_1781 = tpu.memref_slice %dma_start3A_1778[%dma_start3A_1779, %dma_start3A_1780] : memref<32x512xf32, #tpu.memory_space<vmem>> -> memref<1x512xf32, #tpu.memory_space<vmem>>
        %dma_start3A_1782 = arith.constant 0 : i32
        %dma_start3A_1783 = tpu.memref_slice %arg10[%squeeze3A_1764, %dma_start3A_1782] : memref<1000x512xf32, #tpu.memory_space<vmem_shared>> -> memref<1x512xf32, #tpu.memory_space<vmem_shared>>
        tpu.enqueue_dma source(%dma_start3A_1783 : memref<1x512xf32, #tpu.memory_space<vmem_shared>>) target(%dma_start3A_1781 : memref<1x512xf32, #tpu.memory_space<vmem>>) target_semaphore(%arg13 : memref<!tpu.dma_semaphore, #tpu.memory_space<semaphore_mem>>)
        %slice3A_1784 = vector.extract_strided_slice %get3A_1531 {offsets = [12], sizes = [1], strides = [1]} : vector<16xi32> to vector<1xi32>
        %squeeze3A_1785 = vector.extract %slice3A_1784[0] : i32 from vector<1xi32>
        %dma_start3A_1786 = arith.constant 0 : i32
        %dma_start3A_1787 = arith.constant 0 : i32
        %dma_start3A_1788 = arith.constant 0 : i32
        %dma_start3A_1789 = tpu.memref_slice %arg8[%dma_start3A_1786, %dma_start3A_1787, %dma_start3A_1788] : memref<2x32x512xf32, #tpu.memory_space<vmem>> -> memref<1x32x512xf32, #tpu.memory_space<vmem>>
        %dma_start3A_1790 = tpu.memref_squeeze %dma_start3A_1789 : memref<1x32x512xf32, #tpu.memory_space<vmem>> -> memref<32x512xf32, #tpu.memory_space<vmem>>
        %dma_start3A_1791 = arith.constant 12 : i32
        %dma_start3A_1792 = arith.constant 0 : i32
        %dma_start3A_1793 = tpu.memref_slice %dma_start3A_1790[%dma_start3A_1791, %dma_start3A_1792] : memref<32x512xf32, #tpu.memory_space<vmem>> -> memref<1x512xf32, #tpu.memory_space<vmem>>
        %dma_start3A_1794 = arith.constant 0 : i32
        %dma_start3A_1795 = tpu.memref_slice %arg10[%squeeze3A_1785, %dma_start3A_1794] : memref<1000x512xf32, #tpu.memory_space<vmem_shared>> -> memref<1x512xf32, #tpu.memory_space<vmem_shared>>
        %dma_start3A_1796 = arith.constant 0 : i32
        %dma_start3A_1797 = arith.constant 0 : i32
        %dma_start3A_1798 = tpu.memref_slice %arg8[%dma_start3A_1786, %dma_start3A_1796, %dma_start3A_1797] : memref<2x32x512xf32, #tpu.memory_space<vmem>> -> memref<1x32x512xf32, #tpu.memory_space<vmem>>
        %dma_start3A_1799 = tpu.memref_squeeze %dma_start3A_1798 : memref<1x32x512xf32, #tpu.memory_space<vmem>> -> memref<32x512xf32, #tpu.memory_space<vmem>>
        %dma_start3A_1800 = arith.constant 12 : i32
        %dma_start3A_1801 = arith.constant 0 : i32
        %dma_start3A_1802 = tpu.memref_slice %dma_start3A_1799[%dma_start3A_1800, %dma_start3A_1801] : memref<32x512xf32, #tpu.memory_space<vmem>> -> memref<1x512xf32, #tpu.memory_space<vmem>>
        %dma_start3A_1803 = arith.constant 0 : i32
        %dma_start3A_1804 = tpu.memref_slice %arg10[%squeeze3A_1785, %dma_start3A_1803] : memref<1000x512xf32, #tpu.memory_space<vmem_shared>> -> memref<1x512xf32, #tpu.memory_space<vmem_shared>>
        tpu.enqueue_dma source(%dma_start3A_1804 : memref<1x512xf32, #tpu.memory_space<vmem_shared>>) target(%dma_start3A_1802 : memref<1x512xf32, #tpu.memory_space<vmem>>) target_semaphore(%arg13 : memref<!tpu.dma_semaphore, #tpu.memory_space<semaphore_mem>>)
        %slice3A_1805 = vector.extract_strided_slice %get3A_1531 {offsets = [13], sizes = [1], strides = [1]} : vector<16xi32> to vector<1xi32>
        %squeeze3A_1806 = vector.extract %slice3A_1805[0] : i32 from vector<1xi32>
        %dma_start3A_1807 = arith.constant 0 : i32
        %dma_start3A_1808 = arith.constant 0 : i32
        %dma_start3A_1809 = arith.constant 0 : i32
        %dma_start3A_1810 = tpu.memref_slice %arg8[%dma_start3A_1807, %dma_start3A_1808, %dma_start3A_1809] : memref<2x32x512xf32, #tpu.memory_space<vmem>> -> memref<1x32x512xf32, #tpu.memory_space<vmem>>
        %dma_start3A_1811 = tpu.memref_squeeze %dma_start3A_1810 : memref<1x32x512xf32, #tpu.memory_space<vmem>> -> memref<32x512xf32, #tpu.memory_space<vmem>>
        %dma_start3A_1812 = arith.constant 13 : i32
        %dma_start3A_1813 = arith.constant 0 : i32
        %dma_start3A_1814 = tpu.memref_slice %dma_start3A_1811[%dma_start3A_1812, %dma_start3A_1813] : memref<32x512xf32, #tpu.memory_space<vmem>> -> memref<1x512xf32, #tpu.memory_space<vmem>>
        %dma_start3A_1815 = arith.constant 0 : i32
        %dma_start3A_1816 = tpu.memref_slice %arg10[%squeeze3A_1806, %dma_start3A_1815] : memref<1000x512xf32, #tpu.memory_space<vmem_shared>> -> memref<1x512xf32, #tpu.memory_space<vmem_shared>>
        %dma_start3A_1817 = arith.constant 0 : i32
        %dma_start3A_1818 = arith.constant 0 : i32
        %dma_start3A_1819 = tpu.memref_slice %arg8[%dma_start3A_1807, %dma_start3A_1817, %dma_start3A_1818] : memref<2x32x512xf32, #tpu.memory_space<vmem>> -> memref<1x32x512xf32, #tpu.memory_space<vmem>>
        %dma_start3A_1820 = tpu.memref_squeeze %dma_start3A_1819 : memref<1x32x512xf32, #tpu.memory_space<vmem>> -> memref<32x512xf32, #tpu.memory_space<vmem>>
        %dma_start3A_1821 = arith.constant 13 : i32
        %dma_start3A_1822 = arith.constant 0 : i32
        %dma_start3A_1823 = tpu.memref_slice %dma_start3A_1820[%dma_start3A_1821, %dma_start3A_1822] : memref<32x512xf32, #tpu.memory_space<vmem>> -> memref<1x512xf32, #tpu.memory_space<vmem>>
        %dma_start3A_1824 = arith.constant 0 : i32
        %dma_start3A_1825 = tpu.memref_slice %arg10[%squeeze3A_1806, %dma_start3A_1824] : memref<1000x512xf32, #tpu.memory_space<vmem_shared>> -> memref<1x512xf32, #tpu.memory_space<vmem_shared>>
        tpu.enqueue_dma source(%dma_start3A_1825 : memref<1x512xf32, #tpu.memory_space<vmem_shared>>) target(%dma_start3A_1823 : memref<1x512xf32, #tpu.memory_space<vmem>>) target_semaphore(%arg13 : memref<!tpu.dma_semaphore, #tpu.memory_space<semaphore_mem>>)
        %slice3A_1826 = vector.extract_strided_slice %get3A_1531 {offsets = [14], sizes = [1], strides = [1]} : vector<16xi32> to vector<1xi32>
        %squeeze3A_1827 = vector.extract %slice3A_1826[0] : i32 from vector<1xi32>
        %dma_start3A_1828 = arith.constant 0 : i32
        %dma_start3A_1829 = arith.constant 0 : i32
        %dma_start3A_1830 = arith.constant 0 : i32
        %dma_start3A_1831 = tpu.memref_slice %arg8[%dma_start3A_1828, %dma_start3A_1829, %dma_start3A_1830] : memref<2x32x512xf32, #tpu.memory_space<vmem>> -> memref<1x32x512xf32, #tpu.memory_space<vmem>>
        %dma_start3A_1832 = tpu.memref_squeeze %dma_start3A_1831 : memref<1x32x512xf32, #tpu.memory_space<vmem>> -> memref<32x512xf32, #tpu.memory_space<vmem>>
        %dma_start3A_1833 = arith.constant 14 : i32
        %dma_start3A_1834 = arith.constant 0 : i32
        %dma_start3A_1835 = tpu.memref_slice %dma_start3A_1832[%dma_start3A_1833, %dma_start3A_1834] : memref<32x512xf32, #tpu.memory_space<vmem>> -> memref<1x512xf32, #tpu.memory_space<vmem>>
        %dma_start3A_1836 = arith.constant 0 : i32
        %dma_start3A_1837 = tpu.memref_slice %arg10[%squeeze3A_1827, %dma_start3A_1836] : memref<1000x512xf32, #tpu.memory_space<vmem_shared>> -> memref<1x512xf32, #tpu.memory_space<vmem_shared>>
        %dma_start3A_1838 = arith.constant 0 : i32
        %dma_start3A_1839 = arith.constant 0 : i32
        %dma_start3A_1840 = tpu.memref_slice %arg8[%dma_start3A_1828, %dma_start3A_1838, %dma_start3A_1839] : memref<2x32x512xf32, #tpu.memory_space<vmem>> -> memref<1x32x512xf32, #tpu.memory_space<vmem>>
        %dma_start3A_1841 = tpu.memref_squeeze %dma_start3A_1840 : memref<1x32x512xf32, #tpu.memory_space<vmem>> -> memref<32x512xf32, #tpu.memory_space<vmem>>
        %dma_start3A_1842 = arith.constant 14 : i32
        %dma_start3A_1843 = arith.constant 0 : i32
        %dma_start3A_1844 = tpu.memref_slice %dma_start3A_1841[%dma_start3A_1842, %dma_start3A_1843] : memref<32x512xf32, #tpu.memory_space<vmem>> -> memref<1x512xf32, #tpu.memory_space<vmem>>
        %dma_start3A_1845 = arith.constant 0 : i32
        %dma_start3A_1846 = tpu.memref_slice %arg10[%squeeze3A_1827, %dma_start3A_1845] : memref<1000x512xf32, #tpu.memory_space<vmem_shared>> -> memref<1x512xf32, #tpu.memory_space<vmem_shared>>
        tpu.enqueue_dma source(%dma_start3A_1846 : memref<1x512xf32, #tpu.memory_space<vmem_shared>>) target(%dma_start3A_1844 : memref<1x512xf32, #tpu.memory_space<vmem>>) target_semaphore(%arg13 : memref<!tpu.dma_semaphore, #tpu.memory_space<semaphore_mem>>)
        %slice3A_1847 = vector.extract_strided_slice %get3A_1531 {offsets = [15], sizes = [1], strides = [1]} : vector<16xi32> to vector<1xi32>
        %squeeze3A_1848 = vector.extract %slice3A_1847[0] : i32 from vector<1xi32>
        %dma_start3A_1849 = arith.constant 0 : i32
        %dma_start3A_1850 = arith.constant 0 : i32
        %dma_start3A_1851 = arith.constant 0 : i32
        %dma_start3A_1852 = tpu.memref_slice %arg8[%dma_start3A_1849, %dma_start3A_1850, %dma_start3A_1851] : memref<2x32x512xf32, #tpu.memory_space<vmem>> -> memref<1x32x512xf32, #tpu.memory_space<vmem>>
        %dma_start3A_1853 = tpu.memref_squeeze %dma_start3A_1852 : memref<1x32x512xf32, #tpu.memory_space<vmem>> -> memref<32x512xf32, #tpu.memory_space<vmem>>
        %dma_start3A_1854 = arith.constant 15 : i32
        %dma_start3A_1855 = arith.constant 0 : i32
        %dma_start3A_1856 = tpu.memref_slice %dma_start3A_1853[%dma_start3A_1854, %dma_start3A_1855] : memref<32x512xf32, #tpu.memory_space<vmem>> -> memref<1x512xf32, #tpu.memory_space<vmem>>
        %dma_start3A_1857 = arith.constant 0 : i32
        %dma_start3A_1858 = tpu.memref_slice %arg10[%squeeze3A_1848, %dma_start3A_1857] : memref<1000x512xf32, #tpu.memory_space<vmem_shared>> -> memref<1x512xf32, #tpu.memory_space<vmem_shared>>
        %dma_start3A_1859 = arith.constant 0 : i32
        %dma_start3A_1860 = arith.constant 0 : i32
        %dma_start3A_1861 = tpu.memref_slice %arg8[%dma_start3A_1849, %dma_start3A_1859, %dma_start3A_1860] : memref<2x32x512xf32, #tpu.memory_space<vmem>> -> memref<1x32x512xf32, #tpu.memory_space<vmem>>
        %dma_start3A_1862 = tpu.memref_squeeze %dma_start3A_1861 : memref<1x32x512xf32, #tpu.memory_space<vmem>> -> memref<32x512xf32, #tpu.memory_space<vmem>>
        %dma_start3A_1863 = arith.constant 15 : i32
        %dma_start3A_1864 = arith.constant 0 : i32
        %dma_start3A_1865 = tpu.memref_slice %dma_start3A_1862[%dma_start3A_1863, %dma_start3A_1864] : memref<32x512xf32, #tpu.memory_space<vmem>> -> memref<1x512xf32, #tpu.memory_space<vmem>>
        %dma_start3A_1866 = arith.constant 0 : i32
        %dma_start3A_1867 = tpu.memref_slice %arg10[%squeeze3A_1848, %dma_start3A_1866] : memref<1000x512xf32, #tpu.memory_space<vmem_shared>> -> memref<1x512xf32, #tpu.memory_space<vmem_shared>>
        tpu.enqueue_dma source(%dma_start3A_1867 : memref<1x512xf32, #tpu.memory_space<vmem_shared>>) target(%dma_start3A_1865 : memref<1x512xf32, #tpu.memory_space<vmem>>) target_semaphore(%arg13 : memref<!tpu.dma_semaphore, #tpu.memory_space<semaphore_mem>>)
        %mul3A_1868 = arith.constant 32 : i32
        %mul3A_1869 = arith.muli %add3A_1508, %mul3A_1868 : i32
        %add3A_1870 = arith.constant 16 : i32
        %add3A_1871 = arith.addi %mul3A_1869, %add3A_1870 : i32
        %get3A_1872 = arith.index_cast %add3A_1871 : i32 to index
        %get3A_1873 = tpu.vector_load %arg6[%get3A_1872] {strides = array<i32>} : memref<512xi32, #tpu.memory_space<vmem>>, vector<16xi32>,
        %get3A_1874 = vector.shape_cast %get3A_1873 : vector<16xi32> to vector<16xi32>
        %slice3A_1875 = vector.extract_strided_slice %get3A_1874 {offsets = [0], sizes = [1], strides = [1]} : vector<16xi32> to vector<1xi32>
        %squeeze3A_1876 = vector.extract %slice3A_1875[0] : i32 from vector<1xi32>
        %dma_start3A_1877 = arith.constant 0 : i32
        %dma_start3A_1878 = arith.constant 0 : i32
        %dma_start3A_1879 = arith.constant 0 : i32
        %dma_start3A_1880 = tpu.memref_slice %arg8[%dma_start3A_1877, %dma_start3A_1878, %dma_start3A_1879] : memref<2x32x512xf32, #tpu.memory_space<vmem>> -> memref<1x32x512xf32, #tpu.memory_space<vmem>>
        %dma_start3A_1881 = tpu.memref_squeeze %dma_start3A_1880 : memref<1x32x512xf32, #tpu.memory_space<vmem>> -> memref<32x512xf32, #tpu.memory_space<vmem>>
        %dma_start3A_1882 = arith.constant 16 : i32
        %dma_start3A_1883 = arith.constant 0 : i32
        %dma_start3A_1884 = tpu.memref_slice %dma_start3A_1881[%dma_start3A_1882, %dma_start3A_1883] : memref<32x512xf32, #tpu.memory_space<vmem>> -> memref<1x512xf32, #tpu.memory_space<vmem>>
        %dma_start3A_1885 = arith.constant 0 : i32
        %dma_start3A_1886 = tpu.memref_slice %arg10[%squeeze3A_1876, %dma_start3A_1885] : memref<1000x512xf32, #tpu.memory_space<vmem_shared>> -> memref<1x512xf32, #tpu.memory_space<vmem_shared>>
        %dma_start3A_1887 = arith.constant 0 : i32
        %dma_start3A_1888 = arith.constant 0 : i32
        %dma_start3A_1889 = tpu.memref_slice %arg8[%dma_start3A_1877, %dma_start3A_1887, %dma_start3A_1888] : memref<2x32x512xf32, #tpu.memory_space<vmem>> -> memref<1x32x512xf32, #tpu.memory_space<vmem>>
        %dma_start3A_1890 = tpu.memref_squeeze %dma_start3A_1889 : memref<1x32x512xf32, #tpu.memory_space<vmem>> -> memref<32x512xf32, #tpu.memory_space<vmem>>
        %dma_start3A_1891 = arith.constant 16 : i32
        %dma_start3A_1892 = arith.constant 0 : i32
        %dma_start3A_1893 = tpu.memref_slice %dma_start3A_1890[%dma_start3A_1891, %dma_start3A_1892] : memref<32x512xf32, #tpu.memory_space<vmem>> -> memref<1x512xf32, #tpu.memory_space<vmem>>
        %dma_start3A_1894 = arith.constant 0 : i32
        %dma_start3A_1895 = tpu.memref_slice %arg10[%squeeze3A_1876, %dma_start3A_1894] : memref<1000x512xf32, #tpu.memory_space<vmem_shared>> -> memref<1x512xf32, #tpu.memory_space<vmem_shared>>
        tpu.enqueue_dma source(%dma_start3A_1895 : memref<1x512xf32, #tpu.memory_space<vmem_shared>>) target(%dma_start3A_1893 : memref<1x512xf32, #tpu.memory_space<vmem>>) target_semaphore(%arg13 : memref<!tpu.dma_semaphore, #tpu.memory_space<semaphore_mem>>)
        %slice3A_1896 = vector.extract_strided_slice %get3A_1874 {offsets = [1], sizes = [1], strides = [1]} : vector<16xi32> to vector<1xi32>
        %squeeze3A_1897 = vector.extract %slice3A_1896[0] : i32 from vector<1xi32>
        %dma_start3A_1898 = arith.constant 0 : i32
        %dma_start3A_1899 = arith.constant 0 : i32
        %dma_start3A_1900 = arith.constant 0 : i32
        %dma_start3A_1901 = tpu.memref_slice %arg8[%dma_start3A_1898, %dma_start3A_1899, %dma_start3A_1900] : memref<2x32x512xf32, #tpu.memory_space<vmem>> -> memref<1x32x512xf32, #tpu.memory_space<vmem>>
        %dma_start3A_1902 = tpu.memref_squeeze %dma_start3A_1901 : memref<1x32x512xf32, #tpu.memory_space<vmem>> -> memref<32x512xf32, #tpu.memory_space<vmem>>
        %dma_start3A_1903 = arith.constant 17 : i32
        %dma_start3A_1904 = arith.constant 0 : i32
        %dma_start3A_1905 = tpu.memref_slice %dma_start3A_1902[%dma_start3A_1903, %dma_start3A_1904] : memref<32x512xf32, #tpu.memory_space<vmem>> -> memref<1x512xf32, #tpu.memory_space<vmem>>
        %dma_start3A_1906 = arith.constant 0 : i32
        %dma_start3A_1907 = tpu.memref_slice %arg10[%squeeze3A_1897, %dma_start3A_1906] : memref<1000x512xf32, #tpu.memory_space<vmem_shared>> -> memref<1x512xf32, #tpu.memory_space<vmem_shared>>
        %dma_start3A_1908 = arith.constant 0 : i32
        %dma_start3A_1909 = arith.constant 0 : i32
        %dma_start3A_1910 = tpu.memref_slice %arg8[%dma_start3A_1898, %dma_start3A_1908, %dma_start3A_1909] : memref<2x32x512xf32, #tpu.memory_space<vmem>> -> memref<1x32x512xf32, #tpu.memory_space<vmem>>
        %dma_start3A_1911 = tpu.memref_squeeze %dma_start3A_1910 : memref<1x32x512xf32, #tpu.memory_space<vmem>> -> memref<32x512xf32, #tpu.memory_space<vmem>>
        %dma_start3A_1912 = arith.constant 17 : i32
        %dma_start3A_1913 = arith.constant 0 : i32
        %dma_start3A_1914 = tpu.memref_slice %dma_start3A_1911[%dma_start3A_1912, %dma_start3A_1913] : memref<32x512xf32, #tpu.memory_space<vmem>> -> memref<1x512xf32, #tpu.memory_space<vmem>>
        %dma_start3A_1915 = arith.constant 0 : i32
        %dma_start3A_1916 = tpu.memref_slice %arg10[%squeeze3A_1897, %dma_start3A_1915] : memref<1000x512xf32, #tpu.memory_space<vmem_shared>> -> memref<1x512xf32, #tpu.memory_space<vmem_shared>>
        tpu.enqueue_dma source(%dma_start3A_1916 : memref<1x512xf32, #tpu.memory_space<vmem_shared>>) target(%dma_start3A_1914 : memref<1x512xf32, #tpu.memory_space<vmem>>) target_semaphore(%arg13 : memref<!tpu.dma_semaphore, #tpu.memory_space<semaphore_mem>>)
        %slice3A_1917 = vector.extract_strided_slice %get3A_1874 {offsets = [2], sizes = [1], strides = [1]} : vector<16xi32> to vector<1xi32>
        %squeeze3A_1918 = vector.extract %slice3A_1917[0] : i32 from vector<1xi32>
        %dma_start3A_1919 = arith.constant 0 : i32
        %dma_start3A_1920 = arith.constant 0 : i32
        %dma_start3A_1921 = arith.constant 0 : i32
        %dma_start3A_1922 = tpu.memref_slice %arg8[%dma_start3A_1919, %dma_start3A_1920, %dma_start3A_1921] : memref<2x32x512xf32, #tpu.memory_space<vmem>> -> memref<1x32x512xf32, #tpu.memory_space<vmem>>
        %dma_start3A_1923 = tpu.memref_squeeze %dma_start3A_1922 : memref<1x32x512xf32, #tpu.memory_space<vmem>> -> memref<32x512xf32, #tpu.memory_space<vmem>>
        %dma_start3A_1924 = arith.constant 18 : i32
        %dma_start3A_1925 = arith.constant 0 : i32
        %dma_start3A_1926 = tpu.memref_slice %dma_start3A_1923[%dma_start3A_1924, %dma_start3A_1925] : memref<32x512xf32, #tpu.memory_space<vmem>> -> memref<1x512xf32, #tpu.memory_space<vmem>>
        %dma_start3A_1927 = arith.constant 0 : i32
        %dma_start3A_1928 = tpu.memref_slice %arg10[%squeeze3A_1918, %dma_start3A_1927] : memref<1000x512xf32, #tpu.memory_space<vmem_shared>> -> memref<1x512xf32, #tpu.memory_space<vmem_shared>>
        %dma_start3A_1929 = arith.constant 0 : i32
        %dma_start3A_1930 = arith.constant 0 : i32
        %dma_start3A_1931 = tpu.memref_slice %arg8[%dma_start3A_1919, %dma_start3A_1929, %dma_start3A_1930] : memref<2x32x512xf32, #tpu.memory_space<vmem>> -> memref<1x32x512xf32, #tpu.memory_space<vmem>>
        %dma_start3A_1932 = tpu.memref_squeeze %dma_start3A_1931 : memref<1x32x512xf32, #tpu.memory_space<vmem>> -> memref<32x512xf32, #tpu.memory_space<vmem>>
        %dma_start3A_1933 = arith.constant 18 : i32
        %dma_start3A_1934 = arith.constant 0 : i32
        %dma_start3A_1935 = tpu.memref_slice %dma_start3A_1932[%dma_start3A_1933, %dma_start3A_1934] : memref<32x512xf32, #tpu.memory_space<vmem>> -> memref<1x512xf32, #tpu.memory_space<vmem>>
        %dma_start3A_1936 = arith.constant 0 : i32
        %dma_start3A_1937 = tpu.memref_slice %arg10[%squeeze3A_1918, %dma_start3A_1936] : memref<1000x512xf32, #tpu.memory_space<vmem_shared>> -> memref<1x512xf32, #tpu.memory_space<vmem_shared>>
        tpu.enqueue_dma source(%dma_start3A_1937 : memref<1x512xf32, #tpu.memory_space<vmem_shared>>) target(%dma_start3A_1935 : memref<1x512xf32, #tpu.memory_space<vmem>>) target_semaphore(%arg13 : memref<!tpu.dma_semaphore, #tpu.memory_space<semaphore_mem>>)
        %slice3A_1938 = vector.extract_strided_slice %get3A_1874 {offsets = [3], sizes = [1], strides = [1]} : vector<16xi32> to vector<1xi32>
        %squeeze3A_1939 = vector.extract %slice3A_1938[0] : i32 from vector<1xi32>
        %dma_start3A_1940 = arith.constant 0 : i32
        %dma_start3A_1941 = arith.constant 0 : i32
        %dma_start3A_1942 = arith.constant 0 : i32
        %dma_start3A_1943 = tpu.memref_slice %arg8[%dma_start3A_1940, %dma_start3A_1941, %dma_start3A_1942] : memref<2x32x512xf32, #tpu.memory_space<vmem>> -> memref<1x32x512xf32, #tpu.memory_space<vmem>>
        %dma_start3A_1944 = tpu.memref_squeeze %dma_start3A_1943 : memref<1x32x512xf32, #tpu.memory_space<vmem>> -> memref<32x512xf32, #tpu.memory_space<vmem>>
        %dma_start3A_1945 = arith.constant 19 : i32
        %dma_start3A_1946 = arith.constant 0 : i32
        %dma_start3A_1947 = tpu.memref_slice %dma_start3A_1944[%dma_start3A_1945, %dma_start3A_1946] : memref<32x512xf32, #tpu.memory_space<vmem>> -> memref<1x512xf32, #tpu.memory_space<vmem>>
        %dma_start3A_1948 = arith.constant 0 : i32
        %dma_start3A_1949 = tpu.memref_slice %arg10[%squeeze3A_1939, %dma_start3A_1948] : memref<1000x512xf32, #tpu.memory_space<vmem_shared>> -> memref<1x512xf32, #tpu.memory_space<vmem_shared>>
        %dma_start3A_1950 = arith.constant 0 : i32
        %dma_start3A_1951 = arith.constant 0 : i32
        %dma_start3A_1952 = tpu.memref_slice %arg8[%dma_start3A_1940, %dma_start3A_1950, %dma_start3A_1951] : memref<2x32x512xf32, #tpu.memory_space<vmem>> -> memref<1x32x512xf32, #tpu.memory_space<vmem>>
        %dma_start3A_1953 = tpu.memref_squeeze %dma_start3A_1952 : memref<1x32x512xf32, #tpu.memory_space<vmem>> -> memref<32x512xf32, #tpu.memory_space<vmem>>
        %dma_start3A_1954 = arith.constant 19 : i32
        %dma_start3A_1955 = arith.constant 0 : i32
        %dma_start3A_1956 = tpu.memref_slice %dma_start3A_1953[%dma_start3A_1954, %dma_start3A_1955] : memref<32x512xf32, #tpu.memory_space<vmem>> -> memref<1x512xf32, #tpu.memory_space<vmem>>
        %dma_start3A_1957 = arith.constant 0 : i32
        %dma_start3A_1958 = tpu.memref_slice %arg10[%squeeze3A_1939, %dma_start3A_1957] : memref<1000x512xf32, #tpu.memory_space<vmem_shared>> -> memref<1x512xf32, #tpu.memory_space<vmem_shared>>
        tpu.enqueue_dma source(%dma_start3A_1958 : memref<1x512xf32, #tpu.memory_space<vmem_shared>>) target(%dma_start3A_1956 : memref<1x512xf32, #tpu.memory_space<vmem>>) target_semaphore(%arg13 : memref<!tpu.dma_semaphore, #tpu.memory_space<semaphore_mem>>)
        %slice3A_1959 = vector.extract_strided_slice %get3A_1874 {offsets = [4], sizes = [1], strides = [1]} : vector<16xi32> to vector<1xi32>
        %squeeze3A_1960 = vector.extract %slice3A_1959[0] : i32 from vector<1xi32>
        %dma_start3A_1961 = arith.constant 0 : i32
        %dma_start3A_1962 = arith.constant 0 : i32
        %dma_start3A_1963 = arith.constant 0 : i32
        %dma_start3A_1964 = tpu.memref_slice %arg8[%dma_start3A_1961, %dma_start3A_1962, %dma_start3A_1963] : memref<2x32x512xf32, #tpu.memory_space<vmem>> -> memref<1x32x512xf32, #tpu.memory_space<vmem>>
        %dma_start3A_1965 = tpu.memref_squeeze %dma_start3A_1964 : memref<1x32x512xf32, #tpu.memory_space<vmem>> -> memref<32x512xf32, #tpu.memory_space<vmem>>
        %dma_start3A_1966 = arith.constant 20 : i32
        %dma_start3A_1967 = arith.constant 0 : i32
        %dma_start3A_1968 = tpu.memref_slice %dma_start3A_1965[%dma_start3A_1966, %dma_start3A_1967] : memref<32x512xf32, #tpu.memory_space<vmem>> -> memref<1x512xf32, #tpu.memory_space<vmem>>
        %dma_start3A_1969 = arith.constant 0 : i32
        %dma_start3A_1970 = tpu.memref_slice %arg10[%squeeze3A_1960, %dma_start3A_1969] : memref<1000x512xf32, #tpu.memory_space<vmem_shared>> -> memref<1x512xf32, #tpu.memory_space<vmem_shared>>
        %dma_start3A_1971 = arith.constant 0 : i32
        %dma_start3A_1972 = arith.constant 0 : i32
        %dma_start3A_1973 = tpu.memref_slice %arg8[%dma_start3A_1961, %dma_start3A_1971, %dma_start3A_1972] : memref<2x32x512xf32, #tpu.memory_space<vmem>> -> memref<1x32x512xf32, #tpu.memory_space<vmem>>
        %dma_start3A_1974 = tpu.memref_squeeze %dma_start3A_1973 : memref<1x32x512xf32, #tpu.memory_space<vmem>> -> memref<32x512xf32, #tpu.memory_space<vmem>>
        %dma_start3A_1975 = arith.constant 20 : i32
        %dma_start3A_1976 = arith.constant 0 : i32
        %dma_start3A_1977 = tpu.memref_slice %dma_start3A_1974[%dma_start3A_1975, %dma_start3A_1976] : memref<32x512xf32, #tpu.memory_space<vmem>> -> memref<1x512xf32, #tpu.memory_space<vmem>>
        %dma_start3A_1978 = arith.constant 0 : i32
        %dma_start3A_1979 = tpu.memref_slice %arg10[%squeeze3A_1960, %dma_start3A_1978] : memref<1000x512xf32, #tpu.memory_space<vmem_shared>> -> memref<1x512xf32, #tpu.memory_space<vmem_shared>>
        tpu.enqueue_dma source(%dma_start3A_1979 : memref<1x512xf32, #tpu.memory_space<vmem_shared>>) target(%dma_start3A_1977 : memref<1x512xf32, #tpu.memory_space<vmem>>) target_semaphore(%arg13 : memref<!tpu.dma_semaphore, #tpu.memory_space<semaphore_mem>>)
        %slice3A_1980 = vector.extract_strided_slice %get3A_1874 {offsets = [5], sizes = [1], strides = [1]} : vector<16xi32> to vector<1xi32>
        %squeeze3A_1981 = vector.extract %slice3A_1980[0] : i32 from vector<1xi32>
        %dma_start3A_1982 = arith.constant 0 : i32
        %dma_start3A_1983 = arith.constant 0 : i32
        %dma_start3A_1984 = arith.constant 0 : i32
        %dma_start3A_1985 = tpu.memref_slice %arg8[%dma_start3A_1982, %dma_start3A_1983, %dma_start3A_1984] : memref<2x32x512xf32, #tpu.memory_space<vmem>> -> memref<1x32x512xf32, #tpu.memory_space<vmem>>
        %dma_start3A_1986 = tpu.memref_squeeze %dma_start3A_1985 : memref<1x32x512xf32, #tpu.memory_space<vmem>> -> memref<32x512xf32, #tpu.memory_space<vmem>>
        %dma_start3A_1987 = arith.constant 21 : i32
        %dma_start3A_1988 = arith.constant 0 : i32
        %dma_start3A_1989 = tpu.memref_slice %dma_start3A_1986[%dma_start3A_1987, %dma_start3A_1988] : memref<32x512xf32, #tpu.memory_space<vmem>> -> memref<1x512xf32, #tpu.memory_space<vmem>>
        %dma_start3A_1990 = arith.constant 0 : i32
        %dma_start3A_1991 = tpu.memref_slice %arg10[%squeeze3A_1981, %dma_start3A_1990] : memref<1000x512xf32, #tpu.memory_space<vmem_shared>> -> memref<1x512xf32, #tpu.memory_space<vmem_shared>>
        %dma_start3A_1992 = arith.constant 0 : i32
        %dma_start3A_1993 = arith.constant 0 : i32
        %dma_start3A_1994 = tpu.memref_slice %arg8[%dma_start3A_1982, %dma_start3A_1992, %dma_start3A_1993] : memref<2x32x512xf32, #tpu.memory_space<vmem>> -> memref<1x32x512xf32, #tpu.memory_space<vmem>>
        %dma_start3A_1995 = tpu.memref_squeeze %dma_start3A_1994 : memref<1x32x512xf32, #tpu.memory_space<vmem>> -> memref<32x512xf32, #tpu.memory_space<vmem>>
        %dma_start3A_1996 = arith.constant 21 : i32
        %dma_start3A_1997 = arith.constant 0 : i32
        %dma_start3A_1998 = tpu.memref_slice %dma_start3A_1995[%dma_start3A_1996, %dma_start3A_1997] : memref<32x512xf32, #tpu.memory_space<vmem>> -> memref<1x512xf32, #tpu.memory_space<vmem>>
        %dma_start3A_1999 = arith.constant 0 : i32
        %dma_start3A_2000 = tpu.memref_slice %arg10[%squeeze3A_1981, %dma_start3A_1999] : memref<1000x512xf32, #tpu.memory_space<vmem_shared>> -> memref<1x512xf32, #tpu.memory_space<vmem_shared>>
        tpu.enqueue_dma source(%dma_start3A_2000 : memref<1x512xf32, #tpu.memory_space<vmem_shared>>) target(%dma_start3A_1998 : memref<1x512xf32, #tpu.memory_space<vmem>>) target_semaphore(%arg13 : memref<!tpu.dma_semaphore, #tpu.memory_space<semaphore_mem>>)
        %slice3A_2001 = vector.extract_strided_slice %get3A_1874 {offsets = [6], sizes = [1], strides = [1]} : vector<16xi32> to vector<1xi32>
        %squeeze3A_2002 = vector.extract %slice3A_2001[0] : i32 from vector<1xi32>
        %dma_start3A_2003 = arith.constant 0 : i32
        %dma_start3A_2004 = arith.constant 0 : i32
        %dma_start3A_2005 = arith.constant 0 : i32
        %dma_start3A_2006 = tpu.memref_slice %arg8[%dma_start3A_2003, %dma_start3A_2004, %dma_start3A_2005] : memref<2x32x512xf32, #tpu.memory_space<vmem>> -> memref<1x32x512xf32, #tpu.memory_space<vmem>>
        %dma_start3A_2007 = tpu.memref_squeeze %dma_start3A_2006 : memref<1x32x512xf32, #tpu.memory_space<vmem>> -> memref<32x512xf32, #tpu.memory_space<vmem>>
        %dma_start3A_2008 = arith.constant 22 : i32
        %dma_start3A_2009 = arith.constant 0 : i32
        %dma_start3A_2010 = tpu.memref_slice %dma_start3A_2007[%dma_start3A_2008, %dma_start3A_2009] : memref<32x512xf32, #tpu.memory_space<vmem>> -> memref<1x512xf32, #tpu.memory_space<vmem>>
        %dma_start3A_2011 = arith.constant 0 : i32
        %dma_start3A_2012 = tpu.memref_slice %arg10[%squeeze3A_2002, %dma_start3A_2011] : memref<1000x512xf32, #tpu.memory_space<vmem_shared>> -> memref<1x512xf32, #tpu.memory_space<vmem_shared>>
        %dma_start3A_2013 = arith.constant 0 : i32
        %dma_start3A_2014 = arith.constant 0 : i32
        %dma_start3A_2015 = tpu.memref_slice %arg8[%dma_start3A_2003, %dma_start3A_2013, %dma_start3A_2014] : memref<2x32x512xf32, #tpu.memory_space<vmem>> -> memref<1x32x512xf32, #tpu.memory_space<vmem>>
        %dma_start3A_2016 = tpu.memref_squeeze %dma_start3A_2015 : memref<1x32x512xf32, #tpu.memory_space<vmem>> -> memref<32x512xf32, #tpu.memory_space<vmem>>
        %dma_start3A_2017 = arith.constant 22 : i32
        %dma_start3A_2018 = arith.constant 0 : i32
        %dma_start3A_2019 = tpu.memref_slice %dma_start3A_2016[%dma_start3A_2017, %dma_start3A_2018] : memref<32x512xf32, #tpu.memory_space<vmem>> -> memref<1x512xf32, #tpu.memory_space<vmem>>
        %dma_start3A_2020 = arith.constant 0 : i32
        %dma_start3A_2021 = tpu.memref_slice %arg10[%squeeze3A_2002, %dma_start3A_2020] : memref<1000x512xf32, #tpu.memory_space<vmem_shared>> -> memref<1x512xf32, #tpu.memory_space<vmem_shared>>
        tpu.enqueue_dma source(%dma_start3A_2021 : memref<1x512xf32, #tpu.memory_space<vmem_shared>>) target(%dma_start3A_2019 : memref<1x512xf32, #tpu.memory_space<vmem>>) target_semaphore(%arg13 : memref<!tpu.dma_semaphore, #tpu.memory_space<semaphore_mem>>)
        %slice3A_2022 = vector.extract_strided_slice %get3A_1874 {offsets = [7], sizes = [1], strides = [1]} : vector<16xi32> to vector<1xi32>
        %squeeze3A_2023 = vector.extract %slice3A_2022[0] : i32 from vector<1xi32>
        %dma_start3A_2024 = arith.constant 0 : i32
        %dma_start3A_2025 = arith.constant 0 : i32
        %dma_start3A_2026 = arith.constant 0 : i32
        %dma_start3A_2027 = tpu.memref_slice %arg8[%dma_start3A_2024, %dma_start3A_2025, %dma_start3A_2026] : memref<2x32x512xf32, #tpu.memory_space<vmem>> -> memref<1x32x512xf32, #tpu.memory_space<vmem>>
        %dma_start3A_2028 = tpu.memref_squeeze %dma_start3A_2027 : memref<1x32x512xf32, #tpu.memory_space<vmem>> -> memref<32x512xf32, #tpu.memory_space<vmem>>
        %dma_start3A_2029 = arith.constant 23 : i32
        %dma_start3A_2030 = arith.constant 0 : i32
        %dma_start3A_2031 = tpu.memref_slice %dma_start3A_2028[%dma_start3A_2029, %dma_start3A_2030] : memref<32x512xf32, #tpu.memory_space<vmem>> -> memref<1x512xf32, #tpu.memory_space<vmem>>
        %dma_start3A_2032 = arith.constant 0 : i32
        %dma_start3A_2033 = tpu.memref_slice %arg10[%squeeze3A_2023, %dma_start3A_2032] : memref<1000x512xf32, #tpu.memory_space<vmem_shared>> -> memref<1x512xf32, #tpu.memory_space<vmem_shared>>
        %dma_start3A_2034 = arith.constant 0 : i32
        %dma_start3A_2035 = arith.constant 0 : i32
        %dma_start3A_2036 = tpu.memref_slice %arg8[%dma_start3A_2024, %dma_start3A_2034, %dma_start3A_2035] : memref<2x32x512xf32, #tpu.memory_space<vmem>> -> memref<1x32x512xf32, #tpu.memory_space<vmem>>
        %dma_start3A_2037 = tpu.memref_squeeze %dma_start3A_2036 : memref<1x32x512xf32, #tpu.memory_space<vmem>> -> memref<32x512xf32, #tpu.memory_space<vmem>>
        %dma_start3A_2038 = arith.constant 23 : i32
        %dma_start3A_2039 = arith.constant 0 : i32
        %dma_start3A_2040 = tpu.memref_slice %dma_start3A_2037[%dma_start3A_2038, %dma_start3A_2039] : memref<32x512xf32, #tpu.memory_space<vmem>> -> memref<1x512xf32, #tpu.memory_space<vmem>>
        %dma_start3A_2041 = arith.constant 0 : i32
        %dma_start3A_2042 = tpu.memref_slice %arg10[%squeeze3A_2023, %dma_start3A_2041] : memref<1000x512xf32, #tpu.memory_space<vmem_shared>> -> memref<1x512xf32, #tpu.memory_space<vmem_shared>>
        tpu.enqueue_dma source(%dma_start3A_2042 : memref<1x512xf32, #tpu.memory_space<vmem_shared>>) target(%dma_start3A_2040 : memref<1x512xf32, #tpu.memory_space<vmem>>) target_semaphore(%arg13 : memref<!tpu.dma_semaphore, #tpu.memory_space<semaphore_mem>>)
        %slice3A_2043 = vector.extract_strided_slice %get3A_1874 {offsets = [8], sizes = [1], strides = [1]} : vector<16xi32> to vector<1xi32>
        %squeeze3A_2044 = vector.extract %slice3A_2043[0] : i32 from vector<1xi32>
        %dma_start3A_2045 = arith.constant 0 : i32
        %dma_start3A_2046 = arith.constant 0 : i32
        %dma_start3A_2047 = arith.constant 0 : i32
        %dma_start3A_2048 = tpu.memref_slice %arg8[%dma_start3A_2045, %dma_start3A_2046, %dma_start3A_2047] : memref<2x32x512xf32, #tpu.memory_space<vmem>> -> memref<1x32x512xf32, #tpu.memory_space<vmem>>
        %dma_start3A_2049 = tpu.memref_squeeze %dma_start3A_2048 : memref<1x32x512xf32, #tpu.memory_space<vmem>> -> memref<32x512xf32, #tpu.memory_space<vmem>>
        %dma_start3A_2050 = arith.constant 24 : i32
        %dma_start3A_2051 = arith.constant 0 : i32
        %dma_start3A_2052 = tpu.memref_slice %dma_start3A_2049[%dma_start3A_2050, %dma_start3A_2051] : memref<32x512xf32, #tpu.memory_space<vmem>> -> memref<1x512xf32, #tpu.memory_space<vmem>>
        %dma_start3A_2053 = arith.constant 0 : i32
        %dma_start3A_2054 = tpu.memref_slice %arg10[%squeeze3A_2044, %dma_start3A_2053] : memref<1000x512xf32, #tpu.memory_space<vmem_shared>> -> memref<1x512xf32, #tpu.memory_space<vmem_shared>>
        %dma_start3A_2055 = arith.constant 0 : i32
        %dma_start3A_2056 = arith.constant 0 : i32
        %dma_start3A_2057 = tpu.memref_slice %arg8[%dma_start3A_2045, %dma_start3A_2055, %dma_start3A_2056] : memref<2x32x512xf32, #tpu.memory_space<vmem>> -> memref<1x32x512xf32, #tpu.memory_space<vmem>>
        %dma_start3A_2058 = tpu.memref_squeeze %dma_start3A_2057 : memref<1x32x512xf32, #tpu.memory_space<vmem>> -> memref<32x512xf32, #tpu.memory_space<vmem>>
        %dma_start3A_2059 = arith.constant 24 : i32
        %dma_start3A_2060 = arith.constant 0 : i32
        %dma_start3A_2061 = tpu.memref_slice %dma_start3A_2058[%dma_start3A_2059, %dma_start3A_2060] : memref<32x512xf32, #tpu.memory_space<vmem>> -> memref<1x512xf32, #tpu.memory_space<vmem>>
        %dma_start3A_2062 = arith.constant 0 : i32
        %dma_start3A_2063 = tpu.memref_slice %arg10[%squeeze3A_2044, %dma_start3A_2062] : memref<1000x512xf32, #tpu.memory_space<vmem_shared>> -> memref<1x512xf32, #tpu.memory_space<vmem_shared>>
        tpu.enqueue_dma source(%dma_start3A_2063 : memref<1x512xf32, #tpu.memory_space<vmem_shared>>) target(%dma_start3A_2061 : memref<1x512xf32, #tpu.memory_space<vmem>>) target_semaphore(%arg13 : memref<!tpu.dma_semaphore, #tpu.memory_space<semaphore_mem>>)
        %slice3A_2064 = vector.extract_strided_slice %get3A_1874 {offsets = [9], sizes = [1], strides = [1]} : vector<16xi32> to vector<1xi32>
        %squeeze3A_2065 = vector.extract %slice3A_2064[0] : i32 from vector<1xi32>
        %dma_start3A_2066 = arith.constant 0 : i32
        %dma_start3A_2067 = arith.constant 0 : i32
        %dma_start3A_2068 = arith.constant 0 : i32
        %dma_start3A_2069 = tpu.memref_slice %arg8[%dma_start3A_2066, %dma_start3A_2067, %dma_start3A_2068] : memref<2x32x512xf32, #tpu.memory_space<vmem>> -> memref<1x32x512xf32, #tpu.memory_space<vmem>>
        %dma_start3A_2070 = tpu.memref_squeeze %dma_start3A_2069 : memref<1x32x512xf32, #tpu.memory_space<vmem>> -> memref<32x512xf32, #tpu.memory_space<vmem>>
        %dma_start3A_2071 = arith.constant 25 : i32
        %dma_start3A_2072 = arith.constant 0 : i32
        %dma_start3A_2073 = tpu.memref_slice %dma_start3A_2070[%dma_start3A_2071, %dma_start3A_2072] : memref<32x512xf32, #tpu.memory_space<vmem>> -> memref<1x512xf32, #tpu.memory_space<vmem>>
        %dma_start3A_2074 = arith.constant 0 : i32
        %dma_start3A_2075 = tpu.memref_slice %arg10[%squeeze3A_2065, %dma_start3A_2074] : memref<1000x512xf32, #tpu.memory_space<vmem_shared>> -> memref<1x512xf32, #tpu.memory_space<vmem_shared>>
        %dma_start3A_2076 = arith.constant 0 : i32
        %dma_start3A_2077 = arith.constant 0 : i32
        %dma_start3A_2078 = tpu.memref_slice %arg8[%dma_start3A_2066, %dma_start3A_2076, %dma_start3A_2077] : memref<2x32x512xf32, #tpu.memory_space<vmem>> -> memref<1x32x512xf32, #tpu.memory_space<vmem>>
        %dma_start3A_2079 = tpu.memref_squeeze %dma_start3A_2078 : memref<1x32x512xf32, #tpu.memory_space<vmem>> -> memref<32x512xf32, #tpu.memory_space<vmem>>
        %dma_start3A_2080 = arith.constant 25 : i32
        %dma_start3A_2081 = arith.constant 0 : i32
        %dma_start3A_2082 = tpu.memref_slice %dma_start3A_2079[%dma_start3A_2080, %dma_start3A_2081] : memref<32x512xf32, #tpu.memory_space<vmem>> -> memref<1x512xf32, #tpu.memory_space<vmem>>
        %dma_start3A_2083 = arith.constant 0 : i32
        %dma_start3A_2084 = tpu.memref_slice %arg10[%squeeze3A_2065, %dma_start3A_2083] : memref<1000x512xf32, #tpu.memory_space<vmem_shared>> -> memref<1x512xf32, #tpu.memory_space<vmem_shared>>
        tpu.enqueue_dma source(%dma_start3A_2084 : memref<1x512xf32, #tpu.memory_space<vmem_shared>>) target(%dma_start3A_2082 : memref<1x512xf32, #tpu.memory_space<vmem>>) target_semaphore(%arg13 : memref<!tpu.dma_semaphore, #tpu.memory_space<semaphore_mem>>)
        %slice3A_2085 = vector.extract_strided_slice %get3A_1874 {offsets = [10], sizes = [1], strides = [1]} : vector<16xi32> to vector<1xi32>
        %squeeze3A_2086 = vector.extract %slice3A_2085[0] : i32 from vector<1xi32>
        %dma_start3A_2087 = arith.constant 0 : i32
        %dma_start3A_2088 = arith.constant 0 : i32
        %dma_start3A_2089 = arith.constant 0 : i32
        %dma_start3A_2090 = tpu.memref_slice %arg8[%dma_start3A_2087, %dma_start3A_2088, %dma_start3A_2089] : memref<2x32x512xf32, #tpu.memory_space<vmem>> -> memref<1x32x512xf32, #tpu.memory_space<vmem>>
        %dma_start3A_2091 = tpu.memref_squeeze %dma_start3A_2090 : memref<1x32x512xf32, #tpu.memory_space<vmem>> -> memref<32x512xf32, #tpu.memory_space<vmem>>
        %dma_start3A_2092 = arith.constant 26 : i32
        %dma_start3A_2093 = arith.constant 0 : i32
        %dma_start3A_2094 = tpu.memref_slice %dma_start3A_2091[%dma_start3A_2092, %dma_start3A_2093] : memref<32x512xf32, #tpu.memory_space<vmem>> -> memref<1x512xf32, #tpu.memory_space<vmem>>
        %dma_start3A_2095 = arith.constant 0 : i32
        %dma_start3A_2096 = tpu.memref_slice %arg10[%squeeze3A_2086, %dma_start3A_2095] : memref<1000x512xf32, #tpu.memory_space<vmem_shared>> -> memref<1x512xf32, #tpu.memory_space<vmem_shared>>
        %dma_start3A_2097 = arith.constant 0 : i32
        %dma_start3A_2098 = arith.constant 0 : i32
        %dma_start3A_2099 = tpu.memref_slice %arg8[%dma_start3A_2087, %dma_start3A_2097, %dma_start3A_2098] : memref<2x32x512xf32, #tpu.memory_space<vmem>> -> memref<1x32x512xf32, #tpu.memory_space<vmem>>
        %dma_start3A_2100 = tpu.memref_squeeze %dma_start3A_2099 : memref<1x32x512xf32, #tpu.memory_space<vmem>> -> memref<32x512xf32, #tpu.memory_space<vmem>>
        %dma_start3A_2101 = arith.constant 26 : i32
        %dma_start3A_2102 = arith.constant 0 : i32
        %dma_start3A_2103 = tpu.memref_slice %dma_start3A_2100[%dma_start3A_2101, %dma_start3A_2102] : memref<32x512xf32, #tpu.memory_space<vmem>> -> memref<1x512xf32, #tpu.memory_space<vmem>>
        %dma_start3A_2104 = arith.constant 0 : i32
        %dma_start3A_2105 = tpu.memref_slice %arg10[%squeeze3A_2086, %dma_start3A_2104] : memref<1000x512xf32, #tpu.memory_space<vmem_shared>> -> memref<1x512xf32, #tpu.memory_space<vmem_shared>>
        tpu.enqueue_dma source(%dma_start3A_2105 : memref<1x512xf32, #tpu.memory_space<vmem_shared>>) target(%dma_start3A_2103 : memref<1x512xf32, #tpu.memory_space<vmem>>) target_semaphore(%arg13 : memref<!tpu.dma_semaphore, #tpu.memory_space<semaphore_mem>>)
        %slice3A_2106 = vector.extract_strided_slice %get3A_1874 {offsets = [11], sizes = [1], strides = [1]} : vector<16xi32> to vector<1xi32>
        %squeeze3A_2107 = vector.extract %slice3A_2106[0] : i32 from vector<1xi32>
        %dma_start3A_2108 = arith.constant 0 : i32
        %dma_start3A_2109 = arith.constant 0 : i32
        %dma_start3A_2110 = arith.constant 0 : i32
        %dma_start3A_2111 = tpu.memref_slice %arg8[%dma_start3A_2108, %dma_start3A_2109, %dma_start3A_2110] : memref<2x32x512xf32, #tpu.memory_space<vmem>> -> memref<1x32x512xf32, #tpu.memory_space<vmem>>
        %dma_start3A_2112 = tpu.memref_squeeze %dma_start3A_2111 : memref<1x32x512xf32, #tpu.memory_space<vmem>> -> memref<32x512xf32, #tpu.memory_space<vmem>>
        %dma_start3A_2113 = arith.constant 27 : i32
        %dma_start3A_2114 = arith.constant 0 : i32
        %dma_start3A_2115 = tpu.memref_slice %dma_start3A_2112[%dma_start3A_2113, %dma_start3A_2114] : memref<32x512xf32, #tpu.memory_space<vmem>> -> memref<1x512xf32, #tpu.memory_space<vmem>>
        %dma_start3A_2116 = arith.constant 0 : i32
        %dma_start3A_2117 = tpu.memref_slice %arg10[%squeeze3A_2107, %dma_start3A_2116] : memref<1000x512xf32, #tpu.memory_space<vmem_shared>> -> memref<1x512xf32, #tpu.memory_space<vmem_shared>>
        %dma_start3A_2118 = arith.constant 0 : i32
        %dma_start3A_2119 = arith.constant 0 : i32
        %dma_start3A_2120 = tpu.memref_slice %arg8[%dma_start3A_2108, %dma_start3A_2118, %dma_start3A_2119] : memref<2x32x512xf32, #tpu.memory_space<vmem>> -> memref<1x32x512xf32, #tpu.memory_space<vmem>>
        %dma_start3A_2121 = tpu.memref_squeeze %dma_start3A_2120 : memref<1x32x512xf32, #tpu.memory_space<vmem>> -> memref<32x512xf32, #tpu.memory_space<vmem>>
        %dma_start3A_2122 = arith.constant 27 : i32
        %dma_start3A_2123 = arith.constant 0 : i32
        %dma_start3A_2124 = tpu.memref_slice %dma_start3A_2121[%dma_start3A_2122, %dma_start3A_2123] : memref<32x512xf32, #tpu.memory_space<vmem>> -> memref<1x512xf32, #tpu.memory_space<vmem>>
        %dma_start3A_2125 = arith.constant 0 : i32
        %dma_start3A_2126 = tpu.memref_slice %arg10[%squeeze3A_2107, %dma_start3A_2125] : memref<1000x512xf32, #tpu.memory_space<vmem_shared>> -> memref<1x512xf32, #tpu.memory_space<vmem_shared>>
        tpu.enqueue_dma source(%dma_start3A_2126 : memref<1x512xf32, #tpu.memory_space<vmem_shared>>) target(%dma_start3A_2124 : memref<1x512xf32, #tpu.memory_space<vmem>>) target_semaphore(%arg13 : memref<!tpu.dma_semaphore, #tpu.memory_space<semaphore_mem>>)
        %slice3A_2127 = vector.extract_strided_slice %get3A_1874 {offsets = [12], sizes = [1], strides = [1]} : vector<16xi32> to vector<1xi32>
        %squeeze3A_2128 = vector.extract %slice3A_2127[0] : i32 from vector<1xi32>
        %dma_start3A_2129 = arith.constant 0 : i32
        %dma_start3A_2130 = arith.constant 0 : i32
        %dma_start3A_2131 = arith.constant 0 : i32
        %dma_start3A_2132 = tpu.memref_slice %arg8[%dma_start3A_2129, %dma_start3A_2130, %dma_start3A_2131] : memref<2x32x512xf32, #tpu.memory_space<vmem>> -> memref<1x32x512xf32, #tpu.memory_space<vmem>>
        %dma_start3A_2133 = tpu.memref_squeeze %dma_start3A_2132 : memref<1x32x512xf32, #tpu.memory_space<vmem>> -> memref<32x512xf32, #tpu.memory_space<vmem>>
        %dma_start3A_2134 = arith.constant 28 : i32
        %dma_start3A_2135 = arith.constant 0 : i32
        %dma_start3A_2136 = tpu.memref_slice %dma_start3A_2133[%dma_start3A_2134, %dma_start3A_2135] : memref<32x512xf32, #tpu.memory_space<vmem>> -> memref<1x512xf32, #tpu.memory_space<vmem>>
        %dma_start3A_2137 = arith.constant 0 : i32
        %dma_start3A_2138 = tpu.memref_slice %arg10[%squeeze3A_2128, %dma_start3A_2137] : memref<1000x512xf32, #tpu.memory_space<vmem_shared>> -> memref<1x512xf32, #tpu.memory_space<vmem_shared>>
        %dma_start3A_2139 = arith.constant 0 : i32
        %dma_start3A_2140 = arith.constant 0 : i32
        %dma_start3A_2141 = tpu.memref_slice %arg8[%dma_start3A_2129, %dma_start3A_2139, %dma_start3A_2140] : memref<2x32x512xf32, #tpu.memory_space<vmem>> -> memref<1x32x512xf32, #tpu.memory_space<vmem>>
        %dma_start3A_2142 = tpu.memref_squeeze %dma_start3A_2141 : memref<1x32x512xf32, #tpu.memory_space<vmem>> -> memref<32x512xf32, #tpu.memory_space<vmem>>
        %dma_start3A_2143 = arith.constant 28 : i32
        %dma_start3A_2144 = arith.constant 0 : i32
        %dma_start3A_2145 = tpu.memref_slice %dma_start3A_2142[%dma_start3A_2143, %dma_start3A_2144] : memref<32x512xf32, #tpu.memory_space<vmem>> -> memref<1x512xf32, #tpu.memory_space<vmem>>
        %dma_start3A_2146 = arith.constant 0 : i32
        %dma_start3A_2147 = tpu.memref_slice %arg10[%squeeze3A_2128, %dma_start3A_2146] : memref<1000x512xf32, #tpu.memory_space<vmem_shared>> -> memref<1x512xf32, #tpu.memory_space<vmem_shared>>
        tpu.enqueue_dma source(%dma_start3A_2147 : memref<1x512xf32, #tpu.memory_space<vmem_shared>>) target(%dma_start3A_2145 : memref<1x512xf32, #tpu.memory_space<vmem>>) target_semaphore(%arg13 : memref<!tpu.dma_semaphore, #tpu.memory_space<semaphore_mem>>)
        %slice3A_2148 = vector.extract_strided_slice %get3A_1874 {offsets = [13], sizes = [1], strides = [1]} : vector<16xi32> to vector<1xi32>
        %squeeze3A_2149 = vector.extract %slice3A_2148[0] : i32 from vector<1xi32>
        %dma_start3A_2150 = arith.constant 0 : i32
        %dma_start3A_2151 = arith.constant 0 : i32
        %dma_start3A_2152 = arith.constant 0 : i32
        %dma_start3A_2153 = tpu.memref_slice %arg8[%dma_start3A_2150, %dma_start3A_2151, %dma_start3A_2152] : memref<2x32x512xf32, #tpu.memory_space<vmem>> -> memref<1x32x512xf32, #tpu.memory_space<vmem>>
        %dma_start3A_2154 = tpu.memref_squeeze %dma_start3A_2153 : memref<1x32x512xf32, #tpu.memory_space<vmem>> -> memref<32x512xf32, #tpu.memory_space<vmem>>
        %dma_start3A_2155 = arith.constant 29 : i32
        %dma_start3A_2156 = arith.constant 0 : i32
        %dma_start3A_2157 = tpu.memref_slice %dma_start3A_2154[%dma_start3A_2155, %dma_start3A_2156] : memref<32x512xf32, #tpu.memory_space<vmem>> -> memref<1x512xf32, #tpu.memory_space<vmem>>
        %dma_start3A_2158 = arith.constant 0 : i32
        %dma_start3A_2159 = tpu.memref_slice %arg10[%squeeze3A_2149, %dma_start3A_2158] : memref<1000x512xf32, #tpu.memory_space<vmem_shared>> -> memref<1x512xf32, #tpu.memory_space<vmem_shared>>
        %dma_start3A_2160 = arith.constant 0 : i32
        %dma_start3A_2161 = arith.constant 0 : i32
        %dma_start3A_2162 = tpu.memref_slice %arg8[%dma_start3A_2150, %dma_start3A_2160, %dma_start3A_2161] : memref<2x32x512xf32, #tpu.memory_space<vmem>> -> memref<1x32x512xf32, #tpu.memory_space<vmem>>
        %dma_start3A_2163 = tpu.memref_squeeze %dma_start3A_2162 : memref<1x32x512xf32, #tpu.memory_space<vmem>> -> memref<32x512xf32, #tpu.memory_space<vmem>>
        %dma_start3A_2164 = arith.constant 29 : i32
        %dma_start3A_2165 = arith.constant 0 : i32
        %dma_start3A_2166 = tpu.memref_slice %dma_start3A_2163[%dma_start3A_2164, %dma_start3A_2165] : memref<32x512xf32, #tpu.memory_space<vmem>> -> memref<1x512xf32, #tpu.memory_space<vmem>>
        %dma_start3A_2167 = arith.constant 0 : i32
        %dma_start3A_2168 = tpu.memref_slice %arg10[%squeeze3A_2149, %dma_start3A_2167] : memref<1000x512xf32, #tpu.memory_space<vmem_shared>> -> memref<1x512xf32, #tpu.memory_space<vmem_shared>>
        tpu.enqueue_dma source(%dma_start3A_2168 : memref<1x512xf32, #tpu.memory_space<vmem_shared>>) target(%dma_start3A_2166 : memref<1x512xf32, #tpu.memory_space<vmem>>) target_semaphore(%arg13 : memref<!tpu.dma_semaphore, #tpu.memory_space<semaphore_mem>>)
        %slice3A_2169 = vector.extract_strided_slice %get3A_1874 {offsets = [14], sizes = [1], strides = [1]} : vector<16xi32> to vector<1xi32>
        %squeeze3A_2170 = vector.extract %slice3A_2169[0] : i32 from vector<1xi32>
        %dma_start3A_2171 = arith.constant 0 : i32
        %dma_start3A_2172 = arith.constant 0 : i32
        %dma_start3A_2173 = arith.constant 0 : i32
        %dma_start3A_2174 = tpu.memref_slice %arg8[%dma_start3A_2171, %dma_start3A_2172, %dma_start3A_2173] : memref<2x32x512xf32, #tpu.memory_space<vmem>> -> memref<1x32x512xf32, #tpu.memory_space<vmem>>
        %dma_start3A_2175 = tpu.memref_squeeze %dma_start3A_2174 : memref<1x32x512xf32, #tpu.memory_space<vmem>> -> memref<32x512xf32, #tpu.memory_space<vmem>>
        %dma_start3A_2176 = arith.constant 30 : i32
        %dma_start3A_2177 = arith.constant 0 : i32
        %dma_start3A_2178 = tpu.memref_slice %dma_start3A_2175[%dma_start3A_2176, %dma_start3A_2177] : memref<32x512xf32, #tpu.memory_space<vmem>> -> memref<1x512xf32, #tpu.memory_space<vmem>>
        %dma_start3A_2179 = arith.constant 0 : i32
        %dma_start3A_2180 = tpu.memref_slice %arg10[%squeeze3A_2170, %dma_start3A_2179] : memref<1000x512xf32, #tpu.memory_space<vmem_shared>> -> memref<1x512xf32, #tpu.memory_space<vmem_shared>>
        %dma_start3A_2181 = arith.constant 0 : i32
        %dma_start3A_2182 = arith.constant 0 : i32
        %dma_start3A_2183 = tpu.memref_slice %arg8[%dma_start3A_2171, %dma_start3A_2181, %dma_start3A_2182] : memref<2x32x512xf32, #tpu.memory_space<vmem>> -> memref<1x32x512xf32, #tpu.memory_space<vmem>>
        %dma_start3A_2184 = tpu.memref_squeeze %dma_start3A_2183 : memref<1x32x512xf32, #tpu.memory_space<vmem>> -> memref<32x512xf32, #tpu.memory_space<vmem>>
        %dma_start3A_2185 = arith.constant 30 : i32
        %dma_start3A_2186 = arith.constant 0 : i32
        %dma_start3A_2187 = tpu.memref_slice %dma_start3A_2184[%dma_start3A_2185, %dma_start3A_2186] : memref<32x512xf32, #tpu.memory_space<vmem>> -> memref<1x512xf32, #tpu.memory_space<vmem>>
        %dma_start3A_2188 = arith.constant 0 : i32
        %dma_start3A_2189 = tpu.memref_slice %arg10[%squeeze3A_2170, %dma_start3A_2188] : memref<1000x512xf32, #tpu.memory_space<vmem_shared>> -> memref<1x512xf32, #tpu.memory_space<vmem_shared>>
        tpu.enqueue_dma source(%dma_start3A_2189 : memref<1x512xf32, #tpu.memory_space<vmem_shared>>) target(%dma_start3A_2187 : memref<1x512xf32, #tpu.memory_space<vmem>>) target_semaphore(%arg13 : memref<!tpu.dma_semaphore, #tpu.memory_space<semaphore_mem>>)
        %slice3A_2190 = vector.extract_strided_slice %get3A_1874 {offsets = [15], sizes = [1], strides = [1]} : vector<16xi32> to vector<1xi32>
        %squeeze3A_2191 = vector.extract %slice3A_2190[0] : i32 from vector<1xi32>
        %dma_start3A_2192 = arith.constant 0 : i32
        %dma_start3A_2193 = arith.constant 0 : i32
        %dma_start3A_2194 = arith.constant 0 : i32
        %dma_start3A_2195 = tpu.memref_slice %arg8[%dma_start3A_2192, %dma_start3A_2193, %dma_start3A_2194] : memref<2x32x512xf32, #tpu.memory_space<vmem>> -> memref<1x32x512xf32, #tpu.memory_space<vmem>>
        %dma_start3A_2196 = tpu.memref_squeeze %dma_start3A_2195 : memref<1x32x512xf32, #tpu.memory_space<vmem>> -> memref<32x512xf32, #tpu.memory_space<vmem>>
        %dma_start3A_2197 = arith.constant 31 : i32
        %dma_start3A_2198 = arith.constant 0 : i32
        %dma_start3A_2199 = tpu.memref_slice %dma_start3A_2196[%dma_start3A_2197, %dma_start3A_2198] : memref<32x512xf32, #tpu.memory_space<vmem>> -> memref<1x512xf32, #tpu.memory_space<vmem>>
        %dma_start3A_2200 = arith.constant 0 : i32
        %dma_start3A_2201 = tpu.memref_slice %arg10[%squeeze3A_2191, %dma_start3A_2200] : memref<1000x512xf32, #tpu.memory_space<vmem_shared>> -> memref<1x512xf32, #tpu.memory_space<vmem_shared>>
        %dma_start3A_2202 = arith.constant 0 : i32
        %dma_start3A_2203 = arith.constant 0 : i32
        %dma_start3A_2204 = tpu.memref_slice %arg8[%dma_start3A_2192, %dma_start3A_2202, %dma_start3A_2203] : memref<2x32x512xf32, #tpu.memory_space<vmem>> -> memref<1x32x512xf32, #tpu.memory_space<vmem>>
        %dma_start3A_2205 = tpu.memref_squeeze %dma_start3A_2204 : memref<1x32x512xf32, #tpu.memory_space<vmem>> -> memref<32x512xf32, #tpu.memory_space<vmem>>
        %dma_start3A_2206 = arith.constant 31 : i32
        %dma_start3A_2207 = arith.constant 0 : i32
        %dma_start3A_2208 = tpu.memref_slice %dma_start3A_2205[%dma_start3A_2206, %dma_start3A_2207] : memref<32x512xf32, #tpu.memory_space<vmem>> -> memref<1x512xf32, #tpu.memory_space<vmem>>
        %dma_start3A_2209 = arith.constant 0 : i32
        %dma_start3A_2210 = tpu.memref_slice %arg10[%squeeze3A_2191, %dma_start3A_2209] : memref<1000x512xf32, #tpu.memory_space<vmem_shared>> -> memref<1x512xf32, #tpu.memory_space<vmem_shared>>
        tpu.enqueue_dma source(%dma_start3A_2210 : memref<1x512xf32, #tpu.memory_space<vmem_shared>>) target(%dma_start3A_2208 : memref<1x512xf32, #tpu.memory_space<vmem>>) target_semaphore(%arg13 : memref<!tpu.dma_semaphore, #tpu.memory_space<semaphore_mem>>)
      } else {
      }
      %scan3A_1501 = arith.constant 0 : i32
      %scan3A_1502 = arith.constant 32 : i32
      %scan3A_1503 = arith.addi %scan3A_1501, %scan3A_1502 : i32
      %scan3A_1504 = arith.constant 1 : i32
      %scan3A_1505:4 = scf.for %scan3A_1507 = %scan3A_1501 to %scan3A_1503 step %scan3A_1504 iter_args(%scan3A_1508 = %scan3A_1465#0, %scan3A_1509 = %scan3A_1465#1, %scan3A_1510 = %scan3A_1465#2, %scan3A_1511 = %scan3A_1465#3) -> (vector<16xf32>, vector<16xf32>, vector<16xf32>, vector<16xf32>)  : i32 {
        %get3A_1512 = arith.constant 1 : i32
        %get3A_1513 = arith.index_cast %get3A_1512 : i32 to index
        %get3A_1514 = arith.index_cast %scan3A_1507 : i32 to index
        %get3A_1515 = arith.constant 0 : index
        %get3A_1516 = tpu.vector_load %arg7[%get3A_1513, %get3A_1514, %get3A_1515] {strides = array<i32>} : memref<2x32x512xf32, #tpu.memory_space<vmem>>, vector<1x1x16xf32>,
        %get3A_1517 = vector.shape_cast %get3A_1516 : vector<1x1x16xf32> to vector<16xf32>
        %get3A_1518 = arith.constant 1 : i32
        %get3A_1519 = arith.index_cast %get3A_1518 : i32 to index
        %get3A_1520 = arith.index_cast %scan3A_1507 : i32 to index
        %get3A_1521 = arith.constant 0 : index
        %get3A_1522 = tpu.vector_load %arg8[%get3A_1519, %get3A_1520, %get3A_1521] {strides = array<i32>} : memref<2x32x512xf32, #tpu.memory_space<vmem>>, vector<1x1x16xf32>,
        %get3A_1523 = vector.shape_cast %get3A_1522 : vector<1x1x16xf32> to vector<16xf32>
        %sub3A = arith.subf %get3A_1517, %get3A_1523 : vector<16xf32>
        %mul3A_1524 = arith.mulf %sub3A, %sub3A : vector<16xf32>
        %add3A_1525 = arith.addf %scan3A_1508, %mul3A_1524 : vector<16xf32>
        %get3A_1526 = arith.constant 1 : i32
        %get3A_1527 = arith.index_cast %get3A_1526 : i32 to index
        %get3A_1528 = arith.index_cast %scan3A_1507 : i32 to index
        %get3A_1529 = arith.constant 16 : index
        %get3A_1530 = tpu.vector_load %arg7[%get3A_1527, %get3A_1528, %get3A_1529] {strides = array<i32>} : memref<2x32x512xf32, #tpu.memory_space<vmem>>, vector<1x1x16xf32>,
        %get3A_1531 = vector.shape_cast %get3A_1530 : vector<1x1x16xf32> to vector<16xf32>
        %get3A_1532 = arith.constant 1 : i32
        %get3A_1533 = arith.index_cast %get3A_1532 : i32 to index
        %get3A_1534 = arith.index_cast %scan3A_1507 : i32 to index
        %get3A_1535 = arith.constant 16 : index
        %get3A_1536 = tpu.vector_load %arg8[%get3A_1533, %get3A_1534, %get3A_1535] {strides = array<i32>} : memref<2x32x512xf32, #tpu.memory_space<vmem>>, vector<1x1x16xf32>,
        %get3A_1537 = vector.shape_cast %get3A_1536 : vector<1x1x16xf32> to vector<16xf32>
        %sub3A_1538 = arith.subf %get3A_1531, %get3A_1537 : vector<16xf32>
        %mul3A_1539 = arith.mulf %sub3A_1538, %sub3A_1538 : vector<16xf32>
        %add3A_1540 = arith.addf %scan3A_1509, %mul3A_1539 : vector<16xf32>
        %get3A_1541 = arith.constant 1 : i32
        %get3A_1542 = arith.index_cast %get3A_1541 : i32 to index
        %get3A_1543 = arith.index_cast %scan3A_1507 : i32 to index
        %get3A_1544 = arith.constant 32 : index
        %get3A_1545 = tpu.vector_load %arg7[%get3A_1542, %get3A_1543, %get3A_1544] {strides = array<i32>} : memref<2x32x512xf32, #tpu.memory_space<vmem>>, vector<1x1x16xf32>,
        %get3A_1546 = vector.shape_cast %get3A_1545 : vector<1x1x16xf32> to vector<16xf32>
        %get3A_1547 = arith.constant 1 : i32
        %get3A_1548 = arith.index_cast %get3A_1547 : i32 to index
        %get3A_1549 = arith.index_cast %scan3A_1507 : i32 to index
        %get3A_1550 = arith.constant 32 : index
        %get3A_1551 = tpu.vector_load %arg8[%get3A_1548, %get3A_1549, %get3A_1550] {strides = array<i32>} : memref<2x32x512xf32, #tpu.memory_space<vmem>>, vector<1x1x16xf32>,
        %get3A_1552 = vector.shape_cast %get3A_1551 : vector<1x1x16xf32> to vector<16xf32>
        %sub3A_1553 = arith.subf %get3A_1546, %get3A_1552 : vector<16xf32>
        %mul3A_1554 = arith.mulf %sub3A_1553, %sub3A_1553 : vector<16xf32>
        %add3A_1555 = arith.addf %scan3A_1510, %mul3A_1554 : vector<16xf32>
        %get3A_1556 = arith.constant 1 : i32
        %get3A_1557 = arith.index_cast %get3A_1556 : i32 to index
        %get3A_1558 = arith.index_cast %scan3A_1507 : i32 to index
        %get3A_1559 = arith.constant 48 : index
        %get3A_1560 = tpu.vector_load %arg7[%get3A_1557, %get3A_1558, %get3A_1559] {strides = array<i32>} : memref<2x32x512xf32, #tpu.memory_space<vmem>>, vector<1x1x16xf32>,
        %get3A_1561 = vector.shape_cast %get3A_1560 : vector<1x1x16xf32> to vector<16xf32>
        %get3A_1562 = arith.constant 1 : i32
        %get3A_1563 = arith.index_cast %get3A_1562 : i32 to index
        %get3A_1564 = arith.index_cast %scan3A_1507 : i32 to index
        %get3A_1565 = arith.constant 48 : index
        %get3A_1566 = tpu.vector_load %arg8[%get3A_1563, %get3A_1564, %get3A_1565] {strides = array<i32>} : memref<2x32x512xf32, #tpu.memory_space<vmem>>, vector<1x1x16xf32>,
        %get3A_1567 = vector.shape_cast %get3A_1566 : vector<1x1x16xf32> to vector<16xf32>
        %sub3A_1568 = arith.subf %get3A_1561, %get3A_1567 : vector<16xf32>
        %mul3A_1569 = arith.mulf %sub3A_1568, %sub3A_1568 : vector<16xf32>
        %add3A_1570 = arith.addf %scan3A_1511, %mul3A_1569 : vector<16xf32>
        %get3A_1571 = arith.constant 1 : i32
        %get3A_1572 = arith.index_cast %get3A_1571 : i32 to index
        %get3A_1573 = arith.index_cast %scan3A_1507 : i32 to index
        %get3A_1574 = arith.constant 64 : index
        %get3A_1575 = tpu.vector_load %arg7[%get3A_1572, %get3A_1573, %get3A_1574] {strides = array<i32>} : memref<2x32x512xf32, #tpu.memory_space<vmem>>, vector<1x1x16xf32>,
        %get3A_1576 = vector.shape_cast %get3A_1575 : vector<1x1x16xf32> to vector<16xf32>
        %get3A_1577 = arith.constant 1 : i32
        %get3A_1578 = arith.index_cast %get3A_1577 : i32 to index
        %get3A_1579 = arith.index_cast %scan3A_1507 : i32 to index
        %get3A_1580 = arith.constant 64 : index
        %get3A_1581 = tpu.vector_load %arg8[%get3A_1578, %get3A_1579, %get3A_1580] {strides = array<i32>} : memref<2x32x512xf32, #tpu.memory_space<vmem>>, vector<1x1x16xf32>,
        %get3A_1582 = vector.shape_cast %get3A_1581 : vector<1x1x16xf32> to vector<16xf32>
        %sub3A_1583 = arith.subf %get3A_1576, %get3A_1582 : vector<16xf32>
        %mul3A_1584 = arith.mulf %sub3A_1583, %sub3A_1583 : vector<16xf32>
        %add3A_1585 = arith.addf %add3A_1525, %mul3A_1584 : vector<16xf32>
        %get3A_1586 = arith.constant 1 : i32
        %get3A_1587 = arith.index_cast %get3A_1586 : i32 to index
        %get3A_1588 = arith.index_cast %scan3A_1507 : i32 to index
        %get3A_1589 = arith.constant 80 : index
        %get3A_1590 = tpu.vector_load %arg7[%get3A_1587, %get3A_1588, %get3A_1589] {strides = array<i32>} : memref<2x32x512xf32, #tpu.memory_space<vmem>>, vector<1x1x16xf32>,
        %get3A_1591 = vector.shape_cast %get3A_1590 : vector<1x1x16xf32> to vector<16xf32>
        %get3A_1592 = arith.constant 1 : i32
        %get3A_1593 = arith.index_cast %get3A_1592 : i32 to index
        %get3A_1594 = arith.index_cast %scan3A_1507 : i32 to index
        %get3A_1595 = arith.constant 80 : index
        %get3A_1596 = tpu.vector_load %arg8[%get3A_1593, %get3A_1594, %get3A_1595] {strides = array<i32>} : memref<2x32x512xf32, #tpu.memory_space<vmem>>, vector<1x1x16xf32>,
        %get3A_1597 = vector.shape_cast %get3A_1596 : vector<1x1x16xf32> to vector<16xf32>
        %sub3A_1598 = arith.subf %get3A_1591, %get3A_1597 : vector<16xf32>
        %mul3A_1599 = arith.mulf %sub3A_1598, %sub3A_1598 : vector<16xf32>
        %add3A_1600 = arith.addf %add3A_1540, %mul3A_1599 : vector<16xf32>
        %get3A_1601 = arith.constant 1 : i32
        %get3A_1602 = arith.index_cast %get3A_1601 : i32 to index
        %get3A_1603 = arith.index_cast %scan3A_1507 : i32 to index
        %get3A_1604 = arith.constant 96 : index
        %get3A_1605 = tpu.vector_load %arg7[%get3A_1602, %get3A_1603, %get3A_1604] {strides = array<i32>} : memref<2x32x512xf32, #tpu.memory_space<vmem>>, vector<1x1x16xf32>,
        %get3A_1606 = vector.shape_cast %get3A_1605 : vector<1x1x16xf32> to vector<16xf32>
        %get3A_1607 = arith.constant 1 : i32
        %get3A_1608 = arith.index_cast %get3A_1607 : i32 to index
        %get3A_1609 = arith.index_cast %scan3A_1507 : i32 to index
        %get3A_1610 = arith.constant 96 : index
        %get3A_1611 = tpu.vector_load %arg8[%get3A_1608, %get3A_1609, %get3A_1610] {strides = array<i32>} : memref<2x32x512xf32, #tpu.memory_space<vmem>>, vector<1x1x16xf32>,
        %get3A_1612 = vector.shape_cast %get3A_1611 : vector<1x1x16xf32> to vector<16xf32>
        %sub3A_1613 = arith.subf %get3A_1606, %get3A_1612 : vector<16xf32>
        %mul3A_1614 = arith.mulf %sub3A_1613, %sub3A_1613 : vector<16xf32>
        %add3A_1615 = arith.addf %add3A_1555, %mul3A_1614 : vector<16xf32>
        %get3A_1616 = arith.constant 1 : i32
        %get3A_1617 = arith.index_cast %get3A_1616 : i32 to index
        %get3A_1618 = arith.index_cast %scan3A_1507 : i32 to index
        %get3A_1619 = arith.constant 112 : index
        %get3A_1620 = tpu.vector_load %arg7[%get3A_1617, %get3A_1618, %get3A_1619] {strides = array<i32>} : memref<2x32x512xf32, #tpu.memory_space<vmem>>, vector<1x1x16xf32>,
        %get3A_1621 = vector.shape_cast %get3A_1620 : vector<1x1x16xf32> to vector<16xf32>
        %get3A_1622 = arith.constant 1 : i32
        %get3A_1623 = arith.index_cast %get3A_1622 : i32 to index
        %get3A_1624 = arith.index_cast %scan3A_1507 : i32 to index
        %get3A_1625 = arith.constant 112 : index
        %get3A_1626 = tpu.vector_load %arg8[%get3A_1623, %get3A_1624, %get3A_1625] {strides = array<i32>} : memref<2x32x512xf32, #tpu.memory_space<vmem>>, vector<1x1x16xf32>,
        %get3A_1627 = vector.shape_cast %get3A_1626 : vector<1x1x16xf32> to vector<16xf32>
        %sub3A_1628 = arith.subf %get3A_1621, %get3A_1627 : vector<16xf32>
        %mul3A_1629 = arith.mulf %sub3A_1628, %sub3A_1628 : vector<16xf32>
        %add3A_1630 = arith.addf %add3A_1570, %mul3A_1629 : vector<16xf32>
        %get3A_1631 = arith.constant 1 : i32
        %get3A_1632 = arith.index_cast %get3A_1631 : i32 to index
        %get3A_1633 = arith.index_cast %scan3A_1507 : i32 to index
        %get3A_1634 = arith.constant 128 : index
        %get3A_1635 = tpu.vector_load %arg7[%get3A_1632, %get3A_1633, %get3A_1634] {strides = array<i32>} : memref<2x32x512xf32, #tpu.memory_space<vmem>>, vector<1x1x16xf32>,
        %get3A_1636 = vector.shape_cast %get3A_1635 : vector<1x1x16xf32> to vector<16xf32>
        %get3A_1637 = arith.constant 1 : i32
        %get3A_1638 = arith.index_cast %get3A_1637 : i32 to index
        %get3A_1639 = arith.index_cast %scan3A_1507 : i32 to index
        %get3A_1640 = arith.constant 128 : index
        %get3A_1641 = tpu.vector_load %arg8[%get3A_1638, %get3A_1639, %get3A_1640] {strides = array<i32>} : memref<2x32x512xf32, #tpu.memory_space<vmem>>, vector<1x1x16xf32>,
        %get3A_1642 = vector.shape_cast %get3A_1641 : vector<1x1x16xf32> to vector<16xf32>
        %sub3A_1643 = arith.subf %get3A_1636, %get3A_1642 : vector<16xf32>
        %mul3A_1644 = arith.mulf %sub3A_1643, %sub3A_1643 : vector<16xf32>
        %add3A_1645 = arith.addf %add3A_1585, %mul3A_1644 : vector<16xf32>
        %get3A_1646 = arith.constant 1 : i32
        %get3A_1647 = arith.index_cast %get3A_1646 : i32 to index
        %get3A_1648 = arith.index_cast %scan3A_1507 : i32 to index
        %get3A_1649 = arith.constant 144 : index
        %get3A_1650 = tpu.vector_load %arg7[%get3A_1647, %get3A_1648, %get3A_1649] {strides = array<i32>} : memref<2x32x512xf32, #tpu.memory_space<vmem>>, vector<1x1x16xf32>,
        %get3A_1651 = vector.shape_cast %get3A_1650 : vector<1x1x16xf32> to vector<16xf32>
        %get3A_1652 = arith.constant 1 : i32
        %get3A_1653 = arith.index_cast %get3A_1652 : i32 to index
        %get3A_1654 = arith.index_cast %scan3A_1507 : i32 to index
        %get3A_1655 = arith.constant 144 : index
        %get3A_1656 = tpu.vector_load %arg8[%get3A_1653, %get3A_1654, %get3A_1655] {strides = array<i32>} : memref<2x32x512xf32, #tpu.memory_space<vmem>>, vector<1x1x16xf32>,
        %get3A_1657 = vector.shape_cast %get3A_1656 : vector<1x1x16xf32> to vector<16xf32>
        %sub3A_1658 = arith.subf %get3A_1651, %get3A_1657 : vector<16xf32>
        %mul3A_1659 = arith.mulf %sub3A_1658, %sub3A_1658 : vector<16xf32>
        %add3A_1660 = arith.addf %add3A_1600, %mul3A_1659 : vector<16xf32>
        %get3A_1661 = arith.constant 1 : i32
        %get3A_1662 = arith.index_cast %get3A_1661 : i32 to index
        %get3A_1663 = arith.index_cast %scan3A_1507 : i32 to index
        %get3A_1664 = arith.constant 160 : index
        %get3A_1665 = tpu.vector_load %arg7[%get3A_1662, %get3A_1663, %get3A_1664] {strides = array<i32>} : memref<2x32x512xf32, #tpu.memory_space<vmem>>, vector<1x1x16xf32>,
        %get3A_1666 = vector.shape_cast %get3A_1665 : vector<1x1x16xf32> to vector<16xf32>
        %get3A_1667 = arith.constant 1 : i32
        %get3A_1668 = arith.index_cast %get3A_1667 : i32 to index
        %get3A_1669 = arith.index_cast %scan3A_1507 : i32 to index
        %get3A_1670 = arith.constant 160 : index
        %get3A_1671 = tpu.vector_load %arg8[%get3A_1668, %get3A_1669, %get3A_1670] {strides = array<i32>} : memref<2x32x512xf32, #tpu.memory_space<vmem>>, vector<1x1x16xf32>,
        %get3A_1672 = vector.shape_cast %get3A_1671 : vector<1x1x16xf32> to vector<16xf32>
        %sub3A_1673 = arith.subf %get3A_1666, %get3A_1672 : vector<16xf32>
        %mul3A_1674 = arith.mulf %sub3A_1673, %sub3A_1673 : vector<16xf32>
        %add3A_1675 = arith.addf %add3A_1615, %mul3A_1674 : vector<16xf32>
        %get3A_1676 = arith.constant 1 : i32
        %get3A_1677 = arith.index_cast %get3A_1676 : i32 to index
        %get3A_1678 = arith.index_cast %scan3A_1507 : i32 to index
        %get3A_1679 = arith.constant 176 : index
        %get3A_1680 = tpu.vector_load %arg7[%get3A_1677, %get3A_1678, %get3A_1679] {strides = array<i32>} : memref<2x32x512xf32, #tpu.memory_space<vmem>>, vector<1x1x16xf32>,
        %get3A_1681 = vector.shape_cast %get3A_1680 : vector<1x1x16xf32> to vector<16xf32>
        %get3A_1682 = arith.constant 1 : i32
        %get3A_1683 = arith.index_cast %get3A_1682 : i32 to index
        %get3A_1684 = arith.index_cast %scan3A_1507 : i32 to index
        %get3A_1685 = arith.constant 176 : index
        %get3A_1686 = tpu.vector_load %arg8[%get3A_1683, %get3A_1684, %get3A_1685] {strides = array<i32>} : memref<2x32x512xf32, #tpu.memory_space<vmem>>, vector<1x1x16xf32>,
        %get3A_1687 = vector.shape_cast %get3A_1686 : vector<1x1x16xf32> to vector<16xf32>
        %sub3A_1688 = arith.subf %get3A_1681, %get3A_1687 : vector<16xf32>
        %mul3A_1689 = arith.mulf %sub3A_1688, %sub3A_1688 : vector<16xf32>
        %add3A_1690 = arith.addf %add3A_1630, %mul3A_1689 : vector<16xf32>
        %get3A_1691 = arith.constant 1 : i32
        %get3A_1692 = arith.index_cast %get3A_1691 : i32 to index
        %get3A_1693 = arith.index_cast %scan3A_1507 : i32 to index
        %get3A_1694 = arith.constant 192 : index
        %get3A_1695 = tpu.vector_load %arg7[%get3A_1692, %get3A_1693, %get3A_1694] {strides = array<i32>} : memref<2x32x512xf32, #tpu.memory_space<vmem>>, vector<1x1x16xf32>,
        %get3A_1696 = vector.shape_cast %get3A_1695 : vector<1x1x16xf32> to vector<16xf32>
        %get3A_1697 = arith.constant 1 : i32
        %get3A_1698 = arith.index_cast %get3A_1697 : i32 to index
        %get3A_1699 = arith.index_cast %scan3A_1507 : i32 to index
        %get3A_1700 = arith.constant 192 : index
        %get3A_1701 = tpu.vector_load %arg8[%get3A_1698, %get3A_1699, %get3A_1700] {strides = array<i32>} : memref<2x32x512xf32, #tpu.memory_space<vmem>>, vector<1x1x16xf32>,
        %get3A_1702 = vector.shape_cast %get3A_1701 : vector<1x1x16xf32> to vector<16xf32>
        %sub3A_1703 = arith.subf %get3A_1696, %get3A_1702 : vector<16xf32>
        %mul3A_1704 = arith.mulf %sub3A_1703, %sub3A_1703 : vector<16xf32>
        %add3A_1705 = arith.addf %add3A_1645, %mul3A_1704 : vector<16xf32>
        %get3A_1706 = arith.constant 1 : i32
        %get3A_1707 = arith.index_cast %get3A_1706 : i32 to index
        %get3A_1708 = arith.index_cast %scan3A_1507 : i32 to index
        %get3A_1709 = arith.constant 208 : index
        %get3A_1710 = tpu.vector_load %arg7[%get3A_1707, %get3A_1708, %get3A_1709] {strides = array<i32>} : memref<2x32x512xf32, #tpu.memory_space<vmem>>, vector<1x1x16xf32>,
        %get3A_1711 = vector.shape_cast %get3A_1710 : vector<1x1x16xf32> to vector<16xf32>
        %get3A_1712 = arith.constant 1 : i32
        %get3A_1713 = arith.index_cast %get3A_1712 : i32 to index
        %get3A_1714 = arith.index_cast %scan3A_1507 : i32 to index
        %get3A_1715 = arith.constant 208 : index
        %get3A_1716 = tpu.vector_load %arg8[%get3A_1713, %get3A_1714, %get3A_1715] {strides = array<i32>} : memref<2x32x512xf32, #tpu.memory_space<vmem>>, vector<1x1x16xf32>,
        %get3A_1717 = vector.shape_cast %get3A_1716 : vector<1x1x16xf32> to vector<16xf32>
        %sub3A_1718 = arith.subf %get3A_1711, %get3A_1717 : vector<16xf32>
        %mul3A_1719 = arith.mulf %sub3A_1718, %sub3A_1718 : vector<16xf32>
        %add3A_1720 = arith.addf %add3A_1660, %mul3A_1719 : vector<16xf32>
        %get3A_1721 = arith.constant 1 : i32
        %get3A_1722 = arith.index_cast %get3A_1721 : i32 to index
        %get3A_1723 = arith.index_cast %scan3A_1507 : i32 to index
        %get3A_1724 = arith.constant 224 : index
        %get3A_1725 = tpu.vector_load %arg7[%get3A_1722, %get3A_1723, %get3A_1724] {strides = array<i32>} : memref<2x32x512xf32, #tpu.memory_space<vmem>>, vector<1x1x16xf32>,
        %get3A_1726 = vector.shape_cast %get3A_1725 : vector<1x1x16xf32> to vector<16xf32>
        %get3A_1727 = arith.constant 1 : i32
        %get3A_1728 = arith.index_cast %get3A_1727 : i32 to index
        %get3A_1729 = arith.index_cast %scan3A_1507 : i32 to index
        %get3A_1730 = arith.constant 224 : index
        %get3A_1731 = tpu.vector_load %arg8[%get3A_1728, %get3A_1729, %get3A_1730] {strides = array<i32>} : memref<2x32x512xf32, #tpu.memory_space<vmem>>, vector<1x1x16xf32>,
        %get3A_1732 = vector.shape_cast %get3A_1731 : vector<1x1x16xf32> to vector<16xf32>
        %sub3A_1733 = arith.subf %get3A_1726, %get3A_1732 : vector<16xf32>
        %mul3A_1734 = arith.mulf %sub3A_1733, %sub3A_1733 : vector<16xf32>
        %add3A_1735 = arith.addf %add3A_1675, %mul3A_1734 : vector<16xf32>
        %get3A_1736 = arith.constant 1 : i32
        %get3A_1737 = arith.index_cast %get3A_1736 : i32 to index
        %get3A_1738 = arith.index_cast %scan3A_1507 : i32 to index
        %get3A_1739 = arith.constant 240 : index
        %get3A_1740 = tpu.vector_load %arg7[%get3A_1737, %get3A_1738, %get3A_1739] {strides = array<i32>} : memref<2x32x512xf32, #tpu.memory_space<vmem>>, vector<1x1x16xf32>,
        %get3A_1741 = vector.shape_cast %get3A_1740 : vector<1x1x16xf32> to vector<16xf32>
        %get3A_1742 = arith.constant 1 : i32
        %get3A_1743 = arith.index_cast %get3A_1742 : i32 to index
        %get3A_1744 = arith.index_cast %scan3A_1507 : i32 to index
        %get3A_1745 = arith.constant 240 : index
        %get3A_1746 = tpu.vector_load %arg8[%get3A_1743, %get3A_1744, %get3A_1745] {strides = array<i32>} : memref<2x32x512xf32, #tpu.memory_space<vmem>>, vector<1x1x16xf32>,
        %get3A_1747 = vector.shape_cast %get3A_1746 : vector<1x1x16xf32> to vector<16xf32>
        %sub3A_1748 = arith.subf %get3A_1741, %get3A_1747 : vector<16xf32>
        %mul3A_1749 = arith.mulf %sub3A_1748, %sub3A_1748 : vector<16xf32>
        %add3A_1750 = arith.addf %add3A_1690, %mul3A_1749 : vector<16xf32>
        %get3A_1751 = arith.constant 1 : i32
        %get3A_1752 = arith.index_cast %get3A_1751 : i32 to index
        %get3A_1753 = arith.index_cast %scan3A_1507 : i32 to index
        %get3A_1754 = arith.constant 256 : index
        %get3A_1755 = tpu.vector_load %arg7[%get3A_1752, %get3A_1753, %get3A_1754] {strides = array<i32>} : memref<2x32x512xf32, #tpu.memory_space<vmem>>, vector<1x1x16xf32>,
        %get3A_1756 = vector.shape_cast %get3A_1755 : vector<1x1x16xf32> to vector<16xf32>
        %get3A_1757 = arith.constant 1 : i32
        %get3A_1758 = arith.index_cast %get3A_1757 : i32 to index
        %get3A_1759 = arith.index_cast %scan3A_1507 : i32 to index
        %get3A_1760 = arith.constant 256 : index
        %get3A_1761 = tpu.vector_load %arg8[%get3A_1758, %get3A_1759, %get3A_1760] {strides = array<i32>} : memref<2x32x512xf32, #tpu.memory_space<vmem>>, vector<1x1x16xf32>,
        %get3A_1762 = vector.shape_cast %get3A_1761 : vector<1x1x16xf32> to vector<16xf32>
        %sub3A_1763 = arith.subf %get3A_1756, %get3A_1762 : vector<16xf32>
        %mul3A_1764 = arith.mulf %sub3A_1763, %sub3A_1763 : vector<16xf32>
        %add3A_1765 = arith.addf %add3A_1705, %mul3A_1764 : vector<16xf32>
        %get3A_1766 = arith.constant 1 : i32
        %get3A_1767 = arith.index_cast %get3A_1766 : i32 to index
        %get3A_1768 = arith.index_cast %scan3A_1507 : i32 to index
        %get3A_1769 = arith.constant 272 : index
        %get3A_1770 = tpu.vector_load %arg7[%get3A_1767, %get3A_1768, %get3A_1769] {strides = array<i32>} : memref<2x32x512xf32, #tpu.memory_space<vmem>>, vector<1x1x16xf32>,
        %get3A_1771 = vector.shape_cast %get3A_1770 : vector<1x1x16xf32> to vector<16xf32>
        %get3A_1772 = arith.constant 1 : i32
        %get3A_1773 = arith.index_cast %get3A_1772 : i32 to index
        %get3A_1774 = arith.index_cast %scan3A_1507 : i32 to index
        %get3A_1775 = arith.constant 272 : index
        %get3A_1776 = tpu.vector_load %arg8[%get3A_1773, %get3A_1774, %get3A_1775] {strides = array<i32>} : memref<2x32x512xf32, #tpu.memory_space<vmem>>, vector<1x1x16xf32>,
        %get3A_1777 = vector.shape_cast %get3A_1776 : vector<1x1x16xf32> to vector<16xf32>
        %sub3A_1778 = arith.subf %get3A_1771, %get3A_1777 : vector<16xf32>
        %mul3A_1779 = arith.mulf %sub3A_1778, %sub3A_1778 : vector<16xf32>
        %add3A_1780 = arith.addf %add3A_1720, %mul3A_1779 : vector<16xf32>
        %get3A_1781 = arith.constant 1 : i32
        %get3A_1782 = arith.index_cast %get3A_1781 : i32 to index
        %get3A_1783 = arith.index_cast %scan3A_1507 : i32 to index
        %get3A_1784 = arith.constant 288 : index
        %get3A_1785 = tpu.vector_load %arg7[%get3A_1782, %get3A_1783, %get3A_1784] {strides = array<i32>} : memref<2x32x512xf32, #tpu.memory_space<vmem>>, vector<1x1x16xf32>,
        %get3A_1786 = vector.shape_cast %get3A_1785 : vector<1x1x16xf32> to vector<16xf32>
        %get3A_1787 = arith.constant 1 : i32
        %get3A_1788 = arith.index_cast %get3A_1787 : i32 to index
        %get3A_1789 = arith.index_cast %scan3A_1507 : i32 to index
        %get3A_1790 = arith.constant 288 : index
        %get3A_1791 = tpu.vector_load %arg8[%get3A_1788, %get3A_1789, %get3A_1790] {strides = array<i32>} : memref<2x32x512xf32, #tpu.memory_space<vmem>>, vector<1x1x16xf32>,
        %get3A_1792 = vector.shape_cast %get3A_1791 : vector<1x1x16xf32> to vector<16xf32>
        %sub3A_1793 = arith.subf %get3A_1786, %get3A_1792 : vector<16xf32>
        %mul3A_1794 = arith.mulf %sub3A_1793, %sub3A_1793 : vector<16xf32>
        %add3A_1795 = arith.addf %add3A_1735, %mul3A_1794 : vector<16xf32>
        %get3A_1796 = arith.constant 1 : i32
        %get3A_1797 = arith.index_cast %get3A_1796 : i32 to index
        %get3A_1798 = arith.index_cast %scan3A_1507 : i32 to index
        %get3A_1799 = arith.constant 304 : index
        %get3A_1800 = tpu.vector_load %arg7[%get3A_1797, %get3A_1798, %get3A_1799] {strides = array<i32>} : memref<2x32x512xf32, #tpu.memory_space<vmem>>, vector<1x1x16xf32>,
        %get3A_1801 = vector.shape_cast %get3A_1800 : vector<1x1x16xf32> to vector<16xf32>
        %get3A_1802 = arith.constant 1 : i32
        %get3A_1803 = arith.index_cast %get3A_1802 : i32 to index
        %get3A_1804 = arith.index_cast %scan3A_1507 : i32 to index
        %get3A_1805 = arith.constant 304 : index
        %get3A_1806 = tpu.vector_load %arg8[%get3A_1803, %get3A_1804, %get3A_1805] {strides = array<i32>} : memref<2x32x512xf32, #tpu.memory_space<vmem>>, vector<1x1x16xf32>,
        %get3A_1807 = vector.shape_cast %get3A_1806 : vector<1x1x16xf32> to vector<16xf32>
        %sub3A_1808 = arith.subf %get3A_1801, %get3A_1807 : vector<16xf32>
        %mul3A_1809 = arith.mulf %sub3A_1808, %sub3A_1808 : vector<16xf32>
        %add3A_1810 = arith.addf %add3A_1750, %mul3A_1809 : vector<16xf32>
        %get3A_1811 = arith.constant 1 : i32
        %get3A_1812 = arith.index_cast %get3A_1811 : i32 to index
        %get3A_1813 = arith.index_cast %scan3A_1507 : i32 to index
        %get3A_1814 = arith.constant 320 : index
        %get3A_1815 = tpu.vector_load %arg7[%get3A_1812, %get3A_1813, %get3A_1814] {strides = array<i32>} : memref<2x32x512xf32, #tpu.memory_space<vmem>>, vector<1x1x16xf32>,
        %get3A_1816 = vector.shape_cast %get3A_1815 : vector<1x1x16xf32> to vector<16xf32>
        %get3A_1817 = arith.constant 1 : i32
        %get3A_1818 = arith.index_cast %get3A_1817 : i32 to index
        %get3A_1819 = arith.index_cast %scan3A_1507 : i32 to index
        %get3A_1820 = arith.constant 320 : index
        %get3A_1821 = tpu.vector_load %arg8[%get3A_1818, %get3A_1819, %get3A_1820] {strides = array<i32>} : memref<2x32x512xf32, #tpu.memory_space<vmem>>, vector<1x1x16xf32>,
        %get3A_1822 = vector.shape_cast %get3A_1821 : vector<1x1x16xf32> to vector<16xf32>
        %sub3A_1823 = arith.subf %get3A_1816, %get3A_1822 : vector<16xf32>
        %mul3A_1824 = arith.mulf %sub3A_1823, %sub3A_1823 : vector<16xf32>
        %add3A_1825 = arith.addf %add3A_1765, %mul3A_1824 : vector<16xf32>
        %get3A_1826 = arith.constant 1 : i32
        %get3A_1827 = arith.index_cast %get3A_1826 : i32 to index
        %get3A_1828 = arith.index_cast %scan3A_1507 : i32 to index
        %get3A_1829 = arith.constant 336 : index
        %get3A_1830 = tpu.vector_load %arg7[%get3A_1827, %get3A_1828, %get3A_1829] {strides = array<i32>} : memref<2x32x512xf32, #tpu.memory_space<vmem>>, vector<1x1x16xf32>,
        %get3A_1831 = vector.shape_cast %get3A_1830 : vector<1x1x16xf32> to vector<16xf32>
        %get3A_1832 = arith.constant 1 : i32
        %get3A_1833 = arith.index_cast %get3A_1832 : i32 to index
        %get3A_1834 = arith.index_cast %scan3A_1507 : i32 to index
        %get3A_1835 = arith.constant 336 : index
        %get3A_1836 = tpu.vector_load %arg8[%get3A_1833, %get3A_1834, %get3A_1835] {strides = array<i32>} : memref<2x32x512xf32, #tpu.memory_space<vmem>>, vector<1x1x16xf32>,
        %get3A_1837 = vector.shape_cast %get3A_1836 : vector<1x1x16xf32> to vector<16xf32>
        %sub3A_1838 = arith.subf %get3A_1831, %get3A_1837 : vector<16xf32>
        %mul3A_1839 = arith.mulf %sub3A_1838, %sub3A_1838 : vector<16xf32>
        %add3A_1840 = arith.addf %add3A_1780, %mul3A_1839 : vector<16xf32>
        %get3A_1841 = arith.constant 1 : i32
        %get3A_1842 = arith.index_cast %get3A_1841 : i32 to index
        %get3A_1843 = arith.index_cast %scan3A_1507 : i32 to index
        %get3A_1844 = arith.constant 352 : index
        %get3A_1845 = tpu.vector_load %arg7[%get3A_1842, %get3A_1843, %get3A_1844] {strides = array<i32>} : memref<2x32x512xf32, #tpu.memory_space<vmem>>, vector<1x1x16xf32>,
        %get3A_1846 = vector.shape_cast %get3A_1845 : vector<1x1x16xf32> to vector<16xf32>
        %get3A_1847 = arith.constant 1 : i32
        %get3A_1848 = arith.index_cast %get3A_1847 : i32 to index
        %get3A_1849 = arith.index_cast %scan3A_1507 : i32 to index
        %get3A_1850 = arith.constant 352 : index
        %get3A_1851 = tpu.vector_load %arg8[%get3A_1848, %get3A_1849, %get3A_1850] {strides = array<i32>} : memref<2x32x512xf32, #tpu.memory_space<vmem>>, vector<1x1x16xf32>,
        %get3A_1852 = vector.shape_cast %get3A_1851 : vector<1x1x16xf32> to vector<16xf32>
        %sub3A_1853 = arith.subf %get3A_1846, %get3A_1852 : vector<16xf32>
        %mul3A_1854 = arith.mulf %sub3A_1853, %sub3A_1853 : vector<16xf32>
        %add3A_1855 = arith.addf %add3A_1795, %mul3A_1854 : vector<16xf32>
        %get3A_1856 = arith.constant 1 : i32
        %get3A_1857 = arith.index_cast %get3A_1856 : i32 to index
        %get3A_1858 = arith.index_cast %scan3A_1507 : i32 to index
        %get3A_1859 = arith.constant 368 : index
        %get3A_1860 = tpu.vector_load %arg7[%get3A_1857, %get3A_1858, %get3A_1859] {strides = array<i32>} : memref<2x32x512xf32, #tpu.memory_space<vmem>>, vector<1x1x16xf32>,
        %get3A_1861 = vector.shape_cast %get3A_1860 : vector<1x1x16xf32> to vector<16xf32>
        %get3A_1862 = arith.constant 1 : i32
        %get3A_1863 = arith.index_cast %get3A_1862 : i32 to index
        %get3A_1864 = arith.index_cast %scan3A_1507 : i32 to index
        %get3A_1865 = arith.constant 368 : index
        %get3A_1866 = tpu.vector_load %arg8[%get3A_1863, %get3A_1864, %get3A_1865] {strides = array<i32>} : memref<2x32x512xf32, #tpu.memory_space<vmem>>, vector<1x1x16xf32>,
        %get3A_1867 = vector.shape_cast %get3A_1866 : vector<1x1x16xf32> to vector<16xf32>
        %sub3A_1868 = arith.subf %get3A_1861, %get3A_1867 : vector<16xf32>
        %mul3A_1869 = arith.mulf %sub3A_1868, %sub3A_1868 : vector<16xf32>
        %add3A_1870 = arith.addf %add3A_1810, %mul3A_1869 : vector<16xf32>
        %get3A_1871 = arith.constant 1 : i32
        %get3A_1872 = arith.index_cast %get3A_1871 : i32 to index
        %get3A_1873 = arith.index_cast %scan3A_1507 : i32 to index
        %get3A_1874 = arith.constant 384 : index
        %get3A_1875 = tpu.vector_load %arg7[%get3A_1872, %get3A_1873, %get3A_1874] {strides = array<i32>} : memref<2x32x512xf32, #tpu.memory_space<vmem>>, vector<1x1x16xf32>,
        %get3A_1876 = vector.shape_cast %get3A_1875 : vector<1x1x16xf32> to vector<16xf32>
        %get3A_1877 = arith.constant 1 : i32
        %get3A_1878 = arith.index_cast %get3A_1877 : i32 to index
        %get3A_1879 = arith.index_cast %scan3A_1507 : i32 to index
        %get3A_1880 = arith.constant 384 : index
        %get3A_1881 = tpu.vector_load %arg8[%get3A_1878, %get3A_1879, %get3A_1880] {strides = array<i32>} : memref<2x32x512xf32, #tpu.memory_space<vmem>>, vector<1x1x16xf32>,
        %get3A_1882 = vector.shape_cast %get3A_1881 : vector<1x1x16xf32> to vector<16xf32>
        %sub3A_1883 = arith.subf %get3A_1876, %get3A_1882 : vector<16xf32>
        %mul3A_1884 = arith.mulf %sub3A_1883, %sub3A_1883 : vector<16xf32>
        %add3A_1885 = arith.addf %add3A_1825, %mul3A_1884 : vector<16xf32>
        %get3A_1886 = arith.constant 1 : i32
        %get3A_1887 = arith.index_cast %get3A_1886 : i32 to index
        %get3A_1888 = arith.index_cast %scan3A_1507 : i32 to index
        %get3A_1889 = arith.constant 400 : index
        %get3A_1890 = tpu.vector_load %arg7[%get3A_1887, %get3A_1888, %get3A_1889] {strides = array<i32>} : memref<2x32x512xf32, #tpu.memory_space<vmem>>, vector<1x1x16xf32>,
        %get3A_1891 = vector.shape_cast %get3A_1890 : vector<1x1x16xf32> to vector<16xf32>
        %get3A_1892 = arith.constant 1 : i32
        %get3A_1893 = arith.index_cast %get3A_1892 : i32 to index
        %get3A_1894 = arith.index_cast %scan3A_1507 : i32 to index
        %get3A_1895 = arith.constant 400 : index
        %get3A_1896 = tpu.vector_load %arg8[%get3A_1893, %get3A_1894, %get3A_1895] {strides = array<i32>} : memref<2x32x512xf32, #tpu.memory_space<vmem>>, vector<1x1x16xf32>,
        %get3A_1897 = vector.shape_cast %get3A_1896 : vector<1x1x16xf32> to vector<16xf32>
        %sub3A_1898 = arith.subf %get3A_1891, %get3A_1897 : vector<16xf32>
        %mul3A_1899 = arith.mulf %sub3A_1898, %sub3A_1898 : vector<16xf32>
        %add3A_1900 = arith.addf %add3A_1840, %mul3A_1899 : vector<16xf32>
        %get3A_1901 = arith.constant 1 : i32
        %get3A_1902 = arith.index_cast %get3A_1901 : i32 to index
        %get3A_1903 = arith.index_cast %scan3A_1507 : i32 to index
        %get3A_1904 = arith.constant 416 : index
        %get3A_1905 = tpu.vector_load %arg7[%get3A_1902, %get3A_1903, %get3A_1904] {strides = array<i32>} : memref<2x32x512xf32, #tpu.memory_space<vmem>>, vector<1x1x16xf32>,
        %get3A_1906 = vector.shape_cast %get3A_1905 : vector<1x1x16xf32> to vector<16xf32>
        %get3A_1907 = arith.constant 1 : i32
        %get3A_1908 = arith.index_cast %get3A_1907 : i32 to index
        %get3A_1909 = arith.index_cast %scan3A_1507 : i32 to index
        %get3A_1910 = arith.constant 416 : index
        %get3A_1911 = tpu.vector_load %arg8[%get3A_1908, %get3A_1909, %get3A_1910] {strides = array<i32>} : memref<2x32x512xf32, #tpu.memory_space<vmem>>, vector<1x1x16xf32>,
        %get3A_1912 = vector.shape_cast %get3A_1911 : vector<1x1x16xf32> to vector<16xf32>
        %sub3A_1913 = arith.subf %get3A_1906, %get3A_1912 : vector<16xf32>
        %mul3A_1914 = arith.mulf %sub3A_1913, %sub3A_1913 : vector<16xf32>
        %add3A_1915 = arith.addf %add3A_1855, %mul3A_1914 : vector<16xf32>
        %get3A_1916 = arith.constant 1 : i32
        %get3A_1917 = arith.index_cast %get3A_1916 : i32 to index
        %get3A_1918 = arith.index_cast %scan3A_1507 : i32 to index
        %get3A_1919 = arith.constant 432 : index
        %get3A_1920 = tpu.vector_load %arg7[%get3A_1917, %get3A_1918, %get3A_1919] {strides = array<i32>} : memref<2x32x512xf32, #tpu.memory_space<vmem>>, vector<1x1x16xf32>,
        %get3A_1921 = vector.shape_cast %get3A_1920 : vector<1x1x16xf32> to vector<16xf32>
        %get3A_1922 = arith.constant 1 : i32
        %get3A_1923 = arith.index_cast %get3A_1922 : i32 to index
        %get3A_1924 = arith.index_cast %scan3A_1507 : i32 to index
        %get3A_1925 = arith.constant 432 : index
        %get3A_1926 = tpu.vector_load %arg8[%get3A_1923, %get3A_1924, %get3A_1925] {strides = array<i32>} : memref<2x32x512xf32, #tpu.memory_space<vmem>>, vector<1x1x16xf32>,
        %get3A_1927 = vector.shape_cast %get3A_1926 : vector<1x1x16xf32> to vector<16xf32>
        %sub3A_1928 = arith.subf %get3A_1921, %get3A_1927 : vector<16xf32>
        %mul3A_1929 = arith.mulf %sub3A_1928, %sub3A_1928 : vector<16xf32>
        %add3A_1930 = arith.addf %add3A_1870, %mul3A_1929 : vector<16xf32>
        %get3A_1931 = arith.constant 1 : i32
        %get3A_1932 = arith.index_cast %get3A_1931 : i32 to index
        %get3A_1933 = arith.index_cast %scan3A_1507 : i32 to index
        %get3A_1934 = arith.constant 448 : index
        %get3A_1935 = tpu.vector_load %arg7[%get3A_1932, %get3A_1933, %get3A_1934] {strides = array<i32>} : memref<2x32x512xf32, #tpu.memory_space<vmem>>, vector<1x1x16xf32>,
        %get3A_1936 = vector.shape_cast %get3A_1935 : vector<1x1x16xf32> to vector<16xf32>
        %get3A_1937 = arith.constant 1 : i32
        %get3A_1938 = arith.index_cast %get3A_1937 : i32 to index
        %get3A_1939 = arith.index_cast %scan3A_1507 : i32 to index
        %get3A_1940 = arith.constant 448 : index
        %get3A_1941 = tpu.vector_load %arg8[%get3A_1938, %get3A_1939, %get3A_1940] {strides = array<i32>} : memref<2x32x512xf32, #tpu.memory_space<vmem>>, vector<1x1x16xf32>,
        %get3A_1942 = vector.shape_cast %get3A_1941 : vector<1x1x16xf32> to vector<16xf32>
        %sub3A_1943 = arith.subf %get3A_1936, %get3A_1942 : vector<16xf32>
        %mul3A_1944 = arith.mulf %sub3A_1943, %sub3A_1943 : vector<16xf32>
        %add3A_1945 = arith.addf %add3A_1885, %mul3A_1944 : vector<16xf32>
        %get3A_1946 = arith.constant 1 : i32
        %get3A_1947 = arith.index_cast %get3A_1946 : i32 to index
        %get3A_1948 = arith.index_cast %scan3A_1507 : i32 to index
        %get3A_1949 = arith.constant 464 : index
        %get3A_1950 = tpu.vector_load %arg7[%get3A_1947, %get3A_1948, %get3A_1949] {strides = array<i32>} : memref<2x32x512xf32, #tpu.memory_space<vmem>>, vector<1x1x16xf32>,
        %get3A_1951 = vector.shape_cast %get3A_1950 : vector<1x1x16xf32> to vector<16xf32>
        %get3A_1952 = arith.constant 1 : i32
        %get3A_1953 = arith.index_cast %get3A_1952 : i32 to index
        %get3A_1954 = arith.index_cast %scan3A_1507 : i32 to index
        %get3A_1955 = arith.constant 464 : index
        %get3A_1956 = tpu.vector_load %arg8[%get3A_1953, %get3A_1954, %get3A_1955] {strides = array<i32>} : memref<2x32x512xf32, #tpu.memory_space<vmem>>, vector<1x1x16xf32>,
        %get3A_1957 = vector.shape_cast %get3A_1956 : vector<1x1x16xf32> to vector<16xf32>
        %sub3A_1958 = arith.subf %get3A_1951, %get3A_1957 : vector<16xf32>
        %mul3A_1959 = arith.mulf %sub3A_1958, %sub3A_1958 : vector<16xf32>
        %add3A_1960 = arith.addf %add3A_1900, %mul3A_1959 : vector<16xf32>
        %get3A_1961 = arith.constant 1 : i32
        %get3A_1962 = arith.index_cast %get3A_1961 : i32 to index
        %get3A_1963 = arith.index_cast %scan3A_1507 : i32 to index
        %get3A_1964 = arith.constant 480 : index
        %get3A_1965 = tpu.vector_load %arg7[%get3A_1962, %get3A_1963, %get3A_1964] {strides = array<i32>} : memref<2x32x512xf32, #tpu.memory_space<vmem>>, vector<1x1x16xf32>,
        %get3A_1966 = vector.shape_cast %get3A_1965 : vector<1x1x16xf32> to vector<16xf32>
        %get3A_1967 = arith.constant 1 : i32
        %get3A_1968 = arith.index_cast %get3A_1967 : i32 to index
        %get3A_1969 = arith.index_cast %scan3A_1507 : i32 to index
        %get3A_1970 = arith.constant 480 : index
        %get3A_1971 = tpu.vector_load %arg8[%get3A_1968, %get3A_1969, %get3A_1970] {strides = array<i32>} : memref<2x32x512xf32, #tpu.memory_space<vmem>>, vector<1x1x16xf32>,
        %get3A_1972 = vector.shape_cast %get3A_1971 : vector<1x1x16xf32> to vector<16xf32>
        %sub3A_1973 = arith.subf %get3A_1966, %get3A_1972 : vector<16xf32>
        %mul3A_1974 = arith.mulf %sub3A_1973, %sub3A_1973 : vector<16xf32>
        %add3A_1975 = arith.addf %add3A_1915, %mul3A_1974 : vector<16xf32>
        %get3A_1976 = arith.constant 1 : i32
        %get3A_1977 = arith.index_cast %get3A_1976 : i32 to index
        %get3A_1978 = arith.index_cast %scan3A_1507 : i32 to index
        %get3A_1979 = arith.constant 496 : index
        %get3A_1980 = tpu.vector_load %arg7[%get3A_1977, %get3A_1978, %get3A_1979] {strides = array<i32>} : memref<2x32x512xf32, #tpu.memory_space<vmem>>, vector<1x1x16xf32>,
        %get3A_1981 = vector.shape_cast %get3A_1980 : vector<1x1x16xf32> to vector<16xf32>
        %get3A_1982 = arith.constant 1 : i32
        %get3A_1983 = arith.index_cast %get3A_1982 : i32 to index
        %get3A_1984 = arith.index_cast %scan3A_1507 : i32 to index
        %get3A_1985 = arith.constant 496 : index
        %get3A_1986 = tpu.vector_load %arg8[%get3A_1983, %get3A_1984, %get3A_1985] {strides = array<i32>} : memref<2x32x512xf32, #tpu.memory_space<vmem>>, vector<1x1x16xf32>,
        %get3A_1987 = vector.shape_cast %get3A_1986 : vector<1x1x16xf32> to vector<16xf32>
        %sub3A_1988 = arith.subf %get3A_1981, %get3A_1987 : vector<16xf32>
        %mul3A_1989 = arith.mulf %sub3A_1988, %sub3A_1988 : vector<16xf32>
        %add3A_1990 = arith.addf %add3A_1930, %mul3A_1989 : vector<16xf32>
        scf.yield %add3A_1945, %add3A_1960, %add3A_1975, %add3A_1990 : vector<16xf32>, vector<16xf32>, vector<16xf32>, vector<16xf32>
      }
      %scan3A_1506 = arith.constant 32 : i32
      scf.yield %scan3A_1505#0, %scan3A_1505#1, %scan3A_1505#2, %scan3A_1505#3 : vector<16xf32>, vector<16xf32>, vector<16xf32>, vector<16xf32>
    }
    %scan3A_714 = arith.constant 8 : i32
    %add3A_715 = arith.addf %scan3A_713#0, %scan3A_713#1 : vector<16xf32>
    %add3A_716 = arith.addf %scan3A_713#2, %scan3A_713#3 : vector<16xf32>
    %add3A_717 = arith.addf %add3A_715, %add3A_716 : vector<16xf32>
    %swap3A = arith.constant 0 : index
    %swap3A_718 = tpu.vector_load %arg9[%swap3A] {strides = array<i32>} : memref<16xf32, #tpu.memory_space<vmem>>, vector<16xf32>,
    %swap3A_719 = vector.shape_cast %swap3A_718 : vector<16xf32> to vector<16xf32>
    %swap3A_720 = vector.shape_cast %add3A_717 : vector<16xf32> to vector<16xf32>
    tpu.vector_store %arg9[%swap3A], %swap3A_720 {strides = array<i32>} : memref<16xf32, #tpu.memory_space<vmem>>, vector<16xf32>,
    "tpu.region"() ({
      %run_scoped3A = tpu.sem_alloc : memref<!tpu.dma_semaphore, #tpu.memory_space<semaphore_mem>>
      %dma_start3A_721 = arith.constant 0 : i32
      %dma_start3A_722 = tpu.memref_slice %arg5[%add3A, %dma_start3A_721] : memref<32x16xf32, #tpu.memory_space<hbm>> -> memref<1x16xf32, #tpu.memory_space<hbm>>
      %dma_start3A_723 = tpu.memref_squeeze %dma_start3A_722 : memref<1x16xf32, #tpu.memory_space<hbm>> -> memref<16xf32, #tpu.memory_space<hbm>>
      %dma_start3A_724 = arith.constant 0 : i32
      %dma_start3A_725 = tpu.memref_slice %arg5[%add3A, %dma_start3A_724] : memref<32x16xf32, #tpu.memory_space<hbm>> -> memref<1x16xf32, #tpu.memory_space<hbm>>
      %dma_start3A_726 = tpu.memref_squeeze %dma_start3A_725 : memref<1x16xf32, #tpu.memory_space<hbm>> -> memref<16xf32, #tpu.memory_space<hbm>>
      tpu.enqueue_dma source(%arg9 : memref<16xf32, #tpu.memory_space<vmem>>) target(%dma_start3A_726 : memref<16xf32, #tpu.memory_space<hbm>>) target_semaphore(%run_scoped3A : memref<!tpu.dma_semaphore, #tpu.memory_space<semaphore_mem>>)
      %dma_wait3A = arith.constant 0 : i32
      %dma_wait3A_727 = tpu.memref_slice %arg5[%add3A, %dma_wait3A] : memref<32x16xf32, #tpu.memory_space<hbm>> -> memref<1x16xf32, #tpu.memory_space<hbm>>
      %dma_wait3A_728 = tpu.memref_squeeze %dma_wait3A_727 : memref<1x16xf32, #tpu.memory_space<hbm>> -> memref<16xf32, #tpu.memory_space<hbm>>
      %dma_wait3A_729 = arith.constant 0 : i32
      %dma_wait3A_730 = tpu.memref_slice %arg5[%add3A, %dma_wait3A_729] : memref<32x16xf32, #tpu.memory_space<hbm>> -> memref<1x16xf32, #tpu.memory_space<hbm>>
      %dma_wait3A_731 = tpu.memref_squeeze %dma_wait3A_730 : memref<1x16xf32, #tpu.memory_space<hbm>> -> memref<16xf32, #tpu.memory_space<hbm>>
      tpu.wait_dma2 semaphore(%run_scoped3A : memref<!tpu.dma_semaphore, #tpu.memory_space<semaphore_mem>>) src(%arg9 : memref<16xf32, #tpu.memory_space<vmem>>) dst(%dma_wait3A_731 : memref<16xf32, #tpu.memory_space<hbm>>)
      tpu.yield
    }) : () -> ()
    return
  }
}

</mosaic_0001>

<sc_bundles>
// kernel: kernel.3.cloned.1.call-start
scs
__scs_entry_jumppad:
0x0: {  	(pc) =	sbr.rel $0x88, $3  }
0x1: {  	(tag) =	ssettag $0x0;
	lr =	simm.s32 $0x1  }
0x2: {  	[smem:$0x3F9E] =	sst lr;
	_ =	strace $0xD0000000  }
0x3: {  	_ = 	snop  }
0x4: {  	_ = 	snop  }
0x5: {  	_ = 	snop  }
0x6: {  	_ = 	snop  }
0x7: {  	_ = 	snop  }
__scs_overlays_trampoline_lowered:
0x8: {  	[smem:$0x3FAD] =	sst s0  }
0x9: {  	[smem:$0x3FAE] =	sst s1  }
0xa: {  	[smem:$0x3FAF] =	sst s2  }
0xb: {  	[smem:$0x3FB0] =	sst s3  }
0xc: {  	[smem:$0x3FB1] =	sst s4  }
0xd: {  	[smem:$0x3FB2] =	sst s5  }
0xe: {  	[smem:$0x3FB3] =	sst s6  }
0xf: {  	[smem:$0x3FB4] =	sst s7  }
0x10: {  	[smem:$0x3FB5] =	sst s8  }
0x11: {  	[smem:$0x3FB6] =	sst s9;
	s0 =	simm.s32 @!p0 $0x0  }
0x12: {  	s1 =	sld [smem:$0x3F9C];
	s0 =	simm.s32 @p0 $0x1  }
0x13: {  	[smem:$0x3FB7] =	sst s0;
	s0 =	simm.s32 @!p1 $0x0  }
0x14: {  	s2 =	sld [smem:$0x3F9B];
	s0 =	simm.s32 @p1 $0x1  }
0x15: {  	[smem:$0x3FB8] =	sst s0;
	s0 =	simm.s32 @!p2 $0x0  }
0x16: {  	s3 =	sld [smem:$0x3FDB];
	s0 =	simm.s32 @p2 $0x1  }
0x17: {  	s4 =	simm.s32 $0x1BF5;
	[smem:$0x3FBA] =	sst s0  }
0x18: {  	s0 =	sld [smem:$0x3F9D];
	_ =	swait.ge [sflag:s4], $0x0  }
0x19: {  	s7 =	sld [smem:$0x3F9E]  }
0x1a: {  	s8 =	sadd.s32 $0xFFFFE003, lr  }
0x1b: {  	s9 =	sadd.s32 $0xFFFFFEF7, lr;
	s5 =	simm.s32 $0xFFFFFFFF;
	p2 =	slt.u32 s8, $0xFFFFF086  }
0x1c: {  	p1 =	slt.u32 s9, $0xF7A;
	s5 =	simm.s32 @!p2 $0x0  }
0x1d: {  	s5 =	simm.s32 @p1 $0x1;
	p0 =	seq.s32 s7, s2  }
0x1e: {  	s7 =	smul.u32 @!p0 $0xF7A, s2;
	p2 =	seq.s32 @!p0 s5, $0x0  }
0x1f: {  	s9 =	smul.u32 $0xF7A, s1;
	s8 =	simm.s32 @!p0 $0x1BF5;
	p2 =	por !p2, p0  }
0x20: {  	[sflag:s8] =	ssyncset.s32 @!p0 $0xFFFFF086;
	s6 =	sadd.s32 @!p0 s3, s7;
	s7 =	simm.s32 @!p0 $0x108  }
0x21: {  	s3 =	sadd.s32 s3, s9;
	s6 =	sadd.s32 @!p0 $0x88, s6;
	s7 =	simm.s32 @p2 $0x1082  }
0x22: {  	[simem:s7], [sflag:s8] =	dma.local @!p0 [hbm:s6], $0xF7A  }
0x23: {  	s9 =	sor.u32 $0xD0000000, s2;
	s6 =	simm.s32 $0x108;
	_ =	swait.ge @!p0 [sflag:s8], $0x0  }
0x24: {  	s3 =	sadd.s32 $0x88, s3;
	s6 =	simm.s32 @!p1 $0x1082;
	[sflag:s4] =	ssyncset.s32 $0xFFFFF086  }
0x25: {  	[simem:s6], [sflag:s4] =	dma.local [hbm:s3], $0xF7A  }
0x26: {  	[smem:$0x3F9E] =	sst s1;
	(tag) =	ssettag s2;
	_ =	strace s9  }
0x27: {  	s1 =	sld [smem:$0x3FAE]  }
0x28: {  	s2 =	sld [smem:$0x3FAF]  }
0x29: {  	s4 =	sld [smem:$0x3FB1]  }
0x2a: {  	p0 =	seq.s32 s5, $0x0;
	s5 =	sld [smem:$0x3FB2]  }
0x2b: {  	s6 =	sld [smem:$0x3FB3]  }
0x2c: {  	s7 =	sld [smem:$0x3FB4]  }
0x2d: {  	s3 =	simm.s32 $0x108;
	s8 =	sld [smem:$0x3FB5]  }
0x2e: {  	s3 =	simm.s32 @!p0 $0x1082;
	s9 =	sld [smem:$0x3FB6]  }
0x2f: {  	lr =	sadd.s32 s0, s3;
	s0 =	sld [smem:$0x3FAD]  }
0x30: {  	s3 =	sld [smem:$0x3FB0]  }
0x31: {  	[smem:$0x3FB9] =	sst s10  }
0x32: {  	s10 =	sld [smem:$0x3FB7];
	_ =	sdelay $0x3  }
0x33: {  	p0 =	seq.s32 s10, $0x1;
	s10 =	sld [smem:$0x3FB9];
	_ =	sdelay $0x3  }
0x34: {  	[smem:$0x3FB9] =	sst s10  }
0x35: {  	s10 =	sld [smem:$0x3FB8];
	_ =	sdelay $0x3  }
0x36: {  	p1 =	seq.s32 s10, $0x1;
	s10 =	sld [smem:$0x3FB9];
	_ =	sdelay $0x3  }
0x37: {  	[smem:$0x3FB9] =	sst s10  }
0x38: {  	s10 =	sld [smem:$0x3FBA]  }
0x39: {  	_ = 	snop;
	(pc) =	sbr.ind lr, $3  }
0x3a: {  	_ = 	snop  }
0x3b: {  	_ = 	snop  }
0x3c: {  	p2 =	seq.s32 s10, $0x1;
	s10 =	sld [smem:$0x3FB9]  }
0x3d: {  	_ =	shalt  }
0x3e: {  	_ =	shalt  }
0x3f: {  	_ =	shalt  }
0x40: {  	_ =	shalt  }
0x41: {  	_ =	shalt  }
0x42: {  	_ =	shalt  }
0x43: {  	_ =	shalt  }
0x44: {  	_ =	shalt  }
0x45: {  	_ =	shalt  }
0x46: {  	_ =	shalt  }
0x47: {  	_ =	shalt  }
0x48: {  	_ =	shalt  }
0x49: {  	_ =	shalt  }
0x4a: {  	_ =	shalt  }
0x4b: {  	_ =	shalt  }
0x4c: {  	_ =	shalt  }
0x4d: {  	_ =	shalt  }
0x4e: {  	_ =	shalt  }
0x4f: {  	_ =	shalt  }
0x50: {  	_ =	shalt  }
0x51: {  	_ =	shalt  }
0x52: {  	_ =	shalt  }
0x53: {  	_ =	shalt  }
0x54: {  	_ =	shalt  }
0x55: {  	_ =	shalt  }
0x56: {  	_ =	shalt  }
0x57: {  	_ =	shalt  }
0x58: {  	_ =	shalt  }
0x59: {  	_ =	shalt  }
0x5a: {  	_ =	shalt  }
0x5b: {  	_ =	shalt  }
0x5c: {  	_ =	shalt  }
0x5d: {  	_ =	shalt  }
0x5e: {  	_ =	shalt  }
0x5f: {  	_ =	shalt  }
0x60: {  	_ =	shalt  }
0x61: {  	_ =	shalt  }
0x62: {  	_ =	shalt  }
0x63: {  	_ =	shalt  }
0x64: {  	_ =	shalt  }
0x65: {  	_ =	shalt  }
0x66: {  	_ =	shalt  }
0x67: {  	_ =	shalt  }
0x68: {  	_ =	shalt  }
0x69: {  	_ =	shalt  }
0x6a: {  	_ =	shalt  }
0x6b: {  	_ =	shalt  }
0x6c: {  	_ =	shalt  }
0x6d: {  	_ =	shalt  }
0x6e: {  	_ =	shalt  }
0x6f: {  	_ =	shalt  }
0x70: {  	_ =	shalt  }
0x71: {  	_ =	shalt  }
0x72: {  	_ =	shalt  }
0x73: {  	_ =	shalt  }
0x74: {  	_ =	shalt  }
0x75: {  	_ =	shalt  }
0x76: {  	_ =	shalt  }
0x77: {  	_ =	shalt  }
0x78: {  	_ =	shalt  }
0x79: {  	_ =	shalt  }
0x7a: {  	_ =	shalt  }
0x7b: {  	_ =	shalt  }
0x7c: {  	_ =	shalt  }
0x7d: {  	_ =	shalt  }
0x7e: {  	_ =	shalt  }
0x7f: {  	_ =	shalt  }
0x80: {  	_ =	shalt  }
0x81: {  	_ =	shalt  }
0x82: {  	_ =	shalt  }
0x83: {  	_ =	shalt  }
0x84: {  	_ =	shalt  }
0x85: {  	_ =	shalt  }
0x86: {  	_ =	shalt  }
0x87: {  	_ =	shalt  }
.Lfunc_end0:
.L_simem_size_0:
called_computation_lowered:
.L_overlay_start_0:
0x88: {  	s2 =	sld [smem:$0x3FD9]  }
0x89: {  	s3 =	sld [smem:$0x3FFE];
	_ =	sdelay $0x1  }
0x8a: {  	s1 =	srdreg.scid  }
0x8b: {  	s0 =	sand.u32 $0x1, s1  }
0x8c: {  	s17 =	sshll.u32 s0, $0xA;
	s2 =	sadd.s32 s3, s2  }
0x8d: {  	s2 =	sadd.s32 s2, s17  }
0x8e: {  	[smem:$0x3FC5] =	sst s2  }
0x8f: {  	_ = 	snop  }
0x90: {  	s2 =	sld [smem:$0x3FC9]  }
0x91: {  	s18 =	sld [smem:$0x3FC8]  }
0x92: {  	s4 =	sld [smem:$0x3FC7];
	(tm) =	ssettm $0x1  }
0x93: {  	s5 =	sld [smem:$0x3FFB];
	_ =	sdelay $0x3  }
0x94: {  	_ =	strace s5  }
0x95: {  	s5 =	sld [smem:$0x3FFC];
	_ =	sdelay $0x3  }
0x96: {  	_ =	strace s5  }
0x97: {  	s5 =	sld [smem:$0x3FFD];
	_ =	sdelay $0x3  }
0x98: {  	_ =	strace s5  }
0x99: {  	_ =	strace $0x8FFFFFFF  }
0x9a: {  	s19 =	sld [smem:$0x3FDB];
	_ =	sdelay $0x1  }
0x9b: {  	s6 =	simm.s32 $_scs_section_size  }
0x9c: {  	s7 =	simm.s32 $_size__tile_overlayer_lowered;
	s8 =	simm.s32 $_tile_overlayer_lowered  }
0x9d: {  	s22 =	simm.s32 $0x1BFF;
	s21 =	sshll.u32 s8, $0x1;
	s5 =	sadd.s32 s6, s19  }
0x9e: {  	s9 =	simm.s32 $0x0;
	s20 =	sshll.u32 s7, $0x1;
	s7 =	sadd.s32 s21, s5  }
0x9f: {  	[timem:s9], [sflag:s22] =	dma.local [hbm:s7], s20  }
0xa0: {  	_ =	swait.ge [sflag:s22], s20  }
0xa1: {  	s6 =	ssub.s32 $0x0, s20;
	[sflag:s22] =	ssyncset.done $0x0  }
0xa2: {  	[sflag:s22] =	ssyncadd.s32 s6;
	_ =	sdelay $0x1  }
0xa3: {  	s23 =	simm.s32 $0x1B8B  }
0xa4: {  	_ =	swait.ge [sflag:s23], $0x1  }
0xa5: {  	[sflag:s23] =	ssyncset.done $0x0  }
0xa6: {  	s25 =	simm.s32 $0x1B8E;
	s24 =	sld [smem:$0x3FFE];
	[sflag:s23] =	ssyncadd.s32 $0xFFFFFFFF  }
0xa7: {  	s26 =	simm.s32 $execute0_lowered;
	[smem:$0x3FD2] =	sst s25  }
0xa8: {  	s7 =	sshll.u32 s26, $0x1;
	_ =	strace $0x80000046;
	[dreg:$0x1] =	wrdreg $0xFFFFFFFF  }
0xa9: {  	s28 =	simm.s32 $_size_execute0_lowered;
	s5 =	sadd.s32 s5, s7;
	[dreg:$0x0] =	wrdreg $0x0  }
0xaa: {  	s7 =	sshll.u32 s28, $0x1;
	[dreg:$0x2] =	wrdreg s5  }
0xab: {  	[dreg:$0x3] =	wrdreg s7  }
0xac: {  	[dreg:$0x4] =	wrdreg $0xC0  }
0xad: {  	_ =	task [dreg:s9], $0x5FFFF  }
0xae: {  	[dreg:$0x1] =	wrdreg $0xFFFFFFFF  }
0xaf: {  	[dreg:$0x0] =	wrdreg $0x60  }
0xb0: {  	[dreg:$0x2] =	wrdreg s2  }
0xb1: {  	[dreg:$0x3] =	wrdreg s18  }
0xb2: {  	[dreg:$0x4] =	wrdreg s4  }
0xb3: {  	[dreg:$0x5] =	wrdreg s24  }
0xb4: {  	[dreg:$0x6] =	wrdreg $0x102800  }
0xb5: {  	[dreg:$0x7] =	wrdreg $0x9  }
0xb6: {  	_ =	task.clear_ibuf [dreg:s9], $0x8FFFF;
	_ =	strace $0x90000046  }
0xb7: {  	s29 =	simm.s32 $0x9;
	_ =	strace $0x80000048  }
0xb8: {  	_ =	swait.ge [sflag:s29], $0x1  }
0xb9: {  	[sflag:s29] =	ssyncadd.s32 $0xFFFFFFFF  }
0xba: {  	_ =	strace $0x90000048  }
0xbb: {  	_ =	sfence  }
0xbc: {  	s30 =	sld [smem:$0x0];
	_ =	sdelay $0x2  }
0xbd: {  	s31 =	sshll.u32 s1, $0xD;
	s1 =	sshrl.u32 s1, $0x2  }
0xbe: {  	s3 =	sand.u32 $0x4000, s31;
	s1 =	sadd.s32 s1, s30  }
0xbf: {  	s0 =	sor.u32 s3, s0;
	s1 =	sshll.u32 s1, $0x11  }
0xc0: {  	s0 =	sor.u32 s1, s0  }
0xc1: {  	s0 =	sadd.s32 $0x8F2B, s0  }
0xc2: {  	[sflag:s0] =	ssyncadd.remote.s32 $0x1  }
0xc3: {  	_ =	sfence.sel $0xFFFF  }
0xc4: {  	[dreg:$0x0] =	wrdreg $0xFFFFFFFF;
	(pc) =	sbr.abs _section_cstart, $3  }
0xc5: {  	[dreg:$0x1] =	wrdreg $0xFFFFFFFF  }
0xc6: {  	_ =	task.clear_ibuf [dreg:s9], $0x2FFFF;
	_ =	strace $0x9FFFFFFF  }
0xc7: {  	(tm) =	ssettm $0x7FFFFFFF  }
tec
execute0_lowered:
.L_overlay_start_1:
0x0: {  	(tag) =	ssettag $0x1  }
0x1: {  	s1 =	rddreg [dreg:$0x0]  }
0x2: {  	s0 =	rddreg [dreg:$0x1]  }
0x3: {  	s9 =	rddreg [dreg:$0x2]  }
0x4: {  	s2 =	rddreg [dreg:$0x3]  }
0x5: {  	s4 =	rddreg [dreg:$0x4];
	s3 =	srdreg.scid  }
0x6: {  	s18 =	simm.s32 $0x0;
	s11 =	stileid.u32;
	s20 =	simm.s32 $0x6  }
0x7: {  	s13 =	simm.s32 $0x1;
	s14 =	simm.s32 $0x3;
	s28 =	simm.s32 $0x10000  }
0x8: {  	s29 =	simm.s32 $0xF480;
	s30 =	simm.s32 $0xF880;
	s31 =	simm.s32 $0xFC80  }
0x9: {  	s12 =	simm.s32 $0x10180;
	s15 =	simm.s32 $0x4;
	s17 =	simm.s32 $0x0  }
0xa: {  	s3 =	sand.u32 $0x1, s3;
	[smem:$0x7FF] =	sst s18;
	s6 =	sshll.u32 s11, $0x1  }
0xb: {  	s23 =	sadd.s32 $0xC000, s9;
	s8 =	sadd.s32 $0x8000, s9;
	s9 =	sadd.s32 $0x4000, s9  }
0xc: {  	p3 =	sgt.s32 s11, $0x1;
	_ =	strace $0x80000047;
	[dreg:$0x6] =	wrdreg s23  }
0xd: {  	s5 =	ssub.s32 $0x2, s3;
	s3 =	sor.u32 s3, s6;
	[dreg:$0x7] =	wrdreg s8  }
0xe: {  	s8 =	sadd.s32 $0x40000, s4;
	[dreg:$0x8] =	wrdreg s9;
	s9 =	sadd.s32 $0x20000, s4  }
0xf: {  	p1 =	seq.s32 @p3 s11, $0x2;
	p2 =	seq.s32 @!p3 s11, $0x0;
	s23 =	simm.s32 $0xFF80  }
0x10: {  	s7 =	sshrl.u32 s5, $0x1;
	s6 =	sshll.u32 s3, $0x9;
	s10 =	sshll.u32 s3, $0x6  }
0x11: {  	s24 =	sshll.u32 s3, $0xF;
	s25 =	sshll.u32 s3, $0x4;
	p0 =	por p1, !p3  }
0x12: {  	p5 =	por p2, p3;
	s3 =	simm.s32 $0xF500;
	s5 =	ssub.s32 s5, s7  }
0x13: {  	s7 =	sadd.s32 $0x60000, s4;
	s0 =	sadd.s32 s0, s10;
	p4 =	seq.s32 @!p0 s11, $0x3  }
0x14: {  	p0 =	por !p1, !p3;
	s10 =	simm.s32 $0xF980;
	[dreg:$0x9] =	wrdreg s0  }
0x15: {  	s0 =	sadd.s32 s1, s24;
	s26 =	smax.u32 s5, $0x1;
	p1 =	por @p3 !p4, p1  }
0x16: {  	p4 =	seq.s32 @!p5 s11, $0x1;
	s24 =	simm.s32 $0xF400;
	s11 =	simm.s32 $0xFD80  }
0x17: {  	s5 =	simm.s32 $0x2;
	[dreg:$0xa] =	wrdreg s0;
	s0 =	sadd.s32 s2, s25  }
0x18: {  	[dreg:$0xc] =	wrdreg s26;
	p1 =	por p1, !p3;
	p4 =	por @!p3 !p4, p2  }
0x19: {  	p2 =	por !p2, p3;
	s25 =	simm.s32 $0xF800;
	s26 =	simm.s32 $0xFC00  }
0x1a: {  	s2 =	simm.s32 $0xF900;
	[dreg:$0xb] =	wrdreg s0;
	s0 =	sshrl.u32 @!p0 s8, $0x3  }
0x1b: {  	p3 =	por p4, p3;
	[dreg:$0xd] =	wrdreg s0;
	s0 =	sshrl.u32 @!p1 s7, $0x3  }
0x1c: {  	s8 =	simm.s32 $0x10100;
	[dreg:$0xe] =	wrdreg s0;
	s0 =	sshrl.u32 @!p2 s4, $0x3  }
0x1d: {  	s7 =	simm.s32 $0xFD00;
	[dreg:$0xf] =	wrdreg s0;
	s0 =	sshrl.u32 @!p3 s9, $0x3  }
0x1e: {  	s9 =	simm.s32 $0xF580;
	[dreg:$0x10] =	wrdreg s0;
	s0 =	simm.s32 $0x10080  }
.LBB2_1:
0x1f: {  	[dreg:$0x11] =	wrdreg s17  }
0x20: {  	s17 =	rddreg [dreg:$0x7]  }
0x21: {  	s16 =	simm.s32 @!p0 $0x1C85;
	s19 =	rddreg [dreg:$0xd]  }
0x22: {  	[spmem:s19], [sflag:s16] =	dma.local @!p0 [hbm:s17], $0x4000  }
0x23: {  	s16 =	simm.s32 @!p0 $0x5  }
0x24: {  	_ =	swait.ge @!p0 [sflag:s16], $0x4000  }
0x25: {  	[sflag:s16] =	ssyncset.done @!p0 $0x0;
	s17 =	rddreg [dreg:$0x6]  }
0x26: {  	s19 =	rddreg [dreg:$0xe];
	[sflag:s16] =	ssyncadd.s32 @!p0 $0xFFFFC000;
	s16 =	simm.s32 @!p1 $0x1CC5  }
0x27: {  	[spmem:s19], [sflag:s16] =	dma.local @!p1 [hbm:s17], $0x3A00  }
0x28: {  	s16 =	simm.s32 @!p1 $0x5  }
0x29: {  	_ =	swait.ge @!p1 [sflag:s16], $0x3A00  }
0x2a: {  	[sflag:s16] =	ssyncset.done @!p1 $0x0  }
0x2b: {  	s19 =	rddreg [dreg:$0xf];
	[sflag:s16] =	ssyncadd.s32 @!p1 $0xFFFFC600  }
0x2c: {  	s16 =	simm.s32 @!p2 $0x1C05;
	s17 =	rddreg [dreg:$0x2]  }
0x2d: {  	[spmem:s19], [sflag:s16] =	dma.local @!p2 [hbm:s17], $0x4000  }
0x2e: {  	s16 =	simm.s32 @!p2 $0x5  }
0x2f: {  	_ =	swait.ge @!p2 [sflag:s16], $0x4000  }
0x30: {  	[sflag:s16] =	ssyncset.done @!p2 $0x0;
	s17 =	rddreg [dreg:$0x8]  }
0x31: {  	s19 =	rddreg [dreg:$0x10];
	[sflag:s16] =	ssyncadd.s32 @!p2 $0xFFFFC000;
	s16 =	simm.s32 @!p3 $0x1C45  }
0x32: {  	[spmem:s19], [sflag:s16] =	dma.local @!p3 [hbm:s17], $0x4000  }
0x33: {  	s16 =	simm.s32 @!p3 $0x5  }
0x34: {  	_ =	swait.ge @!p3 [sflag:s16], $0x4000  }
0x35: {  	[sflag:s16] =	ssyncset.done @!p3 $0x0  }
0x36: {  	s17 =	rddreg [dreg:$0x9];
	[sflag:s16] =	ssyncadd.s32 @!p3 $0xFFFFC000  }
0x37: {  	[tilespmem:s18], [sflag:$0x6] =	stream.linear.gather [hbm4b:s17+s18], $0x200, $0x38;
	[tilespmem:$0x17F80] =	vst v63  }
0x38: {  	_ =	swait.ge [sflag:s20], $0x200  }
0x39: {  	[sflag:s20] =	ssyncset.done $0x0  }
0x3a: {  	[sflag:s20] =	ssyncadd.s32 $0xFFFFFE00  }
0x3b: {  	[bflag:$0x0] =	sbarrier.arrive $0xFFFF  }
0x3c: {  	s20 =	simm.s32 $0x200;
	s19 =	rddreg [dreg:$0xa]  }
0x3d: {  	[tilespmem:s20], [sflag:$0x1] =	stream.linear.gather [hbm4b:s19+s18], $0x4000, $0x38;
	[tilespmem:$0x17F80] =	vst v63  }
0x3e: {  	v0 =	vld [tilespmem:$0x0];
	_ =	sdelay $0x4  }
0x3f: {  	(v2sf) =	vpush v0, $0x0;
	_ =	sdelay $0x7  }
0x40: {  	(v2sf) =	vpush v0, $0x1;
	_ =	sdelay $0x6  }
0x41: {  	s21 =	spop (v2sf)  }
0x42: {  	s22 =	sshll.u32 s21, $0x9  }
0x43: {  	s16 =	sshll.u32 s21, $0x7;
	s17 =	sand.u32 $0xFFFFF000, s22  }
0x44: {  	(v2sf) =	vpush v0, $0x2;
	s16 =	sand.u32 $0x380, s16;
	s17 =	sadd.s32 s17, s4  }
0x45: {  	s18 =	simm.s32 $0x8200;
	s16 =	sadd.s32 s16, s17  }
0x46: {  	[tilespmem:s18], [sflag:$0x3] =	stream.linear.gather [spmem:s16], $0x80, $0x38;
	[tilespmem:$0x17F80] =	vst v63  }
0x47: {  	s20 =	simm.s32 $0x8600;
	s19 =	sadd.s32 $0x400, s16  }
0x48: {  	[tilespmem:s20], [sflag:$0x3] =	stream.linear.gather [spmem:s19], $0x80, $0x38;
	[tilespmem:$0x17F80] =	vst v63  }
0x49: {  	s22 =	simm.s32 $0x8A00;
	s21 =	sadd.s32 $0x800, s16;
	s20 =	spop (v2sf)  }
0x4a: {  	[tilespmem:s22], [sflag:$0x3] =	stream.linear.gather [spmem:s21], $0x80, $0x38;
	[tilespmem:$0x17F80] =	vst v63  }
0x4b: {  	s16 =	sadd.s32 $0xC00, s16;
	s19 =	simm.s32 $0x8E00;
	s21 =	sshll.u32 s20, $0x9  }
0x4c: {  	[tilespmem:s19], [sflag:$0x3] =	stream.linear.gather [spmem:s16], $0x80, $0x38;
	[tilespmem:$0x17F80] =	vst v63  }
0x4d: {  	s17 =	sand.u32 $0xFFFFF000, s21;
	s16 =	sshll.u32 s20, $0x7  }
0x4e: {  	(v2sf) =	vpush v0, $0x3;
	s17 =	sadd.s32 s17, s4;
	s16 =	sand.u32 $0x380, s16  }
0x4f: {  	s22 =	simm.s32 $0x8280;
	s16 =	sadd.s32 s16, s17  }
0x50: {  	[tilespmem:s22], [sflag:$0x3] =	stream.linear.gather [spmem:s16], $0x80, $0x38;
	[tilespmem:$0x17F80] =	vst v63  }
0x51: {  	s19 =	simm.s32 $0x8680;
	s18 =	sadd.s32 $0x400, s16  }
0x52: {  	[tilespmem:s19], [sflag:$0x3] =	stream.linear.gather [spmem:s18], $0x80, $0x38;
	[tilespmem:$0x17F80] =	vst v63  }
0x53: {  	s21 =	simm.s32 $0x8A80;
	s20 =	sadd.s32 $0x800, s16;
	s18 =	spop (v2sf)  }
0x54: {  	[tilespmem:s21], [sflag:$0x3] =	stream.linear.gather [spmem:s20], $0x80, $0x38;
	[tilespmem:$0x17F80] =	vst v63  }
0x55: {  	s16 =	sadd.s32 $0xC00, s16;
	s22 =	simm.s32 $0x8E80;
	s19 =	sshll.u32 s18, $0x9  }
0x56: {  	[tilespmem:s22], [sflag:$0x3] =	stream.linear.gather [spmem:s16], $0x80, $0x38;
	[tilespmem:$0x17F80] =	vst v63  }
0x57: {  	s17 =	sand.u32 $0xFFFFF000, s19;
	s16 =	sshll.u32 s18, $0x7  }
0x58: {  	(v2sf) =	vpush v0, $0x4;
	s17 =	sadd.s32 s17, s4;
	s16 =	sand.u32 $0x380, s16  }
0x59: {  	s20 =	simm.s32 $0x8300;
	s16 =	sadd.s32 s16, s17  }
0x5a: {  	[tilespmem:s20], [sflag:$0x3] =	stream.linear.gather [spmem:s16], $0x80, $0x38;
	[tilespmem:$0x17F80] =	vst v63  }
0x5b: {  	s22 =	simm.s32 $0x8700;
	s21 =	sadd.s32 $0x400, s16  }
0x5c: {  	[tilespmem:s22], [sflag:$0x3] =	stream.linear.gather [spmem:s21], $0x80, $0x38;
	[tilespmem:$0x17F80] =	vst v63  }
0x5d: {  	s19 =	simm.s32 $0x8B00;
	s18 =	sadd.s32 $0x800, s16;
	s21 =	spop (v2sf)  }
0x5e: {  	[tilespmem:s19], [sflag:$0x3] =	stream.linear.gather [spmem:s18], $0x80, $0x38;
	[tilespmem:$0x17F80] =	vst v63  }
0x5f: {  	s16 =	sadd.s32 $0xC00, s16;
	s20 =	simm.s32 $0x8F00;
	s22 =	sshll.u32 s21, $0x9  }
0x60: {  	[tilespmem:s20], [sflag:$0x3] =	stream.linear.gather [spmem:s16], $0x80, $0x38;
	[tilespmem:$0x17F80] =	vst v63  }
0x61: {  	s17 =	sand.u32 $0xFFFFF000, s22;
	s16 =	sshll.u32 s21, $0x7  }
0x62: {  	(v2sf) =	vpush v0, $0x5;
	s17 =	sadd.s32 s17, s4;
	s16 =	sand.u32 $0x380, s16  }
0x63: {  	s18 =	simm.s32 $0x8380;
	s16 =	sadd.s32 s16, s17  }
0x64: {  	[tilespmem:s18], [sflag:$0x3] =	stream.linear.gather [spmem:s16], $0x80, $0x38;
	[tilespmem:$0x17F80] =	vst v63  }
0x65: {  	s20 =	simm.s32 $0x8780;
	s19 =	sadd.s32 $0x400, s16  }
0x66: {  	[tilespmem:s20], [sflag:$0x3] =	stream.linear.gather [spmem:s19], $0x80, $0x38;
	[tilespmem:$0x17F80] =	vst v63  }
0x67: {  	s22 =	simm.s32 $0x8B80;
	s21 =	sadd.s32 $0x800, s16;
	s20 =	spop (v2sf)  }
0x68: {  	[tilespmem:s22], [sflag:$0x3] =	stream.linear.gather [spmem:s21], $0x80, $0x38;
	[tilespmem:$0x17F80] =	vst v63  }
0x69: {  	s16 =	sadd.s32 $0xC00, s16;
	s19 =	simm.s32 $0x8F80;
	s21 =	sshll.u32 s20, $0x9  }
0x6a: {  	[tilespmem:s19], [sflag:$0x3] =	stream.linear.gather [spmem:s16], $0x80, $0x38;
	[tilespmem:$0x17F80] =	vst v63  }
0x6b: {  	s17 =	sand.u32 $0xFFFFF000, s21;
	s16 =	sshll.u32 s20, $0x7  }
0x6c: {  	(v2sf) =	vpush v0, $0x6;
	s17 =	sadd.s32 s17, s4;
	s16 =	sand.u32 $0x380, s16  }
0x6d: {  	s22 =	simm.s32 $0x8400;
	s16 =	sadd.s32 s16, s17  }
0x6e: {  	[tilespmem:s22], [sflag:$0x3] =	stream.linear.gather [spmem:s16], $0x80, $0x38;
	[tilespmem:$0x17F80] =	vst v63  }
0x6f: {  	s19 =	simm.s32 $0x8800;
	s18 =	sadd.s32 $0x400, s16  }
0x70: {  	[tilespmem:s19], [sflag:$0x3] =	stream.linear.gather [spmem:s18], $0x80, $0x38;
	[tilespmem:$0x17F80] =	vst v63  }
0x71: {  	s21 =	simm.s32 $0x8C00;
	s20 =	sadd.s32 $0x800, s16;
	s18 =	spop (v2sf)  }
0x72: {  	[tilespmem:s21], [sflag:$0x3] =	stream.linear.gather [spmem:s20], $0x80, $0x38;
	[tilespmem:$0x17F80] =	vst v63  }
0x73: {  	s16 =	sadd.s32 $0xC00, s16;
	s22 =	simm.s32 $0x9000;
	s19 =	sshll.u32 s18, $0x9  }
0x74: {  	[tilespmem:s22], [sflag:$0x3] =	stream.linear.gather [spmem:s16], $0x80, $0x38;
	[tilespmem:$0x17F80] =	vst v63  }
0x75: {  	s17 =	sand.u32 $0xFFFFF000, s19;
	s16 =	sshll.u32 s18, $0x7  }
0x76: {  	(v2sf) =	vpush v0, $0x7;
	s17 =	sadd.s32 s17, s4;
	s16 =	sand.u32 $0x380, s16  }
0x77: {  	s20 =	simm.s32 $0x8480;
	s16 =	sadd.s32 s16, s17  }
0x78: {  	[tilespmem:s20], [sflag:$0x3] =	stream.linear.gather [spmem:s16], $0x80, $0x38;
	[tilespmem:$0x17F80] =	vst v63  }
0x79: {  	s22 =	simm.s32 $0x8880;
	s21 =	sadd.s32 $0x400, s16  }
0x7a: {  	[tilespmem:s22], [sflag:$0x3] =	stream.linear.gather [spmem:s21], $0x80, $0x38;
	[tilespmem:$0x17F80] =	vst v63  }
0x7b: {  	s19 =	simm.s32 $0x8C80;
	s18 =	sadd.s32 $0x800, s16;
	s21 =	spop (v2sf)  }
0x7c: {  	[tilespmem:s19], [sflag:$0x3] =	stream.linear.gather [spmem:s18], $0x80, $0x38;
	[tilespmem:$0x17F80] =	vst v63  }
0x7d: {  	s16 =	sadd.s32 $0xC00, s16;
	s20 =	simm.s32 $0x9080;
	s22 =	sshll.u32 s21, $0x9  }
0x7e: {  	[tilespmem:s20], [sflag:$0x3] =	stream.linear.gather [spmem:s16], $0x80, $0x38;
	[tilespmem:$0x17F80] =	vst v63  }
0x7f: {  	s17 =	sand.u32 $0xFFFFF000, s22;
	s16 =	sshll.u32 s21, $0x7  }
0x80: {  	(v2sf) =	vpush v0, $0x8;
	s17 =	sadd.s32 s17, s4;
	s16 =	sand.u32 $0x380, s16  }
0x81: {  	s18 =	simm.s32 $0x8500;
	s16 =	sadd.s32 s16, s17  }
0x82: {  	[tilespmem:s18], [sflag:$0x3] =	stream.linear.gather [spmem:s16], $0x80, $0x38;
	[tilespmem:$0x17F80] =	vst v63  }
0x83: {  	s20 =	simm.s32 $0x8900;
	s19 =	sadd.s32 $0x400, s16  }
0x84: {  	[tilespmem:s20], [sflag:$0x3] =	stream.linear.gather [spmem:s19], $0x80, $0x38;
	[tilespmem:$0x17F80] =	vst v63  }
0x85: {  	s22 =	simm.s32 $0x8D00;
	s21 =	sadd.s32 $0x800, s16;
	s20 =	spop (v2sf)  }
0x86: {  	[tilespmem:s22], [sflag:$0x3] =	stream.linear.gather [spmem:s21], $0x80, $0x38;
	[tilespmem:$0x17F80] =	vst v63  }
0x87: {  	s16 =	sadd.s32 $0xC00, s16;
	s19 =	simm.s32 $0x9100;
	s21 =	sshll.u32 s20, $0x9  }
0x88: {  	[tilespmem:s19], [sflag:$0x3] =	stream.linear.gather [spmem:s16], $0x80, $0x38;
	[tilespmem:$0x17F80] =	vst v63  }
0x89: {  	s17 =	sand.u32 $0xFFFFF000, s21;
	s16 =	sshll.u32 s20, $0x7  }
0x8a: {  	(v2sf) =	vpush v0, $0x9;
	s17 =	sadd.s32 s17, s4;
	s16 =	sand.u32 $0x380, s16  }
0x8b: {  	s22 =	simm.s32 $0x8580;
	s16 =	sadd.s32 s16, s17  }
0x8c: {  	[tilespmem:s22], [sflag:$0x3] =	stream.linear.gather [spmem:s16], $0x80, $0x38;
	[tilespmem:$0x17F80] =	vst v63  }
0x8d: {  	s19 =	simm.s32 $0x8980;
	s18 =	sadd.s32 $0x400, s16  }
0x8e: {  	[tilespmem:s19], [sflag:$0x3] =	stream.linear.gather [spmem:s18], $0x80, $0x38;
	[tilespmem:$0x17F80] =	vst v63  }
0x8f: {  	s21 =	simm.s32 $0x8D80;
	s20 =	sadd.s32 $0x800, s16;
	s18 =	spop (v2sf)  }
0x90: {  	[tilespmem:s21], [sflag:$0x3] =	stream.linear.gather [spmem:s20], $0x80, $0x38;
	[tilespmem:$0x17F80] =	vst v63  }
0x91: {  	s16 =	sadd.s32 $0xC00, s16;
	s22 =	simm.s32 $0x9180;
	s19 =	sshll.u32 s18, $0x9  }
0x92: {  	[tilespmem:s22], [sflag:$0x3] =	stream.linear.gather [spmem:s16], $0x80, $0x38;
	[tilespmem:$0x17F80] =	vst v63  }
0x93: {  	s17 =	sand.u32 $0xFFFFF000, s19;
	s16 =	sshll.u32 s18, $0x7  }
0x94: {  	(v2sf) =	vpush v0, $0xA;
	s17 =	sadd.s32 s17, s4;
	s16 =	sand.u32 $0x380, s16  }
0x95: {  	s20 =	simm.s32 $0x9200;
	s16 =	sadd.s32 s16, s17  }
0x96: {  	[tilespmem:s20], [sflag:$0x3] =	stream.linear.gather [spmem:s16], $0x80, $0x38;
	[tilespmem:$0x17F80] =	vst v63  }
0x97: {  	s22 =	simm.s32 $0x9600;
	s21 =	sadd.s32 $0x400, s16  }
0x98: {  	[tilespmem:s22], [sflag:$0x3] =	stream.linear.gather [spmem:s21], $0x80, $0x38;
	[tilespmem:$0x17F80] =	vst v63  }
0x99: {  	s19 =	simm.s32 $0x9A00;
	s18 =	sadd.s32 $0x800, s16;
	s21 =	spop (v2sf)  }
0x9a: {  	[tilespmem:s19], [sflag:$0x3] =	stream.linear.gather [spmem:s18], $0x80, $0x38;
	[tilespmem:$0x17F80] =	vst v63  }
0x9b: {  	s16 =	sadd.s32 $0xC00, s16;
	s20 =	simm.s32 $0x9E00;
	s22 =	sshll.u32 s21, $0x9  }
0x9c: {  	[tilespmem:s20], [sflag:$0x3] =	stream.linear.gather [spmem:s16], $0x80, $0x38;
	[tilespmem:$0x17F80] =	vst v63  }
0x9d: {  	s17 =	sand.u32 $0xFFFFF000, s22;
	s16 =	sshll.u32 s21, $0x7  }
0x9e: {  	(v2sf) =	vpush v0, $0xB;
	s17 =	sadd.s32 s17, s4;
	s16 =	sand.u32 $0x380, s16  }
0x9f: {  	s18 =	simm.s32 $0x9280;
	s16 =	sadd.s32 s16, s17  }
0xa0: {  	[tilespmem:s18], [sflag:$0x3] =	stream.linear.gather [spmem:s16], $0x80, $0x38;
	[tilespmem:$0x17F80] =	vst v63  }
0xa1: {  	s20 =	simm.s32 $0x9680;
	s19 =	sadd.s32 $0x400, s16  }
0xa2: {  	[tilespmem:s20], [sflag:$0x3] =	stream.linear.gather [spmem:s19], $0x80, $0x38;
	[tilespmem:$0x17F80] =	vst v63  }
0xa3: {  	s22 =	simm.s32 $0x9A80;
	s21 =	sadd.s32 $0x800, s16;
	s20 =	spop (v2sf)  }
0xa4: {  	[tilespmem:s22], [sflag:$0x3] =	stream.linear.gather [spmem:s21], $0x80, $0x38;
	[tilespmem:$0x17F80] =	vst v63  }
0xa5: {  	s16 =	sadd.s32 $0xC00, s16;
	s19 =	simm.s32 $0x9E80;
	s21 =	sshll.u32 s20, $0x9  }
0xa6: {  	[tilespmem:s19], [sflag:$0x3] =	stream.linear.gather [spmem:s16], $0x80, $0x38;
	[tilespmem:$0x17F80] =	vst v63  }
0xa7: {  	s17 =	sand.u32 $0xFFFFF000, s21;
	s16 =	sshll.u32 s20, $0x7  }
0xa8: {  	(v2sf) =	vpush v0, $0xC;
	s17 =	sadd.s32 s17, s4;
	s16 =	sand.u32 $0x380, s16  }
0xa9: {  	s22 =	simm.s32 $0x9300;
	s16 =	sadd.s32 s16, s17  }
0xaa: {  	[tilespmem:s22], [sflag:$0x3] =	stream.linear.gather [spmem:s16], $0x80, $0x38;
	[tilespmem:$0x17F80] =	vst v63  }
0xab: {  	s19 =	simm.s32 $0x9700;
	s18 =	sadd.s32 $0x400, s16  }
0xac: {  	[tilespmem:s19], [sflag:$0x3] =	stream.linear.gather [spmem:s18], $0x80, $0x38;
	[tilespmem:$0x17F80] =	vst v63  }
0xad: {  	s21 =	simm.s32 $0x9B00;
	s20 =	sadd.s32 $0x800, s16;
	s18 =	spop (v2sf)  }
0xae: {  	[tilespmem:s21], [sflag:$0x3] =	stream.linear.gather [spmem:s20], $0x80, $0x38;
	[tilespmem:$0x17F80] =	vst v63  }
0xaf: {  	s16 =	sadd.s32 $0xC00, s16;
	s22 =	simm.s32 $0x9F00;
	s19 =	sshll.u32 s18, $0x9  }
0xb0: {  	[tilespmem:s22], [sflag:$0x3] =	stream.linear.gather [spmem:s16], $0x80, $0x38;
	[tilespmem:$0x17F80] =	vst v63  }
0xb1: {  	s17 =	sand.u32 $0xFFFFF000, s19;
	s16 =	sshll.u32 s18, $0x7  }
0xb2: {  	(v2sf) =	vpush v0, $0xD;
	s17 =	sadd.s32 s17, s4;
	s16 =	sand.u32 $0x380, s16  }
0xb3: {  	s20 =	simm.s32 $0x9380;
	s16 =	sadd.s32 s16, s17  }
0xb4: {  	[tilespmem:s20], [sflag:$0x3] =	stream.linear.gather [spmem:s16], $0x80, $0x38;
	[tilespmem:$0x17F80] =	vst v63  }
0xb5: {  	s22 =	simm.s32 $0x9780;
	s21 =	sadd.s32 $0x400, s16  }
0xb6: {  	[tilespmem:s22], [sflag:$0x3] =	stream.linear.gather [spmem:s21], $0x80, $0x38;
	[tilespmem:$0x17F80] =	vst v63  }
0xb7: {  	s19 =	simm.s32 $0x9B80;
	s18 =	sadd.s32 $0x800, s16;
	s21 =	spop (v2sf)  }
0xb8: {  	[tilespmem:s19], [sflag:$0x3] =	stream.linear.gather [spmem:s18], $0x80, $0x38;
	[tilespmem:$0x17F80] =	vst v63  }
0xb9: {  	s16 =	sadd.s32 $0xC00, s16;
	s20 =	simm.s32 $0x9F80;
	s22 =	sshll.u32 s21, $0x9  }
0xba: {  	[tilespmem:s20], [sflag:$0x3] =	stream.linear.gather [spmem:s16], $0x80, $0x38;
	[tilespmem:$0x17F80] =	vst v63  }
0xbb: {  	s17 =	sand.u32 $0xFFFFF000, s22;
	s16 =	sshll.u32 s21, $0x7  }
0xbc: {  	(v2sf) =	vpush v0, $0xE;
	s17 =	sadd.s32 s17, s4;
	s16 =	sand.u32 $0x380, s16  }
0xbd: {  	s18 =	simm.s32 $0x9400;
	s16 =	sadd.s32 s16, s17  }
0xbe: {  	[tilespmem:s18], [sflag:$0x3] =	stream.linear.gather [spmem:s16], $0x80, $0x38;
	[tilespmem:$0x17F80] =	vst v63  }
0xbf: {  	s20 =	simm.s32 $0x9800;
	s19 =	sadd.s32 $0x400, s16  }
0xc0: {  	[tilespmem:s20], [sflag:$0x3] =	stream.linear.gather [spmem:s19], $0x80, $0x38;
	[tilespmem:$0x17F80] =	vst v63  }
0xc1: {  	s22 =	simm.s32 $0x9C00;
	s21 =	sadd.s32 $0x800, s16;
	s20 =	spop (v2sf)  }
0xc2: {  	[tilespmem:s22], [sflag:$0x3] =	stream.linear.gather [spmem:s21], $0x80, $0x38;
	[tilespmem:$0x17F80] =	vst v63  }
0xc3: {  	s16 =	sadd.s32 $0xC00, s16;
	s19 =	simm.s32 $0xA000;
	s21 =	sshll.u32 s20, $0x9  }
0xc4: {  	[tilespmem:s19], [sflag:$0x3] =	stream.linear.gather [spmem:s16], $0x80, $0x38;
	[tilespmem:$0x17F80] =	vst v63  }
0xc5: {  	s17 =	sand.u32 $0xFFFFF000, s21;
	s16 =	sshll.u32 s20, $0x7  }
0xc6: {  	(v2sf) =	vpush v0, $0xF;
	s17 =	sadd.s32 s17, s4;
	s16 =	sand.u32 $0x380, s16  }
0xc7: {  	s22 =	simm.s32 $0x9480;
	s16 =	sadd.s32 s16, s17  }
0xc8: {  	[tilespmem:s22], [sflag:$0x3] =	stream.linear.gather [spmem:s16], $0x80, $0x38;
	[tilespmem:$0x17F80] =	vst v63  }
0xc9: {  	s19 =	simm.s32 $0x9880;
	s18 =	sadd.s32 $0x400, s16  }
0xca: {  	[tilespmem:s19], [sflag:$0x3] =	stream.linear.gather [spmem:s18], $0x80, $0x38;
	[tilespmem:$0x17F80] =	vst v63  }
0xcb: {  	s21 =	simm.s32 $0x9C80;
	s20 =	sadd.s32 $0x800, s16;
	s18 =	spop (v2sf)  }
0xcc: {  	[tilespmem:s21], [sflag:$0x3] =	stream.linear.gather [spmem:s20], $0x80, $0x38;
	[tilespmem:$0x17F80] =	vst v63  }
0xcd: {  	s16 =	sadd.s32 $0xC00, s16;
	s22 =	simm.s32 $0xA080;
	s19 =	sshll.u32 s18, $0x9  }
0xce: {  	[tilespmem:s22], [sflag:$0x3] =	stream.linear.gather [spmem:s16], $0x80, $0x38;
	[tilespmem:$0x17F80] =	vst v63  }
0xcf: {  	s17 =	sand.u32 $0xFFFFF000, s19;
	s16 =	sshll.u32 s18, $0x7  }
0xd0: {  	s17 =	sadd.s32 s17, s4;
	s16 =	sand.u32 $0x380, s16  }
0xd1: {  	s20 =	simm.s32 $0x9500;
	s16 =	sadd.s32 s16, s17  }
0xd2: {  	[tilespmem:s20], [sflag:$0x3] =	stream.linear.gather [spmem:s16], $0x80, $0x38;
	[tilespmem:$0x17F80] =	vst v63  }
0xd3: {  	s22 =	simm.s32 $0x9900;
	s21 =	sadd.s32 $0x400, s16  }
0xd4: {  	[tilespmem:s22], [sflag:$0x3] =	stream.linear.gather [spmem:s21], $0x80, $0x38;
	[tilespmem:$0x17F80] =	vst v63  }
0xd5: {  	s19 =	simm.s32 $0x9D00;
	s18 =	sadd.s32 $0x800, s16;
	s21 =	spop (v2sf)  }
0xd6: {  	[tilespmem:s19], [sflag:$0x3] =	stream.linear.gather [spmem:s18], $0x80, $0x38;
	[tilespmem:$0x17F80] =	vst v63  }
0xd7: {  	s16 =	sadd.s32 $0xC00, s16;
	s20 =	simm.s32 $0xA100;
	s22 =	sshll.u32 s21, $0x9  }
0xd8: {  	[tilespmem:s20], [sflag:$0x3] =	stream.linear.gather [spmem:s16], $0x80, $0x38;
	[tilespmem:$0x17F80] =	vst v63  }
0xd9: {  	s17 =	sand.u32 $0xFFFFF000, s22;
	s16 =	sshll.u32 s21, $0x7  }
0xda: {  	s17 =	sadd.s32 s17, s4;
	s16 =	sand.u32 $0x380, s16  }
0xdb: {  	s18 =	simm.s32 $0x9580;
	s16 =	sadd.s32 s16, s17  }
0xdc: {  	[tilespmem:s18], [sflag:$0x3] =	stream.linear.gather [spmem:s16], $0x80, $0x38;
	[tilespmem:$0x17F80] =	vst v63  }
0xdd: {  	s20 =	simm.s32 $0x9980;
	s19 =	sadd.s32 $0x400, s16  }
0xde: {  	[tilespmem:s20], [sflag:$0x3] =	stream.linear.gather [spmem:s19], $0x80, $0x38;
	[tilespmem:$0x17F80] =	vst v63  }
0xdf: {  	s22 =	simm.s32 $0x9D80;
	s21 =	sadd.s32 $0x800, s16  }
0xe0: {  	[tilespmem:s22], [sflag:$0x3] =	stream.linear.gather [spmem:s21], $0x80, $0x38;
	[tilespmem:$0x17F80] =	vst v63  }
0xe1: {  	s16 =	sadd.s32 $0xC00, s16;
	s19 =	simm.s32 $0xA180  }
0xe2: {  	[tilespmem:s19], [sflag:$0x3] =	stream.linear.gather [spmem:s16], $0x80, $0x38;
	[tilespmem:$0x17F80] =	vst v63  }
0xe3: {  	v0 =	vld [tilespmem:$0x10];
	_ =	sdelay $0x4  }
0xe4: {  	(v2sf) =	vpush v0, $0x0;
	_ =	sdelay $0x7  }
0xe5: {  	(v2sf) =	vpush v0, $0x1;
	_ =	sdelay $0x6  }
0xe6: {  	s20 =	spop (v2sf)  }
0xe7: {  	s21 =	sshll.u32 s20, $0x9  }
0xe8: {  	s16 =	sshll.u32 s20, $0x7;
	s17 =	sand.u32 $0xFFFFF000, s21  }
0xe9: {  	(v2sf) =	vpush v0, $0x2;
	s16 =	sand.u32 $0x380, s16;
	s17 =	sadd.s32 s17, s4  }
0xea: {  	s22 =	simm.s32 $0xA200;
	s16 =	sadd.s32 s16, s17  }
0xeb: {  	[tilespmem:s22], [sflag:$0x3] =	stream.linear.gather [spmem:s16], $0x80, $0x38;
	[tilespmem:$0x17F80] =	vst v63  }
0xec: {  	s19 =	simm.s32 $0xA600;
	s18 =	sadd.s32 $0x400, s16  }
0xed: {  	[tilespmem:s19], [sflag:$0x3] =	stream.linear.gather [spmem:s18], $0x80, $0x38;
	[tilespmem:$0x17F80] =	vst v63  }
0xee: {  	s21 =	simm.s32 $0xAA00;
	s20 =	sadd.s32 $0x800, s16;
	s18 =	spop (v2sf)  }
0xef: {  	[tilespmem:s21], [sflag:$0x3] =	stream.linear.gather [spmem:s20], $0x80, $0x38;
	[tilespmem:$0x17F80] =	vst v63  }
0xf0: {  	s16 =	sadd.s32 $0xC00, s16;
	s22 =	simm.s32 $0xAE00;
	s19 =	sshll.u32 s18, $0x9  }
0xf1: {  	[tilespmem:s22], [sflag:$0x3] =	stream.linear.gather [spmem:s16], $0x80, $0x38;
	[tilespmem:$0x17F80] =	vst v63  }
0xf2: {  	s17 =	sand.u32 $0xFFFFF000, s19;
	s16 =	sshll.u32 s18, $0x7  }
0xf3: {  	(v2sf) =	vpush v0, $0x3;
	s17 =	sadd.s32 s17, s4;
	s16 =	sand.u32 $0x380, s16  }
0xf4: {  	s20 =	simm.s32 $0xA280;
	s16 =	sadd.s32 s16, s17  }
0xf5: {  	[tilespmem:s20], [sflag:$0x3] =	stream.linear.gather [spmem:s16], $0x80, $0x38;
	[tilespmem:$0x17F80] =	vst v63  }
0xf6: {  	s22 =	simm.s32 $0xA680;
	s21 =	sadd.s32 $0x400, s16  }
0xf7: {  	[tilespmem:s22], [sflag:$0x3] =	stream.linear.gather [spmem:s21], $0x80, $0x38;
	[tilespmem:$0x17F80] =	vst v63  }
0xf8: {  	s19 =	simm.s32 $0xAA80;
	s18 =	sadd.s32 $0x800, s16;
	s21 =	spop (v2sf)  }
0xf9: {  	[tilespmem:s19], [sflag:$0x3] =	stream.linear.gather [spmem:s18], $0x80, $0x38;
	[tilespmem:$0x17F80] =	vst v63  }
0xfa: {  	s16 =	sadd.s32 $0xC00, s16;
	s20 =	simm.s32 $0xAE80;
	s22 =	sshll.u32 s21, $0x9  }
0xfb: {  	[tilespmem:s20], [sflag:$0x3] =	stream.linear.gather [spmem:s16], $0x80, $0x38;
	[tilespmem:$0x17F80] =	vst v63  }
0xfc: {  	s17 =	sand.u32 $0xFFFFF000, s22;
	s16 =	sshll.u32 s21, $0x7  }
0xfd: {  	(v2sf) =	vpush v0, $0x4;
	s17 =	sadd.s32 s17, s4;
	s16 =	sand.u32 $0x380, s16  }
0xfe: {  	s18 =	simm.s32 $0xA300;
	s16 =	sadd.s32 s16, s17  }
0xff: {  	[tilespmem:s18], [sflag:$0x3] =	stream.linear.gather [spmem:s16], $0x80, $0x38;
	[tilespmem:$0x17F80] =	vst v63  }
0x100: {  	s20 =	simm.s32 $0xA700;
	s19 =	sadd.s32 $0x400, s16  }
0x101: {  	[tilespmem:s20], [sflag:$0x3] =	stream.linear.gather [spmem:s19], $0x80, $0x38;
	[tilespmem:$0x17F80] =	vst v63  }
0x102: {  	s22 =	simm.s32 $0xAB00;
	s21 =	sadd.s32 $0x800, s16;
	s20 =	spop (v2sf)  }
0x103: {  	[tilespmem:s22], [sflag:$0x3] =	stream.linear.gather [spmem:s21], $0x80, $0x38;
	[tilespmem:$0x17F80] =	vst v63  }
0x104: {  	s16 =	sadd.s32 $0xC00, s16;
	s19 =	simm.s32 $0xAF00;
	s21 =	sshll.u32 s20, $0x9  }
0x105: {  	[tilespmem:s19], [sflag:$0x3] =	stream.linear.gather [spmem:s16], $0x80, $0x38;
	[tilespmem:$0x17F80] =	vst v63  }
0x106: {  	s17 =	sand.u32 $0xFFFFF000, s21;
	s16 =	sshll.u32 s20, $0x7  }
0x107: {  	(v2sf) =	vpush v0, $0x5;
	s17 =	sadd.s32 s17, s4;
	s16 =	sand.u32 $0x380, s16  }
0x108: {  	s22 =	simm.s32 $0xA380;
	s16 =	sadd.s32 s16, s17  }
0x109: {  	[tilespmem:s22], [sflag:$0x3] =	stream.linear.gather [spmem:s16], $0x80, $0x38;
	[tilespmem:$0x17F80] =	vst v63  }
0x10a: {  	s19 =	simm.s32 $0xA780;
	s18 =	sadd.s32 $0x400, s16  }
0x10b: {  	[tilespmem:s19], [sflag:$0x3] =	stream.linear.gather [spmem:s18], $0x80, $0x38;
	[tilespmem:$0x17F80] =	vst v63  }
0x10c: {  	s21 =	simm.s32 $0xAB80;
	s20 =	sadd.s32 $0x800, s16;
	s18 =	spop (v2sf)  }
0x10d: {  	[tilespmem:s21], [sflag:$0x3] =	stream.linear.gather [spmem:s20], $0x80, $0x38;
	[tilespmem:$0x17F80] =	vst v63  }
0x10e: {  	s16 =	sadd.s32 $0xC00, s16;
	s22 =	simm.s32 $0xAF80;
	s19 =	sshll.u32 s18, $0x9  }
0x10f: {  	[tilespmem:s22], [sflag:$0x3] =	stream.linear.gather [spmem:s16], $0x80, $0x38;
	[tilespmem:$0x17F80] =	vst v63  }
0x110: {  	s17 =	sand.u32 $0xFFFFF000, s19;
	s16 =	sshll.u32 s18, $0x7  }
0x111: {  	(v2sf) =	vpush v0, $0x6;
	s17 =	sadd.s32 s17, s4;
	s16 =	sand.u32 $0x380, s16  }
0x112: {  	s20 =	simm.s32 $0xA400;
	s16 =	sadd.s32 s16, s17  }
0x113: {  	[tilespmem:s20], [sflag:$0x3] =	stream.linear.gather [spmem:s16], $0x80, $0x38;
	[tilespmem:$0x17F80] =	vst v63  }
0x114: {  	s22 =	simm.s32 $0xA800;
	s21 =	sadd.s32 $0x400, s16  }
0x115: {  	[tilespmem:s22], [sflag:$0x3] =	stream.linear.gather [spmem:s21], $0x80, $0x38;
	[tilespmem:$0x17F80] =	vst v63  }
0x116: {  	s19 =	simm.s32 $0xAC00;
	s18 =	sadd.s32 $0x800, s16;
	s21 =	spop (v2sf)  }
0x117: {  	[tilespmem:s19], [sflag:$0x3] =	stream.linear.gather [spmem:s18], $0x80, $0x38;
	[tilespmem:$0x17F80] =	vst v63  }
0x118: {  	s16 =	sadd.s32 $0xC00, s16;
	s20 =	simm.s32 $0xB000;
	s22 =	sshll.u32 s21, $0x9  }
0x119: {  	[tilespmem:s20], [sflag:$0x3] =	stream.linear.gather [spmem:s16], $0x80, $0x38;
	[tilespmem:$0x17F80] =	vst v63  }
0x11a: {  	s17 =	sand.u32 $0xFFFFF000, s22;
	s16 =	sshll.u32 s21, $0x7  }
0x11b: {  	(v2sf) =	vpush v0, $0x7;
	s17 =	sadd.s32 s17, s4;
	s16 =	sand.u32 $0x380, s16  }
0x11c: {  	s18 =	simm.s32 $0xA480;
	s16 =	sadd.s32 s16, s17  }
0x11d: {  	[tilespmem:s18], [sflag:$0x3] =	stream.linear.gather [spmem:s16], $0x80, $0x38;
	[tilespmem:$0x17F80] =	vst v63  }
0x11e: {  	s20 =	simm.s32 $0xA880;
	s19 =	sadd.s32 $0x400, s16  }
0x11f: {  	[tilespmem:s20], [sflag:$0x3] =	stream.linear.gather [spmem:s19], $0x80, $0x38;
	[tilespmem:$0x17F80] =	vst v63  }
0x120: {  	s22 =	simm.s32 $0xAC80;
	s21 =	sadd.s32 $0x800, s16;
	s20 =	spop (v2sf)  }
0x121: {  	[tilespmem:s22], [sflag:$0x3] =	stream.linear.gather [spmem:s21], $0x80, $0x38;
	[tilespmem:$0x17F80] =	vst v63  }
0x122: {  	s16 =	sadd.s32 $0xC00, s16;
	s19 =	simm.s32 $0xB080;
	s21 =	sshll.u32 s20, $0x9  }
0x123: {  	[tilespmem:s19], [sflag:$0x3] =	stream.linear.gather [spmem:s16], $0x80, $0x38;
	[tilespmem:$0x17F80] =	vst v63  }
0x124: {  	s17 =	sand.u32 $0xFFFFF000, s21;
	s16 =	sshll.u32 s20, $0x7  }
0x125: {  	(v2sf) =	vpush v0, $0x8;
	s17 =	sadd.s32 s17, s4;
	s16 =	sand.u32 $0x380, s16  }
0x126: {  	s22 =	simm.s32 $0xA500;
	s16 =	sadd.s32 s16, s17  }
0x127: {  	[tilespmem:s22], [sflag:$0x3] =	stream.linear.gather [spmem:s16], $0x80, $0x38;
	[tilespmem:$0x17F80] =	vst v63  }
0x128: {  	s19 =	simm.s32 $0xA900;
	s18 =	sadd.s32 $0x400, s16  }
0x129: {  	[tilespmem:s19], [sflag:$0x3] =	stream.linear.gather [spmem:s18], $0x80, $0x38;
	[tilespmem:$0x17F80] =	vst v63  }
0x12a: {  	s21 =	simm.s32 $0xAD00;
	s20 =	sadd.s32 $0x800, s16;
	s18 =	spop (v2sf)  }
0x12b: {  	[tilespmem:s21], [sflag:$0x3] =	stream.linear.gather [spmem:s20], $0x80, $0x38;
	[tilespmem:$0x17F80] =	vst v63  }
0x12c: {  	s16 =	sadd.s32 $0xC00, s16;
	s22 =	simm.s32 $0xB100;
	s19 =	sshll.u32 s18, $0x9  }
0x12d: {  	[tilespmem:s22], [sflag:$0x3] =	stream.linear.gather [spmem:s16], $0x80, $0x38;
	[tilespmem:$0x17F80] =	vst v63  }
0x12e: {  	s17 =	sand.u32 $0xFFFFF000, s19;
	s16 =	sshll.u32 s18, $0x7  }
0x12f: {  	(v2sf) =	vpush v0, $0x9;
	s17 =	sadd.s32 s17, s4;
	s16 =	sand.u32 $0x380, s16  }
0x130: {  	s20 =	simm.s32 $0xA580;
	s16 =	sadd.s32 s16, s17  }
0x131: {  	[tilespmem:s20], [sflag:$0x3] =	stream.linear.gather [spmem:s16], $0x80, $0x38;
	[tilespmem:$0x17F80] =	vst v63  }
0x132: {  	s22 =	simm.s32 $0xA980;
	s21 =	sadd.s32 $0x400, s16  }
0x133: {  	[tilespmem:s22], [sflag:$0x3] =	stream.linear.gather [spmem:s21], $0x80, $0x38;
	[tilespmem:$0x17F80] =	vst v63  }
0x134: {  	s19 =	simm.s32 $0xAD80;
	s18 =	sadd.s32 $0x800, s16;
	s21 =	spop (v2sf)  }
0x135: {  	[tilespmem:s19], [sflag:$0x3] =	stream.linear.gather [spmem:s18], $0x80, $0x38;
	[tilespmem:$0x17F80] =	vst v63  }
0x136: {  	s16 =	sadd.s32 $0xC00, s16;
	s20 =	simm.s32 $0xB180;
	s22 =	sshll.u32 s21, $0x9  }
0x137: {  	[tilespmem:s20], [sflag:$0x3] =	stream.linear.gather [spmem:s16], $0x80, $0x38;
	[tilespmem:$0x17F80] =	vst v63  }
0x138: {  	s17 =	sand.u32 $0xFFFFF000, s22;
	s16 =	sshll.u32 s21, $0x7  }
0x139: {  	(v2sf) =	vpush v0, $0xA;
	s17 =	sadd.s32 s17, s4;
	s16 =	sand.u32 $0x380, s16  }
0x13a: {  	s18 =	simm.s32 $0xB200;
	s16 =	sadd.s32 s16, s17  }
0x13b: {  	[tilespmem:s18], [sflag:$0x3] =	stream.linear.gather [spmem:s16], $0x80, $0x38;
	[tilespmem:$0x17F80] =	vst v63  }
0x13c: {  	s20 =	simm.s32 $0xB600;
	s19 =	sadd.s32 $0x400, s16  }
0x13d: {  	[tilespmem:s20], [sflag:$0x3] =	stream.linear.gather [spmem:s19], $0x80, $0x38;
	[tilespmem:$0x17F80] =	vst v63  }
0x13e: {  	s22 =	simm.s32 $0xBA00;
	s21 =	sadd.s32 $0x800, s16;
	s20 =	spop (v2sf)  }
0x13f: {  	[tilespmem:s22], [sflag:$0x3] =	stream.linear.gather [spmem:s21], $0x80, $0x38;
	[tilespmem:$0x17F80] =	vst v63  }
0x140: {  	s16 =	sadd.s32 $0xC00, s16;
	s19 =	simm.s32 $0xBE00;
	s21 =	sshll.u32 s20, $0x9  }
0x141: {  	[tilespmem:s19], [sflag:$0x3] =	stream.linear.gather [spmem:s16], $0x80, $0x38;
	[tilespmem:$0x17F80] =	vst v63  }
0x142: {  	s17 =	sand.u32 $0xFFFFF000, s21;
	s16 =	sshll.u32 s20, $0x7  }
0x143: {  	(v2sf) =	vpush v0, $0xB;
	s17 =	sadd.s32 s17, s4;
	s16 =	sand.u32 $0x380, s16  }
0x144: {  	s22 =	simm.s32 $0xB280;
	s16 =	sadd.s32 s16, s17  }
0x145: {  	[tilespmem:s22], [sflag:$0x3] =	stream.linear.gather [spmem:s16], $0x80, $0x38;
	[tilespmem:$0x17F80] =	vst v63  }
0x146: {  	s19 =	simm.s32 $0xB680;
	s18 =	sadd.s32 $0x400, s16  }
0x147: {  	[tilespmem:s19], [sflag:$0x3] =	stream.linear.gather [spmem:s18], $0x80, $0x38;
	[tilespmem:$0x17F80] =	vst v63  }
0x148: {  	s21 =	simm.s32 $0xBA80;
	s20 =	sadd.s32 $0x800, s16;
	s18 =	spop (v2sf)  }
0x149: {  	[tilespmem:s21], [sflag:$0x3] =	stream.linear.gather [spmem:s20], $0x80, $0x38;
	[tilespmem:$0x17F80] =	vst v63  }
0x14a: {  	s16 =	sadd.s32 $0xC00, s16;
	s22 =	simm.s32 $0xBE80;
	s19 =	sshll.u32 s18, $0x9  }
0x14b: {  	[tilespmem:s22], [sflag:$0x3] =	stream.linear.gather [spmem:s16], $0x80, $0x38;
	[tilespmem:$0x17F80] =	vst v63  }
0x14c: {  	s17 =	sand.u32 $0xFFFFF000, s19;
	s16 =	sshll.u32 s18, $0x7  }
0x14d: {  	(v2sf) =	vpush v0, $0xC;
	s17 =	sadd.s32 s17, s4;
	s16 =	sand.u32 $0x380, s16  }
0x14e: {  	s20 =	simm.s32 $0xB300;
	s16 =	sadd.s32 s16, s17  }
0x14f: {  	[tilespmem:s20], [sflag:$0x3] =	stream.linear.gather [spmem:s16], $0x80, $0x38;
	[tilespmem:$0x17F80] =	vst v63  }
0x150: {  	s22 =	simm.s32 $0xB700;
	s21 =	sadd.s32 $0x400, s16  }
0x151: {  	[tilespmem:s22], [sflag:$0x3] =	stream.linear.gather [spmem:s21], $0x80, $0x38;
	[tilespmem:$0x17F80] =	vst v63  }
0x152: {  	s19 =	simm.s32 $0xBB00;
	s18 =	sadd.s32 $0x800, s16;
	s21 =	spop (v2sf)  }
0x153: {  	[tilespmem:s19], [sflag:$0x3] =	stream.linear.gather [spmem:s18], $0x80, $0x38;
	[tilespmem:$0x17F80] =	vst v63  }
0x154: {  	s16 =	sadd.s32 $0xC00, s16;
	s20 =	simm.s32 $0xBF00;
	s22 =	sshll.u32 s21, $0x9  }
0x155: {  	[tilespmem:s20], [sflag:$0x3] =	stream.linear.gather [spmem:s16], $0x80, $0x38;
	[tilespmem:$0x17F80] =	vst v63  }
0x156: {  	s17 =	sand.u32 $0xFFFFF000, s22;
	s16 =	sshll.u32 s21, $0x7  }
0x157: {  	(v2sf) =	vpush v0, $0xD;
	s17 =	sadd.s32 s17, s4;
	s16 =	sand.u32 $0x380, s16  }
0x158: {  	s18 =	simm.s32 $0xB380;
	s16 =	sadd.s32 s16, s17  }
0x159: {  	[tilespmem:s18], [sflag:$0x3] =	stream.linear.gather [spmem:s16], $0x80, $0x38;
	[tilespmem:$0x17F80] =	vst v63  }
0x15a: {  	s20 =	simm.s32 $0xB780;
	s19 =	sadd.s32 $0x400, s16  }
0x15b: {  	[tilespmem:s20], [sflag:$0x3] =	stream.linear.gather [spmem:s19], $0x80, $0x38;
	[tilespmem:$0x17F80] =	vst v63  }
0x15c: {  	s22 =	simm.s32 $0xBB80;
	s21 =	sadd.s32 $0x800, s16;
	s20 =	spop (v2sf)  }
0x15d: {  	[tilespmem:s22], [sflag:$0x3] =	stream.linear.gather [spmem:s21], $0x80, $0x38;
	[tilespmem:$0x17F80] =	vst v63  }
0x15e: {  	s16 =	sadd.s32 $0xC00, s16;
	s19 =	simm.s32 $0xBF80;
	s21 =	sshll.u32 s20, $0x9  }
0x15f: {  	[tilespmem:s19], [sflag:$0x3] =	stream.linear.gather [spmem:s16], $0x80, $0x38;
	[tilespmem:$0x17F80] =	vst v63  }
0x160: {  	s17 =	sand.u32 $0xFFFFF000, s21;
	s16 =	sshll.u32 s20, $0x7  }
0x161: {  	(v2sf) =	vpush v0, $0xE;
	s17 =	sadd.s32 s17, s4;
	s16 =	sand.u32 $0x380, s16  }
0x162: {  	s22 =	simm.s32 $0xB400;
	s16 =	sadd.s32 s16, s17  }
0x163: {  	[tilespmem:s22], [sflag:$0x3] =	stream.linear.gather [spmem:s16], $0x80, $0x38;
	[tilespmem:$0x17F80] =	vst v63  }
0x164: {  	s19 =	simm.s32 $0xB800;
	s18 =	sadd.s32 $0x400, s16  }
0x165: {  	[tilespmem:s19], [sflag:$0x3] =	stream.linear.gather [spmem:s18], $0x80, $0x38;
	[tilespmem:$0x17F80] =	vst v63  }
0x166: {  	s21 =	simm.s32 $0xBC00;
	s20 =	sadd.s32 $0x800, s16;
	s18 =	spop (v2sf)  }
0x167: {  	[tilespmem:s21], [sflag:$0x3] =	stream.linear.gather [spmem:s20], $0x80, $0x38;
	[tilespmem:$0x17F80] =	vst v63  }
0x168: {  	s16 =	sadd.s32 $0xC00, s16;
	s22 =	simm.s32 $0xC000;
	s19 =	sshll.u32 s18, $0x9  }
0x169: {  	[tilespmem:s22], [sflag:$0x3] =	stream.linear.gather [spmem:s16], $0x80, $0x38;
	[tilespmem:$0x17F80] =	vst v63  }
0x16a: {  	s17 =	sand.u32 $0xFFFFF000, s19;
	s16 =	sshll.u32 s18, $0x7  }
0x16b: {  	(v2sf) =	vpush v0, $0xF;
	s17 =	sadd.s32 s17, s4;
	s16 =	sand.u32 $0x380, s16  }
0x16c: {  	s20 =	simm.s32 $0xB480;
	s16 =	sadd.s32 s16, s17  }
0x16d: {  	[tilespmem:s20], [sflag:$0x3] =	stream.linear.gather [spmem:s16], $0x80, $0x38;
	[tilespmem:$0x17F80] =	vst v63  }
0x16e: {  	s22 =	simm.s32 $0xB880;
	s21 =	sadd.s32 $0x400, s16  }
0x16f: {  	[tilespmem:s22], [sflag:$0x3] =	stream.linear.gather [spmem:s21], $0x80, $0x38;
	[tilespmem:$0x17F80] =	vst v63  }
0x170: {  	s19 =	simm.s32 $0xBC80;
	s18 =	sadd.s32 $0x800, s16;
	s20 =	spop (v2sf)  }
0x171: {  	[tilespmem:s19], [sflag:$0x3] =	stream.linear.gather [spmem:s18], $0x80, $0x38;
	[tilespmem:$0x17F80] =	vst v63  }
0x172: {  	s16 =	sadd.s32 $0xC00, s16;
	s21 =	simm.s32 $0xC080;
	s22 =	sshll.u32 s20, $0x9  }
0x173: {  	[tilespmem:s21], [sflag:$0x3] =	stream.linear.gather [spmem:s16], $0x80, $0x38;
	[tilespmem:$0x17F80] =	vst v63  }
0x174: {  	s17 =	sshll.u32 s20, $0x7;
	s16 =	sand.u32 $0xFFFFF000, s22  }
0x175: {  	s17 =	sand.u32 $0x380, s17;
	s16 =	sadd.s32 s16, s4  }
0x176: {  	s18 =	simm.s32 $0xB500;
	s16 =	sadd.s32 s17, s16  }
0x177: {  	[tilespmem:s18], [sflag:$0x3] =	stream.linear.gather [spmem:s16], $0x80, $0x38;
	[tilespmem:$0x17F80] =	vst v63  }
0x178: {  	s20 =	simm.s32 $0xB900;
	s19 =	sadd.s32 $0x400, s16  }
0x179: {  	[tilespmem:s20], [sflag:$0x3] =	stream.linear.gather [spmem:s19], $0x80, $0x38;
	[tilespmem:$0x17F80] =	vst v63  }
0x17a: {  	s22 =	simm.s32 $0xBD00;
	s21 =	sadd.s32 $0x800, s16;
	s20 =	spop (v2sf)  }
0x17b: {  	[tilespmem:s22], [sflag:$0x3] =	stream.linear.gather [spmem:s21], $0x80, $0x38;
	[tilespmem:$0x17F80] =	vst v63  }
0x17c: {  	s16 =	sadd.s32 $0xC00, s16;
	s19 =	simm.s32 $0xC100;
	s21 =	sshll.u32 s20, $0x9  }
0x17d: {  	[tilespmem:s19], [sflag:$0x3] =	stream.linear.gather [spmem:s16], $0x80, $0x38;
	[tilespmem:$0x17F80] =	vst v63  }
0x17e: {  	s17 =	sand.u32 $0xFFFFF000, s21;
	s16 =	sshll.u32 s20, $0x7  }
0x17f: {  	s17 =	sadd.s32 s17, s4;
	s16 =	sand.u32 $0x380, s16  }
0x180: {  	s22 =	simm.s32 $0xB580;
	s16 =	sadd.s32 s16, s17  }
0x181: {  	[tilespmem:s22], [sflag:$0x3] =	stream.linear.gather [spmem:s16], $0x80, $0x38;
	[tilespmem:$0x17F80] =	vst v63  }
0x182: {  	s19 =	simm.s32 $0xB980;
	s18 =	sadd.s32 $0x400, s16  }
0x183: {  	[tilespmem:s19], [sflag:$0x3] =	stream.linear.gather [spmem:s18], $0x80, $0x38;
	[tilespmem:$0x17F80] =	vst v63  }
0x184: {  	s21 =	simm.s32 $0xBD80;
	s20 =	sadd.s32 $0x800, s16  }
0x185: {  	[tilespmem:s21], [sflag:$0x3] =	stream.linear.gather [spmem:s20], $0x80, $0x38;
	[tilespmem:$0x17F80] =	vst v63  }
0x186: {  	s16 =	sadd.s32 $0xC00, s16;
	s22 =	simm.s32 $0xC180  }
0x187: {  	v1 =	vimm.f32 $0.0e+00;
	[tilespmem:s22], [sflag:$0x3] =	stream.linear.gather [spmem:s16], $0x80, $0x38;
	[tilespmem:$0x17F80] =	vst v63  }
0x188: {  	v2 =	vimm.f32 $0.0e+00;
	v3 =	vimm.f32 $0.0e+00;
	v0 =	vimm.f32 $0.0e+00;
	s16 =	simm.s32 $0x0  }
.LBB2_2:
0x189: {  	_ =	swait.ge [sflag:s13], $0x4000  }
0x18a: {  	s17 =	sshll.u32 s16, $0x6;
	[sflag:s13] =	ssyncset.done $0x0  }
0x18b: {  	s18 =	sor.u32 $0x20, s17;
	[sflag:s13] =	ssyncadd.s32 $0xFFFFC000  }
0x18c: {  	s18 =	sadd.s32 s6, s18;
	_ =	swait.ge [sflag:s14], $0x4000  }
0x18d: {  	s20 =	simm.s32 $0x4200;
	s18 =	sshll.u32 s18, $0x6;
	[sflag:s14] =	ssyncset.done $0x0  }
0x18e: {  	s19 =	sadd.s32 s1, s18;
	s18 =	simm.s32 $0x0;
	[sflag:s14] =	ssyncadd.s32 $0xFFFFC000  }
0x18f: {  	[tilespmem:s20], [sflag:$0x2] =	stream.linear.gather [hbm4b:s19+s18], $0x4000, $0x38;
	[tilespmem:$0x17F80] =	vst v63  }
0x190: {  	v4 =	vld [tilespmem:s17+$0x20];
	_ =	sdelay $0x4  }
0x191: {  	(v2sf) =	vpush v4, $0x0;
	_ =	sdelay $0x9  }
0x192: {  	(v2sf) =	vpush v4, $0x1;
	_ =	sdelay $0x4  }
0x193: {  	s21 =	spop (v2sf)  }
0x194: {  	s22 =	sshll.u32 s21, $0x9  }
0x195: {  	s19 =	sshll.u32 s21, $0x7;
	s20 =	sand.u32 $0xFFFFF000, s22  }
0x196: {  	s19 =	sand.u32 $0x380, s19;
	s20 =	sadd.s32 s20, s4  }
0x197: {  	s21 =	simm.s32 $0xC200;
	s19 =	sadd.s32 s19, s20  }
0x198: {  	[tilespmem:s21], [sflag:$0x4] =	stream.linear.gather [spmem:s19], $0x80, $0x38;
	[tilespmem:$0x17F80] =	vst v63  }
0x199: {  	(v2sf) =	vpush v4, $0x2;
	s22 =	sadd.s32 $0x400, s19;
	s21 =	simm.s32 $0xC600  }
0x19a: {  	[tilespmem:s21], [sflag:$0x4] =	stream.linear.gather [spmem:s22], $0x80, $0x38;
	[tilespmem:$0x17F80] =	vst v63  }
0x19b: {  	s21 =	sadd.s32 $0x800, s19;
	s22 =	simm.s32 $0xCA00  }
0x19c: {  	[tilespmem:s22], [sflag:$0x4] =	stream.linear.gather [spmem:s21], $0x80, $0x38;
	[tilespmem:$0x17F80] =	vst v63  }
0x19d: {  	s19 =	sadd.s32 $0xC00, s19;
	s21 =	simm.s32 $0xCE00;
	s22 =	spop (v2sf)  }
0x19e: {  	[tilespmem:s21], [sflag:$0x4] =	stream.linear.gather [spmem:s19], $0x80, $0x38;
	[tilespmem:$0x17F80] =	vst v63  }
0x19f: {  	s21 =	sshll.u32 s22, $0x9  }
0x1a0: {  	s19 =	sshll.u32 s22, $0x7;
	s20 =	sand.u32 $0xFFFFF000, s21  }
0x1a1: {  	s19 =	sand.u32 $0x380, s19;
	s20 =	sadd.s32 s20, s4  }
0x1a2: {  	s22 =	simm.s32 $0xC280;
	s19 =	sadd.s32 s19, s20  }
0x1a3: {  	[tilespmem:s22], [sflag:$0x4] =	stream.linear.gather [spmem:s19], $0x80, $0x38;
	[tilespmem:$0x17F80] =	vst v63  }
0x1a4: {  	(v2sf) =	vpush v4, $0x3;
	s21 =	sadd.s32 $0x400, s19;
	s22 =	simm.s32 $0xC680  }
0x1a5: {  	[tilespmem:s22], [sflag:$0x4] =	stream.linear.gather [spmem:s21], $0x80, $0x38;
	[tilespmem:$0x17F80] =	vst v63  }
0x1a6: {  	s21 =	sadd.s32 $0x800, s19;
	s22 =	simm.s32 $0xCA80  }
0x1a7: {  	[tilespmem:s22], [sflag:$0x4] =	stream.linear.gather [spmem:s21], $0x80, $0x38;
	[tilespmem:$0x17F80] =	vst v63  }
0x1a8: {  	s19 =	sadd.s32 $0xC00, s19;
	s21 =	simm.s32 $0xCE80;
	s22 =	spop (v2sf)  }
0x1a9: {  	[tilespmem:s21], [sflag:$0x4] =	stream.linear.gather [spmem:s19], $0x80, $0x38;
	[tilespmem:$0x17F80] =	vst v63  }
0x1aa: {  	s21 =	sshll.u32 s22, $0x9  }
0x1ab: {  	s19 =	sshll.u32 s22, $0x7;
	s20 =	sand.u32 $0xFFFFF000, s21  }
0x1ac: {  	s19 =	sand.u32 $0x380, s19;
	s20 =	sadd.s32 s20, s4  }
0x1ad: {  	s22 =	simm.s32 $0xC300;
	s19 =	sadd.s32 s19, s20  }
0x1ae: {  	[tilespmem:s22], [sflag:$0x4] =	stream.linear.gather [spmem:s19], $0x80, $0x38;
	[tilespmem:$0x17F80] =	vst v63  }
0x1af: {  	(v2sf) =	vpush v4, $0x4;
	s21 =	sadd.s32 $0x400, s19;
	s22 =	simm.s32 $0xC700  }
0x1b0: {  	[tilespmem:s22], [sflag:$0x4] =	stream.linear.gather [spmem:s21], $0x80, $0x38;
	[tilespmem:$0x17F80] =	vst v63  }
0x1b1: {  	s21 =	sadd.s32 $0x800, s19;
	s22 =	simm.s32 $0xCB00  }
0x1b2: {  	[tilespmem:s22], [sflag:$0x4] =	stream.linear.gather [spmem:s21], $0x80, $0x38;
	[tilespmem:$0x17F80] =	vst v63  }
0x1b3: {  	s19 =	sadd.s32 $0xC00, s19;
	s21 =	simm.s32 $0xCF00;
	s22 =	spop (v2sf)  }
0x1b4: {  	[tilespmem:s21], [sflag:$0x4] =	stream.linear.gather [spmem:s19], $0x80, $0x38;
	[tilespmem:$0x17F80] =	vst v63  }
0x1b5: {  	s21 =	sshll.u32 s22, $0x9  }
0x1b6: {  	s19 =	sshll.u32 s22, $0x7;
	s20 =	sand.u32 $0xFFFFF000, s21  }
0x1b7: {  	s19 =	sand.u32 $0x380, s19;
	s20 =	sadd.s32 s20, s4  }
0x1b8: {  	s22 =	simm.s32 $0xC380;
	s19 =	sadd.s32 s19, s20  }
0x1b9: {  	[tilespmem:s22], [sflag:$0x4] =	stream.linear.gather [spmem:s19], $0x80, $0x38;
	[tilespmem:$0x17F80] =	vst v63  }
0x1ba: {  	(v2sf) =	vpush v4, $0x5;
	s21 =	sadd.s32 $0x400, s19;
	s22 =	simm.s32 $0xC780  }
0x1bb: {  	[tilespmem:s22], [sflag:$0x4] =	stream.linear.gather [spmem:s21], $0x80, $0x38;
	[tilespmem:$0x17F80] =	vst v63  }
0x1bc: {  	s21 =	sadd.s32 $0x800, s19;
	s22 =	simm.s32 $0xCB80  }
0x1bd: {  	[tilespmem:s22], [sflag:$0x4] =	stream.linear.gather [spmem:s21], $0x80, $0x38;
	[tilespmem:$0x17F80] =	vst v63  }
0x1be: {  	s19 =	sadd.s32 $0xC00, s19;
	s21 =	simm.s32 $0xCF80;
	s22 =	spop (v2sf)  }
0x1bf: {  	[tilespmem:s21], [sflag:$0x4] =	stream.linear.gather [spmem:s19], $0x80, $0x38;
	[tilespmem:$0x17F80] =	vst v63  }
0x1c0: {  	s21 =	sshll.u32 s22, $0x9  }
0x1c1: {  	s19 =	sshll.u32 s22, $0x7;
	s20 =	sand.u32 $0xFFFFF000, s21  }
0x1c2: {  	s19 =	sand.u32 $0x380, s19;
	s20 =	sadd.s32 s20, s4  }
0x1c3: {  	s22 =	simm.s32 $0xC400;
	s19 =	sadd.s32 s19, s20  }
0x1c4: {  	[tilespmem:s22], [sflag:$0x4] =	stream.linear.gather [spmem:s19], $0x80, $0x38;
	[tilespmem:$0x17F80] =	vst v63  }
0x1c5: {  	(v2sf) =	vpush v4, $0x6;
	s21 =	sadd.s32 $0x400, s19;
	s22 =	simm.s32 $0xC800  }
0x1c6: {  	[tilespmem:s22], [sflag:$0x4] =	stream.linear.gather [spmem:s21], $0x80, $0x38;
	[tilespmem:$0x17F80] =	vst v63  }
0x1c7: {  	s21 =	sadd.s32 $0x800, s19;
	s22 =	simm.s32 $0xCC00  }
0x1c8: {  	[tilespmem:s22], [sflag:$0x4] =	stream.linear.gather [spmem:s21], $0x80, $0x38;
	[tilespmem:$0x17F80] =	vst v63  }
0x1c9: {  	s19 =	sadd.s32 $0xC00, s19;
	s21 =	simm.s32 $0xD000;
	s22 =	spop (v2sf)  }
0x1ca: {  	[tilespmem:s21], [sflag:$0x4] =	stream.linear.gather [spmem:s19], $0x80, $0x38;
	[tilespmem:$0x17F80] =	vst v63  }
0x1cb: {  	s21 =	sshll.u32 s22, $0x9  }
0x1cc: {  	s19 =	sshll.u32 s22, $0x7;
	s20 =	sand.u32 $0xFFFFF000, s21  }
0x1cd: {  	s19 =	sand.u32 $0x380, s19;
	s20 =	sadd.s32 s20, s4  }
0x1ce: {  	s22 =	simm.s32 $0xC480;
	s19 =	sadd.s32 s19, s20  }
0x1cf: {  	[tilespmem:s22], [sflag:$0x4] =	stream.linear.gather [spmem:s19], $0x80, $0x38;
	[tilespmem:$0x17F80] =	vst v63  }
0x1d0: {  	(v2sf) =	vpush v4, $0x7;
	s21 =	sadd.s32 $0x400, s19;
	s22 =	simm.s32 $0xC880  }
0x1d1: {  	[tilespmem:s22], [sflag:$0x4] =	stream.linear.gather [spmem:s21], $0x80, $0x38;
	[tilespmem:$0x17F80] =	vst v63  }
0x1d2: {  	s21 =	sadd.s32 $0x800, s19;
	s22 =	simm.s32 $0xCC80  }
0x1d3: {  	[tilespmem:s22], [sflag:$0x4] =	stream.linear.gather [spmem:s21], $0x80, $0x38;
	[tilespmem:$0x17F80] =	vst v63  }
0x1d4: {  	s19 =	sadd.s32 $0xC00, s19;
	s21 =	simm.s32 $0xD080;
	s22 =	spop (v2sf)  }
0x1d5: {  	[tilespmem:s21], [sflag:$0x4] =	stream.linear.gather [spmem:s19], $0x80, $0x38;
	[tilespmem:$0x17F80] =	vst v63  }
0x1d6: {  	s21 =	sshll.u32 s22, $0x9  }
0x1d7: {  	s19 =	sshll.u32 s22, $0x7;
	s20 =	sand.u32 $0xFFFFF000, s21  }
0x1d8: {  	s19 =	sand.u32 $0x380, s19;
	s20 =	sadd.s32 s20, s4  }
0x1d9: {  	s22 =	simm.s32 $0xC500;
	s19 =	sadd.s32 s19, s20  }
0x1da: {  	[tilespmem:s22], [sflag:$0x4] =	stream.linear.gather [spmem:s19], $0x80, $0x38;
	[tilespmem:$0x17F80] =	vst v63  }
0x1db: {  	(v2sf) =	vpush v4, $0x8;
	s21 =	sadd.s32 $0x400, s19;
	s22 =	simm.s32 $0xC900  }
0x1dc: {  	[tilespmem:s22], [sflag:$0x4] =	stream.linear.gather [spmem:s21], $0x80, $0x38;
	[tilespmem:$0x17F80] =	vst v63  }
0x1dd: {  	s21 =	sadd.s32 $0x800, s19;
	s22 =	simm.s32 $0xCD00  }
0x1de: {  	[tilespmem:s22], [sflag:$0x4] =	stream.linear.gather [spmem:s21], $0x80, $0x38;
	[tilespmem:$0x17F80] =	vst v63  }
0x1df: {  	s19 =	sadd.s32 $0xC00, s19;
	s21 =	simm.s32 $0xD100;
	s22 =	spop (v2sf)  }
0x1e0: {  	[tilespmem:s21], [sflag:$0x4] =	stream.linear.gather [spmem:s19], $0x80, $0x38;
	[tilespmem:$0x17F80] =	vst v63  }
0x1e1: {  	s21 =	sshll.u32 s22, $0x9  }
0x1e2: {  	s19 =	sshll.u32 s22, $0x7;
	s20 =	sand.u32 $0xFFFFF000, s21  }
0x1e3: {  	s19 =	sand.u32 $0x380, s19;
	s20 =	sadd.s32 s20, s4  }
0x1e4: {  	s22 =	simm.s32 $0xC580;
	s19 =	sadd.s32 s19, s20  }
0x1e5: {  	[tilespmem:s22], [sflag:$0x4] =	stream.linear.gather [spmem:s19], $0x80, $0x38;
	[tilespmem:$0x17F80] =	vst v63  }
0x1e6: {  	(v2sf) =	vpush v4, $0x9;
	s21 =	sadd.s32 $0x400, s19;
	s22 =	simm.s32 $0xC980  }
0x1e7: {  	[tilespmem:s22], [sflag:$0x4] =	stream.linear.gather [spmem:s21], $0x80, $0x38;
	[tilespmem:$0x17F80] =	vst v63  }
0x1e8: {  	s21 =	sadd.s32 $0x800, s19;
	s22 =	simm.s32 $0xCD80  }
0x1e9: {  	[tilespmem:s22], [sflag:$0x4] =	stream.linear.gather [spmem:s21], $0x80, $0x38;
	[tilespmem:$0x17F80] =	vst v63  }
0x1ea: {  	s19 =	sadd.s32 $0xC00, s19;
	s21 =	simm.s32 $0xD180;
	s22 =	spop (v2sf)  }
0x1eb: {  	[tilespmem:s21], [sflag:$0x4] =	stream.linear.gather [spmem:s19], $0x80, $0x38;
	[tilespmem:$0x17F80] =	vst v63  }
0x1ec: {  	s21 =	sshll.u32 s22, $0x9  }
0x1ed: {  	s19 =	sshll.u32 s22, $0x7;
	s20 =	sand.u32 $0xFFFFF000, s21  }
0x1ee: {  	s19 =	sand.u32 $0x380, s19;
	s20 =	sadd.s32 s20, s4  }
0x1ef: {  	s22 =	simm.s32 $0xD200;
	s19 =	sadd.s32 s19, s20  }
0x1f0: {  	[tilespmem:s22], [sflag:$0x4] =	stream.linear.gather [spmem:s19], $0x80, $0x38;
	[tilespmem:$0x17F80] =	vst v63  }
0x1f1: {  	(v2sf) =	vpush v4, $0xA;
	s21 =	sadd.s32 $0x400, s19;
	s22 =	simm.s32 $0xD600  }
0x1f2: {  	[tilespmem:s22], [sflag:$0x4] =	stream.linear.gather [spmem:s21], $0x80, $0x38;
	[tilespmem:$0x17F80] =	vst v63  }
0x1f3: {  	s21 =	sadd.s32 $0x800, s19;
	s22 =	simm.s32 $0xDA00  }
0x1f4: {  	[tilespmem:s22], [sflag:$0x4] =	stream.linear.gather [spmem:s21], $0x80, $0x38;
	[tilespmem:$0x17F80] =	vst v63  }
0x1f5: {  	s19 =	sadd.s32 $0xC00, s19;
	s21 =	simm.s32 $0xDE00;
	s22 =	spop (v2sf)  }
0x1f6: {  	[tilespmem:s21], [sflag:$0x4] =	stream.linear.gather [spmem:s19], $0x80, $0x38;
	[tilespmem:$0x17F80] =	vst v63  }
0x1f7: {  	s21 =	sshll.u32 s22, $0x9  }
0x1f8: {  	s19 =	sshll.u32 s22, $0x7;
	s20 =	sand.u32 $0xFFFFF000, s21  }
0x1f9: {  	s19 =	sand.u32 $0x380, s19;
	s20 =	sadd.s32 s20, s4  }
0x1fa: {  	s22 =	simm.s32 $0xD280;
	s19 =	sadd.s32 s19, s20  }
0x1fb: {  	[tilespmem:s22], [sflag:$0x4] =	stream.linear.gather [spmem:s19], $0x80, $0x38;
	[tilespmem:$0x17F80] =	vst v63  }
0x1fc: {  	(v2sf) =	vpush v4, $0xB;
	s21 =	sadd.s32 $0x400, s19;
	s22 =	simm.s32 $0xD680  }
0x1fd: {  	[tilespmem:s22], [sflag:$0x4] =	stream.linear.gather [spmem:s21], $0x80, $0x38;
	[tilespmem:$0x17F80] =	vst v63  }
0x1fe: {  	s21 =	sadd.s32 $0x800, s19;
	s22 =	simm.s32 $0xDA80  }
0x1ff: {  	[tilespmem:s22], [sflag:$0x4] =	stream.linear.gather [spmem:s21], $0x80, $0x38;
	[tilespmem:$0x17F80] =	vst v63  }
0x200: {  	s19 =	sadd.s32 $0xC00, s19;
	s21 =	simm.s32 $0xDE80;
	s22 =	spop (v2sf)  }
0x201: {  	[tilespmem:s21], [sflag:$0x4] =	stream.linear.gather [spmem:s19], $0x80, $0x38;
	[tilespmem:$0x17F80] =	vst v63  }
0x202: {  	s21 =	sshll.u32 s22, $0x9  }
0x203: {  	s19 =	sshll.u32 s22, $0x7;
	s20 =	sand.u32 $0xFFFFF000, s21  }
0x204: {  	s19 =	sand.u32 $0x380, s19;
	s20 =	sadd.s32 s20, s4  }
0x205: {  	s22 =	simm.s32 $0xD300;
	s19 =	sadd.s32 s19, s20  }
0x206: {  	[tilespmem:s22], [sflag:$0x4] =	stream.linear.gather [spmem:s19], $0x80, $0x38;
	[tilespmem:$0x17F80] =	vst v63  }
0x207: {  	(v2sf) =	vpush v4, $0xC;
	s21 =	sadd.s32 $0x400, s19;
	s22 =	simm.s32 $0xD700  }
0x208: {  	[tilespmem:s22], [sflag:$0x4] =	stream.linear.gather [spmem:s21], $0x80, $0x38;
	[tilespmem:$0x17F80] =	vst v63  }
0x209: {  	s21 =	sadd.s32 $0x800, s19;
	s22 =	simm.s32 $0xDB00  }
0x20a: {  	[tilespmem:s22], [sflag:$0x4] =	stream.linear.gather [spmem:s21], $0x80, $0x38;
	[tilespmem:$0x17F80] =	vst v63  }
0x20b: {  	s19 =	sadd.s32 $0xC00, s19;
	s21 =	simm.s32 $0xDF00;
	s22 =	spop (v2sf)  }
0x20c: {  	[tilespmem:s21], [sflag:$0x4] =	stream.linear.gather [spmem:s19], $0x80, $0x38;
	[tilespmem:$0x17F80] =	vst v63  }
0x20d: {  	s21 =	sshll.u32 s22, $0x9  }
0x20e: {  	s19 =	sshll.u32 s22, $0x7;
	s20 =	sand.u32 $0xFFFFF000, s21  }
0x20f: {  	s19 =	sand.u32 $0x380, s19;
	s20 =	sadd.s32 s20, s4  }
0x210: {  	s22 =	simm.s32 $0xD380;
	s19 =	sadd.s32 s19, s20  }
0x211: {  	[tilespmem:s22], [sflag:$0x4] =	stream.linear.gather [spmem:s19], $0x80, $0x38;
	[tilespmem:$0x17F80] =	vst v63  }
0x212: {  	(v2sf) =	vpush v4, $0xD;
	s21 =	sadd.s32 $0x400, s19;
	s22 =	simm.s32 $0xD780  }
0x213: {  	[tilespmem:s22], [sflag:$0x4] =	stream.linear.gather [spmem:s21], $0x80, $0x38;
	[tilespmem:$0x17F80] =	vst v63  }
0x214: {  	s21 =	sadd.s32 $0x800, s19;
	s22 =	simm.s32 $0xDB80  }
0x215: {  	[tilespmem:s22], [sflag:$0x4] =	stream.linear.gather [spmem:s21], $0x80, $0x38;
	[tilespmem:$0x17F80] =	vst v63  }
0x216: {  	s19 =	sadd.s32 $0xC00, s19;
	s21 =	simm.s32 $0xDF80;
	s22 =	spop (v2sf)  }
0x217: {  	[tilespmem:s21], [sflag:$0x4] =	stream.linear.gather [spmem:s19], $0x80, $0x38;
	[tilespmem:$0x17F80] =	vst v63  }
0x218: {  	s21 =	sshll.u32 s22, $0x9  }
0x219: {  	s19 =	sshll.u32 s22, $0x7;
	s20 =	sand.u32 $0xFFFFF000, s21  }
0x21a: {  	s19 =	sand.u32 $0x380, s19;
	s20 =	sadd.s32 s20, s4  }
0x21b: {  	s22 =	simm.s32 $0xD400;
	s19 =	sadd.s32 s19, s20  }
0x21c: {  	[tilespmem:s22], [sflag:$0x4] =	stream.linear.gather [spmem:s19], $0x80, $0x38;
	[tilespmem:$0x17F80] =	vst v63  }
0x21d: {  	(v2sf) =	vpush v4, $0xE;
	s21 =	sadd.s32 $0x400, s19;
	s22 =	simm.s32 $0xD800  }
0x21e: {  	[tilespmem:s22], [sflag:$0x4] =	stream.linear.gather [spmem:s21], $0x80, $0x38;
	[tilespmem:$0x17F80] =	vst v63  }
0x21f: {  	s21 =	sadd.s32 $0x800, s19;
	s22 =	simm.s32 $0xDC00  }
0x220: {  	[tilespmem:s22], [sflag:$0x4] =	stream.linear.gather [spmem:s21], $0x80, $0x38;
	[tilespmem:$0x17F80] =	vst v63  }
0x221: {  	s19 =	sadd.s32 $0xC00, s19;
	s21 =	simm.s32 $0xE000;
	s22 =	spop (v2sf)  }
0x222: {  	[tilespmem:s21], [sflag:$0x4] =	stream.linear.gather [spmem:s19], $0x80, $0x38;
	[tilespmem:$0x17F80] =	vst v63  }
0x223: {  	s21 =	sshll.u32 s22, $0x9  }
0x224: {  	s19 =	sshll.u32 s22, $0x7;
	s20 =	sand.u32 $0xFFFFF000, s21  }
0x225: {  	s19 =	sand.u32 $0x380, s19;
	s20 =	sadd.s32 s20, s4  }
0x226: {  	s22 =	simm.s32 $0xD480;
	s19 =	sadd.s32 s19, s20  }
0x227: {  	[tilespmem:s22], [sflag:$0x4] =	stream.linear.gather [spmem:s19], $0x80, $0x38;
	[tilespmem:$0x17F80] =	vst v63  }
0x228: {  	(v2sf) =	vpush v4, $0xF;
	s21 =	sadd.s32 $0x400, s19;
	s22 =	simm.s32 $0xD880  }
0x229: {  	[tilespmem:s22], [sflag:$0x4] =	stream.linear.gather [spmem:s21], $0x80, $0x38;
	[tilespmem:$0x17F80] =	vst v63  }
0x22a: {  	s21 =	sadd.s32 $0x800, s19;
	s22 =	simm.s32 $0xDC80  }
0x22b: {  	[tilespmem:s22], [sflag:$0x4] =	stream.linear.gather [spmem:s21], $0x80, $0x38;
	[tilespmem:$0x17F80] =	vst v63  }
0x22c: {  	s19 =	sadd.s32 $0xC00, s19;
	s21 =	simm.s32 $0xE080;
	s22 =	spop (v2sf)  }
0x22d: {  	[tilespmem:s21], [sflag:$0x4] =	stream.linear.gather [spmem:s19], $0x80, $0x38;
	[tilespmem:$0x17F80] =	vst v63  }
0x22e: {  	s21 =	sshll.u32 s22, $0x9  }
0x22f: {  	s19 =	sshll.u32 s22, $0x7;
	s20 =	sand.u32 $0xFFFFF000, s21  }
0x230: {  	s19 =	sand.u32 $0x380, s19;
	s20 =	sadd.s32 s20, s4  }
0x231: {  	s22 =	simm.s32 $0xD500;
	s19 =	sadd.s32 s19, s20  }
0x232: {  	[tilespmem:s22], [sflag:$0x4] =	stream.linear.gather [spmem:s19], $0x80, $0x38;
	[tilespmem:$0x17F80] =	vst v63  }
0x233: {  	s21 =	sadd.s32 $0x400, s19;
	s22 =	simm.s32 $0xD900  }
0x234: {  	[tilespmem:s22], [sflag:$0x4] =	stream.linear.gather [spmem:s21], $0x80, $0x38;
	[tilespmem:$0x17F80] =	vst v63  }
0x235: {  	s21 =	sadd.s32 $0x800, s19;
	s22 =	simm.s32 $0xDD00  }
0x236: {  	[tilespmem:s22], [sflag:$0x4] =	stream.linear.gather [spmem:s21], $0x80, $0x38;
	[tilespmem:$0x17F80] =	vst v63  }
0x237: {  	s19 =	sadd.s32 $0xC00, s19;
	s21 =	simm.s32 $0xE100;
	s22 =	spop (v2sf)  }
0x238: {  	[tilespmem:s21], [sflag:$0x4] =	stream.linear.gather [spmem:s19], $0x80, $0x38;
	[tilespmem:$0x17F80] =	vst v63  }
0x239: {  	s21 =	sshll.u32 s22, $0x9  }
0x23a: {  	s19 =	sshll.u32 s22, $0x7;
	s20 =	sand.u32 $0xFFFFF000, s21  }
0x23b: {  	s19 =	sand.u32 $0x380, s19;
	s20 =	sadd.s32 s20, s4  }
0x23c: {  	s22 =	simm.s32 $0xD580;
	s19 =	sadd.s32 s19, s20  }
0x23d: {  	[tilespmem:s22], [sflag:$0x4] =	stream.linear.gather [spmem:s19], $0x80, $0x38;
	[tilespmem:$0x17F80] =	vst v63  }
0x23e: {  	s21 =	sadd.s32 $0x400, s19;
	s22 =	simm.s32 $0xD980  }
0x23f: {  	[tilespmem:s22], [sflag:$0x4] =	stream.linear.gather [spmem:s21], $0x80, $0x38;
	[tilespmem:$0x17F80] =	vst v63  }
0x240: {  	s21 =	sadd.s32 $0x800, s19;
	s22 =	simm.s32 $0xDD80  }
0x241: {  	[tilespmem:s22], [sflag:$0x4] =	stream.linear.gather [spmem:s21], $0x80, $0x38;
	[tilespmem:$0x17F80] =	vst v63  }
0x242: {  	s19 =	sadd.s32 $0xC00, s19;
	s21 =	simm.s32 $0xE180  }
0x243: {  	[tilespmem:s21], [sflag:$0x4] =	stream.linear.gather [spmem:s19], $0x80, $0x38;
	[tilespmem:$0x17F80] =	vst v63  }
0x244: {  	v4 =	vld [tilespmem:s17+$0x30];
	_ =	sdelay $0x4  }
0x245: {  	(v2sf) =	vpush v4, $0x0;
	_ =	sdelay $0x9  }
0x246: {  	(v2sf) =	vpush v4, $0x1;
	_ =	sdelay $0x4  }
0x247: {  	s22 =	spop (v2sf)  }
0x248: {  	s21 =	sshll.u32 s22, $0x9  }
0x249: {  	s19 =	sshll.u32 s22, $0x7;
	s20 =	sand.u32 $0xFFFFF000, s21  }
0x24a: {  	s19 =	sand.u32 $0x380, s19;
	s20 =	sadd.s32 s20, s4  }
0x24b: {  	s22 =	simm.s32 $0xE200;
	s19 =	sadd.s32 s19, s20  }
0x24c: {  	[tilespmem:s22], [sflag:$0x4] =	stream.linear.gather [spmem:s19], $0x80, $0x38;
	[tilespmem:$0x17F80] =	vst v63  }
0x24d: {  	(v2sf) =	vpush v4, $0x2;
	s21 =	sadd.s32 $0x400, s19;
	s22 =	simm.s32 $0xE600  }
0x24e: {  	[tilespmem:s22], [sflag:$0x4] =	stream.linear.gather [spmem:s21], $0x80, $0x38;
	[tilespmem:$0x17F80] =	vst v63  }
0x24f: {  	s21 =	sadd.s32 $0x800, s19;
	s22 =	simm.s32 $0xEA00  }
0x250: {  	[tilespmem:s22], [sflag:$0x4] =	stream.linear.gather [spmem:s21], $0x80, $0x38;
	[tilespmem:$0x17F80] =	vst v63  }
0x251: {  	s19 =	sadd.s32 $0xC00, s19;
	s21 =	simm.s32 $0xEE00;
	s22 =	spop (v2sf)  }
0x252: {  	[tilespmem:s21], [sflag:$0x4] =	stream.linear.gather [spmem:s19], $0x80, $0x38;
	[tilespmem:$0x17F80] =	vst v63  }
0x253: {  	s21 =	sshll.u32 s22, $0x9  }
0x254: {  	s19 =	sshll.u32 s22, $0x7;
	s20 =	sand.u32 $0xFFFFF000, s21  }
0x255: {  	s19 =	sand.u32 $0x380, s19;
	s20 =	sadd.s32 s20, s4  }
0x256: {  	s22 =	simm.s32 $0xE280;
	s19 =	sadd.s32 s19, s20  }
0x257: {  	[tilespmem:s22], [sflag:$0x4] =	stream.linear.gather [spmem:s19], $0x80, $0x38;
	[tilespmem:$0x17F80] =	vst v63  }
0x258: {  	(v2sf) =	vpush v4, $0x3;
	s21 =	sadd.s32 $0x400, s19;
	s22 =	simm.s32 $0xE680  }
0x259: {  	[tilespmem:s22], [sflag:$0x4] =	stream.linear.gather [spmem:s21], $0x80, $0x38;
	[tilespmem:$0x17F80] =	vst v63  }
0x25a: {  	s21 =	sadd.s32 $0x800, s19;
	s22 =	simm.s32 $0xEA80  }
0x25b: {  	[tilespmem:s22], [sflag:$0x4] =	stream.linear.gather [spmem:s21], $0x80, $0x38;
	[tilespmem:$0x17F80] =	vst v63  }
0x25c: {  	s19 =	sadd.s32 $0xC00, s19;
	s21 =	simm.s32 $0xEE80;
	s22 =	spop (v2sf)  }
0x25d: {  	[tilespmem:s21], [sflag:$0x4] =	stream.linear.gather [spmem:s19], $0x80, $0x38;
	[tilespmem:$0x17F80] =	vst v63  }
0x25e: {  	s21 =	sshll.u32 s22, $0x9  }
0x25f: {  	s19 =	sshll.u32 s22, $0x7;
	s20 =	sand.u32 $0xFFFFF000, s21  }
0x260: {  	s19 =	sand.u32 $0x380, s19;
	s20 =	sadd.s32 s20, s4  }
0x261: {  	s22 =	simm.s32 $0xE300;
	s19 =	sadd.s32 s19, s20  }
0x262: {  	[tilespmem:s22], [sflag:$0x4] =	stream.linear.gather [spmem:s19], $0x80, $0x38;
	[tilespmem:$0x17F80] =	vst v63  }
0x263: {  	(v2sf) =	vpush v4, $0x4;
	s21 =	sadd.s32 $0x400, s19;
	s22 =	simm.s32 $0xE700  }
0x264: {  	[tilespmem:s22], [sflag:$0x4] =	stream.linear.gather [spmem:s21], $0x80, $0x38;
	[tilespmem:$0x17F80] =	vst v63  }
0x265: {  	s21 =	sadd.s32 $0x800, s19;
	s22 =	simm.s32 $0xEB00  }
0x266: {  	[tilespmem:s22], [sflag:$0x4] =	stream.linear.gather [spmem:s21], $0x80, $0x38;
	[tilespmem:$0x17F80] =	vst v63  }
0x267: {  	s19 =	sadd.s32 $0xC00, s19;
	s21 =	simm.s32 $0xEF00;
	s22 =	spop (v2sf)  }
0x268: {  	[tilespmem:s21], [sflag:$0x4] =	stream.linear.gather [spmem:s19], $0x80, $0x38;
	[tilespmem:$0x17F80] =	vst v63  }
0x269: {  	s21 =	sshll.u32 s22, $0x9  }
0x26a: {  	s19 =	sshll.u32 s22, $0x7;
	s20 =	sand.u32 $0xFFFFF000, s21  }
0x26b: {  	s19 =	sand.u32 $0x380, s19;
	s20 =	sadd.s32 s20, s4  }
0x26c: {  	s22 =	simm.s32 $0xE380;
	s19 =	sadd.s32 s19, s20  }
0x26d: {  	[tilespmem:s22], [sflag:$0x4] =	stream.linear.gather [spmem:s19], $0x80, $0x38;
	[tilespmem:$0x17F80] =	vst v63  }
0x26e: {  	(v2sf) =	vpush v4, $0x5;
	s21 =	sadd.s32 $0x400, s19;
	s22 =	simm.s32 $0xE780  }
0x26f: {  	[tilespmem:s22], [sflag:$0x4] =	stream.linear.gather [spmem:s21], $0x80, $0x38;
	[tilespmem:$0x17F80] =	vst v63  }
0x270: {  	s21 =	sadd.s32 $0x800, s19;
	s22 =	simm.s32 $0xEB80  }
0x271: {  	[tilespmem:s22], [sflag:$0x4] =	stream.linear.gather [spmem:s21], $0x80, $0x38;
	[tilespmem:$0x17F80] =	vst v63  }
0x272: {  	s19 =	sadd.s32 $0xC00, s19;
	s21 =	simm.s32 $0xEF80;
	s22 =	spop (v2sf)  }
0x273: {  	[tilespmem:s21], [sflag:$0x4] =	stream.linear.gather [spmem:s19], $0x80, $0x38;
	[tilespmem:$0x17F80] =	vst v63  }
0x274: {  	s21 =	sshll.u32 s22, $0x9  }
0x275: {  	s19 =	sshll.u32 s22, $0x7;
	s20 =	sand.u32 $0xFFFFF000, s21  }
0x276: {  	s19 =	sand.u32 $0x380, s19;
	s20 =	sadd.s32 s20, s4  }
0x277: {  	s22 =	simm.s32 $0xE400;
	s19 =	sadd.s32 s19, s20  }
0x278: {  	[tilespmem:s22], [sflag:$0x4] =	stream.linear.gather [spmem:s19], $0x80, $0x38;
	[tilespmem:$0x17F80] =	vst v63  }
0x279: {  	(v2sf) =	vpush v4, $0x6;
	s21 =	sadd.s32 $0x400, s19;
	s22 =	simm.s32 $0xE800  }
0x27a: {  	[tilespmem:s22], [sflag:$0x4] =	stream.linear.gather [spmem:s21], $0x80, $0x38;
	[tilespmem:$0x17F80] =	vst v63  }
0x27b: {  	s21 =	sadd.s32 $0x800, s19;
	s22 =	simm.s32 $0xEC00  }
0x27c: {  	[tilespmem:s22], [sflag:$0x4] =	stream.linear.gather [spmem:s21], $0x80, $0x38;
	[tilespmem:$0x17F80] =	vst v63  }
0x27d: {  	s19 =	sadd.s32 $0xC00, s19;
	s21 =	simm.s32 $0xF000;
	s22 =	spop (v2sf)  }
0x27e: {  	[tilespmem:s21], [sflag:$0x4] =	stream.linear.gather [spmem:s19], $0x80, $0x38;
	[tilespmem:$0x17F80] =	vst v63  }
0x27f: {  	s21 =	sshll.u32 s22, $0x9  }
0x280: {  	s19 =	sshll.u32 s22, $0x7;
	s20 =	sand.u32 $0xFFFFF000, s21  }
0x281: {  	s19 =	sand.u32 $0x380, s19;
	s20 =	sadd.s32 s20, s4  }
0x282: {  	s22 =	simm.s32 $0xE480;
	s19 =	sadd.s32 s19, s20  }
0x283: {  	[tilespmem:s22], [sflag:$0x4] =	stream.linear.gather [spmem:s19], $0x80, $0x38;
	[tilespmem:$0x17F80] =	vst v63  }
0x284: {  	(v2sf) =	vpush v4, $0x7;
	s21 =	sadd.s32 $0x400, s19;
	s22 =	simm.s32 $0xE880  }
0x285: {  	[tilespmem:s22], [sflag:$0x4] =	stream.linear.gather [spmem:s21], $0x80, $0x38;
	[tilespmem:$0x17F80] =	vst v63  }
0x286: {  	s21 =	sadd.s32 $0x800, s19;
	s22 =	simm.s32 $0xEC80  }
0x287: {  	[tilespmem:s22], [sflag:$0x4] =	stream.linear.gather [spmem:s21], $0x80, $0x38;
	[tilespmem:$0x17F80] =	vst v63  }
0x288: {  	s19 =	sadd.s32 $0xC00, s19;
	s21 =	simm.s32 $0xF080;
	s22 =	spop (v2sf)  }
0x289: {  	[tilespmem:s21], [sflag:$0x4] =	stream.linear.gather [spmem:s19], $0x80, $0x38;
	[tilespmem:$0x17F80] =	vst v63  }
0x28a: {  	s21 =	sshll.u32 s22, $0x9  }
0x28b: {  	s19 =	sshll.u32 s22, $0x7;
	s20 =	sand.u32 $0xFFFFF000, s21  }
0x28c: {  	s19 =	sand.u32 $0x380, s19;
	s20 =	sadd.s32 s20, s4  }
0x28d: {  	s22 =	simm.s32 $0xE500;
	s19 =	sadd.s32 s19, s20  }
0x28e: {  	[tilespmem:s22], [sflag:$0x4] =	stream.linear.gather [spmem:s19], $0x80, $0x38;
	[tilespmem:$0x17F80] =	vst v63  }
0x28f: {  	(v2sf) =	vpush v4, $0x8;
	s21 =	sadd.s32 $0x400, s19;
	s22 =	simm.s32 $0xE900  }
0x290: {  	[tilespmem:s22], [sflag:$0x4] =	stream.linear.gather [spmem:s21], $0x80, $0x38;
	[tilespmem:$0x17F80] =	vst v63  }
0x291: {  	s21 =	sadd.s32 $0x800, s19;
	s22 =	simm.s32 $0xED00  }
0x292: {  	[tilespmem:s22], [sflag:$0x4] =	stream.linear.gather [spmem:s21], $0x80, $0x38;
	[tilespmem:$0x17F80] =	vst v63  }
0x293: {  	s19 =	sadd.s32 $0xC00, s19;
	s21 =	simm.s32 $0xF100;
	s22 =	spop (v2sf)  }
0x294: {  	[tilespmem:s21], [sflag:$0x4] =	stream.linear.gather [spmem:s19], $0x80, $0x38;
	[tilespmem:$0x17F80] =	vst v63  }
0x295: {  	s21 =	sshll.u32 s22, $0x9  }
0x296: {  	s19 =	sshll.u32 s22, $0x7;
	s20 =	sand.u32 $0xFFFFF000, s21  }
0x297: {  	s19 =	sand.u32 $0x380, s19;
	s20 =	sadd.s32 s20, s4  }
0x298: {  	s22 =	simm.s32 $0xE580;
	s19 =	sadd.s32 s19, s20  }
0x299: {  	[tilespmem:s22], [sflag:$0x4] =	stream.linear.gather [spmem:s19], $0x80, $0x38;
	[tilespmem:$0x17F80] =	vst v63  }
0x29a: {  	(v2sf) =	vpush v4, $0x9;
	s21 =	sadd.s32 $0x400, s19;
	s22 =	simm.s32 $0xE980  }
0x29b: {  	[tilespmem:s22], [sflag:$0x4] =	stream.linear.gather [spmem:s21], $0x80, $0x38;
	[tilespmem:$0x17F80] =	vst v63  }
0x29c: {  	s21 =	sadd.s32 $0x800, s19;
	s22 =	simm.s32 $0xED80  }
0x29d: {  	[tilespmem:s22], [sflag:$0x4] =	stream.linear.gather [spmem:s21], $0x80, $0x38;
	[tilespmem:$0x17F80] =	vst v63  }
0x29e: {  	s19 =	sadd.s32 $0xC00, s19;
	s21 =	simm.s32 $0xF180;
	s22 =	spop (v2sf)  }
0x29f: {  	[tilespmem:s21], [sflag:$0x4] =	stream.linear.gather [spmem:s19], $0x80, $0x38;
	[tilespmem:$0x17F80] =	vst v63  }
0x2a0: {  	s21 =	sshll.u32 s22, $0x9  }
0x2a1: {  	s19 =	sshll.u32 s22, $0x7;
	s20 =	sand.u32 $0xFFFFF000, s21  }
0x2a2: {  	s19 =	sand.u32 $0x380, s19;
	s20 =	sadd.s32 s20, s4  }
0x2a3: {  	s22 =	simm.s32 $0xF200;
	s19 =	sadd.s32 s19, s20  }
0x2a4: {  	[tilespmem:s22], [sflag:$0x4] =	stream.linear.gather [spmem:s19], $0x80, $0x38;
	[tilespmem:$0x17F80] =	vst v63  }
0x2a5: {  	(v2sf) =	vpush v4, $0xA;
	s21 =	sadd.s32 $0x400, s19;
	s22 =	simm.s32 $0xF600  }
0x2a6: {  	[tilespmem:s22], [sflag:$0x4] =	stream.linear.gather [spmem:s21], $0x80, $0x38;
	[tilespmem:$0x17F80] =	vst v63  }
0x2a7: {  	s21 =	sadd.s32 $0x800, s19;
	s22 =	simm.s32 $0xFA00  }
0x2a8: {  	[tilespmem:s22], [sflag:$0x4] =	stream.linear.gather [spmem:s21], $0x80, $0x38;
	[tilespmem:$0x17F80] =	vst v63  }
0x2a9: {  	s19 =	sadd.s32 $0xC00, s19;
	s21 =	simm.s32 $0xFE00;
	s22 =	spop (v2sf)  }
0x2aa: {  	[tilespmem:s21], [sflag:$0x4] =	stream.linear.gather [spmem:s19], $0x80, $0x38;
	[tilespmem:$0x17F80] =	vst v63  }
0x2ab: {  	s21 =	sshll.u32 s22, $0x9  }
0x2ac: {  	s19 =	sshll.u32 s22, $0x7;
	s20 =	sand.u32 $0xFFFFF000, s21  }
0x2ad: {  	s19 =	sand.u32 $0x380, s19;
	s20 =	sadd.s32 s20, s4  }
0x2ae: {  	s22 =	simm.s32 $0xF280;
	s19 =	sadd.s32 s19, s20  }
0x2af: {  	[tilespmem:s22], [sflag:$0x4] =	stream.linear.gather [spmem:s19], $0x80, $0x38;
	[tilespmem:$0x17F80] =	vst v63  }
0x2b0: {  	(v2sf) =	vpush v4, $0xB;
	s21 =	sadd.s32 $0x400, s19;
	s22 =	simm.s32 $0xF680  }
0x2b1: {  	[tilespmem:s22], [sflag:$0x4] =	stream.linear.gather [spmem:s21], $0x80, $0x38;
	[tilespmem:$0x17F80] =	vst v63  }
0x2b2: {  	s21 =	sadd.s32 $0x800, s19;
	s22 =	simm.s32 $0xFA80  }
0x2b3: {  	[tilespmem:s22], [sflag:$0x4] =	stream.linear.gather [spmem:s21], $0x80, $0x38;
	[tilespmem:$0x17F80] =	vst v63  }
0x2b4: {  	s19 =	sadd.s32 $0xC00, s19;
	s21 =	simm.s32 $0xFE80;
	s22 =	spop (v2sf)  }
0x2b5: {  	[tilespmem:s21], [sflag:$0x4] =	stream.linear.gather [spmem:s19], $0x80, $0x38;
	[tilespmem:$0x17F80] =	vst v63  }
0x2b6: {  	s21 =	sshll.u32 s22, $0x9  }
0x2b7: {  	s19 =	sshll.u32 s22, $0x7;
	s20 =	sand.u32 $0xFFFFF000, s21  }
0x2b8: {  	s19 =	sand.u32 $0x380, s19;
	s20 =	sadd.s32 s20, s4  }
0x2b9: {  	s22 =	simm.s32 $0xF300;
	s19 =	sadd.s32 s19, s20  }
0x2ba: {  	[tilespmem:s22], [sflag:$0x4] =	stream.linear.gather [spmem:s19], $0x80, $0x38;
	[tilespmem:$0x17F80] =	vst v63  }
0x2bb: {  	(v2sf) =	vpush v4, $0xC;
	s21 =	sadd.s32 $0x400, s19;
	s22 =	simm.s32 $0xF700  }
0x2bc: {  	[tilespmem:s22], [sflag:$0x4] =	stream.linear.gather [spmem:s21], $0x80, $0x38;
	[tilespmem:$0x17F80] =	vst v63  }
0x2bd: {  	s21 =	sadd.s32 $0x800, s19;
	s22 =	simm.s32 $0xFB00  }
0x2be: {  	[tilespmem:s22], [sflag:$0x4] =	stream.linear.gather [spmem:s21], $0x80, $0x38;
	[tilespmem:$0x17F80] =	vst v63  }
0x2bf: {  	s19 =	sadd.s32 $0xC00, s19;
	s21 =	simm.s32 $0xFF00;
	s22 =	spop (v2sf)  }
0x2c0: {  	[tilespmem:s21], [sflag:$0x4] =	stream.linear.gather [spmem:s19], $0x80, $0x38;
	[tilespmem:$0x17F80] =	vst v63  }
0x2c1: {  	s21 =	sshll.u32 s22, $0x9  }
0x2c2: {  	s19 =	sshll.u32 s22, $0x7;
	s20 =	sand.u32 $0xFFFFF000, s21  }
0x2c3: {  	s19 =	sand.u32 $0x380, s19;
	s20 =	sadd.s32 s20, s4  }
0x2c4: {  	(v2sf) =	vpush v4, $0xD;
	s22 =	simm.s32 $0xF380;
	s19 =	sadd.s32 s19, s20  }
0x2c5: {  	[tilespmem:s22], [sflag:$0x4] =	stream.linear.gather [spmem:s19], $0x80, $0x38;
	[tilespmem:$0x17F80] =	vst v63  }
0x2c6: {  	s21 =	sadd.s32 $0x400, s19;
	s22 =	simm.s32 $0xF780  }
0x2c7: {  	[tilespmem:s22], [sflag:$0x4] =	stream.linear.gather [spmem:s21], $0x80, $0x38;
	[tilespmem:$0x17F80] =	vst v63  }
0x2c8: {  	s21 =	sadd.s32 $0x800, s19;
	s22 =	simm.s32 $0xFB80  }
0x2c9: {  	[tilespmem:s22], [sflag:$0x4] =	stream.linear.gather [spmem:s21], $0x80, $0x38;
	[tilespmem:$0x17F80] =	vst v63  }
0x2ca: {  	s21 =	spop (v2sf)  }
0x2cb: {  	s19 =	sadd.s32 $0xC00, s19;
	s22 =	sshll.u32 s21, $0x9  }
0x2cc: {  	[tilespmem:s23], [sflag:$0x4] =	stream.linear.gather [spmem:s19], $0x80, $0x38;
	[tilespmem:$0x17F80] =	vst v63  }
0x2cd: {  	s20 =	sand.u32 $0xFFFFF000, s22;
	s19 =	sshll.u32 s21, $0x7  }
0x2ce: {  	(v2sf) =	vpush v4, $0xE;
	s19 =	sand.u32 $0x380, s19;
	s20 =	sadd.s32 s20, s4  }
0x2cf: {  	s19 =	sadd.s32 s19, s20  }
0x2d0: {  	[tilespmem:s24], [sflag:$0x4] =	stream.linear.gather [spmem:s19], $0x80, $0x38;
	[tilespmem:$0x17F80] =	vst v63  }
0x2d1: {  	s20 =	sadd.s32 $0x400, s19  }
0x2d2: {  	[tilespmem:s25], [sflag:$0x4] =	stream.linear.gather [spmem:s20], $0x80, $0x38;
	[tilespmem:$0x17F80] =	vst v63  }
0x2d3: {  	s21 =	sadd.s32 $0x800, s19;
	s22 =	spop (v2sf)  }
0x2d4: {  	[tilespmem:s26], [sflag:$0x4] =	stream.linear.gather [spmem:s21], $0x80, $0x38;
	[tilespmem:$0x17F80] =	vst v63  }
0x2d5: {  	s19 =	sadd.s32 $0xC00, s19;
	s21 =	sshll.u32 s22, $0x9  }
0x2d6: {  	[tilespmem:s28], [sflag:$0x4] =	stream.linear.gather [spmem:s19], $0x80, $0x38;
	[tilespmem:$0x17F80] =	vst v63  }
0x2d7: {  	s20 =	sand.u32 $0xFFFFF000, s21;
	s19 =	sshll.u32 s22, $0x7  }
0x2d8: {  	(v2sf) =	vpush v4, $0xF;
	s20 =	sadd.s32 s20, s4;
	s19 =	sand.u32 $0x380, s19  }
0x2d9: {  	s19 =	sadd.s32 s19, s20  }
0x2da: {  	[tilespmem:s29], [sflag:$0x4] =	stream.linear.gather [spmem:s19], $0x80, $0x38;
	[tilespmem:$0x17F80] =	vst v63  }
0x2db: {  	s20 =	sadd.s32 $0x400, s19  }
0x2dc: {  	[tilespmem:s30], [sflag:$0x4] =	stream.linear.gather [spmem:s20], $0x80, $0x38;
	[tilespmem:$0x17F80] =	vst v63  }
0x2dd: {  	s22 =	sadd.s32 $0x800, s19;
	s21 =	spop (v2sf)  }
0x2de: {  	[tilespmem:s31], [sflag:$0x4] =	stream.linear.gather [spmem:s22], $0x80, $0x38;
	[tilespmem:$0x17F80] =	vst v63  }
0x2df: {  	s19 =	sadd.s32 $0xC00, s19;
	s22 =	sshll.u32 s21, $0x9  }
0x2e0: {  	[tilespmem:s0], [sflag:$0x4] =	stream.linear.gather [spmem:s19], $0x80, $0x38;
	[tilespmem:$0x17F80] =	vst v63  }
0x2e1: {  	s20 =	sshll.u32 s21, $0x7;
	s19 =	sand.u32 $0xFFFFF000, s22  }
0x2e2: {  	s20 =	sand.u32 $0x380, s20;
	s19 =	sadd.s32 s19, s4  }
0x2e3: {  	s19 =	sadd.s32 s20, s19  }
0x2e4: {  	[tilespmem:s3], [sflag:$0x4] =	stream.linear.gather [spmem:s19], $0x80, $0x38;
	[tilespmem:$0x17F80] =	vst v63  }
0x2e5: {  	s20 =	sadd.s32 $0x400, s19  }
0x2e6: {  	[tilespmem:s2], [sflag:$0x4] =	stream.linear.gather [spmem:s20], $0x80, $0x38;
	[tilespmem:$0x17F80] =	vst v63  }
0x2e7: {  	s22 =	spop (v2sf);
	s21 =	sadd.s32 $0x800, s19  }
0x2e8: {  	[tilespmem:s7], [sflag:$0x4] =	stream.linear.gather [spmem:s21], $0x80, $0x38;
	[tilespmem:$0x17F80] =	vst v63  }
0x2e9: {  	s19 =	sadd.s32 $0xC00, s19;
	s21 =	sshll.u32 s22, $0x9  }
0x2ea: {  	[tilespmem:s8], [sflag:$0x4] =	stream.linear.gather [spmem:s19], $0x80, $0x38;
	[tilespmem:$0x17F80] =	vst v63  }
0x2eb: {  	s20 =	sand.u32 $0xFFFFF000, s21;
	s19 =	sshll.u32 s22, $0x7  }
0x2ec: {  	s20 =	sadd.s32 s20, s4;
	s19 =	sand.u32 $0x380, s19  }
0x2ed: {  	s19 =	sadd.s32 s19, s20  }
0x2ee: {  	[tilespmem:s9], [sflag:$0x4] =	stream.linear.gather [spmem:s19], $0x80, $0x38;
	[tilespmem:$0x17F80] =	vst v63  }
0x2ef: {  	s20 =	sadd.s32 $0x400, s19  }
0x2f0: {  	[tilespmem:s10], [sflag:$0x4] =	stream.linear.gather [spmem:s20], $0x80, $0x38;
	[tilespmem:$0x17F80] =	vst v63  }
0x2f1: {  	s22 =	sadd.s32 $0x800, s19  }
0x2f2: {  	[tilespmem:s11], [sflag:$0x4] =	stream.linear.gather [spmem:s22], $0x80, $0x38;
	[tilespmem:$0x17F80] =	vst v63  }
0x2f3: {  	s21 =	sand.u32 $0x3000, s18;
	s19 =	sadd.s32 $0xC00, s19;
	s22 =	sand.u32 $0x380, s18  }
0x2f4: {  	[tilespmem:s12], [sflag:$0x4] =	stream.linear.gather [spmem:s19], $0x80, $0x38;
	[tilespmem:$0x17F80] =	vst v63  }
0x2f5: {  	s19 =	sor.u32 s22, s21  }
0x2f6: {  	v4 =	vld [tilespmem:s19+$0xE40]  }
0x2f7: {  	v5 =	vld [tilespmem:s19+$0x8E40]  }
0x2f8: {  	v6 =	vld [tilespmem:s19+$0xE50]  }
0x2f9: {  	v7 =	vld [tilespmem:s19+$0x8E50]  }
0x2fa: {  	v8 =	vld [tilespmem:s19+$0xE60]  }
0x2fb: {  	v9 =	vld [tilespmem:s19+$0x8E60]  }
0x2fc: {  	v10 =	vld [tilespmem:s19+$0xE70]  }
0x2fd: {  	v11 =	vld [tilespmem:s19+$0x8E70]  }
0x2fe: {  	v14 =	vld [tilespmem:s19+$0xE00]  }
0x2ff: {  	v16 =	vld [tilespmem:s19+$0x8E00]  }
0x300: {  	v17 =	vld [tilespmem:s19+$0xE10]  }
0x301: {  	v18 =	vld [tilespmem:s19+$0x8E10]  }
0x302: {  	v19 =	vld [tilespmem:s19+$0xE20]  }
0x303: {  	v20 =	vld [tilespmem:s19+$0x8E20]  }
0x304: {  	v22 =	vld [tilespmem:s19+$0xE30]  }
0x305: {  	v28 =	vld [tilespmem:s19+$0x8E30]  }
0x306: {  	v29 =	vld [tilespmem:s19+$0xA40]  }
0x307: {  	v30 =	vld [tilespmem:s19+$0x8A40]  }
0x308: {  	v31 =	vld [tilespmem:s19+$0xA50]  }
0x309: {  	v32 =	vld [tilespmem:s19+$0x8A50]  }
0x30a: {  	v33 =	vld [tilespmem:s19+$0xA60]  }
0x30b: {  	v34 =	vld [tilespmem:s19+$0x8A60]  }
0x30c: {  	v35 =	vld [tilespmem:s19+$0xA70]  }
0x30d: {  	v36 =	vld [tilespmem:s19+$0x8A70]  }
0x30e: {  	v37 =	vld [tilespmem:s19+$0xA00]  }
0x30f: {  	v38 =	vld [tilespmem:s19+$0x8A00]  }
0x310: {  	v39 =	vld [tilespmem:s19+$0xA10]  }
0x311: {  	v40 =	vld [tilespmem:s19+$0x8A10]  }
0x312: {  	v41 =	vld [tilespmem:s19+$0xA20]  }
0x313: {  	v42 =	vld [tilespmem:s19+$0x8A20]  }
0x314: {  	v43 =	vld [tilespmem:s19+$0xA30]  }
0x315: {  	v44 =	vld [tilespmem:s19+$0x8A30]  }
0x316: {  	v45 =	vld [tilespmem:s19+$0x640]  }
0x317: {  	v46 =	vld [tilespmem:s19+$0x8640]  }
0x318: {  	v47 =	vld [tilespmem:s19+$0x650]  }
0x319: {  	v48 =	vld [tilespmem:s19+$0x8650]  }
0x31a: {  	v49 =	vld [tilespmem:s19+$0x660]  }
0x31b: {  	v50 =	vld [tilespmem:s19+$0x8660]  }
0x31c: {  	v51 =	vld [tilespmem:s19+$0x670]  }
0x31d: {  	v52 =	vld [tilespmem:s19+$0x8670]  }
0x31e: {  	v53 =	vld [tilespmem:s19+$0x600]  }
0x31f: {  	v54 =	vld [tilespmem:s19+$0x8600]  }
0x320: {  	v55 =	vld [tilespmem:s19+$0x610]  }
0x321: {  	v56 =	vld [tilespmem:s19+$0x8610]  }
0x322: {  	v57 =	vld [tilespmem:s19+$0x620]  }
0x323: {  	v58 =	vld [tilespmem:s19+$0x8620]  }
0x324: {  	v24 =	vld [tilespmem:s19+$0x630]  }
0x325: {  	v25 =	vld [tilespmem:s19+$0x8630]  }
0x326: {  	v23 =	vld [tilespmem:s19+$0x240];
	v26 =	vsub.f32 v4, v5  }
0x327: {  	v13 =	vld [tilespmem:s19+$0x8240];
	v15 =	vsub.f32 v6, v7;
	v5 =	vsub.f32 v8, v9  }
0x328: {  	v12 =	vld [tilespmem:s19+$0x250];
	v27 =	vsub.f32 v14, v16;
	v4 =	vsub.f32 v10, v11  }
0x329: {  	v14 =	vld [tilespmem:s19+$0x8250];
	v21 =	vsub.f32 v17, v18;
	v7 =	vsub.f32 v19, v20  }
0x32a: {  	v16 =	vld [tilespmem:s19+$0x260];
	v20 =	vsub.f32 v29, v30;
	v6 =	vsub.f32 v22, v28  }
0x32b: {  	v19 =	vld [tilespmem:s19+$0x8260];
	v29 =	vsub.f32 v31, v32;
	v9 =	vsub.f32 v33, v34  }
0x32c: {  	v30 =	vld [tilespmem:s19+$0x200];
	v28 =	vsub.f32 v37, v38;
	v8 =	vsub.f32 v35, v36  }
0x32d: {  	v34 =	vld [tilespmem:s19+$0x8200];
	v31 =	vsub.f32 v39, v40;
	v11 =	vsub.f32 v41, v42  }
0x32e: {  	v32 =	vld [tilespmem:s19+$0x210];
	v33 =	vsub.f32 v45, v46;
	v10 =	vsub.f32 v43, v44  }
0x32f: {  	v38 =	vld [tilespmem:s19+$0x8210];
	v35 =	vsub.f32 v47, v48;
	v18 =	vsub.f32 v49, v50  }
0x330: {  	v36 =	vld [tilespmem:s19+$0x220];
	v37 =	vsub.f32 v53, v54;
	v17 =	vsub.f32 v51, v52  }
0x331: {  	s20 =	simm.s32 $0x200;
	v40 =	vld [tilespmem:s19+$0x8220];
	v39 =	vsub.f32 v55, v56;
	v22 =	vsub.f32 v57, v58  }
.LBB2_3:
0x332: {  	p4 =	sne.s32 s20, $0x3E00;
	v41 =	vld [tilespmem:s19+$0x230];
	v24 =	vsub.f32 v24, v25;
	v25 =	vmul.f32 v26, v26;
	v26 =	vmul.f32 v15, v15  }
0x333: {  	v23 =	vsub.f32 v23, v13;
	v27 =	vmul.f32 v27, v27;
	v42 =	vmul.f32 v21, v21;
	s18 =	sadd.s32 $0x80, s18;
	v15 =	vld [tilespmem:s19+$0x8230]  }
0x334: {  	s21 =	sand.u32 $0x3000, s20;
	v21 =	vsub.f32 v12, v14;
	v44 =	vmul.f32 v20, v20;
	v29 =	vmul.f32 v29, v29;
	s22 =	sand.u32 $0x380, s18;
	v43 =	vld [tilespmem:s19+$0x270]  }
0x335: {  	v20 =	vsub.f32 v30, v34;
	v28 =	vmul.f32 v28, v28;
	v31 =	vmul.f32 v31, v31;
	v30 =	vld [tilespmem:s19+$0x8270];
	s19 =	sor.u32 s22, s21  }
0x336: {  	v33 =	vmul.f32 v33, v33;
	v34 =	vmul.f32 v35, v35;
	v32 =	vsub.f32 v32, v38;
	v12 =	vld [tilespmem:s19+$0xE40]  }
0x337: {  	v35 =	vsub.f32 v36, v40;
	v36 =	vmul.f32 v37, v37;
	v37 =	vmul.f32 v39, v39;
	v13 =	vld [tilespmem:s19+$0x8E40]  }
0x338: {  	v23 =	vmul.f32 v23, v23;
	v39 =	vmul.f32 v21, v21;
	v14 =	vld [tilespmem:s19+$0xE50];
	v38 =	vsub.f32 v41, v15  }
0x339: {  	v20 =	vmul.f32 v20, v20;
	v21 =	vmul.f32 v32, v32;
	v32 =	vsub.f32 v16, v19;
	v15 =	vld [tilespmem:s19+$0x8E50]  }
0x33a: {  	v35 =	vmul.f32 v35, v35;
	v16 =	vld [tilespmem:s19+$0xE60];
	v38 =	vmul.f32 v38, v38;
	v30 =	vsub.f32 v43, v30  }
0x33b: {  	v3 =	vadd.f32 v20, v3;
	v2 =	vadd.f32 v21, v2;
	v32 =	vmul.f32 v32, v32;
	v19 =	vld [tilespmem:s19+$0x8E60]  }
0x33c: {  	v1 =	vadd.f32 v35, v1;
	v20 =	vld [tilespmem:s19+$0xE70];
	v0 =	vadd.f32 v38, v0;
	v30 =	vmul.f32 v30, v30  }
0x33d: {  	v22 =	vmul.f32 v22, v22;
	v3 =	vadd.f32 v23, v3;
	v2 =	vadd.f32 v39, v2;
	v21 =	vld [tilespmem:s19+$0x8E70]  }
0x33e: {  	v23 =	vmul.f32 v24, v24;
	v1 =	vadd.f32 v32, v1;
	v35 =	vld [tilespmem:s19+$0xE00];
	v0 =	vadd.f32 v30, v0  }
0x33f: {  	v18 =	vmul.f32 v18, v18;
	v3 =	vadd.f32 v36, v3;
	v2 =	vadd.f32 v37, v2;
	v30 =	vld [tilespmem:s19+$0x8E00]  }
0x340: {  	v17 =	vmul.f32 v17, v17;
	v1 =	vadd.f32 v22, v1;
	v32 =	vld [tilespmem:s19+$0xE10];
	v0 =	vadd.f32 v23, v0  }
0x341: {  	v11 =	vmul.f32 v11, v11;
	v3 =	vadd.f32 v33, v3;
	v2 =	vadd.f32 v34, v2;
	v22 =	vld [tilespmem:s19+$0x8E10]  }
0x342: {  	v10 =	vmul.f32 v10, v10;
	v1 =	vadd.f32 v18, v1;
	v33 =	vld [tilespmem:s19+$0xE20];
	v0 =	vadd.f32 v17, v0  }
0x343: {  	v9 =	vmul.f32 v9, v9;
	v3 =	vadd.f32 v28, v3;
	v2 =	vadd.f32 v31, v2;
	v17 =	vld [tilespmem:s19+$0x8E20]  }
0x344: {  	v8 =	vmul.f32 v8, v8;
	v1 =	vadd.f32 v11, v1;
	v18 =	vld [tilespmem:s19+$0xE30];
	v0 =	vadd.f32 v10, v0  }
0x345: {  	v7 =	vmul.f32 v7, v7;
	v3 =	vadd.f32 v44, v3;
	v2 =	vadd.f32 v29, v2;
	v10 =	vld [tilespmem:s19+$0x8E30]  }
0x346: {  	v6 =	vmul.f32 v6, v6;
	v1 =	vadd.f32 v9, v1;
	v11 =	vld [tilespmem:s19+$0xA40];
	v0 =	vadd.f32 v8, v0  }
0x347: {  	v5 =	vmul.f32 v5, v5;
	v3 =	vadd.f32 v27, v3;
	v2 =	vadd.f32 v42, v2;
	v8 =	vld [tilespmem:s19+$0x8A40]  }
0x348: {  	v4 =	vmul.f32 v4, v4;
	v1 =	vadd.f32 v7, v1;
	v9 =	vld [tilespmem:s19+$0xA50];
	v0 =	vadd.f32 v6, v0  }
0x349: {  	v3 =	vadd.f32 v25, v3;
	v2 =	vadd.f32 v26, v2;
	v28 =	vld [tilespmem:s19+$0x8A50]  }
0x34a: {  	v1 =	vadd.f32 v5, v1;
	v31 =	vld [tilespmem:s19+$0xA60];
	v0 =	vadd.f32 v4, v0  }
0x34b: {  	v34 =	vld [tilespmem:s19+$0x8A60]  }
0x34c: {  	v36 =	vld [tilespmem:s19+$0xA70]  }
0x34d: {  	v37 =	vld [tilespmem:s19+$0x8A70]  }
0x34e: {  	v38 =	vld [tilespmem:s19+$0xA00]  }
0x34f: {  	v39 =	vld [tilespmem:s19+$0x8A00]  }
0x350: {  	v40 =	vld [tilespmem:s19+$0xA10]  }
0x351: {  	v41 =	vld [tilespmem:s19+$0x8A10]  }
0x352: {  	v42 =	vld [tilespmem:s19+$0xA20]  }
0x353: {  	v43 =	vld [tilespmem:s19+$0x8A20]  }
0x354: {  	v44 =	vld [tilespmem:s19+$0xA30]  }
0x355: {  	v45 =	vld [tilespmem:s19+$0x8A30]  }
0x356: {  	v46 =	vld [tilespmem:s19+$0x640]  }
0x357: {  	v47 =	vld [tilespmem:s19+$0x8640]  }
0x358: {  	v48 =	vld [tilespmem:s19+$0x650]  }
0x359: {  	v49 =	vld [tilespmem:s19+$0x8650]  }
0x35a: {  	v50 =	vld [tilespmem:s19+$0x660]  }
0x35b: {  	v51 =	vld [tilespmem:s19+$0x8660]  }
0x35c: {  	v52 =	vld [tilespmem:s19+$0x670]  }
0x35d: {  	v53 =	vld [tilespmem:s19+$0x8670]  }
0x35e: {  	v54 =	vld [tilespmem:s19+$0x600]  }
0x35f: {  	v55 =	vld [tilespmem:s19+$0x8600]  }
0x360: {  	v56 =	vld [tilespmem:s19+$0x610]  }
0x361: {  	v57 =	vld [tilespmem:s19+$0x8610]  }
0x362: {  	v58 =	vld [tilespmem:s19+$0x620]  }
0x363: {  	v59 =	vld [tilespmem:s19+$0x8620]  }
0x364: {  	v24 =	vld [tilespmem:s19+$0x630]  }
0x365: {  	v25 =	vld [tilespmem:s19+$0x8630]  }
0x366: {  	v26 =	vsub.f32 v12, v13;
	v23 =	vld [tilespmem:s19+$0x240]  }
0x367: {  	v15 =	vsub.f32 v14, v15;
	v5 =	vsub.f32 v16, v19;
	v13 =	vld [tilespmem:s19+$0x8240]  }
0x368: {  	v27 =	vsub.f32 v35, v30;
	v4 =	vsub.f32 v20, v21;
	v12 =	vld [tilespmem:s19+$0x250]  }
0x369: {  	v7 =	vsub.f32 v33, v17;
	v21 =	vsub.f32 v32, v22;
	v14 =	vld [tilespmem:s19+$0x8250]  }
0x36a: {  	v6 =	vsub.f32 v18, v10;
	v20 =	vsub.f32 v11, v8;
	v16 =	vld [tilespmem:s19+$0x260]  }
0x36b: {  	v29 =	vsub.f32 v9, v28;
	v9 =	vsub.f32 v31, v34;
	v19 =	vld [tilespmem:s19+$0x8260]  }
0x36c: {  	v8 =	vsub.f32 v36, v37;
	v28 =	vsub.f32 v38, v39;
	v30 =	vld [tilespmem:s19+$0x200]  }
.Ltmp0:
0x36d: {  	v31 =	vsub.f32 v40, v41;
	v11 =	vsub.f32 v42, v43;
	v34 =	vld [tilespmem:s19+$0x8200];
	(pc) =	sbr.rel @p4 .LBB2_3-.Ltmp0, $4  }
0x36e: {  	v10 =	vsub.f32 v44, v45;
	v33 =	vsub.f32 v46, v47;
	v32 =	vld [tilespmem:s19+$0x210]  }
0x36f: {  	v35 =	vsub.f32 v48, v49;
	v18 =	vsub.f32 v50, v51;
	v38 =	vld [tilespmem:s19+$0x8210]  }
0x370: {  	v17 =	vsub.f32 v52, v53;
	v37 =	vsub.f32 v54, v55;
	v36 =	vld [tilespmem:s19+$0x220]  }
0x371: {  	s20 =	sadd.s32 $0x200, s20;
	v39 =	vsub.f32 v56, v57;
	v22 =	vsub.f32 v58, v59;
	v40 =	vld [tilespmem:s19+$0x8220]  }
0x372: {  	v48 =	vmul.f32 v26, v26  }
0x373: {  	v41 =	vld [tilespmem:s19+$0x230];
	v15 =	vmul.f32 v15, v15;
	v50 =	vmul.f32 v27, v27  }
0x374: {  	v24 =	vsub.f32 v24, v25;
	v49 =	vld [tilespmem:s19+$0x8230];
	v21 =	vmul.f32 v21, v21;
	v20 =	vmul.f32 v20, v20  }
0x375: {  	v13 =	vsub.f32 v23, v13;
	v51 =	vld [tilespmem:s19+$0x270];
	v52 =	vmul.f32 v29, v29;
	v28 =	vmul.f32 v28, v28  }
0x376: {  	v12 =	vsub.f32 v12, v14;
	v54 =	vld [tilespmem:s19+$0x8270];
	v31 =	vmul.f32 v31, v31;
	v33 =	vmul.f32 v33, v33  }
0x377: {  	v53 =	vsub.f32 v30, v34;
	v55 =	vmul.f32 v35, v35;
	v57 =	vmul.f32 v37, v37  }
0x378: {  	v58 =	vmul.f32 v39, v39;
	v32 =	vsub.f32 v32, v38;
	v13 =	vmul.f32 v13, v13  }
0x379: {  	v12 =	vmul.f32 v12, v12;
	v56 =	vsub.f32 v36, v40;
	v26 =	vsub.f32 v41, v49  }
0x37a: {  	v16 =	vsub.f32 v16, v19;
	v29 =	vmul.f32 v53, v53;
	v32 =	vmul.f32 v32, v32  }
0x37b: {  	v14 =	vsub.f32 v51, v54;
	v59 =	vmul.f32 v56, v56;
	v26 =	vmul.f32 v26, v26  }
0x37c: {  	v16 =	vmul.f32 v16, v16;
	v3 =	vadd.f32 v29, v3;
	v2 =	vadd.f32 v32, v2  }
0x37d: {  	v14 =	vmul.f32 v14, v14;
	v1 =	vadd.f32 v59, v1;
	v0 =	vadd.f32 v26, v0  }
0x37e: {  	v60 =	vmul.f32 v22, v22;
	v3 =	vadd.f32 v13, v3;
	v2 =	vadd.f32 v12, v2  }
0x37f: {  	v61 =	vmul.f32 v24, v24;
	v1 =	vadd.f32 v16, v1;
	v0 =	vadd.f32 v14, v0  }
0x380: {  	v62 =	vmul.f32 v18, v18;
	v3 =	vadd.f32 v57, v3;
	v2 =	vadd.f32 v58, v2  }
0x381: {  	v63 =	vmul.f32 v17, v17;
	v1 =	vadd.f32 v60, v1;
	v0 =	vadd.f32 v61, v0  }
0x382: {  	v11 =	vmul.f32 v11, v11;
	v3 =	vadd.f32 v33, v3;
	v2 =	vadd.f32 v55, v2  }
0x383: {  	v10 =	vmul.f32 v10, v10;
	v1 =	vadd.f32 v62, v1;
	v0 =	vadd.f32 v63, v0  }
0x384: {  	v9 =	vmul.f32 v9, v9;
	v3 =	vadd.f32 v28, v3;
	v2 =	vadd.f32 v31, v2  }
0x385: {  	v8 =	vmul.f32 v8, v8;
	v1 =	vadd.f32 v11, v1;
	v0 =	vadd.f32 v10, v0  }
0x386: {  	v7 =	vmul.f32 v7, v7;
	_ =	swait.ge [sflag:s5], $0x4000;
	p4 =	seq.s32 s16, $0x7;
	v3 =	vadd.f32 v20, v3;
	v2 =	vadd.f32 v52, v2  }
.Ltmp1:
0x387: {  	v6 =	vmul.f32 v6, v6;
	[sflag:s5] =	ssyncset.done $0x0;
	v1 =	vadd.f32 v9, v1;
	v0 =	vadd.f32 v8, v0;
	(pc) =	sbr.rel @p4 .LBB2_6-.Ltmp1, $4  }
0x388: {  	v5 =	vmul.f32 v5, v5;
	[sflag:s5] =	ssyncadd.s32 $0xFFFFC000;
	v3 =	vadd.f32 v50, v3;
	v2 =	vadd.f32 v21, v2  }
0x389: {  	v4 =	vmul.f32 v4, v4;
	_ =	swait.ge [sflag:s15], $0x4000;
	v7 =	vadd.f32 v7, v1;
	v6 =	vadd.f32 v6, v0  }
0x38a: {  	[sflag:s15] =	ssyncset.done $0x0;
	v1 =	vadd.f32 v15, v2;
	v0 =	vadd.f32 v48, v3  }
0x38b: {  	[sflag:s15] =	ssyncadd.s32 $0xFFFFC000;
	v2 =	vadd.f32 v5, v7;
	v3 =	vadd.f32 v4, v6  }
0x38c: {  	s18 =	sadd.s32 $0x40, s17  }
0x38d: {  	s18 =	sadd.s32 s6, s18  }
0x38e: {  	s18 =	sshll.u32 s18, $0x6  }
0x38f: {  	s19 =	simm.s32 $0x0;
	s20 =	simm.s32 $0x200;
	s18 =	sadd.s32 s1, s18  }
0x390: {  	[tilespmem:s20], [sflag:$0x1] =	stream.linear.gather [hbm4b:s18+s19], $0x4000, $0x38;
	[tilespmem:$0x17F80] =	vst v63  }
0x391: {  	v4 =	vld [tilespmem:s17+$0x40];
	_ =	sdelay $0x4  }
0x392: {  	(v2sf) =	vpush v4, $0x0;
	_ =	sdelay $0x9  }
0x393: {  	(v2sf) =	vpush v4, $0x1;
	_ =	sdelay $0x4  }
0x394: {  	s21 =	spop (v2sf)  }
0x395: {  	s22 =	sshll.u32 s21, $0x9  }
0x396: {  	s18 =	sshll.u32 s21, $0x7;
	s19 =	sand.u32 $0xFFFFF000, s22  }
0x397: {  	s18 =	sand.u32 $0x380, s18;
	s19 =	sadd.s32 s19, s4  }
0x398: {  	s20 =	simm.s32 $0x8200;
	s18 =	sadd.s32 s18, s19  }
0x399: {  	[tilespmem:s20], [sflag:$0x3] =	stream.linear.gather [spmem:s18], $0x80, $0x38;
	[tilespmem:$0x17F80] =	vst v63  }
0x39a: {  	(v2sf) =	vpush v4, $0x2;
	s22 =	simm.s32 $0x8600;
	s21 =	sadd.s32 $0x400, s18  }
0x39b: {  	[tilespmem:s22], [sflag:$0x3] =	stream.linear.gather [spmem:s21], $0x80, $0x38;
	[tilespmem:$0x17F80] =	vst v63  }
0x39c: {  	s21 =	sadd.s32 $0x800, s18;
	s22 =	simm.s32 $0x8A00  }
0x39d: {  	[tilespmem:s22], [sflag:$0x3] =	stream.linear.gather [spmem:s21], $0x80, $0x38;
	[tilespmem:$0x17F80] =	vst v63  }
0x39e: {  	s21 =	spop (v2sf)  }
0x39f: {  	s20 =	simm.s32 $0x8E00;
	s18 =	sadd.s32 $0xC00, s18;
	s22 =	sshll.u32 s21, $0x9  }
0x3a0: {  	[tilespmem:s20], [sflag:$0x3] =	stream.linear.gather [spmem:s18], $0x80, $0x38;
	[tilespmem:$0x17F80] =	vst v63  }
0x3a1: {  	s19 =	sand.u32 $0xFFFFF000, s22;
	s18 =	sshll.u32 s21, $0x7  }
0x3a2: {  	s18 =	sand.u32 $0x380, s18;
	s19 =	sadd.s32 s19, s4  }
0x3a3: {  	s20 =	simm.s32 $0x8280;
	s18 =	sadd.s32 s18, s19  }
0x3a4: {  	[tilespmem:s20], [sflag:$0x3] =	stream.linear.gather [spmem:s18], $0x80, $0x38;
	[tilespmem:$0x17F80] =	vst v63  }
0x3a5: {  	(v2sf) =	vpush v4, $0x3;
	s22 =	simm.s32 $0x8680;
	s21 =	sadd.s32 $0x400, s18  }
0x3a6: {  	[tilespmem:s22], [sflag:$0x3] =	stream.linear.gather [spmem:s21], $0x80, $0x38;
	[tilespmem:$0x17F80] =	vst v63  }
0x3a7: {  	s21 =	sadd.s32 $0x800, s18;
	s22 =	simm.s32 $0x8A80  }
0x3a8: {  	[tilespmem:s22], [sflag:$0x3] =	stream.linear.gather [spmem:s21], $0x80, $0x38;
	[tilespmem:$0x17F80] =	vst v63  }
0x3a9: {  	s21 =	spop (v2sf)  }
0x3aa: {  	s20 =	simm.s32 $0x8E80;
	s18 =	sadd.s32 $0xC00, s18;
	s22 =	sshll.u32 s21, $0x9  }
0x3ab: {  	[tilespmem:s20], [sflag:$0x3] =	stream.linear.gather [spmem:s18], $0x80, $0x38;
	[tilespmem:$0x17F80] =	vst v63  }
0x3ac: {  	s19 =	sand.u32 $0xFFFFF000, s22;
	s18 =	sshll.u32 s21, $0x7  }
0x3ad: {  	s18 =	sand.u32 $0x380, s18;
	s19 =	sadd.s32 s19, s4  }
0x3ae: {  	s20 =	simm.s32 $0x8300;
	s18 =	sadd.s32 s18, s19  }
0x3af: {  	[tilespmem:s20], [sflag:$0x3] =	stream.linear.gather [spmem:s18], $0x80, $0x38;
	[tilespmem:$0x17F80] =	vst v63  }
0x3b0: {  	(v2sf) =	vpush v4, $0x4;
	s22 =	simm.s32 $0x8700;
	s21 =	sadd.s32 $0x400, s18  }
0x3b1: {  	[tilespmem:s22], [sflag:$0x3] =	stream.linear.gather [spmem:s21], $0x80, $0x38;
	[tilespmem:$0x17F80] =	vst v63  }
0x3b2: {  	s21 =	sadd.s32 $0x800, s18;
	s22 =	simm.s32 $0x8B00  }
0x3b3: {  	[tilespmem:s22], [sflag:$0x3] =	stream.linear.gather [spmem:s21], $0x80, $0x38;
	[tilespmem:$0x17F80] =	vst v63  }
0x3b4: {  	s21 =	spop (v2sf)  }
0x3b5: {  	s20 =	simm.s32 $0x8F00;
	s18 =	sadd.s32 $0xC00, s18;
	s22 =	sshll.u32 s21, $0x9  }
0x3b6: {  	[tilespmem:s20], [sflag:$0x3] =	stream.linear.gather [spmem:s18], $0x80, $0x38;
	[tilespmem:$0x17F80] =	vst v63  }
0x3b7: {  	s19 =	sand.u32 $0xFFFFF000, s22;
	s18 =	sshll.u32 s21, $0x7  }
0x3b8: {  	s18 =	sand.u32 $0x380, s18;
	s19 =	sadd.s32 s19, s4  }
0x3b9: {  	s20 =	simm.s32 $0x8380;
	s18 =	sadd.s32 s18, s19  }
0x3ba: {  	[tilespmem:s20], [sflag:$0x3] =	stream.linear.gather [spmem:s18], $0x80, $0x38;
	[tilespmem:$0x17F80] =	vst v63  }
0x3bb: {  	(v2sf) =	vpush v4, $0x5;
	s22 =	simm.s32 $0x8780;
	s21 =	sadd.s32 $0x400, s18  }
0x3bc: {  	[tilespmem:s22], [sflag:$0x3] =	stream.linear.gather [spmem:s21], $0x80, $0x38;
	[tilespmem:$0x17F80] =	vst v63  }
0x3bd: {  	s21 =	sadd.s32 $0x800, s18;
	s22 =	simm.s32 $0x8B80  }
0x3be: {  	[tilespmem:s22], [sflag:$0x3] =	stream.linear.gather [spmem:s21], $0x80, $0x38;
	[tilespmem:$0x17F80] =	vst v63  }
0x3bf: {  	s21 =	spop (v2sf)  }
0x3c0: {  	s20 =	simm.s32 $0x8F80;
	s18 =	sadd.s32 $0xC00, s18;
	s22 =	sshll.u32 s21, $0x9  }
0x3c1: {  	[tilespmem:s20], [sflag:$0x3] =	stream.linear.gather [spmem:s18], $0x80, $0x38;
	[tilespmem:$0x17F80] =	vst v63  }
0x3c2: {  	s19 =	sand.u32 $0xFFFFF000, s22;
	s18 =	sshll.u32 s21, $0x7  }
0x3c3: {  	s18 =	sand.u32 $0x380, s18;
	s19 =	sadd.s32 s19, s4  }
0x3c4: {  	s20 =	simm.s32 $0x8400;
	s18 =	sadd.s32 s18, s19  }
0x3c5: {  	[tilespmem:s20], [sflag:$0x3] =	stream.linear.gather [spmem:s18], $0x80, $0x38;
	[tilespmem:$0x17F80] =	vst v63  }
0x3c6: {  	(v2sf) =	vpush v4, $0x6;
	s22 =	simm.s32 $0x8800;
	s21 =	sadd.s32 $0x400, s18  }
0x3c7: {  	[tilespmem:s22], [sflag:$0x3] =	stream.linear.gather [spmem:s21], $0x80, $0x38;
	[tilespmem:$0x17F80] =	vst v63  }
0x3c8: {  	s21 =	sadd.s32 $0x800, s18;
	s22 =	simm.s32 $0x8C00  }
0x3c9: {  	[tilespmem:s22], [sflag:$0x3] =	stream.linear.gather [spmem:s21], $0x80, $0x38;
	[tilespmem:$0x17F80] =	vst v63  }
0x3ca: {  	s21 =	spop (v2sf)  }
0x3cb: {  	s20 =	simm.s32 $0x9000;
	s18 =	sadd.s32 $0xC00, s18;
	s22 =	sshll.u32 s21, $0x9  }
0x3cc: {  	[tilespmem:s20], [sflag:$0x3] =	stream.linear.gather [spmem:s18], $0x80, $0x38;
	[tilespmem:$0x17F80] =	vst v63  }
0x3cd: {  	s19 =	sand.u32 $0xFFFFF000, s22;
	s18 =	sshll.u32 s21, $0x7  }
0x3ce: {  	s18 =	sand.u32 $0x380, s18;
	s19 =	sadd.s32 s19, s4  }
0x3cf: {  	s20 =	simm.s32 $0x8480;
	s18 =	sadd.s32 s18, s19  }
0x3d0: {  	[tilespmem:s20], [sflag:$0x3] =	stream.linear.gather [spmem:s18], $0x80, $0x38;
	[tilespmem:$0x17F80] =	vst v63  }
0x3d1: {  	(v2sf) =	vpush v4, $0x7;
	s22 =	simm.s32 $0x8880;
	s21 =	sadd.s32 $0x400, s18  }
0x3d2: {  	[tilespmem:s22], [sflag:$0x3] =	stream.linear.gather [spmem:s21], $0x80, $0x38;
	[tilespmem:$0x17F80] =	vst v63  }
0x3d3: {  	s21 =	sadd.s32 $0x800, s18;
	s22 =	simm.s32 $0x8C80  }
0x3d4: {  	[tilespmem:s22], [sflag:$0x3] =	stream.linear.gather [spmem:s21], $0x80, $0x38;
	[tilespmem:$0x17F80] =	vst v63  }
0x3d5: {  	s21 =	spop (v2sf)  }
0x3d6: {  	s20 =	simm.s32 $0x9080;
	s18 =	sadd.s32 $0xC00, s18;
	s22 =	sshll.u32 s21, $0x9  }
0x3d7: {  	[tilespmem:s20], [sflag:$0x3] =	stream.linear.gather [spmem:s18], $0x80, $0x38;
	[tilespmem:$0x17F80] =	vst v63  }
0x3d8: {  	s19 =	sand.u32 $0xFFFFF000, s22;
	s18 =	sshll.u32 s21, $0x7  }
0x3d9: {  	s18 =	sand.u32 $0x380, s18;
	s19 =	sadd.s32 s19, s4  }
0x3da: {  	s20 =	simm.s32 $0x8500;
	s18 =	sadd.s32 s18, s19  }
0x3db: {  	[tilespmem:s20], [sflag:$0x3] =	stream.linear.gather [spmem:s18], $0x80, $0x38;
	[tilespmem:$0x17F80] =	vst v63  }
0x3dc: {  	(v2sf) =	vpush v4, $0x8;
	s22 =	simm.s32 $0x8900;
	s21 =	sadd.s32 $0x400, s18  }
0x3dd: {  	[tilespmem:s22], [sflag:$0x3] =	stream.linear.gather [spmem:s21], $0x80, $0x38;
	[tilespmem:$0x17F80] =	vst v63  }
0x3de: {  	s21 =	sadd.s32 $0x800, s18;
	s22 =	simm.s32 $0x8D00  }
0x3df: {  	[tilespmem:s22], [sflag:$0x3] =	stream.linear.gather [spmem:s21], $0x80, $0x38;
	[tilespmem:$0x17F80] =	vst v63  }
0x3e0: {  	s21 =	spop (v2sf)  }
0x3e1: {  	s20 =	simm.s32 $0x9100;
	s18 =	sadd.s32 $0xC00, s18;
	s22 =	sshll.u32 s21, $0x9  }
0x3e2: {  	[tilespmem:s20], [sflag:$0x3] =	stream.linear.gather [spmem:s18], $0x80, $0x38;
	[tilespmem:$0x17F80] =	vst v63  }
0x3e3: {  	s19 =	sand.u32 $0xFFFFF000, s22;
	s18 =	sshll.u32 s21, $0x7  }
0x3e4: {  	s18 =	sand.u32 $0x380, s18;
	s19 =	sadd.s32 s19, s4  }
0x3e5: {  	s20 =	simm.s32 $0x8580;
	s18 =	sadd.s32 s18, s19  }
0x3e6: {  	[tilespmem:s20], [sflag:$0x3] =	stream.linear.gather [spmem:s18], $0x80, $0x38;
	[tilespmem:$0x17F80] =	vst v63  }
0x3e7: {  	(v2sf) =	vpush v4, $0x9;
	s22 =	simm.s32 $0x8980;
	s21 =	sadd.s32 $0x400, s18  }
0x3e8: {  	[tilespmem:s22], [sflag:$0x3] =	stream.linear.gather [spmem:s21], $0x80, $0x38;
	[tilespmem:$0x17F80] =	vst v63  }
0x3e9: {  	s21 =	sadd.s32 $0x800, s18;
	s22 =	simm.s32 $0x8D80  }
0x3ea: {  	[tilespmem:s22], [sflag:$0x3] =	stream.linear.gather [spmem:s21], $0x80, $0x38;
	[tilespmem:$0x17F80] =	vst v63  }
0x3eb: {  	s21 =	spop (v2sf)  }
0x3ec: {  	s20 =	simm.s32 $0x9180;
	s18 =	sadd.s32 $0xC00, s18;
	s22 =	sshll.u32 s21, $0x9  }
0x3ed: {  	[tilespmem:s20], [sflag:$0x3] =	stream.linear.gather [spmem:s18], $0x80, $0x38;
	[tilespmem:$0x17F80] =	vst v63  }
0x3ee: {  	s19 =	sand.u32 $0xFFFFF000, s22;
	s18 =	sshll.u32 s21, $0x7  }
0x3ef: {  	s18 =	sand.u32 $0x380, s18;
	s19 =	sadd.s32 s19, s4  }
0x3f0: {  	s20 =	simm.s32 $0x9200;
	s18 =	sadd.s32 s18, s19  }
0x3f1: {  	[tilespmem:s20], [sflag:$0x3] =	stream.linear.gather [spmem:s18], $0x80, $0x38;
	[tilespmem:$0x17F80] =	vst v63  }
0x3f2: {  	(v2sf) =	vpush v4, $0xA;
	s22 =	simm.s32 $0x9600;
	s21 =	sadd.s32 $0x400, s18  }
0x3f3: {  	[tilespmem:s22], [sflag:$0x3] =	stream.linear.gather [spmem:s21], $0x80, $0x38;
	[tilespmem:$0x17F80] =	vst v63  }
0x3f4: {  	s21 =	sadd.s32 $0x800, s18;
	s22 =	simm.s32 $0x9A00  }
0x3f5: {  	[tilespmem:s22], [sflag:$0x3] =	stream.linear.gather [spmem:s21], $0x80, $0x38;
	[tilespmem:$0x17F80] =	vst v63  }
0x3f6: {  	s21 =	spop (v2sf)  }
0x3f7: {  	s20 =	simm.s32 $0x9E00;
	s18 =	sadd.s32 $0xC00, s18;
	s22 =	sshll.u32 s21, $0x9  }
0x3f8: {  	[tilespmem:s20], [sflag:$0x3] =	stream.linear.gather [spmem:s18], $0x80, $0x38;
	[tilespmem:$0x17F80] =	vst v63  }
0x3f9: {  	s19 =	sand.u32 $0xFFFFF000, s22;
	s18 =	sshll.u32 s21, $0x7  }
0x3fa: {  	s18 =	sand.u32 $0x380, s18;
	s19 =	sadd.s32 s19, s4  }
0x3fb: {  	s20 =	simm.s32 $0x9280;
	s18 =	sadd.s32 s18, s19  }
0x3fc: {  	[tilespmem:s20], [sflag:$0x3] =	stream.linear.gather [spmem:s18], $0x80, $0x38;
	[tilespmem:$0x17F80] =	vst v63  }
0x3fd: {  	(v2sf) =	vpush v4, $0xB;
	s22 =	simm.s32 $0x9680;
	s21 =	sadd.s32 $0x400, s18  }
0x3fe: {  	[tilespmem:s22], [sflag:$0x3] =	stream.linear.gather [spmem:s21], $0x80, $0x38;
	[tilespmem:$0x17F80] =	vst v63  }
0x3ff: {  	s21 =	sadd.s32 $0x800, s18;
	s22 =	simm.s32 $0x9A80  }
0x400: {  	[tilespmem:s22], [sflag:$0x3] =	stream.linear.gather [spmem:s21], $0x80, $0x38;
	[tilespmem:$0x17F80] =	vst v63  }
0x401: {  	s21 =	spop (v2sf)  }
0x402: {  	s20 =	simm.s32 $0x9E80;
	s18 =	sadd.s32 $0xC00, s18;
	s22 =	sshll.u32 s21, $0x9  }
0x403: {  	[tilespmem:s20], [sflag:$0x3] =	stream.linear.gather [spmem:s18], $0x80, $0x38;
	[tilespmem:$0x17F80] =	vst v63  }
0x404: {  	s19 =	sand.u32 $0xFFFFF000, s22;
	s18 =	sshll.u32 s21, $0x7  }
0x405: {  	s18 =	sand.u32 $0x380, s18;
	s19 =	sadd.s32 s19, s4  }
0x406: {  	s20 =	simm.s32 $0x9300;
	s18 =	sadd.s32 s18, s19  }
0x407: {  	[tilespmem:s20], [sflag:$0x3] =	stream.linear.gather [spmem:s18], $0x80, $0x38;
	[tilespmem:$0x17F80] =	vst v63  }
0x408: {  	(v2sf) =	vpush v4, $0xC;
	s22 =	simm.s32 $0x9700;
	s21 =	sadd.s32 $0x400, s18  }
0x409: {  	[tilespmem:s22], [sflag:$0x3] =	stream.linear.gather [spmem:s21], $0x80, $0x38;
	[tilespmem:$0x17F80] =	vst v63  }
0x40a: {  	s21 =	sadd.s32 $0x800, s18;
	s22 =	simm.s32 $0x9B00  }
0x40b: {  	[tilespmem:s22], [sflag:$0x3] =	stream.linear.gather [spmem:s21], $0x80, $0x38;
	[tilespmem:$0x17F80] =	vst v63  }
0x40c: {  	s21 =	spop (v2sf)  }
0x40d: {  	s20 =	simm.s32 $0x9F00;
	s18 =	sadd.s32 $0xC00, s18;
	s22 =	sshll.u32 s21, $0x9  }
0x40e: {  	[tilespmem:s20], [sflag:$0x3] =	stream.linear.gather [spmem:s18], $0x80, $0x38;
	[tilespmem:$0x17F80] =	vst v63  }
0x40f: {  	s19 =	sand.u32 $0xFFFFF000, s22;
	s18 =	sshll.u32 s21, $0x7  }
0x410: {  	s18 =	sand.u32 $0x380, s18;
	s19 =	sadd.s32 s19, s4  }
0x411: {  	s20 =	simm.s32 $0x9380;
	s18 =	sadd.s32 s18, s19  }
0x412: {  	[tilespmem:s20], [sflag:$0x3] =	stream.linear.gather [spmem:s18], $0x80, $0x38;
	[tilespmem:$0x17F80] =	vst v63  }
0x413: {  	(v2sf) =	vpush v4, $0xD;
	s22 =	simm.s32 $0x9780;
	s21 =	sadd.s32 $0x400, s18  }
0x414: {  	[tilespmem:s22], [sflag:$0x3] =	stream.linear.gather [spmem:s21], $0x80, $0x38;
	[tilespmem:$0x17F80] =	vst v63  }
0x415: {  	s21 =	sadd.s32 $0x800, s18;
	s22 =	simm.s32 $0x9B80  }
0x416: {  	[tilespmem:s22], [sflag:$0x3] =	stream.linear.gather [spmem:s21], $0x80, $0x38;
	[tilespmem:$0x17F80] =	vst v63  }
0x417: {  	s21 =	spop (v2sf)  }
0x418: {  	s20 =	simm.s32 $0x9F80;
	s18 =	sadd.s32 $0xC00, s18;
	s22 =	sshll.u32 s21, $0x9  }
0x419: {  	[tilespmem:s20], [sflag:$0x3] =	stream.linear.gather [spmem:s18], $0x80, $0x38;
	[tilespmem:$0x17F80] =	vst v63  }
0x41a: {  	s19 =	sand.u32 $0xFFFFF000, s22;
	s18 =	sshll.u32 s21, $0x7  }
0x41b: {  	s18 =	sand.u32 $0x380, s18;
	s19 =	sadd.s32 s19, s4  }
0x41c: {  	s20 =	simm.s32 $0x9400;
	s18 =	sadd.s32 s18, s19  }
0x41d: {  	[tilespmem:s20], [sflag:$0x3] =	stream.linear.gather [spmem:s18], $0x80, $0x38;
	[tilespmem:$0x17F80] =	vst v63  }
0x41e: {  	(v2sf) =	vpush v4, $0xE;
	s22 =	simm.s32 $0x9800;
	s21 =	sadd.s32 $0x400, s18  }
0x41f: {  	[tilespmem:s22], [sflag:$0x3] =	stream.linear.gather [spmem:s21], $0x80, $0x38;
	[tilespmem:$0x17F80] =	vst v63  }
0x420: {  	s21 =	sadd.s32 $0x800, s18;
	s22 =	simm.s32 $0x9C00  }
0x421: {  	[tilespmem:s22], [sflag:$0x3] =	stream.linear.gather [spmem:s21], $0x80, $0x38;
	[tilespmem:$0x17F80] =	vst v63  }
0x422: {  	s21 =	spop (v2sf)  }
0x423: {  	s20 =	simm.s32 $0xA000;
	s18 =	sadd.s32 $0xC00, s18;
	s22 =	sshll.u32 s21, $0x9  }
0x424: {  	[tilespmem:s20], [sflag:$0x3] =	stream.linear.gather [spmem:s18], $0x80, $0x38;
	[tilespmem:$0x17F80] =	vst v63  }
0x425: {  	s19 =	sand.u32 $0xFFFFF000, s22;
	s18 =	sshll.u32 s21, $0x7  }
0x426: {  	s18 =	sand.u32 $0x380, s18;
	s19 =	sadd.s32 s19, s4  }
0x427: {  	s20 =	simm.s32 $0x9480;
	s18 =	sadd.s32 s18, s19  }
0x428: {  	[tilespmem:s20], [sflag:$0x3] =	stream.linear.gather [spmem:s18], $0x80, $0x38;
	[tilespmem:$0x17F80] =	vst v63  }
0x429: {  	(v2sf) =	vpush v4, $0xF;
	s22 =	simm.s32 $0x9880;
	s21 =	sadd.s32 $0x400, s18  }
0x42a: {  	[tilespmem:s22], [sflag:$0x3] =	stream.linear.gather [spmem:s21], $0x80, $0x38;
	[tilespmem:$0x17F80] =	vst v63  }
0x42b: {  	s21 =	sadd.s32 $0x800, s18;
	s22 =	simm.s32 $0x9C80  }
0x42c: {  	[tilespmem:s22], [sflag:$0x3] =	stream.linear.gather [spmem:s21], $0x80, $0x38;
	[tilespmem:$0x17F80] =	vst v63  }
0x42d: {  	s21 =	spop (v2sf)  }
0x42e: {  	s20 =	simm.s32 $0xA080;
	s18 =	sadd.s32 $0xC00, s18;
	s22 =	sshll.u32 s21, $0x9  }
0x42f: {  	[tilespmem:s20], [sflag:$0x3] =	stream.linear.gather [spmem:s18], $0x80, $0x38;
	[tilespmem:$0x17F80] =	vst v63  }
0x430: {  	s19 =	sand.u32 $0xFFFFF000, s22;
	s18 =	sshll.u32 s21, $0x7  }
0x431: {  	s18 =	sand.u32 $0x380, s18;
	s19 =	sadd.s32 s19, s4  }
0x432: {  	s20 =	simm.s32 $0x9500;
	s18 =	sadd.s32 s18, s19  }
0x433: {  	[tilespmem:s20], [sflag:$0x3] =	stream.linear.gather [spmem:s18], $0x80, $0x38;
	[tilespmem:$0x17F80] =	vst v63  }
0x434: {  	s22 =	simm.s32 $0x9900;
	s21 =	sadd.s32 $0x400, s18  }
0x435: {  	[tilespmem:s22], [sflag:$0x3] =	stream.linear.gather [spmem:s21], $0x80, $0x38;
	[tilespmem:$0x17F80] =	vst v63  }
0x436: {  	s21 =	sadd.s32 $0x800, s18;
	s22 =	simm.s32 $0x9D00  }
0x437: {  	[tilespmem:s22], [sflag:$0x3] =	stream.linear.gather [spmem:s21], $0x80, $0x38;
	[tilespmem:$0x17F80] =	vst v63  }
0x438: {  	s21 =	spop (v2sf)  }
0x439: {  	s20 =	simm.s32 $0xA100;
	s18 =	sadd.s32 $0xC00, s18;
	s22 =	sshll.u32 s21, $0x9  }
0x43a: {  	[tilespmem:s20], [sflag:$0x3] =	stream.linear.gather [spmem:s18], $0x80, $0x38;
	[tilespmem:$0x17F80] =	vst v63  }
0x43b: {  	s19 =	sand.u32 $0xFFFFF000, s22;
	s18 =	sshll.u32 s21, $0x7  }
0x43c: {  	s18 =	sand.u32 $0x380, s18;
	s19 =	sadd.s32 s19, s4  }
0x43d: {  	s20 =	simm.s32 $0x9580;
	s18 =	sadd.s32 s18, s19  }
0x43e: {  	[tilespmem:s20], [sflag:$0x3] =	stream.linear.gather [spmem:s18], $0x80, $0x38;
	[tilespmem:$0x17F80] =	vst v63  }
0x43f: {  	s22 =	simm.s32 $0x9980;
	s21 =	sadd.s32 $0x400, s18  }
0x440: {  	[tilespmem:s22], [sflag:$0x3] =	stream.linear.gather [spmem:s21], $0x80, $0x38;
	[tilespmem:$0x17F80] =	vst v63  }
0x441: {  	s21 =	sadd.s32 $0x800, s18;
	s22 =	simm.s32 $0x9D80  }
0x442: {  	[tilespmem:s22], [sflag:$0x3] =	stream.linear.gather [spmem:s21], $0x80, $0x38;
	[tilespmem:$0x17F80] =	vst v63  }
0x443: {  	s18 =	sadd.s32 $0xC00, s18;
	s21 =	simm.s32 $0xA180  }
0x444: {  	[tilespmem:s21], [sflag:$0x3] =	stream.linear.gather [spmem:s18], $0x80, $0x38;
	[tilespmem:$0x17F80] =	vst v63  }
0x445: {  	v4 =	vld [tilespmem:s17+$0x50];
	_ =	sdelay $0x4  }
0x446: {  	(v2sf) =	vpush v4, $0x0;
	_ =	sdelay $0x7  }
0x447: {  	(v2sf) =	vpush v4, $0x1;
	_ =	sdelay $0x6  }
0x448: {  	s22 =	spop (v2sf)  }
0x449: {  	s19 =	sshll.u32 s22, $0x9  }
0x44a: {  	s17 =	sshll.u32 s22, $0x7;
	s18 =	sand.u32 $0xFFFFF000, s19  }
0x44b: {  	(v2sf) =	vpush v4, $0x2;
	s17 =	sand.u32 $0x380, s17;
	s18 =	sadd.s32 s18, s4  }
0x44c: {  	s20 =	simm.s32 $0xA200;
	s17 =	sadd.s32 s17, s18  }
0x44d: {  	[tilespmem:s20], [sflag:$0x3] =	stream.linear.gather [spmem:s17], $0x80, $0x38;
	[tilespmem:$0x17F80] =	vst v63  }
0x44e: {  	s22 =	simm.s32 $0xA600;
	s21 =	sadd.s32 $0x400, s17  }
0x44f: {  	[tilespmem:s22], [sflag:$0x3] =	stream.linear.gather [spmem:s21], $0x80, $0x38;
	[tilespmem:$0x17F80] =	vst v63  }
0x450: {  	s19 =	sadd.s32 $0x800, s17;
	s20 =	simm.s32 $0xAA00;
	s22 =	spop (v2sf)  }
0x451: {  	[tilespmem:s20], [sflag:$0x3] =	stream.linear.gather [spmem:s19], $0x80, $0x38;
	[tilespmem:$0x17F80] =	vst v63  }
0x452: {  	s17 =	sadd.s32 $0xC00, s17;
	s21 =	simm.s32 $0xAE00;
	s19 =	sshll.u32 s22, $0x9  }
0x453: {  	[tilespmem:s21], [sflag:$0x3] =	stream.linear.gather [spmem:s17], $0x80, $0x38;
	[tilespmem:$0x17F80] =	vst v63  }
0x454: {  	s18 =	sand.u32 $0xFFFFF000, s19;
	s17 =	sshll.u32 s22, $0x7  }
0x455: {  	(v2sf) =	vpush v4, $0x3;
	s18 =	sadd.s32 s18, s4;
	s17 =	sand.u32 $0x380, s17  }
0x456: {  	s20 =	simm.s32 $0xA280;
	s17 =	sadd.s32 s17, s18  }
0x457: {  	[tilespmem:s20], [sflag:$0x3] =	stream.linear.gather [spmem:s17], $0x80, $0x38;
	[tilespmem:$0x17F80] =	vst v63  }
0x458: {  	s22 =	simm.s32 $0xA680;
	s21 =	sadd.s32 $0x400, s17  }
0x459: {  	[tilespmem:s22], [sflag:$0x3] =	stream.linear.gather [spmem:s21], $0x80, $0x38;
	[tilespmem:$0x17F80] =	vst v63  }
0x45a: {  	s19 =	sadd.s32 $0x800, s17;
	s20 =	simm.s32 $0xAA80;
	s22 =	spop (v2sf)  }
0x45b: {  	[tilespmem:s20], [sflag:$0x3] =	stream.linear.gather [spmem:s19], $0x80, $0x38;
	[tilespmem:$0x17F80] =	vst v63  }
0x45c: {  	s17 =	sadd.s32 $0xC00, s17;
	s21 =	simm.s32 $0xAE80;
	s19 =	sshll.u32 s22, $0x9  }
0x45d: {  	[tilespmem:s21], [sflag:$0x3] =	stream.linear.gather [spmem:s17], $0x80, $0x38;
	[tilespmem:$0x17F80] =	vst v63  }
0x45e: {  	s18 =	sand.u32 $0xFFFFF000, s19;
	s17 =	sshll.u32 s22, $0x7  }
0x45f: {  	(v2sf) =	vpush v4, $0x4;
	s18 =	sadd.s32 s18, s4;
	s17 =	sand.u32 $0x380, s17  }
0x460: {  	s20 =	simm.s32 $0xA300;
	s17 =	sadd.s32 s17, s18  }
0x461: {  	[tilespmem:s20], [sflag:$0x3] =	stream.linear.gather [spmem:s17], $0x80, $0x38;
	[tilespmem:$0x17F80] =	vst v63  }
0x462: {  	s22 =	simm.s32 $0xA700;
	s21 =	sadd.s32 $0x400, s17  }
0x463: {  	[tilespmem:s22], [sflag:$0x3] =	stream.linear.gather [spmem:s21], $0x80, $0x38;
	[tilespmem:$0x17F80] =	vst v63  }
0x464: {  	s19 =	sadd.s32 $0x800, s17;
	s20 =	simm.s32 $0xAB00;
	s22 =	spop (v2sf)  }
0x465: {  	[tilespmem:s20], [sflag:$0x3] =	stream.linear.gather [spmem:s19], $0x80, $0x38;
	[tilespmem:$0x17F80] =	vst v63  }
0x466: {  	s17 =	sadd.s32 $0xC00, s17;
	s21 =	simm.s32 $0xAF00;
	s19 =	sshll.u32 s22, $0x9  }
0x467: {  	[tilespmem:s21], [sflag:$0x3] =	stream.linear.gather [spmem:s17], $0x80, $0x38;
	[tilespmem:$0x17F80] =	vst v63  }
0x468: {  	s18 =	sand.u32 $0xFFFFF000, s19;
	s17 =	sshll.u32 s22, $0x7  }
0x469: {  	(v2sf) =	vpush v4, $0x5;
	s18 =	sadd.s32 s18, s4;
	s17 =	sand.u32 $0x380, s17  }
0x46a: {  	s20 =	simm.s32 $0xA380;
	s17 =	sadd.s32 s17, s18  }
0x46b: {  	[tilespmem:s20], [sflag:$0x3] =	stream.linear.gather [spmem:s17], $0x80, $0x38;
	[tilespmem:$0x17F80] =	vst v63  }
0x46c: {  	s22 =	simm.s32 $0xA780;
	s21 =	sadd.s32 $0x400, s17  }
0x46d: {  	[tilespmem:s22], [sflag:$0x3] =	stream.linear.gather [spmem:s21], $0x80, $0x38;
	[tilespmem:$0x17F80] =	vst v63  }
0x46e: {  	s19 =	sadd.s32 $0x800, s17;
	s20 =	simm.s32 $0xAB80;
	s22 =	spop (v2sf)  }
0x46f: {  	[tilespmem:s20], [sflag:$0x3] =	stream.linear.gather [spmem:s19], $0x80, $0x38;
	[tilespmem:$0x17F80] =	vst v63  }
0x470: {  	s17 =	sadd.s32 $0xC00, s17;
	s21 =	simm.s32 $0xAF80;
	s19 =	sshll.u32 s22, $0x9  }
0x471: {  	[tilespmem:s21], [sflag:$0x3] =	stream.linear.gather [spmem:s17], $0x80, $0x38;
	[tilespmem:$0x17F80] =	vst v63  }
0x472: {  	s18 =	sand.u32 $0xFFFFF000, s19;
	s17 =	sshll.u32 s22, $0x7  }
0x473: {  	(v2sf) =	vpush v4, $0x6;
	s18 =	sadd.s32 s18, s4;
	s17 =	sand.u32 $0x380, s17  }
0x474: {  	s20 =	simm.s32 $0xA400;
	s17 =	sadd.s32 s17, s18  }
0x475: {  	[tilespmem:s20], [sflag:$0x3] =	stream.linear.gather [spmem:s17], $0x80, $0x38;
	[tilespmem:$0x17F80] =	vst v63  }
0x476: {  	s22 =	simm.s32 $0xA800;
	s21 =	sadd.s32 $0x400, s17  }
0x477: {  	[tilespmem:s22], [sflag:$0x3] =	stream.linear.gather [spmem:s21], $0x80, $0x38;
	[tilespmem:$0x17F80] =	vst v63  }
0x478: {  	s19 =	sadd.s32 $0x800, s17;
	s20 =	simm.s32 $0xAC00;
	s22 =	spop (v2sf)  }
0x479: {  	[tilespmem:s20], [sflag:$0x3] =	stream.linear.gather [spmem:s19], $0x80, $0x38;
	[tilespmem:$0x17F80] =	vst v63  }
0x47a: {  	s17 =	sadd.s32 $0xC00, s17;
	s21 =	simm.s32 $0xB000;
	s19 =	sshll.u32 s22, $0x9  }
0x47b: {  	[tilespmem:s21], [sflag:$0x3] =	stream.linear.gather [spmem:s17], $0x80, $0x38;
	[tilespmem:$0x17F80] =	vst v63  }
0x47c: {  	s18 =	sand.u32 $0xFFFFF000, s19;
	s17 =	sshll.u32 s22, $0x7  }
0x47d: {  	(v2sf) =	vpush v4, $0x7;
	s18 =	sadd.s32 s18, s4;
	s17 =	sand.u32 $0x380, s17  }
0x47e: {  	s20 =	simm.s32 $0xA480;
	s17 =	sadd.s32 s17, s18  }
0x47f: {  	[tilespmem:s20], [sflag:$0x3] =	stream.linear.gather [spmem:s17], $0x80, $0x38;
	[tilespmem:$0x17F80] =	vst v63  }
0x480: {  	s22 =	simm.s32 $0xA880;
	s21 =	sadd.s32 $0x400, s17  }
0x481: {  	[tilespmem:s22], [sflag:$0x3] =	stream.linear.gather [spmem:s21], $0x80, $0x38;
	[tilespmem:$0x17F80] =	vst v63  }
0x482: {  	s19 =	sadd.s32 $0x800, s17;
	s20 =	simm.s32 $0xAC80;
	s22 =	spop (v2sf)  }
0x483: {  	[tilespmem:s20], [sflag:$0x3] =	stream.linear.gather [spmem:s19], $0x80, $0x38;
	[tilespmem:$0x17F80] =	vst v63  }
0x484: {  	s17 =	sadd.s32 $0xC00, s17;
	s21 =	simm.s32 $0xB080;
	s19 =	sshll.u32 s22, $0x9  }
0x485: {  	[tilespmem:s21], [sflag:$0x3] =	stream.linear.gather [spmem:s17], $0x80, $0x38;
	[tilespmem:$0x17F80] =	vst v63  }
0x486: {  	s18 =	sand.u32 $0xFFFFF000, s19;
	s17 =	sshll.u32 s22, $0x7  }
0x487: {  	(v2sf) =	vpush v4, $0x8;
	s18 =	sadd.s32 s18, s4;
	s17 =	sand.u32 $0x380, s17  }
0x488: {  	s20 =	simm.s32 $0xA500;
	s17 =	sadd.s32 s17, s18  }
0x489: {  	[tilespmem:s20], [sflag:$0x3] =	stream.linear.gather [spmem:s17], $0x80, $0x38;
	[tilespmem:$0x17F80] =	vst v63  }
0x48a: {  	s22 =	simm.s32 $0xA900;
	s21 =	sadd.s32 $0x400, s17  }
0x48b: {  	[tilespmem:s22], [sflag:$0x3] =	stream.linear.gather [spmem:s21], $0x80, $0x38;
	[tilespmem:$0x17F80] =	vst v63  }
0x48c: {  	s19 =	sadd.s32 $0x800, s17;
	s20 =	simm.s32 $0xAD00;
	s22 =	spop (v2sf)  }
0x48d: {  	[tilespmem:s20], [sflag:$0x3] =	stream.linear.gather [spmem:s19], $0x80, $0x38;
	[tilespmem:$0x17F80] =	vst v63  }
0x48e: {  	s17 =	sadd.s32 $0xC00, s17;
	s21 =	simm.s32 $0xB100;
	s19 =	sshll.u32 s22, $0x9  }
0x48f: {  	[tilespmem:s21], [sflag:$0x3] =	stream.linear.gather [spmem:s17], $0x80, $0x38;
	[tilespmem:$0x17F80] =	vst v63  }
0x490: {  	s18 =	sand.u32 $0xFFFFF000, s19;
	s17 =	sshll.u32 s22, $0x7  }
0x491: {  	(v2sf) =	vpush v4, $0x9;
	s18 =	sadd.s32 s18, s4;
	s17 =	sand.u32 $0x380, s17  }
0x492: {  	s20 =	simm.s32 $0xA580;
	s17 =	sadd.s32 s17, s18  }
0x493: {  	[tilespmem:s20], [sflag:$0x3] =	stream.linear.gather [spmem:s17], $0x80, $0x38;
	[tilespmem:$0x17F80] =	vst v63  }
0x494: {  	s22 =	simm.s32 $0xA980;
	s21 =	sadd.s32 $0x400, s17  }
0x495: {  	[tilespmem:s22], [sflag:$0x3] =	stream.linear.gather [spmem:s21], $0x80, $0x38;
	[tilespmem:$0x17F80] =	vst v63  }
0x496: {  	s19 =	sadd.s32 $0x800, s17;
	s20 =	simm.s32 $0xAD80;
	s22 =	spop (v2sf)  }
0x497: {  	[tilespmem:s20], [sflag:$0x3] =	stream.linear.gather [spmem:s19], $0x80, $0x38;
	[tilespmem:$0x17F80] =	vst v63  }
0x498: {  	s17 =	sadd.s32 $0xC00, s17;
	s21 =	simm.s32 $0xB180;
	s19 =	sshll.u32 s22, $0x9  }
0x499: {  	[tilespmem:s21], [sflag:$0x3] =	stream.linear.gather [spmem:s17], $0x80, $0x38;
	[tilespmem:$0x17F80] =	vst v63  }
0x49a: {  	s18 =	sand.u32 $0xFFFFF000, s19;
	s17 =	sshll.u32 s22, $0x7  }
0x49b: {  	(v2sf) =	vpush v4, $0xA;
	s18 =	sadd.s32 s18, s4;
	s17 =	sand.u32 $0x380, s17  }
0x49c: {  	s20 =	simm.s32 $0xB200;
	s17 =	sadd.s32 s17, s18  }
0x49d: {  	[tilespmem:s20], [sflag:$0x3] =	stream.linear.gather [spmem:s17], $0x80, $0x38;
	[tilespmem:$0x17F80] =	vst v63  }
0x49e: {  	s22 =	simm.s32 $0xB600;
	s21 =	sadd.s32 $0x400, s17  }
0x49f: {  	[tilespmem:s22], [sflag:$0x3] =	stream.linear.gather [spmem:s21], $0x80, $0x38;
	[tilespmem:$0x17F80] =	vst v63  }
0x4a0: {  	s19 =	sadd.s32 $0x800, s17;
	s20 =	simm.s32 $0xBA00;
	s22 =	spop (v2sf)  }
0x4a1: {  	[tilespmem:s20], [sflag:$0x3] =	stream.linear.gather [spmem:s19], $0x80, $0x38;
	[tilespmem:$0x17F80] =	vst v63  }
0x4a2: {  	s17 =	sadd.s32 $0xC00, s17;
	s21 =	simm.s32 $0xBE00;
	s19 =	sshll.u32 s22, $0x9  }
0x4a3: {  	[tilespmem:s21], [sflag:$0x3] =	stream.linear.gather [spmem:s17], $0x80, $0x38;
	[tilespmem:$0x17F80] =	vst v63  }
0x4a4: {  	s18 =	sand.u32 $0xFFFFF000, s19;
	s17 =	sshll.u32 s22, $0x7  }
0x4a5: {  	(v2sf) =	vpush v4, $0xB;
	s18 =	sadd.s32 s18, s4;
	s17 =	sand.u32 $0x380, s17  }
0x4a6: {  	s20 =	simm.s32 $0xB280;
	s17 =	sadd.s32 s17, s18  }
0x4a7: {  	[tilespmem:s20], [sflag:$0x3] =	stream.linear.gather [spmem:s17], $0x80, $0x38;
	[tilespmem:$0x17F80] =	vst v63  }
0x4a8: {  	s22 =	simm.s32 $0xB680;
	s21 =	sadd.s32 $0x400, s17  }
0x4a9: {  	[tilespmem:s22], [sflag:$0x3] =	stream.linear.gather [spmem:s21], $0x80, $0x38;
	[tilespmem:$0x17F80] =	vst v63  }
0x4aa: {  	s19 =	sadd.s32 $0x800, s17;
	s20 =	simm.s32 $0xBA80;
	s22 =	spop (v2sf)  }
0x4ab: {  	[tilespmem:s20], [sflag:$0x3] =	stream.linear.gather [spmem:s19], $0x80, $0x38;
	[tilespmem:$0x17F80] =	vst v63  }
0x4ac: {  	s17 =	sadd.s32 $0xC00, s17;
	s21 =	simm.s32 $0xBE80;
	s19 =	sshll.u32 s22, $0x9  }
0x4ad: {  	[tilespmem:s21], [sflag:$0x3] =	stream.linear.gather [spmem:s17], $0x80, $0x38;
	[tilespmem:$0x17F80] =	vst v63  }
0x4ae: {  	s18 =	sand.u32 $0xFFFFF000, s19;
	s17 =	sshll.u32 s22, $0x7  }
0x4af: {  	(v2sf) =	vpush v4, $0xC;
	s18 =	sadd.s32 s18, s4;
	s17 =	sand.u32 $0x380, s17  }
0x4b0: {  	s20 =	simm.s32 $0xB300;
	s17 =	sadd.s32 s17, s18  }
0x4b1: {  	[tilespmem:s20], [sflag:$0x3] =	stream.linear.gather [spmem:s17], $0x80, $0x38;
	[tilespmem:$0x17F80] =	vst v63  }
0x4b2: {  	s22 =	simm.s32 $0xB700;
	s21 =	sadd.s32 $0x400, s17  }
0x4b3: {  	[tilespmem:s22], [sflag:$0x3] =	stream.linear.gather [spmem:s21], $0x80, $0x38;
	[tilespmem:$0x17F80] =	vst v63  }
0x4b4: {  	s19 =	sadd.s32 $0x800, s17;
	s20 =	simm.s32 $0xBB00;
	s22 =	spop (v2sf)  }
0x4b5: {  	[tilespmem:s20], [sflag:$0x3] =	stream.linear.gather [spmem:s19], $0x80, $0x38;
	[tilespmem:$0x17F80] =	vst v63  }
0x4b6: {  	s17 =	sadd.s32 $0xC00, s17;
	s21 =	simm.s32 $0xBF00;
	s19 =	sshll.u32 s22, $0x9  }
0x4b7: {  	[tilespmem:s21], [sflag:$0x3] =	stream.linear.gather [spmem:s17], $0x80, $0x38;
	[tilespmem:$0x17F80] =	vst v63  }
0x4b8: {  	s18 =	sand.u32 $0xFFFFF000, s19;
	s17 =	sshll.u32 s22, $0x7  }
0x4b9: {  	(v2sf) =	vpush v4, $0xD;
	s18 =	sadd.s32 s18, s4;
	s17 =	sand.u32 $0x380, s17  }
0x4ba: {  	s20 =	simm.s32 $0xB380;
	s17 =	sadd.s32 s17, s18  }
0x4bb: {  	[tilespmem:s20], [sflag:$0x3] =	stream.linear.gather [spmem:s17], $0x80, $0x38;
	[tilespmem:$0x17F80] =	vst v63  }
0x4bc: {  	s22 =	simm.s32 $0xB780;
	s21 =	sadd.s32 $0x400, s17  }
0x4bd: {  	[tilespmem:s22], [sflag:$0x3] =	stream.linear.gather [spmem:s21], $0x80, $0x38;
	[tilespmem:$0x17F80] =	vst v63  }
0x4be: {  	s19 =	sadd.s32 $0x800, s17;
	s20 =	simm.s32 $0xBB80;
	s22 =	spop (v2sf)  }
0x4bf: {  	[tilespmem:s20], [sflag:$0x3] =	stream.linear.gather [spmem:s19], $0x80, $0x38;
	[tilespmem:$0x17F80] =	vst v63  }
0x4c0: {  	s17 =	sadd.s32 $0xC00, s17;
	s21 =	simm.s32 $0xBF80;
	s19 =	sshll.u32 s22, $0x9  }
0x4c1: {  	[tilespmem:s21], [sflag:$0x3] =	stream.linear.gather [spmem:s17], $0x80, $0x38;
	[tilespmem:$0x17F80] =	vst v63  }
0x4c2: {  	s18 =	sand.u32 $0xFFFFF000, s19;
	s17 =	sshll.u32 s22, $0x7  }
0x4c3: {  	(v2sf) =	vpush v4, $0xE;
	s18 =	sadd.s32 s18, s4;
	s17 =	sand.u32 $0x380, s17  }
0x4c4: {  	s20 =	simm.s32 $0xB400;
	s17 =	sadd.s32 s17, s18  }
0x4c5: {  	[tilespmem:s20], [sflag:$0x3] =	stream.linear.gather [spmem:s17], $0x80, $0x38;
	[tilespmem:$0x17F80] =	vst v63  }
0x4c6: {  	s22 =	simm.s32 $0xB800;
	s21 =	sadd.s32 $0x400, s17  }
0x4c7: {  	[tilespmem:s22], [sflag:$0x3] =	stream.linear.gather [spmem:s21], $0x80, $0x38;
	[tilespmem:$0x17F80] =	vst v63  }
0x4c8: {  	s19 =	sadd.s32 $0x800, s17;
	s20 =	simm.s32 $0xBC00;
	s22 =	spop (v2sf)  }
0x4c9: {  	[tilespmem:s20], [sflag:$0x3] =	stream.linear.gather [spmem:s19], $0x80, $0x38;
	[tilespmem:$0x17F80] =	vst v63  }
0x4ca: {  	s17 =	sadd.s32 $0xC00, s17;
	s21 =	simm.s32 $0xC000;
	s19 =	sshll.u32 s22, $0x9  }
0x4cb: {  	[tilespmem:s21], [sflag:$0x3] =	stream.linear.gather [spmem:s17], $0x80, $0x38;
	[tilespmem:$0x17F80] =	vst v63  }
0x4cc: {  	s18 =	sand.u32 $0xFFFFF000, s19;
	s17 =	sshll.u32 s22, $0x7  }
0x4cd: {  	(v2sf) =	vpush v4, $0xF;
	s18 =	sadd.s32 s18, s4;
	s17 =	sand.u32 $0x380, s17  }
0x4ce: {  	s20 =	simm.s32 $0xB480;
	s17 =	sadd.s32 s17, s18  }
0x4cf: {  	[tilespmem:s20], [sflag:$0x3] =	stream.linear.gather [spmem:s17], $0x80, $0x38;
	[tilespmem:$0x17F80] =	vst v63  }
0x4d0: {  	s22 =	simm.s32 $0xB880;
	s21 =	sadd.s32 $0x400, s17  }
0x4d1: {  	[tilespmem:s22], [sflag:$0x3] =	stream.linear.gather [spmem:s21], $0x80, $0x38;
	[tilespmem:$0x17F80] =	vst v63  }
0x4d2: {  	s19 =	sadd.s32 $0x800, s17;
	s20 =	simm.s32 $0xBC80;
	s21 =	spop (v2sf)  }
0x4d3: {  	[tilespmem:s20], [sflag:$0x3] =	stream.linear.gather [spmem:s19], $0x80, $0x38;
	[tilespmem:$0x17F80] =	vst v63  }
0x4d4: {  	s17 =	sadd.s32 $0xC00, s17;
	s22 =	simm.s32 $0xC080;
	s19 =	sshll.u32 s21, $0x9  }
0x4d5: {  	[tilespmem:s22], [sflag:$0x3] =	stream.linear.gather [spmem:s17], $0x80, $0x38;
	[tilespmem:$0x17F80] =	vst v63  }
0x4d6: {  	s18 =	sshll.u32 s21, $0x7;
	s17 =	sand.u32 $0xFFFFF000, s19  }
0x4d7: {  	s18 =	sand.u32 $0x380, s18;
	s17 =	sadd.s32 s17, s4  }
0x4d8: {  	s20 =	simm.s32 $0xB500;
	s17 =	sadd.s32 s18, s17  }
0x4d9: {  	[tilespmem:s20], [sflag:$0x3] =	stream.linear.gather [spmem:s17], $0x80, $0x38;
	[tilespmem:$0x17F80] =	vst v63  }
0x4da: {  	s22 =	simm.s32 $0xB900;
	s21 =	sadd.s32 $0x400, s17  }
0x4db: {  	[tilespmem:s22], [sflag:$0x3] =	stream.linear.gather [spmem:s21], $0x80, $0x38;
	[tilespmem:$0x17F80] =	vst v63  }
0x4dc: {  	s19 =	sadd.s32 $0x800, s17;
	s20 =	simm.s32 $0xBD00;
	s22 =	spop (v2sf)  }
0x4dd: {  	[tilespmem:s20], [sflag:$0x3] =	stream.linear.gather [spmem:s19], $0x80, $0x38;
	[tilespmem:$0x17F80] =	vst v63  }
0x4de: {  	s17 =	sadd.s32 $0xC00, s17;
	s21 =	simm.s32 $0xC100;
	s19 =	sshll.u32 s22, $0x9  }
0x4df: {  	[tilespmem:s21], [sflag:$0x3] =	stream.linear.gather [spmem:s17], $0x80, $0x38;
	[tilespmem:$0x17F80] =	vst v63  }
0x4e0: {  	s18 =	sand.u32 $0xFFFFF000, s19;
	s17 =	sshll.u32 s22, $0x7  }
0x4e1: {  	s18 =	sadd.s32 s18, s4;
	s17 =	sand.u32 $0x380, s17  }
0x4e2: {  	s20 =	simm.s32 $0xB580;
	s17 =	sadd.s32 s17, s18  }
0x4e3: {  	[tilespmem:s20], [sflag:$0x3] =	stream.linear.gather [spmem:s17], $0x80, $0x38;
	[tilespmem:$0x17F80] =	vst v63  }
0x4e4: {  	s22 =	simm.s32 $0xB980;
	s21 =	sadd.s32 $0x400, s17  }
0x4e5: {  	[tilespmem:s22], [sflag:$0x3] =	stream.linear.gather [spmem:s21], $0x80, $0x38;
	[tilespmem:$0x17F80] =	vst v63  }
0x4e6: {  	s20 =	sadd.s32 $0x800, s17;
	s21 =	simm.s32 $0xBD80  }
0x4e7: {  	[tilespmem:s21], [sflag:$0x3] =	stream.linear.gather [spmem:s20], $0x80, $0x38;
	[tilespmem:$0x17F80] =	vst v63  }
0x4e8: {  	s17 =	sadd.s32 $0xC00, s17;
	s22 =	simm.s32 $0xC180  }
0x4e9: {  	[tilespmem:s22], [sflag:$0x3] =	stream.linear.gather [spmem:s17], $0x80, $0x38;
	[tilespmem:$0x17F80] =	vst v63  }
.LBB2_6:
0x4ea: {  	s17 =	simm.s32 $0x0  }
0x4eb: {  	s18 =	sand.u32 $0xFFFFF000, s17  }
0x4ec: {  	s18 =	sadd.s32 $0x0, s18  }
0x4ed: {  	s19 =	sor.u32 $0x4C40, s18  }
0x4ee: {  	v4 =	vld [tilespmem:s19+$0x200]  }
0x4ef: {  	s22 =	sor.u32 $0x4C50, s18;
	v5 =	vld [tilespmem:s19+$0x8200]  }
0x4f0: {  	v6 =	vld [tilespmem:s22+$0x200]  }
0x4f1: {  	s20 =	sor.u32 $0x4C60, s18;
	v7 =	vld [tilespmem:s22+$0x8200]  }
0x4f2: {  	v8 =	vld [tilespmem:s20+$0x200]  }
0x4f3: {  	s21 =	sor.u32 $0x4C70, s18;
	v9 =	vld [tilespmem:s20+$0x8200]  }
0x4f4: {  	v10 =	vld [tilespmem:s21+$0x200]  }
0x4f5: {  	s20 =	sor.u32 $0x4C00, s18;
	v11 =	vld [tilespmem:s21+$0x8200]  }
0x4f6: {  	v14 =	vld [tilespmem:s20+$0x200]  }
0x4f7: {  	s22 =	sor.u32 $0x4C10, s18;
	v15 =	vld [tilespmem:s20+$0x8200]  }
0x4f8: {  	v16 =	vld [tilespmem:s22+$0x200]  }
0x4f9: {  	v17 =	vld [tilespmem:s22+$0x8200];
	s20 =	sor.u32 $0x4C20, s18  }
0x4fa: {  	v18 =	vld [tilespmem:s20+$0x200]  }
0x4fb: {  	s18 =	sor.u32 $0x4C30, s18;
	v19 =	vld [tilespmem:s20+$0x8200]  }
0x4fc: {  	s21 =	sand.u32 $0x3000, s17;
	s22 =	sand.u32 $0x380, s17;
	v22 =	vld [tilespmem:s18+$0x200]  }
0x4fd: {  	s19 =	sor.u32 s22, s21;
	v28 =	vld [tilespmem:s18+$0x8200]  }
0x4fe: {  	v20 =	vld [tilespmem:s19+$0x4A40]  }
0x4ff: {  	v29 =	vld [tilespmem:s19+$0xCA40]  }
0x500: {  	v30 =	vld [tilespmem:s19+$0x4A50]  }
0x501: {  	v31 =	vld [tilespmem:s19+$0xCA50]  }
0x502: {  	v32 =	vld [tilespmem:s19+$0x4A60]  }
0x503: {  	v33 =	vld [tilespmem:s19+$0xCA60]  }
0x504: {  	v34 =	vld [tilespmem:s19+$0x4A70]  }
0x505: {  	v35 =	vld [tilespmem:s19+$0xCA70]  }
0x506: {  	v36 =	vld [tilespmem:s19+$0x4A00]  }
0x507: {  	v37 =	vld [tilespmem:s19+$0xCA00]  }
0x508: {  	v38 =	vld [tilespmem:s19+$0x4A10]  }
0x509: {  	v39 =	vld [tilespmem:s19+$0xCA10]  }
0x50a: {  	v40 =	vld [tilespmem:s19+$0x4A20]  }
0x50b: {  	v41 =	vld [tilespmem:s19+$0xCA20]  }
0x50c: {  	v42 =	vld [tilespmem:s19+$0x4A30]  }
0x50d: {  	v43 =	vld [tilespmem:s19+$0xCA30]  }
0x50e: {  	v44 =	vld [tilespmem:s19+$0x4640]  }
0x50f: {  	v45 =	vld [tilespmem:s19+$0xC640]  }
0x510: {  	v46 =	vld [tilespmem:s19+$0x4650]  }
0x511: {  	v47 =	vld [tilespmem:s19+$0xC650]  }
0x512: {  	v48 =	vld [tilespmem:s19+$0x4660]  }
0x513: {  	v49 =	vld [tilespmem:s19+$0xC660]  }
0x514: {  	v50 =	vld [tilespmem:s19+$0x4670]  }
0x515: {  	v51 =	vld [tilespmem:s19+$0xC670]  }
0x516: {  	v52 =	vld [tilespmem:s19+$0x4600]  }
0x517: {  	v53 =	vld [tilespmem:s19+$0xC600]  }
0x518: {  	v54 =	vld [tilespmem:s19+$0x4610]  }
0x519: {  	v55 =	vld [tilespmem:s19+$0xC610]  }
0x51a: {  	v56 =	vld [tilespmem:s19+$0x4620]  }
0x51b: {  	v57 =	vld [tilespmem:s19+$0xC620]  }
0x51c: {  	v24 =	vld [tilespmem:s19+$0x4630]  }
0x51d: {  	v25 =	vld [tilespmem:s19+$0xC630]  }
0x51e: {  	v23 =	vld [tilespmem:s19+$0x4240];
	v26 =	vsub.f32 v4, v5  }
0x51f: {  	v13 =	vld [tilespmem:s19+$0xC240];
	v27 =	vsub.f32 v6, v7;
	v5 =	vsub.f32 v8, v9  }
0x520: {  	v12 =	vld [tilespmem:s19+$0x4250];
	v4 =	vsub.f32 v10, v11;
	v15 =	vsub.f32 v14, v15  }
0x521: {  	v14 =	vld [tilespmem:s19+$0xC250];
	v21 =	vsub.f32 v16, v17;
	v7 =	vsub.f32 v18, v19  }
0x522: {  	v16 =	vld [tilespmem:s19+$0x4260];
	v6 =	vsub.f32 v22, v28;
	v20 =	vsub.f32 v20, v29  }
0x523: {  	v19 =	vld [tilespmem:s19+$0xC260];
	v29 =	vsub.f32 v30, v31;
	v9 =	vsub.f32 v32, v33  }
0x524: {  	v30 =	vld [tilespmem:s19+$0x4200];
	v28 =	vsub.f32 v36, v37;
	v8 =	vsub.f32 v34, v35  }
0x525: {  	v34 =	vld [tilespmem:s19+$0xC200];
	v31 =	vsub.f32 v38, v39;
	v11 =	vsub.f32 v40, v41  }
0x526: {  	v32 =	vld [tilespmem:s19+$0x4210];
	v33 =	vsub.f32 v44, v45;
	v10 =	vsub.f32 v42, v43  }
0x527: {  	v38 =	vld [tilespmem:s19+$0xC210];
	v35 =	vsub.f32 v46, v47;
	v18 =	vsub.f32 v48, v49  }
0x528: {  	v36 =	vld [tilespmem:s19+$0x4220];
	v37 =	vsub.f32 v52, v53;
	v17 =	vsub.f32 v50, v51  }
0x529: {  	s18 =	simm.s32 $0x200;
	v40 =	vld [tilespmem:s19+$0xC220];
	v39 =	vsub.f32 v54, v55;
	v22 =	vsub.f32 v56, v57  }
.LBB2_7:
0x52a: {  	p4 =	sne.s32 s18, $0x3E00;
	v41 =	vld [tilespmem:s19+$0x4230];
	v24 =	vsub.f32 v24, v25;
	v25 =	vmul.f32 v26, v26;
	v26 =	vmul.f32 v27, v27  }
0x52b: {  	s20 =	sand.u32 $0xFFFFF000, s18;
	v23 =	vsub.f32 v23, v13;
	v42 =	vmul.f32 v15, v15;
	v43 =	vmul.f32 v21, v21;
	s17 =	sadd.s32 $0x80, s17;
	v27 =	vld [tilespmem:s19+$0xC230]  }
0x52c: {  	v15 =	vsub.f32 v12, v14;
	v44 =	vmul.f32 v20, v20;
	v29 =	vmul.f32 v29, v29;
	s20 =	sadd.s32 s20, s17;
	v21 =	vld [tilespmem:s19+$0x4270]  }
0x52d: {  	v20 =	vsub.f32 v30, v34;
	v28 =	vmul.f32 v28, v28;
	v31 =	vmul.f32 v31, v31;
	s21 =	sor.u32 $0x4C40, s20;
	v30 =	vld [tilespmem:s19+$0xC270]  }
0x52e: {  	v33 =	vmul.f32 v33, v33;
	v34 =	vmul.f32 v35, v35;
	v32 =	vsub.f32 v32, v38;
	v12 =	vld [tilespmem:s21+$0x200]  }
0x52f: {  	s19 =	sor.u32 $0x4C50, s20;
	v35 =	vsub.f32 v36, v40;
	v36 =	vmul.f32 v37, v37;
	v37 =	vmul.f32 v39, v39;
	v13 =	vld [tilespmem:s21+$0x8200]  }
0x530: {  	v23 =	vmul.f32 v23, v23;
	v38 =	vmul.f32 v15, v15;
	v14 =	vld [tilespmem:s19+$0x200];
	v27 =	vsub.f32 v41, v27  }
0x531: {  	v20 =	vmul.f32 v20, v20;
	v32 =	vmul.f32 v32, v32;
	v39 =	vsub.f32 v16, v19;
	v15 =	vld [tilespmem:s19+$0x8200];
	s19 =	sor.u32 $0x4C60, s20  }
0x532: {  	v35 =	vmul.f32 v35, v35;
	v16 =	vld [tilespmem:s19+$0x200];
	v27 =	vmul.f32 v27, v27;
	v21 =	vsub.f32 v21, v30  }
0x533: {  	v0 =	vadd.f32 v20, v0;
	v1 =	vadd.f32 v32, v1;
	v30 =	vmul.f32 v39, v39;
	v19 =	vld [tilespmem:s19+$0x8200];
	s19 =	sor.u32 $0x4C70, s20  }
0x534: {  	v2 =	vadd.f32 v35, v2;
	v20 =	vld [tilespmem:s19+$0x200];
	v3 =	vadd.f32 v27, v3;
	v27 =	vmul.f32 v21, v21  }
0x535: {  	s21 =	sor.u32 $0x4C00, s20;
	v0 =	vadd.f32 v23, v0;
	v23 =	vmul.f32 v22, v22;
	v1 =	vadd.f32 v38, v1;
	v21 =	vld [tilespmem:s19+$0x8200]  }
0x536: {  	v24 =	vmul.f32 v24, v24;
	v2 =	vadd.f32 v30, v2;
	v22 =	vld [tilespmem:s21+$0x200];
	v3 =	vadd.f32 v27, v3  }
0x537: {  	v18 =	vmul.f32 v18, v18;
	v0 =	vadd.f32 v36, v0;
	v1 =	vadd.f32 v37, v1;
	s19 =	sor.u32 $0x4C10, s20;
	v30 =	vld [tilespmem:s21+$0x8200]  }
0x538: {  	v17 =	vmul.f32 v17, v17;
	v2 =	vadd.f32 v23, v2;
	v32 =	vld [tilespmem:s19+$0x200];
	v3 =	vadd.f32 v24, v3  }
0x539: {  	v11 =	vmul.f32 v11, v11;
	v0 =	vadd.f32 v33, v0;
	v1 =	vadd.f32 v34, v1;
	v35 =	vld [tilespmem:s19+$0x8200];
	s19 =	sor.u32 $0x4C20, s20  }
0x53a: {  	v10 =	vmul.f32 v10, v10;
	v2 =	vadd.f32 v18, v2;
	v33 =	vld [tilespmem:s19+$0x200];
	v3 =	vadd.f32 v17, v3  }
0x53b: {  	v9 =	vmul.f32 v9, v9;
	v0 =	vadd.f32 v28, v0;
	v1 =	vadd.f32 v31, v1;
	s20 =	sor.u32 $0x4C30, s20;
	v17 =	vld [tilespmem:s19+$0x8200]  }
0x53c: {  	v8 =	vmul.f32 v8, v8;
	s21 =	sand.u32 $0x380, s17;
	v2 =	vadd.f32 v11, v2;
	s19 =	sand.u32 $0x3000, s18;
	v18 =	vld [tilespmem:s20+$0x200];
	v3 =	vadd.f32 v10, v3  }
0x53d: {  	v7 =	vmul.f32 v7, v7;
	v0 =	vadd.f32 v44, v0;
	v1 =	vadd.f32 v29, v1;
	s19 =	sor.u32 s21, s19;
	v10 =	vld [tilespmem:s20+$0x8200]  }
0x53e: {  	v6 =	vmul.f32 v6, v6;
	v2 =	vadd.f32 v9, v2;
	v11 =	vld [tilespmem:s19+$0x4A40];
	v3 =	vadd.f32 v8, v3  }
0x53f: {  	v5 =	vmul.f32 v5, v5;
	v0 =	vadd.f32 v42, v0;
	v1 =	vadd.f32 v43, v1;
	v8 =	vld [tilespmem:s19+$0xCA40]  }
0x540: {  	v4 =	vmul.f32 v4, v4;
	v2 =	vadd.f32 v7, v2;
	v9 =	vld [tilespmem:s19+$0x4A50];
	v3 =	vadd.f32 v6, v3  }
0x541: {  	v0 =	vadd.f32 v25, v0;
	v1 =	vadd.f32 v26, v1;
	v28 =	vld [tilespmem:s19+$0xCA50]  }
0x542: {  	v2 =	vadd.f32 v5, v2;
	v31 =	vld [tilespmem:s19+$0x4A60];
	v3 =	vadd.f32 v4, v3  }
0x543: {  	v34 =	vld [tilespmem:s19+$0xCA60]  }
0x544: {  	v36 =	vld [tilespmem:s19+$0x4A70]  }
0x545: {  	v37 =	vld [tilespmem:s19+$0xCA70]  }
0x546: {  	v38 =	vld [tilespmem:s19+$0x4A00]  }
0x547: {  	v39 =	vld [tilespmem:s19+$0xCA00]  }
0x548: {  	v40 =	vld [tilespmem:s19+$0x4A10]  }
0x549: {  	v41 =	vld [tilespmem:s19+$0xCA10]  }
0x54a: {  	v42 =	vld [tilespmem:s19+$0x4A20]  }
0x54b: {  	v43 =	vld [tilespmem:s19+$0xCA20]  }
0x54c: {  	v44 =	vld [tilespmem:s19+$0x4A30]  }
0x54d: {  	v45 =	vld [tilespmem:s19+$0xCA30]  }
0x54e: {  	v46 =	vld [tilespmem:s19+$0x4640]  }
0x54f: {  	v47 =	vld [tilespmem:s19+$0xC640]  }
0x550: {  	v48 =	vld [tilespmem:s19+$0x4650]  }
0x551: {  	v49 =	vld [tilespmem:s19+$0xC650]  }
0x552: {  	v50 =	vld [tilespmem:s19+$0x4660]  }
0x553: {  	v51 =	vld [tilespmem:s19+$0xC660]  }
0x554: {  	v52 =	vld [tilespmem:s19+$0x4670]  }
0x555: {  	v53 =	vld [tilespmem:s19+$0xC670]  }
0x556: {  	v54 =	vld [tilespmem:s19+$0x4600]  }
0x557: {  	v55 =	vld [tilespmem:s19+$0xC600]  }
0x558: {  	v56 =	vld [tilespmem:s19+$0x4610]  }
0x559: {  	v57 =	vld [tilespmem:s19+$0xC610]  }
0x55a: {  	v58 =	vld [tilespmem:s19+$0x4620]  }
0x55b: {  	v59 =	vld [tilespmem:s19+$0xC620]  }
0x55c: {  	v24 =	vld [tilespmem:s19+$0x4630]  }
0x55d: {  	v25 =	vld [tilespmem:s19+$0xC630]  }
0x55e: {  	v26 =	vsub.f32 v12, v13;
	v23 =	vld [tilespmem:s19+$0x4240]  }
0x55f: {  	v27 =	vsub.f32 v14, v15;
	v5 =	vsub.f32 v16, v19;
	v13 =	vld [tilespmem:s19+$0xC240]  }
0x560: {  	v15 =	vsub.f32 v22, v30;
	v4 =	vsub.f32 v20, v21;
	v12 =	vld [tilespmem:s19+$0x4250]  }
0x561: {  	v7 =	vsub.f32 v33, v17;
	v21 =	vsub.f32 v32, v35;
	v14 =	vld [tilespmem:s19+$0xC250]  }
0x562: {  	v6 =	vsub.f32 v18, v10;
	v20 =	vsub.f32 v11, v8;
	v16 =	vld [tilespmem:s19+$0x4260]  }
0x563: {  	v29 =	vsub.f32 v9, v28;
	v9 =	vsub.f32 v31, v34;
	v19 =	vld [tilespmem:s19+$0xC260]  }
0x564: {  	v8 =	vsub.f32 v36, v37;
	v28 =	vsub.f32 v38, v39;
	v30 =	vld [tilespmem:s19+$0x4200]  }
.Ltmp2:
0x565: {  	v31 =	vsub.f32 v40, v41;
	v11 =	vsub.f32 v42, v43;
	v34 =	vld [tilespmem:s19+$0xC200];
	(pc) =	sbr.rel @p4 .LBB2_7-.Ltmp2, $4  }
0x566: {  	v10 =	vsub.f32 v44, v45;
	v33 =	vsub.f32 v46, v47;
	v32 =	vld [tilespmem:s19+$0x4210]  }
0x567: {  	v35 =	vsub.f32 v48, v49;
	v18 =	vsub.f32 v50, v51;
	v38 =	vld [tilespmem:s19+$0xC210]  }
0x568: {  	v17 =	vsub.f32 v52, v53;
	v37 =	vsub.f32 v54, v55;
	v36 =	vld [tilespmem:s19+$0x4220]  }
0x569: {  	s18 =	sadd.s32 $0x200, s18;
	v39 =	vsub.f32 v56, v57;
	v22 =	vsub.f32 v58, v59;
	v40 =	vld [tilespmem:s19+$0xC220]  }
0x56a: {  	v48 =	vmul.f32 v26, v26  }
0x56b: {  	v41 =	vld [tilespmem:s19+$0x4230];
	v49 =	vmul.f32 v27, v27;
	v15 =	vmul.f32 v15, v15  }
0x56c: {  	v24 =	vsub.f32 v24, v25;
	v50 =	vld [tilespmem:s19+$0xC230];
	v21 =	vmul.f32 v21, v21;
	v20 =	vmul.f32 v20, v20  }
0x56d: {  	v13 =	vsub.f32 v23, v13;
	v51 =	vld [tilespmem:s19+$0x4270];
	v52 =	vmul.f32 v29, v29;
	v28 =	vmul.f32 v28, v28  }
0x56e: {  	v12 =	vsub.f32 v12, v14;
	v54 =	vld [tilespmem:s19+$0xC270];
	v31 =	vmul.f32 v31, v31;
	v33 =	vmul.f32 v33, v33  }
0x56f: {  	v53 =	vsub.f32 v30, v34;
	v55 =	vmul.f32 v35, v35;
	v57 =	vmul.f32 v37, v37  }
0x570: {  	v58 =	vmul.f32 v39, v39;
	v32 =	vsub.f32 v32, v38;
	v13 =	vmul.f32 v13, v13  }
0x571: {  	v12 =	vmul.f32 v12, v12;
	v56 =	vsub.f32 v36, v40;
	v27 =	vsub.f32 v41, v50  }
0x572: {  	v16 =	vsub.f32 v16, v19;
	v29 =	vmul.f32 v53, v53;
	v32 =	vmul.f32 v32, v32  }
0x573: {  	v14 =	vsub.f32 v51, v54;
	v59 =	vmul.f32 v56, v56;
	v27 =	vmul.f32 v27, v27  }
0x574: {  	v16 =	vmul.f32 v16, v16;
	v0 =	vadd.f32 v29, v0;
	v1 =	vadd.f32 v32, v1  }
0x575: {  	v14 =	vmul.f32 v14, v14;
	v2 =	vadd.f32 v59, v2;
	v3 =	vadd.f32 v27, v3  }
0x576: {  	v60 =	vmul.f32 v22, v22;
	v0 =	vadd.f32 v13, v0;
	v1 =	vadd.f32 v12, v1  }
0x577: {  	v61 =	vmul.f32 v24, v24;
	v2 =	vadd.f32 v16, v2;
	v3 =	vadd.f32 v14, v3  }
0x578: {  	v62 =	vmul.f32 v18, v18;
	v0 =	vadd.f32 v57, v0;
	v1 =	vadd.f32 v58, v1  }
0x579: {  	v63 =	vmul.f32 v17, v17;
	v2 =	vadd.f32 v60, v2;
	v3 =	vadd.f32 v61, v3  }
0x57a: {  	v11 =	vmul.f32 v11, v11;
	v0 =	vadd.f32 v33, v0;
	v1 =	vadd.f32 v55, v1  }
0x57b: {  	v10 =	vmul.f32 v10, v10;
	v2 =	vadd.f32 v62, v2;
	v3 =	vadd.f32 v63, v3  }
0x57c: {  	v9 =	vmul.f32 v9, v9;
	v0 =	vadd.f32 v28, v0;
	v1 =	vadd.f32 v31, v1  }
0x57d: {  	v8 =	vmul.f32 v8, v8;
	s16 =	sadd.s32 $0x1, s16;
	v2 =	vadd.f32 v11, v2;
	v3 =	vadd.f32 v10, v3  }
0x57e: {  	v7 =	vmul.f32 v7, v7;
	p4 =	sne.s32 s16, $0x8;
	v0 =	vadd.f32 v20, v0;
	v1 =	vadd.f32 v52, v1  }
.Ltmp3:
0x57f: {  	v6 =	vmul.f32 v6, v6;
	v2 =	vadd.f32 v9, v2;
	v3 =	vadd.f32 v8, v3;
	(pc) =	sbr.rel @p4 .LBB2_2-.Ltmp3, $4  }
0x580: {  	v5 =	vmul.f32 v5, v5;
	v0 =	vadd.f32 v15, v0;
	v1 =	vadd.f32 v21, v1  }
0x581: {  	v4 =	vmul.f32 v4, v4;
	v7 =	vadd.f32 v7, v2;
	v6 =	vadd.f32 v6, v3  }
0x582: {  	v2 =	vadd.f32 v49, v1;
	v3 =	vadd.f32 v48, v0  }
0x583: {  	v1 =	vadd.f32 v5, v7;
	v0 =	vadd.f32 v4, v6  }
0x584: {  	_ = 	snop  }
0x585: {  	v2 =	vadd.f32 v2, v3;
	v0 =	vadd.f32 v0, v1;
	_ =	sdelay $0x1  }
0x586: {  	v0 =	vadd.f32 v0, v2  }
0x587: {  	s18 =	simm.s32 $0x0  }
0x588: {  	s16 =	rddreg [dreg:$0xb];
	s17 =	simm.s32 $0x10200;
	s20 =	simm.s32 $0x6;
	[tilespmem:$0x10200] =	vst v0  }
0x589: {  	[hbm4b:s16+s18] =	stream.linear.scatter [tilespmem:s17], [sflag:$0x6], $0x80, $0x38;
	[tilespmem:$0x17F80] =	vst v63  }
0x58a: {  	_ =	swait.ge [sflag:s20], $0x80  }
0x58b: {  	s21 =	rddreg [dreg:$0x11]  }
0x58c: {  	s22 =	rddreg [dreg:$0xc];
	s17 =	sadd.s32 $0x1, s21  }
0x58d: {  	p4 =	sne.s32 s17, s22  }
.Ltmp4:
0x58e: {  	_ = 	snop;
	(pc) =	sbr.rel @p4 .LBB2_1-.Ltmp4, $3  }
0x58f: {  	_ =	sdelay $0x1  }
0x590: {  	[sflag:s20] =	ssyncset.done $0x0  }
0x591: {  	[sflag:s20] =	ssyncadd.s32 $0xFFFFFF80  }
0x592: {  	_ =	sfence.sel $0x180000  }
0x593: {  	[bflag:$0x0] =	sbarrier.arrive $0xFFFF  }
0x594: {  	_ =	strace $0x90000047  }
0x595: {  	s0 =	stileid.u32;
	[bflag:$0x2] =	sbarrier.arrive $0xFFFF  }
0x596: {  	p0 =	sne.s32 s0, $0x0;
	s0 =	rddreg [dreg:$0x5]  }
0x597: {  	s0 =	sadd.s32 @!p0 $0x100000, s0  }
0x598: {  	[sflag:s0] =	ssyncadd.tile.s32 @!p0 $0x1;
	_ =	shalt  }
.Lfunc_end2:
_tile_overlayer_lowered:
.L_overlay_start_2:
0x599: {  	(tag) =	ssettag $0x2  }
0x59a: {  	s0 =	rddreg [dreg:$0x0];
	s2 =	stileid.u32  }
0x59b: {  	s1 =	rddreg [dreg:$0x1];
	p0 =	sne.s32 s2, $0x0  }
0x59c: {  	s3 =	rddreg [dreg:$0x2];
	[bflag:$0x3] =	sbarrier.arrive $0xFFFF;
	s2 =	simm.s32 @!p0 $0x1C06  }
0x59d: {  	[timem:s3], [sflag:s2] =	dma.local @!p0 [hbm:s0], s1  }
0x59e: {  	s0 =	simm.s32 @!p0 $0x6  }
0x59f: {  	_ =	swait.ge @!p0 [sflag:s0], s1  }
0x5a0: {  	s1 =	ssub.s32 @!p0 $0x0, s1;
	[sflag:s0] =	ssyncset.done @!p0 $0x0  }
0x5a1: {  	[sflag:s0] =	ssyncadd.s32 @!p0 s1  }
0x5a2: {  	[bflag:$0x3] =	sbarrier.arrive $0xFFFF  }
0x5a3: {  	_ =	shalt  }

</sc_bundles>
